<compile_context>
chip_gen: v7x
topology: tpu7x:2x2x1
jax: 0.10.2.dev20260603
libtpu: 0.0.44.dev20260713+nightly
codegen_flags: <defaults>
</compile_context>

<pallas_src>
import functools

import jax
import jax.numpy as jnp
from jax import lax
from jax.experimental import pallas as pl
from jax.experimental.pallas import tpu as pltpu
from jax.experimental.pallas import tpu_sc as plsc

N = 10000
E = 320000
D = 128

NC = 2
NS = 16
NW = NC * NS
EPW = E // NW
CHUNK = 80
NCHUNK = EPW // CHUNK
GSZ = 25
NGRP = NCHUNK // GSZ
NBUF = 3
NACC = N
RPT = 624
TAIL = N - NS * RPT

_sc_mesh = plsc.VectorSubcoreMesh(core_axis_name="c", subcore_axis_name="s")


@functools.partial(
    pl.kernel,
    out_type=jax.ShapeDtypeStruct((NC * N, D), jnp.float32),
    mesh=_sc_mesh,
    scratch_types=[
        pltpu.VMEM_SHARED((NACC, D), jnp.float32),
        pltpu.VMEM((2, GSZ, CHUNK), jnp.int32),
        pltpu.VMEM((2, GSZ, CHUNK), jnp.int32),
        pltpu.VMEM((NBUF, CHUNK, D), jnp.float32),
        pltpu.SemaphoreType.DMA,
        pltpu.SemaphoreType.DMA,
        pltpu.SemaphoreType.DMA,
        pltpu.SemaphoreType.DMA,
        pltpu.SemaphoreType.DMA,
        pltpu.SemaphoreType.DMA,
    ],
)
def _sc_aggregate(x_hbm, src_hbm, dst_hbm, out_hbm, acc, srcv, dstv,
                  rows, ssem, isem0, isem1, gsem0, gsem1, gsem2):
    c = lax.axis_index("c")
    s = lax.axis_index("s")
    wid = c * NS + s
    isems = (isem0, isem1)
    gsems = (gsem0, gsem1, gsem2)

    pltpu.async_copy(x_hbm.at[pl.ds(s * RPT, RPT)],
                     acc.at[pl.ds(s * RPT, RPT)], ssem)

    @pl.when(s == NS - 1)
    def _seed_tail():
        pltpu.async_copy(x_hbm.at[pl.ds(NS * RPT, TAIL)],
                         acc.at[pl.ds(NS * RPT, TAIL)], ssem)

    pltpu.async_copy(src_hbm.at[wid, 0], srcv.at[0], isem0)
    pltpu.async_copy(dst_hbm.at[wid, 0], dstv.at[0], isem0)
    pltpu.make_async_copy(src_hbm.at[wid, 0], srcv.at[0], isem0).wait()
    pltpu.make_async_copy(dst_hbm.at[wid, 0], dstv.at[0], isem0).wait()

    for b in range(NBUF):
        pltpu.async_copy(x_hbm.at[srcv.at[0, b]], rows.at[b], gsems[b])

    pltpu.make_async_copy(x_hbm.at[pl.ds(s * RPT, RPT)],
                          acc.at[pl.ds(s * RPT, RPT)], ssem).wait()

    @pl.when(s == NS - 1)
    def _seed_tail_wait():
        pltpu.make_async_copy(x_hbm.at[pl.ds(NS * RPT, TAIL)],
                              acc.at[pl.ds(NS * RPT, TAIL)], ssem).wait()

    plsc.subcore_barrier()

    def chunk(i, carry):
        g = lax.div(i, GSZ)
        j = lax.rem(i, GSZ)
        for gb in range(2):
            @pl.when(lax.rem(g, 2) == gb)
            def _():
                ob = 1 - gb

                @pl.when((j == 0) & (g + 1 < NGRP))
                def _():
                    pltpu.async_copy(src_hbm.at[wid, g + 1], srcv.at[ob],
                                     isems[ob])
                    pltpu.async_copy(dst_hbm.at[wid, g + 1], dstv.at[ob],
                                     isems[ob])

                for b in range(NBUF):
                    @pl.when(lax.rem(i, NBUF) == b)
                    def _():
                        pltpu.make_async_copy(
                            x_hbm.at[srcv.at[gb, j]],
                            rows.at[b], gsems[b]).wait()
                        pltpu.sync_copy(rows.at[b], acc.at[dstv.at[gb, j]],
                                        add=True)

                        @pl.when((i + NBUF < NCHUNK) & (j + NBUF < GSZ))
                        def _():
                            pltpu.async_copy(
                                x_hbm.at[srcv.at[gb, j + NBUF]],
                                rows.at[b], gsems[b])

                        @pl.when((i + NBUF < NCHUNK) & (j + NBUF >= GSZ))
                        def _():
                            @pl.when(j + NBUF == GSZ)
                            def _():
                                pltpu.make_async_copy(
                                    src_hbm.at[wid, g + 1], srcv.at[ob],
                                    isems[ob]).wait()
                                pltpu.make_async_copy(
                                    dst_hbm.at[wid, g + 1], dstv.at[ob],
                                    isems[ob]).wait()
                            pltpu.async_copy(
                                x_hbm.at[srcv.at[ob, j + NBUF - GSZ]],
                                rows.at[b], gsems[b])
        return carry

    lax.fori_loop(0, NCHUNK, chunk, 0)
    plsc.subcore_barrier()
    pltpu.sync_copy(acc.at[pl.ds(s * RPT, RPT)],
                    out_hbm.at[pl.ds(c * N + s * RPT, RPT)])

    @pl.when(s == NS - 1)
    def _out_tail():
        pltpu.sync_copy(acc.at[pl.ds(NS * RPT, TAIL)],
                        out_hbm.at[pl.ds(c * N + NS * RPT, TAIL)])


ROWS_BLK = 2000


def _mlp_body(final, p0_ref, p1_ref, x_ref, wa_ref, ba_ref, wb_ref, bb_ref, o_ref):
    h = p0_ref[...] + p1_ref[...] - x_ref[...]
    t = jnp.dot(h, wa_ref[...], preferred_element_type=jnp.float32) + ba_ref[...]
    t = jnp.maximum(t, 0.0)
    o = jnp.dot(t, wb_ref[...], preferred_element_type=jnp.float32) + bb_ref[...]
    if final == "relu":
        o_ref[...] = jnp.maximum(o, 0.0)
    else:
        m = jnp.max(o, axis=1, keepdims=True)
        e = jnp.exp(o - m)
        o_ref[...] = o - (jnp.log(jnp.sum(e, axis=1, keepdims=True)) + m)


def _mlp(final, p, x, wa, ba, wb, bb):
    grid = N // ROWS_BLK
    return pl.pallas_call(
        functools.partial(_mlp_body, final),
        grid=(grid,),
        in_specs=[
            pl.BlockSpec((ROWS_BLK, D), lambda i: (i, 0)),
            pl.BlockSpec((ROWS_BLK, D), lambda i, g=grid: (i + g, 0)),
            pl.BlockSpec((ROWS_BLK, D), lambda i: (i, 0)),
            pl.BlockSpec((D, D), lambda i: (0, 0)),
            pl.BlockSpec((1, D), lambda i: (0, 0)),
            pl.BlockSpec((D, D), lambda i: (0, 0)),
            pl.BlockSpec((1, D), lambda i: (0, 0)),
        ],
        out_specs=pl.BlockSpec((ROWS_BLK, D), lambda i: (i, 0)),
        out_shape=jax.ShapeDtypeStruct((N, D), jnp.float32),
    )(p, p, x, wa, ba, wb, bb)


def kernel(x, edge_index, W1a, b1a, W1b, b1b, W2a, b2a, W2b, b2b):
    src = edge_index[0].astype(jnp.int32).reshape(NW, NGRP, GSZ, CHUNK)
    dst = edge_index[1].astype(jnp.int32).reshape(NW, NGRP, GSZ, CHUNK)
    b1a2, b1b2 = b1a.reshape(1, D), b1b.reshape(1, D)
    b2a2, b2b2 = b2a.reshape(1, D), b2b.reshape(1, D)

    p = _sc_aggregate(x, src, dst)
    h1 = _mlp("relu", p, x, W1a, b1a2, W1b, b1b2)
    p2 = _sc_aggregate(h1, src, dst)
    return _mlp("logsoftmax", p2, h1, W2a, b2a2, W2b, b2b2)

# --- scband reference (transcript-rebuilt; emitter-appended) ---
"""Pipeline reference for scband-gin-46909632807735 (READ-ONLY COPY).

The authoritative reference and input builder live on the scoring server;
editing this copy changes nothing except your own understanding.
"""

import jax, jax.numpy as jnp
import numpy as np

N_NODES = 10000
N_EDGES = 320000
D_IN = 128
D_HID = 128
D_OUT = 128


def setup_inputs(seed: int = 0) -> dict:
    key = jax.random.key(seed)
    ks = jax.random.split(key, 12)
    x = jax.random.normal(ks[0], (N_NODES, D_IN), dtype=jnp.float32)
    edge_index = jax.random.randint(ks[1], (2, N_EDGES), 0, N_NODES, dtype=jnp.int64)
    s1 = 1.0 / np.sqrt(D_IN)
    s2 = 1.0 / np.sqrt(D_HID)
    W1a = jax.random.uniform(ks[2], (D_IN, D_HID), jnp.float32, -s1, s1)
    b1a = jax.random.uniform(ks[3], (D_HID,), jnp.float32, -s1, s1)
    W1b = jax.random.uniform(ks[4], (D_HID, D_HID), jnp.float32, -s2, s2)
    b1b = jax.random.uniform(ks[5], (D_HID,), jnp.float32, -s2, s2)
    W2a = jax.random.uniform(ks[6], (D_HID, D_HID), jnp.float32, -s2, s2)
    b2a = jax.random.uniform(ks[7], (D_HID,), jnp.float32, -s2, s2)
    W2b = jax.random.uniform(ks[8], (D_HID, D_OUT), jnp.float32, -s2, s2)
    b2b = jax.random.uniform(ks[9], (D_OUT,), jnp.float32, -s2, s2)
    return {"x": x, "edge_index": edge_index, "W1a": W1a, "b1a": b1a,
            "W1b": W1b, "b1b": b1b, "W2a": W2a, "b2a": b2a,
            "W2b": W2b, "b2b": b2b}


def _gin_conv(x, src, dst, Wa, ba, Wb, bb, num_nodes):
    # GINConv: mlp((1 + eps) * x + sum_{j in N(i)} x_j), eps = 0
    msgs = jnp.take(x, src, axis=0)              # gather source node features
    agg = jax.ops.segment_sum(msgs, dst, num_segments=num_nodes)  # scatter-add at dst
    h = x + agg                                   # (1 + 0) * x + agg
    h = jnp.maximum(h @ Wa + ba, 0.0)             # Linear + ReLU
    h = h @ Wb + bb                               # Linear
    return h


def reference(x, edge_index, W1a, b1a, W1b, b1b, W2a, b2a, W2b, b2b):
    src = edge_index[0]
    dst = edge_index[1]
    n = x.shape[0]
    h = _gin_conv(x, src, dst, W1a, b1a, W1b, b1b, n)
    h = jnp.maximum(h, 0.0)
    h = _gin_conv(h, src, dst, W2a, b2a, W2b, b2b, n)
    return jax.nn.log_softmax(h, axis=1)

if __name__ == "__main__":
    import jax
    _d = setup_inputs()
    print(jax.jit(kernel)(*tuple(_d.values())))

</pallas_src>

<mosaic_0001>
#map = affine_map<(d0, d1) -> (0, 0)>
#map1 = affine_map<(d0, d1) -> (0, 0, 0, 0)>
module attributes {stable_mosaic.version = 14 : i64} {
  func.func @_sc_aggregate(%arg0: i32, %arg1: i32, %arg2: memref<10000x128xf32, #tpu.memory_space<hbm>>, %arg3: memref<32x5x25x80xi32, #tpu.memory_space<hbm>>, %arg4: memref<32x5x25x80xi32, #tpu.memory_space<hbm>>, %arg5: memref<20000x128xf32, #tpu.memory_space<hbm>>, %arg6: memref<10000x128xf32, #tpu.memory_space<vmem_shared>>, %arg7: memref<2x25x80xi32, #tpu.memory_space<vmem>>, %arg8: memref<2x25x80xi32, #tpu.memory_space<vmem>>, %arg9: memref<3x80x128xf32, #tpu.memory_space<vmem>>, %arg10: memref<!tpu.dma_semaphore, #tpu.memory_space<semaphore_mem>>, %arg11: memref<!tpu.dma_semaphore, #tpu.memory_space<semaphore_mem>>, %arg12: memref<!tpu.dma_semaphore, #tpu.memory_space<semaphore_mem>>, %arg13: memref<!tpu.dma_semaphore, #tpu.memory_space<semaphore_mem>>, %arg14: memref<!tpu.dma_semaphore, #tpu.memory_space<semaphore_mem>>, %arg15: memref<!tpu.dma_semaphore, #tpu.memory_space<semaphore_mem>>) attributes {dimension_semantics = [#tpu.dimension_semantics<core_parallel>, #tpu.dimension_semantics<subcore_parallel>], iteration_bounds = array<i64: 2, 16>, scalar_prefetch = 0 : i64, scratch_operands = 10 : i64, tpu.core_type = #tpu.core_type<sc_vector_subcore>, window_params = [{transform_indices = #map}, {transform_indices = #map1}, {transform_indices = #map1}, {transform_indices = #map}]} {
    %mul3A = arith.constant 16 : i32
    %mul3A_0 = arith.muli %arg0, %mul3A : i32
    %add3A = arith.addi %mul3A_0, %arg1 : i32
    %mul3A_1 = arith.constant 624 : i32
    %mul3A_2 = arith.muli %arg1, %mul3A_1 : i32
    %mul3A_3 = arith.constant 624 : i32
    %mul3A_4 = arith.muli %arg1, %mul3A_3 : i32
    %dma_start3A = arith.constant 0 : i32
    %dma_start3A_5 = tpu.memref_slice %arg6[%mul3A_4, %dma_start3A] : memref<10000x128xf32, #tpu.memory_space<vmem_shared>> -> memref<624x128xf32, #tpu.memory_space<vmem_shared>>
    %dma_start3A_6 = arith.constant 0 : i32
    %dma_start3A_7 = tpu.memref_slice %arg2[%mul3A_2, %dma_start3A_6] : memref<10000x128xf32, #tpu.memory_space<hbm>> -> memref<624x128xf32, #tpu.memory_space<hbm>>
    tpu.enqueue_dma source(%dma_start3A_7 : memref<624x128xf32, #tpu.memory_space<hbm>>) target(%dma_start3A_5 : memref<624x128xf32, #tpu.memory_space<vmem_shared>>) target_semaphore(%arg10 : memref<!tpu.dma_semaphore, #tpu.memory_space<semaphore_mem>>)
    %eq3A = arith.constant 15 : i32
    %eq3A_8 = arith.cmpi eq, %arg1, %eq3A : i32
    %convert_element_type3A = arith.extui %eq3A_8 : i1 to i32
    %cond3A = arith.constant 0 : i32
    %cond3A_9 = arith.cmpi ne, %convert_element_type3A, %cond3A : i32
    scf.if %cond3A_9 {
      %dma_start3A_151 = arith.constant 9984 : i32
      %dma_start3A_152 = arith.constant 0 : i32
      %dma_start3A_153 = tpu.memref_slice %arg6[%dma_start3A_151, %dma_start3A_152] : memref<10000x128xf32, #tpu.memory_space<vmem_shared>> -> memref<16x128xf32, #tpu.memory_space<vmem_shared>>
      %dma_start3A_154 = arith.constant 9984 : i32
      %dma_start3A_155 = arith.constant 0 : i32
      %dma_start3A_156 = tpu.memref_slice %arg2[%dma_start3A_154, %dma_start3A_155] : memref<10000x128xf32, #tpu.memory_space<hbm>> -> memref<16x128xf32, #tpu.memory_space<hbm>>
      tpu.enqueue_dma source(%dma_start3A_156 : memref<16x128xf32, #tpu.memory_space<hbm>>) target(%dma_start3A_153 : memref<16x128xf32, #tpu.memory_space<vmem_shared>>) target_semaphore(%arg10 : memref<!tpu.dma_semaphore, #tpu.memory_space<semaphore_mem>>)
    } else {
    }
    %dma_start3A_10 = arith.constant 0 : i32
    %dma_start3A_11 = arith.constant 0 : i32
    %dma_start3A_12 = arith.constant 0 : i32
    %dma_start3A_13 = arith.constant 0 : i32
    %dma_start3A_14 = tpu.memref_slice %arg7[%dma_start3A_11, %dma_start3A_12, %dma_start3A_13] : memref<2x25x80xi32, #tpu.memory_space<vmem>> -> memref<1x25x80xi32, #tpu.memory_space<vmem>>
    %dma_start3A_15 = tpu.memref_squeeze %dma_start3A_14 : memref<1x25x80xi32, #tpu.memory_space<vmem>> -> memref<25x80xi32, #tpu.memory_space<vmem>>
    %dma_start3A_16 = arith.constant 0 : i32
    %dma_start3A_17 = arith.constant 0 : i32
    %dma_start3A_18 = tpu.memref_slice %arg3[%add3A, %dma_start3A_10, %dma_start3A_16, %dma_start3A_17] : memref<32x5x25x80xi32, #tpu.memory_space<hbm>> -> memref<1x1x25x80xi32, #tpu.memory_space<hbm>>
    %dma_start3A_19 = tpu.memref_squeeze %dma_start3A_18 : memref<1x1x25x80xi32, #tpu.memory_space<hbm>> -> memref<25x80xi32, #tpu.memory_space<hbm>>
    %dma_start3A_20 = arith.constant 0 : i32
    %dma_start3A_21 = arith.constant 0 : i32
    %dma_start3A_22 = tpu.memref_slice %arg7[%dma_start3A_11, %dma_start3A_20, %dma_start3A_21] : memref<2x25x80xi32, #tpu.memory_space<vmem>> -> memref<1x25x80xi32, #tpu.memory_space<vmem>>
    %dma_start3A_23 = tpu.memref_squeeze %dma_start3A_22 : memref<1x25x80xi32, #tpu.memory_space<vmem>> -> memref<25x80xi32, #tpu.memory_space<vmem>>
    %dma_start3A_24 = arith.constant 0 : i32
    %dma_start3A_25 = arith.constant 0 : i32
    %dma_start3A_26 = tpu.memref_slice %arg3[%add3A, %dma_start3A_10, %dma_start3A_24, %dma_start3A_25] : memref<32x5x25x80xi32, #tpu.memory_space<hbm>> -> memref<1x1x25x80xi32, #tpu.memory_space<hbm>>
    %dma_start3A_27 = tpu.memref_squeeze %dma_start3A_26 : memref<1x1x25x80xi32, #tpu.memory_space<hbm>> -> memref<25x80xi32, #tpu.memory_space<hbm>>
    tpu.enqueue_dma source(%dma_start3A_27 : memref<25x80xi32, #tpu.memory_space<hbm>>) target(%dma_start3A_23 : memref<25x80xi32, #tpu.memory_space<vmem>>) target_semaphore(%arg11 : memref<!tpu.dma_semaphore, #tpu.memory_space<semaphore_mem>>)
    %dma_start3A_28 = arith.constant 0 : i32
    %dma_start3A_29 = arith.constant 0 : i32
    %dma_start3A_30 = arith.constant 0 : i32
    %dma_start3A_31 = arith.constant 0 : i32
    %dma_start3A_32 = tpu.memref_slice %arg8[%dma_start3A_29, %dma_start3A_30, %dma_start3A_31] : memref<2x25x80xi32, #tpu.memory_space<vmem>> -> memref<1x25x80xi32, #tpu.memory_space<vmem>>
    %dma_start3A_33 = tpu.memref_squeeze %dma_start3A_32 : memref<1x25x80xi32, #tpu.memory_space<vmem>> -> memref<25x80xi32, #tpu.memory_space<vmem>>
    %dma_start3A_34 = arith.constant 0 : i32
    %dma_start3A_35 = arith.constant 0 : i32
    %dma_start3A_36 = tpu.memref_slice %arg4[%add3A, %dma_start3A_28, %dma_start3A_34, %dma_start3A_35] : memref<32x5x25x80xi32, #tpu.memory_space<hbm>> -> memref<1x1x25x80xi32, #tpu.memory_space<hbm>>
    %dma_start3A_37 = tpu.memref_squeeze %dma_start3A_36 : memref<1x1x25x80xi32, #tpu.memory_space<hbm>> -> memref<25x80xi32, #tpu.memory_space<hbm>>
    %dma_start3A_38 = arith.constant 0 : i32
    %dma_start3A_39 = arith.constant 0 : i32
    %dma_start3A_40 = tpu.memref_slice %arg8[%dma_start3A_29, %dma_start3A_38, %dma_start3A_39] : memref<2x25x80xi32, #tpu.memory_space<vmem>> -> memref<1x25x80xi32, #tpu.memory_space<vmem>>
    %dma_start3A_41 = tpu.memref_squeeze %dma_start3A_40 : memref<1x25x80xi32, #tpu.memory_space<vmem>> -> memref<25x80xi32, #tpu.memory_space<vmem>>
    %dma_start3A_42 = arith.constant 0 : i32
    %dma_start3A_43 = arith.constant 0 : i32
    %dma_start3A_44 = tpu.memref_slice %arg4[%add3A, %dma_start3A_28, %dma_start3A_42, %dma_start3A_43] : memref<32x5x25x80xi32, #tpu.memory_space<hbm>> -> memref<1x1x25x80xi32, #tpu.memory_space<hbm>>
    %dma_start3A_45 = tpu.memref_squeeze %dma_start3A_44 : memref<1x1x25x80xi32, #tpu.memory_space<hbm>> -> memref<25x80xi32, #tpu.memory_space<hbm>>
    tpu.enqueue_dma source(%dma_start3A_45 : memref<25x80xi32, #tpu.memory_space<hbm>>) target(%dma_start3A_41 : memref<25x80xi32, #tpu.memory_space<vmem>>) target_semaphore(%arg11 : memref<!tpu.dma_semaphore, #tpu.memory_space<semaphore_mem>>)
    %dma_wait3A = arith.constant 0 : i32
    %dma_wait3A_46 = arith.constant 0 : i32
    %dma_wait3A_47 = arith.constant 0 : i32
    %dma_wait3A_48 = arith.constant 0 : i32
    %dma_wait3A_49 = tpu.memref_slice %arg7[%dma_wait3A_46, %dma_wait3A_47, %dma_wait3A_48] : memref<2x25x80xi32, #tpu.memory_space<vmem>> -> memref<1x25x80xi32, #tpu.memory_space<vmem>>
    %dma_wait3A_50 = tpu.memref_squeeze %dma_wait3A_49 : memref<1x25x80xi32, #tpu.memory_space<vmem>> -> memref<25x80xi32, #tpu.memory_space<vmem>>
    %dma_wait3A_51 = arith.constant 0 : i32
    %dma_wait3A_52 = arith.constant 0 : i32
    %dma_wait3A_53 = tpu.memref_slice %arg3[%add3A, %dma_wait3A, %dma_wait3A_51, %dma_wait3A_52] : memref<32x5x25x80xi32, #tpu.memory_space<hbm>> -> memref<1x1x25x80xi32, #tpu.memory_space<hbm>>
    %dma_wait3A_54 = tpu.memref_squeeze %dma_wait3A_53 : memref<1x1x25x80xi32, #tpu.memory_space<hbm>> -> memref<25x80xi32, #tpu.memory_space<hbm>>
    %dma_wait3A_55 = arith.constant 0 : i32
    %dma_wait3A_56 = arith.constant 0 : i32
    %dma_wait3A_57 = tpu.memref_slice %arg7[%dma_wait3A_46, %dma_wait3A_55, %dma_wait3A_56] : memref<2x25x80xi32, #tpu.memory_space<vmem>> -> memref<1x25x80xi32, #tpu.memory_space<vmem>>
    %dma_wait3A_58 = tpu.memref_squeeze %dma_wait3A_57 : memref<1x25x80xi32, #tpu.memory_space<vmem>> -> memref<25x80xi32, #tpu.memory_space<vmem>>
    %dma_wait3A_59 = arith.constant 0 : i32
    %dma_wait3A_60 = arith.constant 0 : i32
    %dma_wait3A_61 = tpu.memref_slice %arg3[%add3A, %dma_wait3A, %dma_wait3A_59, %dma_wait3A_60] : memref<32x5x25x80xi32, #tpu.memory_space<hbm>> -> memref<1x1x25x80xi32, #tpu.memory_space<hbm>>
    %dma_wait3A_62 = tpu.memref_squeeze %dma_wait3A_61 : memref<1x1x25x80xi32, #tpu.memory_space<hbm>> -> memref<25x80xi32, #tpu.memory_space<hbm>>
    tpu.wait_dma2 semaphore(%arg11 : memref<!tpu.dma_semaphore, #tpu.memory_space<semaphore_mem>>) src(%dma_wait3A_62 : memref<25x80xi32, #tpu.memory_space<hbm>>) dst(%dma_wait3A_58 : memref<25x80xi32, #tpu.memory_space<vmem>>)
    %dma_wait3A_63 = arith.constant 0 : i32
    %dma_wait3A_64 = arith.constant 0 : i32
    %dma_wait3A_65 = arith.constant 0 : i32
    %dma_wait3A_66 = arith.constant 0 : i32
    %dma_wait3A_67 = tpu.memref_slice %arg8[%dma_wait3A_64, %dma_wait3A_65, %dma_wait3A_66] : memref<2x25x80xi32, #tpu.memory_space<vmem>> -> memref<1x25x80xi32, #tpu.memory_space<vmem>>
    %dma_wait3A_68 = tpu.memref_squeeze %dma_wait3A_67 : memref<1x25x80xi32, #tpu.memory_space<vmem>> -> memref<25x80xi32, #tpu.memory_space<vmem>>
    %dma_wait3A_69 = arith.constant 0 : i32
    %dma_wait3A_70 = arith.constant 0 : i32
    %dma_wait3A_71 = tpu.memref_slice %arg4[%add3A, %dma_wait3A_63, %dma_wait3A_69, %dma_wait3A_70] : memref<32x5x25x80xi32, #tpu.memory_space<hbm>> -> memref<1x1x25x80xi32, #tpu.memory_space<hbm>>
    %dma_wait3A_72 = tpu.memref_squeeze %dma_wait3A_71 : memref<1x1x25x80xi32, #tpu.memory_space<hbm>> -> memref<25x80xi32, #tpu.memory_space<hbm>>
    %dma_wait3A_73 = arith.constant 0 : i32
    %dma_wait3A_74 = arith.constant 0 : i32
    %dma_wait3A_75 = tpu.memref_slice %arg8[%dma_wait3A_64, %dma_wait3A_73, %dma_wait3A_74] : memref<2x25x80xi32, #tpu.memory_space<vmem>> -> memref<1x25x80xi32, #tpu.memory_space<vmem>>
    %dma_wait3A_76 = tpu.memref_squeeze %dma_wait3A_75 : memref<1x25x80xi32, #tpu.memory_space<vmem>> -> memref<25x80xi32, #tpu.memory_space<vmem>>
    %dma_wait3A_77 = arith.constant 0 : i32
    %dma_wait3A_78 = arith.constant 0 : i32
    %dma_wait3A_79 = tpu.memref_slice %arg4[%add3A, %dma_wait3A_63, %dma_wait3A_77, %dma_wait3A_78] : memref<32x5x25x80xi32, #tpu.memory_space<hbm>> -> memref<1x1x25x80xi32, #tpu.memory_space<hbm>>
    %dma_wait3A_80 = tpu.memref_squeeze %dma_wait3A_79 : memref<1x1x25x80xi32, #tpu.memory_space<hbm>> -> memref<25x80xi32, #tpu.memory_space<hbm>>
    tpu.wait_dma2 semaphore(%arg11 : memref<!tpu.dma_semaphore, #tpu.memory_space<semaphore_mem>>) src(%dma_wait3A_80 : memref<25x80xi32, #tpu.memory_space<hbm>>) dst(%dma_wait3A_76 : memref<25x80xi32, #tpu.memory_space<vmem>>)
    %dma_start3A_81 = arith.constant 0 : i32
    %dma_start3A_82 = arith.constant 0 : i32
    %dma_start3A_83 = arith.constant 0 : i32
    %dma_start3A_84 = arith.constant 0 : i32
    %dma_start3A_85 = arith.constant 0 : i32
    %dma_start3A_86 = tpu.memref_slice %arg9[%dma_start3A_83, %dma_start3A_84, %dma_start3A_85] : memref<3x80x128xf32, #tpu.memory_space<vmem>> -> memref<1x80x128xf32, #tpu.memory_space<vmem>>
    %dma_start3A_87 = tpu.memref_squeeze %dma_start3A_86 : memref<1x80x128xf32, #tpu.memory_space<vmem>> -> memref<80x128xf32, #tpu.memory_space<vmem>>
    %dma_start3A_88 = arith.constant 0 : i32
    %dma_start3A_89 = tpu.memref_slice %arg7[%dma_start3A_81, %dma_start3A_82, %dma_start3A_88] : memref<2x25x80xi32, #tpu.memory_space<vmem>> -> memref<1x1x80xi32, #tpu.memory_space<vmem>>
    %dma_start3A_90 = tpu.memref_squeeze %dma_start3A_89 : memref<1x1x80xi32, #tpu.memory_space<vmem>> -> memref<80xi32, #tpu.memory_space<vmem>>
    %dma_start3A_91 = arith.constant 0 : i32
    %dma_start3A_92 = arith.constant 0 : i32
    %dma_start3A_93 = tpu.memref_slice %arg2[%dma_start3A_91, %dma_start3A_92] : memref<10000x128xf32, #tpu.memory_space<hbm>> -> memref<10000x128xf32, #tpu.memory_space<hbm>>
    tpu.enqueue_indirect_dma source(%dma_start3A_93 : memref<10000x128xf32, #tpu.memory_space<hbm>>) target(%dma_start3A_87 : memref<80x128xf32, #tpu.memory_space<vmem>>) offsets(%dma_start3A_90 : memref<80xi32, #tpu.memory_space<vmem>>) semaphore(%arg13 : memref<!tpu.dma_semaphore, #tpu.memory_space<semaphore_mem>>)
    %dma_start3A_94 = arith.constant 0 : i32
    %dma_start3A_95 = arith.constant 1 : i32
    %dma_start3A_96 = arith.constant 1 : i32
    %dma_start3A_97 = arith.constant 0 : i32
    %dma_start3A_98 = arith.constant 0 : i32
    %dma_start3A_99 = tpu.memref_slice %arg9[%dma_start3A_96, %dma_start3A_97, %dma_start3A_98] : memref<3x80x128xf32, #tpu.memory_space<vmem>> -> memref<1x80x128xf32, #tpu.memory_space<vmem>>
    %dma_start3A_100 = tpu.memref_squeeze %dma_start3A_99 : memref<1x80x128xf32, #tpu.memory_space<vmem>> -> memref<80x128xf32, #tpu.memory_space<vmem>>
    %dma_start3A_101 = arith.constant 0 : i32
    %dma_start3A_102 = tpu.memref_slice %arg7[%dma_start3A_94, %dma_start3A_95, %dma_start3A_101] : memref<2x25x80xi32, #tpu.memory_space<vmem>> -> memref<1x1x80xi32, #tpu.memory_space<vmem>>
    %dma_start3A_103 = tpu.memref_squeeze %dma_start3A_102 : memref<1x1x80xi32, #tpu.memory_space<vmem>> -> memref<80xi32, #tpu.memory_space<vmem>>
    %dma_start3A_104 = arith.constant 0 : i32
    %dma_start3A_105 = arith.constant 0 : i32
    %dma_start3A_106 = tpu.memref_slice %arg2[%dma_start3A_104, %dma_start3A_105] : memref<10000x128xf32, #tpu.memory_space<hbm>> -> memref<10000x128xf32, #tpu.memory_space<hbm>>
    tpu.enqueue_indirect_dma source(%dma_start3A_106 : memref<10000x128xf32, #tpu.memory_space<hbm>>) target(%dma_start3A_100 : memref<80x128xf32, #tpu.memory_space<vmem>>) offsets(%dma_start3A_103 : memref<80xi32, #tpu.memory_space<vmem>>) semaphore(%arg14 : memref<!tpu.dma_semaphore, #tpu.memory_space<semaphore_mem>>)
    %dma_start3A_107 = arith.constant 0 : i32
    %dma_start3A_108 = arith.constant 2 : i32
    %dma_start3A_109 = arith.constant 2 : i32
    %dma_start3A_110 = arith.constant 0 : i32
    %dma_start3A_111 = arith.constant 0 : i32
    %dma_start3A_112 = tpu.memref_slice %arg9[%dma_start3A_109, %dma_start3A_110, %dma_start3A_111] : memref<3x80x128xf32, #tpu.memory_space<vmem>> -> memref<1x80x128xf32, #tpu.memory_space<vmem>>
    %dma_start3A_113 = tpu.memref_squeeze %dma_start3A_112 : memref<1x80x128xf32, #tpu.memory_space<vmem>> -> memref<80x128xf32, #tpu.memory_space<vmem>>
    %dma_start3A_114 = arith.constant 0 : i32
    %dma_start3A_115 = tpu.memref_slice %arg7[%dma_start3A_107, %dma_start3A_108, %dma_start3A_114] : memref<2x25x80xi32, #tpu.memory_space<vmem>> -> memref<1x1x80xi32, #tpu.memory_space<vmem>>
    %dma_start3A_116 = tpu.memref_squeeze %dma_start3A_115 : memref<1x1x80xi32, #tpu.memory_space<vmem>> -> memref<80xi32, #tpu.memory_space<vmem>>
    %dma_start3A_117 = arith.constant 0 : i32
    %dma_start3A_118 = arith.constant 0 : i32
    %dma_start3A_119 = tpu.memref_slice %arg2[%dma_start3A_117, %dma_start3A_118] : memref<10000x128xf32, #tpu.memory_space<hbm>> -> memref<10000x128xf32, #tpu.memory_space<hbm>>
    tpu.enqueue_indirect_dma source(%dma_start3A_119 : memref<10000x128xf32, #tpu.memory_space<hbm>>) target(%dma_start3A_113 : memref<80x128xf32, #tpu.memory_space<vmem>>) offsets(%dma_start3A_116 : memref<80xi32, #tpu.memory_space<vmem>>) semaphore(%arg15 : memref<!tpu.dma_semaphore, #tpu.memory_space<semaphore_mem>>)
    %mul3A_120 = arith.constant 624 : i32
    %mul3A_121 = arith.muli %arg1, %mul3A_120 : i32
    %mul3A_122 = arith.constant 624 : i32
    %mul3A_123 = arith.muli %arg1, %mul3A_122 : i32
    %dma_wait3A_124 = arith.constant 0 : i32
    %dma_wait3A_125 = tpu.memref_slice %arg6[%mul3A_123, %dma_wait3A_124] : memref<10000x128xf32, #tpu.memory_space<vmem_shared>> -> memref<624x128xf32, #tpu.memory_space<vmem_shared>>
    %dma_wait3A_126 = arith.constant 0 : i32
    %dma_wait3A_127 = tpu.memref_slice %arg2[%mul3A_121, %dma_wait3A_126] : memref<10000x128xf32, #tpu.memory_space<hbm>> -> memref<624x128xf32, #tpu.memory_space<hbm>>
    tpu.wait_dma2 semaphore(%arg10 : memref<!tpu.dma_semaphore, #tpu.memory_space<semaphore_mem>>) src(%dma_wait3A_127 : memref<624x128xf32, #tpu.memory_space<hbm>>) dst(%dma_wait3A_125 : memref<624x128xf32, #tpu.memory_space<vmem_shared>>)
    %eq3A_128 = arith.constant 15 : i32
    %eq3A_129 = arith.cmpi eq, %arg1, %eq3A_128 : i32
    %convert_element_type3A_130 = arith.extui %eq3A_129 : i1 to i32
    %cond3A_131 = arith.constant 0 : i32
    %cond3A_132 = arith.cmpi ne, %convert_element_type3A_130, %cond3A_131 : i32
    scf.if %cond3A_132 {
      %dma_wait3A_151 = arith.constant 9984 : i32
      %dma_wait3A_152 = arith.constant 0 : i32
      %dma_wait3A_153 = tpu.memref_slice %arg6[%dma_wait3A_151, %dma_wait3A_152] : memref<10000x128xf32, #tpu.memory_space<vmem_shared>> -> memref<16x128xf32, #tpu.memory_space<vmem_shared>>
      %dma_wait3A_154 = arith.constant 9984 : i32
      %dma_wait3A_155 = arith.constant 0 : i32
      %dma_wait3A_156 = tpu.memref_slice %arg2[%dma_wait3A_154, %dma_wait3A_155] : memref<10000x128xf32, #tpu.memory_space<hbm>> -> memref<16x128xf32, #tpu.memory_space<hbm>>
      tpu.wait_dma2 semaphore(%arg10 : memref<!tpu.dma_semaphore, #tpu.memory_space<semaphore_mem>>) src(%dma_wait3A_156 : memref<16x128xf32, #tpu.memory_space<hbm>>) dst(%dma_wait3A_153 : memref<16x128xf32, #tpu.memory_space<vmem_shared>>)
    } else {
    }
    %barrier3A = arith.constant 0 : index
    tpu.barrier barrier_id(%barrier3A)
    %scan3A = arith.constant 0 : i32
    %scan3A_133 = arith.constant 0 : i32
    %scan3A_134 = arith.constant 125 : i32
    %scan3A_135 = arith.addi %scan3A_133, %scan3A_134 : i32
    %scan3A_136 = arith.constant 1 : i32
    scf.for %scan3A_151 = %scan3A_133 to %scan3A_135 step %scan3A_136  : i32 {
      %div3A = arith.constant 25 : i32
      %div3A_152 = arith.divsi %scan3A_151, %div3A : i32
      %rem3A = arith.constant 25 : i32
      %rem3A_153 = arith.remsi %scan3A_151, %rem3A : i32
      %rem3A_154 = arith.constant 2 : i32
      %rem3A_155 = arith.remsi %div3A_152, %rem3A_154 : i32
      %eq3A_156 = arith.constant 0 : i32
      %eq3A_157 = arith.cmpi eq, %rem3A_155, %eq3A_156 : i32
      %convert_element_type3A_158 = arith.extui %eq3A_157 : i1 to i32
      %cond3A_159 = arith.constant 0 : i32
      %cond3A_160 = arith.cmpi ne, %convert_element_type3A_158, %cond3A_159 : i32
      scf.if %cond3A_160 {
        %eq3A_168 = arith.constant 0 : i32
        %eq3A_169 = arith.cmpi eq, %rem3A_153, %eq3A_168 : i32
        %add3A_170 = arith.constant 1 : i32
        %add3A_171 = arith.addi %div3A_152, %add3A_170 : i32
        %lt3A = arith.constant 5 : i32
        %lt3A_172 = arith.cmpi slt, %add3A_171, %lt3A : i32
        %and3A = arith.andi %eq3A_169, %lt3A_172 : i1
        %convert_element_type3A_173 = arith.extui %and3A : i1 to i32
        %cond3A_174 = arith.constant 0 : i32
        %cond3A_175 = arith.cmpi ne, %convert_element_type3A_173, %cond3A_174 : i32
        scf.if %cond3A_175 {
          %add3A_197 = arith.constant 1 : i32
          %add3A_198 = arith.addi %div3A_152, %add3A_197 : i32
          %dma_start3A_199 = arith.constant 1 : i32
          %dma_start3A_200 = arith.constant 0 : i32
          %dma_start3A_201 = arith.constant 0 : i32
          %dma_start3A_202 = tpu.memref_slice %arg7[%dma_start3A_199, %dma_start3A_200, %dma_start3A_201] : memref<2x25x80xi32, #tpu.memory_space<vmem>> -> memref<1x25x80xi32, #tpu.memory_space<vmem>>
          %dma_start3A_203 = tpu.memref_squeeze %dma_start3A_202 : memref<1x25x80xi32, #tpu.memory_space<vmem>> -> memref<25x80xi32, #tpu.memory_space<vmem>>
          %dma_start3A_204 = arith.constant 0 : i32
          %dma_start3A_205 = arith.constant 0 : i32
          %dma_start3A_206 = tpu.memref_slice %arg3[%add3A, %add3A_198, %dma_start3A_204, %dma_start3A_205] : memref<32x5x25x80xi32, #tpu.memory_space<hbm>> -> memref<1x1x25x80xi32, #tpu.memory_space<hbm>>
          %dma_start3A_207 = tpu.memref_squeeze %dma_start3A_206 : memref<1x1x25x80xi32, #tpu.memory_space<hbm>> -> memref<25x80xi32, #tpu.memory_space<hbm>>
          %dma_start3A_208 = arith.constant 0 : i32
          %dma_start3A_209 = arith.constant 0 : i32
          %dma_start3A_210 = tpu.memref_slice %arg7[%dma_start3A_199, %dma_start3A_208, %dma_start3A_209] : memref<2x25x80xi32, #tpu.memory_space<vmem>> -> memref<1x25x80xi32, #tpu.memory_space<vmem>>
          %dma_start3A_211 = tpu.memref_squeeze %dma_start3A_210 : memref<1x25x80xi32, #tpu.memory_space<vmem>> -> memref<25x80xi32, #tpu.memory_space<vmem>>
          %dma_start3A_212 = arith.constant 0 : i32
          %dma_start3A_213 = arith.constant 0 : i32
          %dma_start3A_214 = tpu.memref_slice %arg3[%add3A, %add3A_198, %dma_start3A_212, %dma_start3A_213] : memref<32x5x25x80xi32, #tpu.memory_space<hbm>> -> memref<1x1x25x80xi32, #tpu.memory_space<hbm>>
          %dma_start3A_215 = tpu.memref_squeeze %dma_start3A_214 : memref<1x1x25x80xi32, #tpu.memory_space<hbm>> -> memref<25x80xi32, #tpu.memory_space<hbm>>
          tpu.enqueue_dma source(%dma_start3A_215 : memref<25x80xi32, #tpu.memory_space<hbm>>) target(%dma_start3A_211 : memref<25x80xi32, #tpu.memory_space<vmem>>) target_semaphore(%arg12 : memref<!tpu.dma_semaphore, #tpu.memory_space<semaphore_mem>>)
          %add3A_216 = arith.constant 1 : i32
          %add3A_217 = arith.addi %div3A_152, %add3A_216 : i32
          %dma_start3A_218 = arith.constant 1 : i32
          %dma_start3A_219 = arith.constant 0 : i32
          %dma_start3A_220 = arith.constant 0 : i32
          %dma_start3A_221 = tpu.memref_slice %arg8[%dma_start3A_218, %dma_start3A_219, %dma_start3A_220] : memref<2x25x80xi32, #tpu.memory_space<vmem>> -> memref<1x25x80xi32, #tpu.memory_space<vmem>>
          %dma_start3A_222 = tpu.memref_squeeze %dma_start3A_221 : memref<1x25x80xi32, #tpu.memory_space<vmem>> -> memref<25x80xi32, #tpu.memory_space<vmem>>
          %dma_start3A_223 = arith.constant 0 : i32
          %dma_start3A_224 = arith.constant 0 : i32
          %dma_start3A_225 = tpu.memref_slice %arg4[%add3A, %add3A_217, %dma_start3A_223, %dma_start3A_224] : memref<32x5x25x80xi32, #tpu.memory_space<hbm>> -> memref<1x1x25x80xi32, #tpu.memory_space<hbm>>
          %dma_start3A_226 = tpu.memref_squeeze %dma_start3A_225 : memref<1x1x25x80xi32, #tpu.memory_space<hbm>> -> memref<25x80xi32, #tpu.memory_space<hbm>>
          %dma_start3A_227 = arith.constant 0 : i32
          %dma_start3A_228 = arith.constant 0 : i32
          %dma_start3A_229 = tpu.memref_slice %arg8[%dma_start3A_218, %dma_start3A_227, %dma_start3A_228] : memref<2x25x80xi32, #tpu.memory_space<vmem>> -> memref<1x25x80xi32, #tpu.memory_space<vmem>>
          %dma_start3A_230 = tpu.memref_squeeze %dma_start3A_229 : memref<1x25x80xi32, #tpu.memory_space<vmem>> -> memref<25x80xi32, #tpu.memory_space<vmem>>
          %dma_start3A_231 = arith.constant 0 : i32
          %dma_start3A_232 = arith.constant 0 : i32
          %dma_start3A_233 = tpu.memref_slice %arg4[%add3A, %add3A_217, %dma_start3A_231, %dma_start3A_232] : memref<32x5x25x80xi32, #tpu.memory_space<hbm>> -> memref<1x1x25x80xi32, #tpu.memory_space<hbm>>
          %dma_start3A_234 = tpu.memref_squeeze %dma_start3A_233 : memref<1x1x25x80xi32, #tpu.memory_space<hbm>> -> memref<25x80xi32, #tpu.memory_space<hbm>>
          tpu.enqueue_dma source(%dma_start3A_234 : memref<25x80xi32, #tpu.memory_space<hbm>>) target(%dma_start3A_230 : memref<25x80xi32, #tpu.memory_space<vmem>>) target_semaphore(%arg12 : memref<!tpu.dma_semaphore, #tpu.memory_space<semaphore_mem>>)
        } else {
        }
        %rem3A_176 = arith.constant 3 : i32
        %rem3A_177 = arith.remsi %scan3A_151, %rem3A_176 : i32
        %eq3A_178 = arith.constant 0 : i32
        %eq3A_179 = arith.cmpi eq, %rem3A_177, %eq3A_178 : i32
        %convert_element_type3A_180 = arith.extui %eq3A_179 : i1 to i32
        %cond3A_181 = arith.constant 0 : i32
        %cond3A_182 = arith.cmpi ne, %convert_element_type3A_180, %cond3A_181 : i32
        scf.if %cond3A_182 {
          %dma_wait3A_197 = arith.constant 0 : i32
          %dma_wait3A_198 = arith.constant 0 : i32
          %dma_wait3A_199 = arith.constant 0 : i32
          %dma_wait3A_200 = arith.constant 0 : i32
          %dma_wait3A_201 = tpu.memref_slice %arg9[%dma_wait3A_198, %dma_wait3A_199, %dma_wait3A_200] : memref<3x80x128xf32, #tpu.memory_space<vmem>> -> memref<1x80x128xf32, #tpu.memory_space<vmem>>
          %dma_wait3A_202 = tpu.memref_squeeze %dma_wait3A_201 : memref<1x80x128xf32, #tpu.memory_space<vmem>> -> memref<80x128xf32, #tpu.memory_space<vmem>>
          %dma_wait3A_203 = arith.constant 0 : i32
          %dma_wait3A_204 = tpu.memref_slice %arg7[%dma_wait3A_197, %rem3A_153, %dma_wait3A_203] : memref<2x25x80xi32, #tpu.memory_space<vmem>> -> memref<1x1x80xi32, #tpu.memory_space<vmem>>
          %dma_wait3A_205 = tpu.memref_squeeze %dma_wait3A_204 : memref<1x1x80xi32, #tpu.memory_space<vmem>> -> memref<80xi32, #tpu.memory_space<vmem>>
          %dma_wait3A_206 = arith.constant 0 : i32
          %dma_wait3A_207 = arith.constant 0 : i32
          %dma_wait3A_208 = tpu.memref_slice %arg2[%dma_wait3A_206, %dma_wait3A_207] : memref<10000x128xf32, #tpu.memory_space<hbm>> -> memref<10000x128xf32, #tpu.memory_space<hbm>>
          tpu.wait_indirect_dma semaphore(%arg13 : memref<!tpu.dma_semaphore, #tpu.memory_space<semaphore_mem>>) src(%dma_wait3A_208 : memref<10000x128xf32, #tpu.memory_space<hbm>>) dst(%dma_wait3A_202 : memref<80x128xf32, #tpu.memory_space<vmem>>)
          %run_scoped3A = arith.constant 0 : i32
          %run_scoped3A_209 = arith.constant 0 : i32
          "tpu.region"() ({
            %run_scoped3A_233 = tpu.sem_alloc : memref<!tpu.dma_semaphore, #tpu.memory_space<semaphore_mem>>
            %dma_start3A_234 = arith.constant 0 : i32
            %dma_start3A_235 = arith.constant 0 : i32
            %dma_start3A_236 = tpu.memref_slice %arg9[%run_scoped3A, %dma_start3A_234, %dma_start3A_235] : memref<3x80x128xf32, #tpu.memory_space<vmem>> -> memref<1x80x128xf32, #tpu.memory_space<vmem>>
            %dma_start3A_237 = tpu.memref_squeeze %dma_start3A_236 : memref<1x80x128xf32, #tpu.memory_space<vmem>> -> memref<80x128xf32, #tpu.memory_space<vmem>>
            %dma_start3A_238 = arith.constant 0 : i32
            %dma_start3A_239 = tpu.memref_slice %arg8[%run_scoped3A_209, %rem3A_153, %dma_start3A_238] : memref<2x25x80xi32, #tpu.memory_space<vmem>> -> memref<1x1x80xi32, #tpu.memory_space<vmem>>
            %dma_start3A_240 = tpu.memref_squeeze %dma_start3A_239 : memref<1x1x80xi32, #tpu.memory_space<vmem>> -> memref<80xi32, #tpu.memory_space<vmem>>
            %dma_start3A_241 = arith.constant 0 : i32
            %dma_start3A_242 = arith.constant 0 : i32
            %dma_start3A_243 = tpu.memref_slice %arg6[%dma_start3A_241, %dma_start3A_242] : memref<10000x128xf32, #tpu.memory_space<vmem_shared>> -> memref<10000x128xf32, #tpu.memory_space<vmem_shared>>
            tpu.enqueue_indirect_dma source(%dma_start3A_237 : memref<80x128xf32, #tpu.memory_space<vmem>>) target(%dma_start3A_243 : memref<10000x128xf32, #tpu.memory_space<vmem_shared>>) offsets(%dma_start3A_240 : memref<80xi32, #tpu.memory_space<vmem>>) semaphore(%run_scoped3A_233 : memref<!tpu.dma_semaphore, #tpu.memory_space<semaphore_mem>>) {add = true}
            %dma_wait3A_244 = arith.constant 0 : i32
            %dma_wait3A_245 = arith.constant 0 : i32
            %dma_wait3A_246 = tpu.memref_slice %arg9[%run_scoped3A, %dma_wait3A_244, %dma_wait3A_245] : memref<3x80x128xf32, #tpu.memory_space<vmem>> -> memref<1x80x128xf32, #tpu.memory_space<vmem>>
            %dma_wait3A_247 = tpu.memref_squeeze %dma_wait3A_246 : memref<1x80x128xf32, #tpu.memory_space<vmem>> -> memref<80x128xf32, #tpu.memory_space<vmem>>
            %dma_wait3A_248 = arith.constant 0 : i32
            %dma_wait3A_249 = tpu.memref_slice %arg8[%run_scoped3A_209, %rem3A_153, %dma_wait3A_248] : memref<2x25x80xi32, #tpu.memory_space<vmem>> -> memref<1x1x80xi32, #tpu.memory_space<vmem>>
            %dma_wait3A_250 = tpu.memref_squeeze %dma_wait3A_249 : memref<1x1x80xi32, #tpu.memory_space<vmem>> -> memref<80xi32, #tpu.memory_space<vmem>>
            %dma_wait3A_251 = arith.constant 0 : i32
            %dma_wait3A_252 = arith.constant 0 : i32
            %dma_wait3A_253 = tpu.memref_slice %arg6[%dma_wait3A_251, %dma_wait3A_252] : memref<10000x128xf32, #tpu.memory_space<vmem_shared>> -> memref<10000x128xf32, #tpu.memory_space<vmem_shared>>
            tpu.wait_indirect_dma semaphore(%run_scoped3A_233 : memref<!tpu.dma_semaphore, #tpu.memory_space<semaphore_mem>>) src(%dma_wait3A_247 : memref<80x128xf32, #tpu.memory_space<vmem>>) dst(%dma_wait3A_253 : memref<10000x128xf32, #tpu.memory_space<vmem_shared>>)
            tpu.yield
          }) : () -> ()
          %add3A_210 = arith.constant 3 : i32
          %add3A_211 = arith.addi %scan3A_151, %add3A_210 : i32
          %lt3A_212 = arith.constant 125 : i32
          %lt3A_213 = arith.cmpi slt, %add3A_211, %lt3A_212 : i32
          %add3A_214 = arith.constant 3 : i32
          %add3A_215 = arith.addi %rem3A_153, %add3A_214 : i32
          %lt3A_216 = arith.constant 25 : i32
          %lt3A_217 = arith.cmpi slt, %add3A_215, %lt3A_216 : i32
          %and3A_218 = arith.andi %lt3A_213, %lt3A_217 : i1
          %convert_element_type3A_219 = arith.extui %and3A_218 : i1 to i32
          %cond3A_220 = arith.constant 0 : i32
          %cond3A_221 = arith.cmpi ne, %convert_element_type3A_219, %cond3A_220 : i32
          scf.if %cond3A_221 {
            %add3A_233 = arith.constant 3 : i32
            %add3A_234 = arith.addi %rem3A_153, %add3A_233 : i32
            %dma_start3A_235 = arith.constant 0 : i32
            %dma_start3A_236 = arith.constant 0 : i32
            %dma_start3A_237 = arith.constant 0 : i32
            %dma_start3A_238 = arith.constant 0 : i32
            %dma_start3A_239 = tpu.memref_slice %arg9[%dma_start3A_236, %dma_start3A_237, %dma_start3A_238] : memref<3x80x128xf32, #tpu.memory_space<vmem>> -> memref<1x80x128xf32, #tpu.memory_space<vmem>>
            %dma_start3A_240 = tpu.memref_squeeze %dma_start3A_239 : memref<1x80x128xf32, #tpu.memory_space<vmem>> -> memref<80x128xf32, #tpu.memory_space<vmem>>
            %dma_start3A_241 = arith.constant 0 : i32
            %dma_start3A_242 = tpu.memref_slice %arg7[%dma_start3A_235, %add3A_234, %dma_start3A_241] : memref<2x25x80xi32, #tpu.memory_space<vmem>> -> memref<1x1x80xi32, #tpu.memory_space<vmem>>
            %dma_start3A_243 = tpu.memref_squeeze %dma_start3A_242 : memref<1x1x80xi32, #tpu.memory_space<vmem>> -> memref<80xi32, #tpu.memory_space<vmem>>
            %dma_start3A_244 = arith.constant 0 : i32
            %dma_start3A_245 = arith.constant 0 : i32
            %dma_start3A_246 = tpu.memref_slice %arg2[%dma_start3A_244, %dma_start3A_245] : memref<10000x128xf32, #tpu.memory_space<hbm>> -> memref<10000x128xf32, #tpu.memory_space<hbm>>
            tpu.enqueue_indirect_dma source(%dma_start3A_246 : memref<10000x128xf32, #tpu.memory_space<hbm>>) target(%dma_start3A_240 : memref<80x128xf32, #tpu.memory_space<vmem>>) offsets(%dma_start3A_243 : memref<80xi32, #tpu.memory_space<vmem>>) semaphore(%arg13 : memref<!tpu.dma_semaphore, #tpu.memory_space<semaphore_mem>>)
          } else {
          }
          %add3A_222 = arith.constant 3 : i32
          %add3A_223 = arith.addi %scan3A_151, %add3A_222 : i32
          %lt3A_224 = arith.constant 125 : i32
          %lt3A_225 = arith.cmpi slt, %add3A_223, %lt3A_224 : i32
          %add3A_226 = arith.constant 3 : i32
          %add3A_227 = arith.addi %rem3A_153, %add3A_226 : i32
          %ge3A = arith.constant 25 : i32
          %ge3A_228 = arith.cmpi sge, %add3A_227, %ge3A : i32
          %and3A_229 = arith.andi %lt3A_225, %ge3A_228 : i1
          %convert_element_type3A_230 = arith.extui %and3A_229 : i1 to i32
          %cond3A_231 = arith.constant 0 : i32
          %cond3A_232 = arith.cmpi ne, %convert_element_type3A_230, %cond3A_231 : i32
          scf.if %cond3A_232 {
            %add3A_233 = arith.constant 3 : i32
            %add3A_234 = arith.addi %rem3A_153, %add3A_233 : i32
            %eq3A_235 = arith.constant 25 : i32
            %eq3A_236 = arith.cmpi eq, %add3A_234, %eq3A_235 : i32
            %convert_element_type3A_237 = arith.extui %eq3A_236 : i1 to i32
            %cond3A_238 = arith.constant 0 : i32
            %cond3A_239 = arith.cmpi ne, %convert_element_type3A_237, %cond3A_238 : i32
            scf.if %cond3A_239 {
              %add3A_255 = arith.constant 1 : i32
              %add3A_256 = arith.addi %div3A_152, %add3A_255 : i32
              %dma_wait3A_257 = arith.constant 1 : i32
              %dma_wait3A_258 = arith.constant 0 : i32
              %dma_wait3A_259 = arith.constant 0 : i32
              %dma_wait3A_260 = tpu.memref_slice %arg7[%dma_wait3A_257, %dma_wait3A_258, %dma_wait3A_259] : memref<2x25x80xi32, #tpu.memory_space<vmem>> -> memref<1x25x80xi32, #tpu.memory_space<vmem>>
              %dma_wait3A_261 = tpu.memref_squeeze %dma_wait3A_260 : memref<1x25x80xi32, #tpu.memory_space<vmem>> -> memref<25x80xi32, #tpu.memory_space<vmem>>
              %dma_wait3A_262 = arith.constant 0 : i32
              %dma_wait3A_263 = arith.constant 0 : i32
              %dma_wait3A_264 = tpu.memref_slice %arg3[%add3A, %add3A_256, %dma_wait3A_262, %dma_wait3A_263] : memref<32x5x25x80xi32, #tpu.memory_space<hbm>> -> memref<1x1x25x80xi32, #tpu.memory_space<hbm>>
              %dma_wait3A_265 = tpu.memref_squeeze %dma_wait3A_264 : memref<1x1x25x80xi32, #tpu.memory_space<hbm>> -> memref<25x80xi32, #tpu.memory_space<hbm>>
              %dma_wait3A_266 = arith.constant 0 : i32
              %dma_wait3A_267 = arith.constant 0 : i32
              %dma_wait3A_268 = tpu.memref_slice %arg7[%dma_wait3A_257, %dma_wait3A_266, %dma_wait3A_267] : memref<2x25x80xi32, #tpu.memory_space<vmem>> -> memref<1x25x80xi32, #tpu.memory_space<vmem>>
              %dma_wait3A_269 = tpu.memref_squeeze %dma_wait3A_268 : memref<1x25x80xi32, #tpu.memory_space<vmem>> -> memref<25x80xi32, #tpu.memory_space<vmem>>
              %dma_wait3A_270 = arith.constant 0 : i32
              %dma_wait3A_271 = arith.constant 0 : i32
              %dma_wait3A_272 = tpu.memref_slice %arg3[%add3A, %add3A_256, %dma_wait3A_270, %dma_wait3A_271] : memref<32x5x25x80xi32, #tpu.memory_space<hbm>> -> memref<1x1x25x80xi32, #tpu.memory_space<hbm>>
              %dma_wait3A_273 = tpu.memref_squeeze %dma_wait3A_272 : memref<1x1x25x80xi32, #tpu.memory_space<hbm>> -> memref<25x80xi32, #tpu.memory_space<hbm>>
              tpu.wait_dma2 semaphore(%arg12 : memref<!tpu.dma_semaphore, #tpu.memory_space<semaphore_mem>>) src(%dma_wait3A_273 : memref<25x80xi32, #tpu.memory_space<hbm>>) dst(%dma_wait3A_269 : memref<25x80xi32, #tpu.memory_space<vmem>>)
              %add3A_274 = arith.constant 1 : i32
              %add3A_275 = arith.addi %div3A_152, %add3A_274 : i32
              %dma_wait3A_276 = arith.constant 1 : i32
              %dma_wait3A_277 = arith.constant 0 : i32
              %dma_wait3A_278 = arith.constant 0 : i32
              %dma_wait3A_279 = tpu.memref_slice %arg8[%dma_wait3A_276, %dma_wait3A_277, %dma_wait3A_278] : memref<2x25x80xi32, #tpu.memory_space<vmem>> -> memref<1x25x80xi32, #tpu.memory_space<vmem>>
              %dma_wait3A_280 = tpu.memref_squeeze %dma_wait3A_279 : memref<1x25x80xi32, #tpu.memory_space<vmem>> -> memref<25x80xi32, #tpu.memory_space<vmem>>
              %dma_wait3A_281 = arith.constant 0 : i32
              %dma_wait3A_282 = arith.constant 0 : i32
              %dma_wait3A_283 = tpu.memref_slice %arg4[%add3A, %add3A_275, %dma_wait3A_281, %dma_wait3A_282] : memref<32x5x25x80xi32, #tpu.memory_space<hbm>> -> memref<1x1x25x80xi32, #tpu.memory_space<hbm>>
              %dma_wait3A_284 = tpu.memref_squeeze %dma_wait3A_283 : memref<1x1x25x80xi32, #tpu.memory_space<hbm>> -> memref<25x80xi32, #tpu.memory_space<hbm>>
              %dma_wait3A_285 = arith.constant 0 : i32
              %dma_wait3A_286 = arith.constant 0 : i32
              %dma_wait3A_287 = tpu.memref_slice %arg8[%dma_wait3A_276, %dma_wait3A_285, %dma_wait3A_286] : memref<2x25x80xi32, #tpu.memory_space<vmem>> -> memref<1x25x80xi32, #tpu.memory_space<vmem>>
              %dma_wait3A_288 = tpu.memref_squeeze %dma_wait3A_287 : memref<1x25x80xi32, #tpu.memory_space<vmem>> -> memref<25x80xi32, #tpu.memory_space<vmem>>
              %dma_wait3A_289 = arith.constant 0 : i32
              %dma_wait3A_290 = arith.constant 0 : i32
              %dma_wait3A_291 = tpu.memref_slice %arg4[%add3A, %add3A_275, %dma_wait3A_289, %dma_wait3A_290] : memref<32x5x25x80xi32, #tpu.memory_space<hbm>> -> memref<1x1x25x80xi32, #tpu.memory_space<hbm>>
              %dma_wait3A_292 = tpu.memref_squeeze %dma_wait3A_291 : memref<1x1x25x80xi32, #tpu.memory_space<hbm>> -> memref<25x80xi32, #tpu.memory_space<hbm>>
              tpu.wait_dma2 semaphore(%arg12 : memref<!tpu.dma_semaphore, #tpu.memory_space<semaphore_mem>>) src(%dma_wait3A_292 : memref<25x80xi32, #tpu.memory_space<hbm>>) dst(%dma_wait3A_288 : memref<25x80xi32, #tpu.memory_space<vmem>>)
            } else {
            }
            %add3A_240 = arith.constant 3 : i32
            %add3A_241 = arith.addi %rem3A_153, %add3A_240 : i32
            %sub3A = arith.constant 25 : i32
            %sub3A_242 = arith.subi %add3A_241, %sub3A : i32
            %dma_start3A_243 = arith.constant 1 : i32
            %dma_start3A_244 = arith.constant 0 : i32
            %dma_start3A_245 = arith.constant 0 : i32
            %dma_start3A_246 = arith.constant 0 : i32
            %dma_start3A_247 = tpu.memref_slice %arg9[%dma_start3A_244, %dma_start3A_245, %dma_start3A_246] : memref<3x80x128xf32, #tpu.memory_space<vmem>> -> memref<1x80x128xf32, #tpu.memory_space<vmem>>
            %dma_start3A_248 = tpu.memref_squeeze %dma_start3A_247 : memref<1x80x128xf32, #tpu.memory_space<vmem>> -> memref<80x128xf32, #tpu.memory_space<vmem>>
            %dma_start3A_249 = arith.constant 0 : i32
            %dma_start3A_250 = tpu.memref_slice %arg7[%dma_start3A_243, %sub3A_242, %dma_start3A_249] : memref<2x25x80xi32, #tpu.memory_space<vmem>> -> memref<1x1x80xi32, #tpu.memory_space<vmem>>
            %dma_start3A_251 = tpu.memref_squeeze %dma_start3A_250 : memref<1x1x80xi32, #tpu.memory_space<vmem>> -> memref<80xi32, #tpu.memory_space<vmem>>
            %dma_start3A_252 = arith.constant 0 : i32
            %dma_start3A_253 = arith.constant 0 : i32
            %dma_start3A_254 = tpu.memref_slice %arg2[%dma_start3A_252, %dma_start3A_253] : memref<10000x128xf32, #tpu.memory_space<hbm>> -> memref<10000x128xf32, #tpu.memory_space<hbm>>
            tpu.enqueue_indirect_dma source(%dma_start3A_254 : memref<10000x128xf32, #tpu.memory_space<hbm>>) target(%dma_start3A_248 : memref<80x128xf32, #tpu.memory_space<vmem>>) offsets(%dma_start3A_251 : memref<80xi32, #tpu.memory_space<vmem>>) semaphore(%arg13 : memref<!tpu.dma_semaphore, #tpu.memory_space<semaphore_mem>>)
          } else {
          }
        } else {
        }
        %rem3A_183 = arith.constant 3 : i32
        %rem3A_184 = arith.remsi %scan3A_151, %rem3A_183 : i32
        %eq3A_185 = arith.constant 1 : i32
        %eq3A_186 = arith.cmpi eq, %rem3A_184, %eq3A_185 : i32
        %convert_element_type3A_187 = arith.extui %eq3A_186 : i1 to i32
        %cond3A_188 = arith.constant 0 : i32
        %cond3A_189 = arith.cmpi ne, %convert_element_type3A_187, %cond3A_188 : i32
        scf.if %cond3A_189 {
          %dma_wait3A_197 = arith.constant 0 : i32
          %dma_wait3A_198 = arith.constant 1 : i32
          %dma_wait3A_199 = arith.constant 0 : i32
          %dma_wait3A_200 = arith.constant 0 : i32
          %dma_wait3A_201 = tpu.memref_slice %arg9[%dma_wait3A_198, %dma_wait3A_199, %dma_wait3A_200] : memref<3x80x128xf32, #tpu.memory_space<vmem>> -> memref<1x80x128xf32, #tpu.memory_space<vmem>>
          %dma_wait3A_202 = tpu.memref_squeeze %dma_wait3A_201 : memref<1x80x128xf32, #tpu.memory_space<vmem>> -> memref<80x128xf32, #tpu.memory_space<vmem>>
          %dma_wait3A_203 = arith.constant 0 : i32
          %dma_wait3A_204 = tpu.memref_slice %arg7[%dma_wait3A_197, %rem3A_153, %dma_wait3A_203] : memref<2x25x80xi32, #tpu.memory_space<vmem>> -> memref<1x1x80xi32, #tpu.memory_space<vmem>>
          %dma_wait3A_205 = tpu.memref_squeeze %dma_wait3A_204 : memref<1x1x80xi32, #tpu.memory_space<vmem>> -> memref<80xi32, #tpu.memory_space<vmem>>
          %dma_wait3A_206 = arith.constant 0 : i32
          %dma_wait3A_207 = arith.constant 0 : i32
          %dma_wait3A_208 = tpu.memref_slice %arg2[%dma_wait3A_206, %dma_wait3A_207] : memref<10000x128xf32, #tpu.memory_space<hbm>> -> memref<10000x128xf32, #tpu.memory_space<hbm>>
          tpu.wait_indirect_dma semaphore(%arg14 : memref<!tpu.dma_semaphore, #tpu.memory_space<semaphore_mem>>) src(%dma_wait3A_208 : memref<10000x128xf32, #tpu.memory_space<hbm>>) dst(%dma_wait3A_202 : memref<80x128xf32, #tpu.memory_space<vmem>>)
          %run_scoped3A = arith.constant 1 : i32
          %run_scoped3A_209 = arith.constant 0 : i32
          "tpu.region"() ({
            %run_scoped3A_233 = tpu.sem_alloc : memref<!tpu.dma_semaphore, #tpu.memory_space<semaphore_mem>>
            %dma_start3A_234 = arith.constant 0 : i32
            %dma_start3A_235 = arith.constant 0 : i32
            %dma_start3A_236 = tpu.memref_slice %arg9[%run_scoped3A, %dma_start3A_234, %dma_start3A_235] : memref<3x80x128xf32, #tpu.memory_space<vmem>> -> memref<1x80x128xf32, #tpu.memory_space<vmem>>
            %dma_start3A_237 = tpu.memref_squeeze %dma_start3A_236 : memref<1x80x128xf32, #tpu.memory_space<vmem>> -> memref<80x128xf32, #tpu.memory_space<vmem>>
            %dma_start3A_238 = arith.constant 0 : i32
            %dma_start3A_239 = tpu.memref_slice %arg8[%run_scoped3A_209, %rem3A_153, %dma_start3A_238] : memref<2x25x80xi32, #tpu.memory_space<vmem>> -> memref<1x1x80xi32, #tpu.memory_space<vmem>>
            %dma_start3A_240 = tpu.memref_squeeze %dma_start3A_239 : memref<1x1x80xi32, #tpu.memory_space<vmem>> -> memref<80xi32, #tpu.memory_space<vmem>>
            %dma_start3A_241 = arith.constant 0 : i32
            %dma_start3A_242 = arith.constant 0 : i32
            %dma_start3A_243 = tpu.memref_slice %arg6[%dma_start3A_241, %dma_start3A_242] : memref<10000x128xf32, #tpu.memory_space<vmem_shared>> -> memref<10000x128xf32, #tpu.memory_space<vmem_shared>>
            tpu.enqueue_indirect_dma source(%dma_start3A_237 : memref<80x128xf32, #tpu.memory_space<vmem>>) target(%dma_start3A_243 : memref<10000x128xf32, #tpu.memory_space<vmem_shared>>) offsets(%dma_start3A_240 : memref<80xi32, #tpu.memory_space<vmem>>) semaphore(%run_scoped3A_233 : memref<!tpu.dma_semaphore, #tpu.memory_space<semaphore_mem>>) {add = true}
            %dma_wait3A_244 = arith.constant 0 : i32
            %dma_wait3A_245 = arith.constant 0 : i32
            %dma_wait3A_246 = tpu.memref_slice %arg9[%run_scoped3A, %dma_wait3A_244, %dma_wait3A_245] : memref<3x80x128xf32, #tpu.memory_space<vmem>> -> memref<1x80x128xf32, #tpu.memory_space<vmem>>
            %dma_wait3A_247 = tpu.memref_squeeze %dma_wait3A_246 : memref<1x80x128xf32, #tpu.memory_space<vmem>> -> memref<80x128xf32, #tpu.memory_space<vmem>>
            %dma_wait3A_248 = arith.constant 0 : i32
            %dma_wait3A_249 = tpu.memref_slice %arg8[%run_scoped3A_209, %rem3A_153, %dma_wait3A_248] : memref<2x25x80xi32, #tpu.memory_space<vmem>> -> memref<1x1x80xi32, #tpu.memory_space<vmem>>
            %dma_wait3A_250 = tpu.memref_squeeze %dma_wait3A_249 : memref<1x1x80xi32, #tpu.memory_space<vmem>> -> memref<80xi32, #tpu.memory_space<vmem>>
            %dma_wait3A_251 = arith.constant 0 : i32
            %dma_wait3A_252 = arith.constant 0 : i32
            %dma_wait3A_253 = tpu.memref_slice %arg6[%dma_wait3A_251, %dma_wait3A_252] : memref<10000x128xf32, #tpu.memory_space<vmem_shared>> -> memref<10000x128xf32, #tpu.memory_space<vmem_shared>>
            tpu.wait_indirect_dma semaphore(%run_scoped3A_233 : memref<!tpu.dma_semaphore, #tpu.memory_space<semaphore_mem>>) src(%dma_wait3A_247 : memref<80x128xf32, #tpu.memory_space<vmem>>) dst(%dma_wait3A_253 : memref<10000x128xf32, #tpu.memory_space<vmem_shared>>)
            tpu.yield
          }) : () -> ()
          %add3A_210 = arith.constant 3 : i32
          %add3A_211 = arith.addi %scan3A_151, %add3A_210 : i32
          %lt3A_212 = arith.constant 125 : i32
          %lt3A_213 = arith.cmpi slt, %add3A_211, %lt3A_212 : i32
          %add3A_214 = arith.constant 3 : i32
          %add3A_215 = arith.addi %rem3A_153, %add3A_214 : i32
          %lt3A_216 = arith.constant 25 : i32
          %lt3A_217 = arith.cmpi slt, %add3A_215, %lt3A_216 : i32
          %and3A_218 = arith.andi %lt3A_213, %lt3A_217 : i1
          %convert_element_type3A_219 = arith.extui %and3A_218 : i1 to i32
          %cond3A_220 = arith.constant 0 : i32
          %cond3A_221 = arith.cmpi ne, %convert_element_type3A_219, %cond3A_220 : i32
          scf.if %cond3A_221 {
            %add3A_233 = arith.constant 3 : i32
            %add3A_234 = arith.addi %rem3A_153, %add3A_233 : i32
            %dma_start3A_235 = arith.constant 0 : i32
            %dma_start3A_236 = arith.constant 1 : i32
            %dma_start3A_237 = arith.constant 0 : i32
            %dma_start3A_238 = arith.constant 0 : i32
            %dma_start3A_239 = tpu.memref_slice %arg9[%dma_start3A_236, %dma_start3A_237, %dma_start3A_238] : memref<3x80x128xf32, #tpu.memory_space<vmem>> -> memref<1x80x128xf32, #tpu.memory_space<vmem>>
            %dma_start3A_240 = tpu.memref_squeeze %dma_start3A_239 : memref<1x80x128xf32, #tpu.memory_space<vmem>> -> memref<80x128xf32, #tpu.memory_space<vmem>>
            %dma_start3A_241 = arith.constant 0 : i32
            %dma_start3A_242 = tpu.memref_slice %arg7[%dma_start3A_235, %add3A_234, %dma_start3A_241] : memref<2x25x80xi32, #tpu.memory_space<vmem>> -> memref<1x1x80xi32, #tpu.memory_space<vmem>>
            %dma_start3A_243 = tpu.memref_squeeze %dma_start3A_242 : memref<1x1x80xi32, #tpu.memory_space<vmem>> -> memref<80xi32, #tpu.memory_space<vmem>>
            %dma_start3A_244 = arith.constant 0 : i32
            %dma_start3A_245 = arith.constant 0 : i32
            %dma_start3A_246 = tpu.memref_slice %arg2[%dma_start3A_244, %dma_start3A_245] : memref<10000x128xf32, #tpu.memory_space<hbm>> -> memref<10000x128xf32, #tpu.memory_space<hbm>>
            tpu.enqueue_indirect_dma source(%dma_start3A_246 : memref<10000x128xf32, #tpu.memory_space<hbm>>) target(%dma_start3A_240 : memref<80x128xf32, #tpu.memory_space<vmem>>) offsets(%dma_start3A_243 : memref<80xi32, #tpu.memory_space<vmem>>) semaphore(%arg14 : memref<!tpu.dma_semaphore, #tpu.memory_space<semaphore_mem>>)
          } else {
          }
          %add3A_222 = arith.constant 3 : i32
          %add3A_223 = arith.addi %scan3A_151, %add3A_222 : i32
          %lt3A_224 = arith.constant 125 : i32
          %lt3A_225 = arith.cmpi slt, %add3A_223, %lt3A_224 : i32
          %add3A_226 = arith.constant 3 : i32
          %add3A_227 = arith.addi %rem3A_153, %add3A_226 : i32
          %ge3A = arith.constant 25 : i32
          %ge3A_228 = arith.cmpi sge, %add3A_227, %ge3A : i32
          %and3A_229 = arith.andi %lt3A_225, %ge3A_228 : i1
          %convert_element_type3A_230 = arith.extui %and3A_229 : i1 to i32
          %cond3A_231 = arith.constant 0 : i32
          %cond3A_232 = arith.cmpi ne, %convert_element_type3A_230, %cond3A_231 : i32
          scf.if %cond3A_232 {
            %add3A_233 = arith.constant 3 : i32
            %add3A_234 = arith.addi %rem3A_153, %add3A_233 : i32
            %eq3A_235 = arith.constant 25 : i32
            %eq3A_236 = arith.cmpi eq, %add3A_234, %eq3A_235 : i32
            %convert_element_type3A_237 = arith.extui %eq3A_236 : i1 to i32
            %cond3A_238 = arith.constant 0 : i32
            %cond3A_239 = arith.cmpi ne, %convert_element_type3A_237, %cond3A_238 : i32
            scf.if %cond3A_239 {
              %add3A_255 = arith.constant 1 : i32
              %add3A_256 = arith.addi %div3A_152, %add3A_255 : i32
              %dma_wait3A_257 = arith.constant 1 : i32
              %dma_wait3A_258 = arith.constant 0 : i32
              %dma_wait3A_259 = arith.constant 0 : i32
              %dma_wait3A_260 = tpu.memref_slice %arg7[%dma_wait3A_257, %dma_wait3A_258, %dma_wait3A_259] : memref<2x25x80xi32, #tpu.memory_space<vmem>> -> memref<1x25x80xi32, #tpu.memory_space<vmem>>
              %dma_wait3A_261 = tpu.memref_squeeze %dma_wait3A_260 : memref<1x25x80xi32, #tpu.memory_space<vmem>> -> memref<25x80xi32, #tpu.memory_space<vmem>>
              %dma_wait3A_262 = arith.constant 0 : i32
              %dma_wait3A_263 = arith.constant 0 : i32
              %dma_wait3A_264 = tpu.memref_slice %arg3[%add3A, %add3A_256, %dma_wait3A_262, %dma_wait3A_263] : memref<32x5x25x80xi32, #tpu.memory_space<hbm>> -> memref<1x1x25x80xi32, #tpu.memory_space<hbm>>
              %dma_wait3A_265 = tpu.memref_squeeze %dma_wait3A_264 : memref<1x1x25x80xi32, #tpu.memory_space<hbm>> -> memref<25x80xi32, #tpu.memory_space<hbm>>
              %dma_wait3A_266 = arith.constant 0 : i32
              %dma_wait3A_267 = arith.constant 0 : i32
              %dma_wait3A_268 = tpu.memref_slice %arg7[%dma_wait3A_257, %dma_wait3A_266, %dma_wait3A_267] : memref<2x25x80xi32, #tpu.memory_space<vmem>> -> memref<1x25x80xi32, #tpu.memory_space<vmem>>
              %dma_wait3A_269 = tpu.memref_squeeze %dma_wait3A_268 : memref<1x25x80xi32, #tpu.memory_space<vmem>> -> memref<25x80xi32, #tpu.memory_space<vmem>>
              %dma_wait3A_270 = arith.constant 0 : i32
              %dma_wait3A_271 = arith.constant 0 : i32
              %dma_wait3A_272 = tpu.memref_slice %arg3[%add3A, %add3A_256, %dma_wait3A_270, %dma_wait3A_271] : memref<32x5x25x80xi32, #tpu.memory_space<hbm>> -> memref<1x1x25x80xi32, #tpu.memory_space<hbm>>
              %dma_wait3A_273 = tpu.memref_squeeze %dma_wait3A_272 : memref<1x1x25x80xi32, #tpu.memory_space<hbm>> -> memref<25x80xi32, #tpu.memory_space<hbm>>
              tpu.wait_dma2 semaphore(%arg12 : memref<!tpu.dma_semaphore, #tpu.memory_space<semaphore_mem>>) src(%dma_wait3A_273 : memref<25x80xi32, #tpu.memory_space<hbm>>) dst(%dma_wait3A_269 : memref<25x80xi32, #tpu.memory_space<vmem>>)
              %add3A_274 = arith.constant 1 : i32
              %add3A_275 = arith.addi %div3A_152, %add3A_274 : i32
              %dma_wait3A_276 = arith.constant 1 : i32
              %dma_wait3A_277 = arith.constant 0 : i32
              %dma_wait3A_278 = arith.constant 0 : i32
              %dma_wait3A_279 = tpu.memref_slice %arg8[%dma_wait3A_276, %dma_wait3A_277, %dma_wait3A_278] : memref<2x25x80xi32, #tpu.memory_space<vmem>> -> memref<1x25x80xi32, #tpu.memory_space<vmem>>
              %dma_wait3A_280 = tpu.memref_squeeze %dma_wait3A_279 : memref<1x25x80xi32, #tpu.memory_space<vmem>> -> memref<25x80xi32, #tpu.memory_space<vmem>>
              %dma_wait3A_281 = arith.constant 0 : i32
              %dma_wait3A_282 = arith.constant 0 : i32
              %dma_wait3A_283 = tpu.memref_slice %arg4[%add3A, %add3A_275, %dma_wait3A_281, %dma_wait3A_282] : memref<32x5x25x80xi32, #tpu.memory_space<hbm>> -> memref<1x1x25x80xi32, #tpu.memory_space<hbm>>
              %dma_wait3A_284 = tpu.memref_squeeze %dma_wait3A_283 : memref<1x1x25x80xi32, #tpu.memory_space<hbm>> -> memref<25x80xi32, #tpu.memory_space<hbm>>
              %dma_wait3A_285 = arith.constant 0 : i32
              %dma_wait3A_286 = arith.constant 0 : i32
              %dma_wait3A_287 = tpu.memref_slice %arg8[%dma_wait3A_276, %dma_wait3A_285, %dma_wait3A_286] : memref<2x25x80xi32, #tpu.memory_space<vmem>> -> memref<1x25x80xi32, #tpu.memory_space<vmem>>
              %dma_wait3A_288 = tpu.memref_squeeze %dma_wait3A_287 : memref<1x25x80xi32, #tpu.memory_space<vmem>> -> memref<25x80xi32, #tpu.memory_space<vmem>>
              %dma_wait3A_289 = arith.constant 0 : i32
              %dma_wait3A_290 = arith.constant 0 : i32
              %dma_wait3A_291 = tpu.memref_slice %arg4[%add3A, %add3A_275, %dma_wait3A_289, %dma_wait3A_290] : memref<32x5x25x80xi32, #tpu.memory_space<hbm>> -> memref<1x1x25x80xi32, #tpu.memory_space<hbm>>
              %dma_wait3A_292 = tpu.memref_squeeze %dma_wait3A_291 : memref<1x1x25x80xi32, #tpu.memory_space<hbm>> -> memref<25x80xi32, #tpu.memory_space<hbm>>
              tpu.wait_dma2 semaphore(%arg12 : memref<!tpu.dma_semaphore, #tpu.memory_space<semaphore_mem>>) src(%dma_wait3A_292 : memref<25x80xi32, #tpu.memory_space<hbm>>) dst(%dma_wait3A_288 : memref<25x80xi32, #tpu.memory_space<vmem>>)
            } else {
            }
            %add3A_240 = arith.constant 3 : i32
            %add3A_241 = arith.addi %rem3A_153, %add3A_240 : i32
            %sub3A = arith.constant 25 : i32
            %sub3A_242 = arith.subi %add3A_241, %sub3A : i32
            %dma_start3A_243 = arith.constant 1 : i32
            %dma_start3A_244 = arith.constant 1 : i32
            %dma_start3A_245 = arith.constant 0 : i32
            %dma_start3A_246 = arith.constant 0 : i32
            %dma_start3A_247 = tpu.memref_slice %arg9[%dma_start3A_244, %dma_start3A_245, %dma_start3A_246] : memref<3x80x128xf32, #tpu.memory_space<vmem>> -> memref<1x80x128xf32, #tpu.memory_space<vmem>>
            %dma_start3A_248 = tpu.memref_squeeze %dma_start3A_247 : memref<1x80x128xf32, #tpu.memory_space<vmem>> -> memref<80x128xf32, #tpu.memory_space<vmem>>
            %dma_start3A_249 = arith.constant 0 : i32
            %dma_start3A_250 = tpu.memref_slice %arg7[%dma_start3A_243, %sub3A_242, %dma_start3A_249] : memref<2x25x80xi32, #tpu.memory_space<vmem>> -> memref<1x1x80xi32, #tpu.memory_space<vmem>>
            %dma_start3A_251 = tpu.memref_squeeze %dma_start3A_250 : memref<1x1x80xi32, #tpu.memory_space<vmem>> -> memref<80xi32, #tpu.memory_space<vmem>>
            %dma_start3A_252 = arith.constant 0 : i32
            %dma_start3A_253 = arith.constant 0 : i32
            %dma_start3A_254 = tpu.memref_slice %arg2[%dma_start3A_252, %dma_start3A_253] : memref<10000x128xf32, #tpu.memory_space<hbm>> -> memref<10000x128xf32, #tpu.memory_space<hbm>>
            tpu.enqueue_indirect_dma source(%dma_start3A_254 : memref<10000x128xf32, #tpu.memory_space<hbm>>) target(%dma_start3A_248 : memref<80x128xf32, #tpu.memory_space<vmem>>) offsets(%dma_start3A_251 : memref<80xi32, #tpu.memory_space<vmem>>) semaphore(%arg14 : memref<!tpu.dma_semaphore, #tpu.memory_space<semaphore_mem>>)
          } else {
          }
        } else {
        }
        %rem3A_190 = arith.constant 3 : i32
        %rem3A_191 = arith.remsi %scan3A_151, %rem3A_190 : i32
        %eq3A_192 = arith.constant 2 : i32
        %eq3A_193 = arith.cmpi eq, %rem3A_191, %eq3A_192 : i32
        %convert_element_type3A_194 = arith.extui %eq3A_193 : i1 to i32
        %cond3A_195 = arith.constant 0 : i32
        %cond3A_196 = arith.cmpi ne, %convert_element_type3A_194, %cond3A_195 : i32
        scf.if %cond3A_196 {
          %dma_wait3A_197 = arith.constant 0 : i32
          %dma_wait3A_198 = arith.constant 2 : i32
          %dma_wait3A_199 = arith.constant 0 : i32
          %dma_wait3A_200 = arith.constant 0 : i32
          %dma_wait3A_201 = tpu.memref_slice %arg9[%dma_wait3A_198, %dma_wait3A_199, %dma_wait3A_200] : memref<3x80x128xf32, #tpu.memory_space<vmem>> -> memref<1x80x128xf32, #tpu.memory_space<vmem>>
          %dma_wait3A_202 = tpu.memref_squeeze %dma_wait3A_201 : memref<1x80x128xf32, #tpu.memory_space<vmem>> -> memref<80x128xf32, #tpu.memory_space<vmem>>
          %dma_wait3A_203 = arith.constant 0 : i32
          %dma_wait3A_204 = tpu.memref_slice %arg7[%dma_wait3A_197, %rem3A_153, %dma_wait3A_203] : memref<2x25x80xi32, #tpu.memory_space<vmem>> -> memref<1x1x80xi32, #tpu.memory_space<vmem>>
          %dma_wait3A_205 = tpu.memref_squeeze %dma_wait3A_204 : memref<1x1x80xi32, #tpu.memory_space<vmem>> -> memref<80xi32, #tpu.memory_space<vmem>>
          %dma_wait3A_206 = arith.constant 0 : i32
          %dma_wait3A_207 = arith.constant 0 : i32
          %dma_wait3A_208 = tpu.memref_slice %arg2[%dma_wait3A_206, %dma_wait3A_207] : memref<10000x128xf32, #tpu.memory_space<hbm>> -> memref<10000x128xf32, #tpu.memory_space<hbm>>
          tpu.wait_indirect_dma semaphore(%arg15 : memref<!tpu.dma_semaphore, #tpu.memory_space<semaphore_mem>>) src(%dma_wait3A_208 : memref<10000x128xf32, #tpu.memory_space<hbm>>) dst(%dma_wait3A_202 : memref<80x128xf32, #tpu.memory_space<vmem>>)
          %run_scoped3A = arith.constant 2 : i32
          %run_scoped3A_209 = arith.constant 0 : i32
          "tpu.region"() ({
            %run_scoped3A_233 = tpu.sem_alloc : memref<!tpu.dma_semaphore, #tpu.memory_space<semaphore_mem>>
            %dma_start3A_234 = arith.constant 0 : i32
            %dma_start3A_235 = arith.constant 0 : i32
            %dma_start3A_236 = tpu.memref_slice %arg9[%run_scoped3A, %dma_start3A_234, %dma_start3A_235] : memref<3x80x128xf32, #tpu.memory_space<vmem>> -> memref<1x80x128xf32, #tpu.memory_space<vmem>>
            %dma_start3A_237 = tpu.memref_squeeze %dma_start3A_236 : memref<1x80x128xf32, #tpu.memory_space<vmem>> -> memref<80x128xf32, #tpu.memory_space<vmem>>
            %dma_start3A_238 = arith.constant 0 : i32
            %dma_start3A_239 = tpu.memref_slice %arg8[%run_scoped3A_209, %rem3A_153, %dma_start3A_238] : memref<2x25x80xi32, #tpu.memory_space<vmem>> -> memref<1x1x80xi32, #tpu.memory_space<vmem>>
            %dma_start3A_240 = tpu.memref_squeeze %dma_start3A_239 : memref<1x1x80xi32, #tpu.memory_space<vmem>> -> memref<80xi32, #tpu.memory_space<vmem>>
            %dma_start3A_241 = arith.constant 0 : i32
            %dma_start3A_242 = arith.constant 0 : i32
            %dma_start3A_243 = tpu.memref_slice %arg6[%dma_start3A_241, %dma_start3A_242] : memref<10000x128xf32, #tpu.memory_space<vmem_shared>> -> memref<10000x128xf32, #tpu.memory_space<vmem_shared>>
            tpu.enqueue_indirect_dma source(%dma_start3A_237 : memref<80x128xf32, #tpu.memory_space<vmem>>) target(%dma_start3A_243 : memref<10000x128xf32, #tpu.memory_space<vmem_shared>>) offsets(%dma_start3A_240 : memref<80xi32, #tpu.memory_space<vmem>>) semaphore(%run_scoped3A_233 : memref<!tpu.dma_semaphore, #tpu.memory_space<semaphore_mem>>) {add = true}
            %dma_wait3A_244 = arith.constant 0 : i32
            %dma_wait3A_245 = arith.constant 0 : i32
            %dma_wait3A_246 = tpu.memref_slice %arg9[%run_scoped3A, %dma_wait3A_244, %dma_wait3A_245] : memref<3x80x128xf32, #tpu.memory_space<vmem>> -> memref<1x80x128xf32, #tpu.memory_space<vmem>>
            %dma_wait3A_247 = tpu.memref_squeeze %dma_wait3A_246 : memref<1x80x128xf32, #tpu.memory_space<vmem>> -> memref<80x128xf32, #tpu.memory_space<vmem>>
            %dma_wait3A_248 = arith.constant 0 : i32
            %dma_wait3A_249 = tpu.memref_slice %arg8[%run_scoped3A_209, %rem3A_153, %dma_wait3A_248] : memref<2x25x80xi32, #tpu.memory_space<vmem>> -> memref<1x1x80xi32, #tpu.memory_space<vmem>>
            %dma_wait3A_250 = tpu.memref_squeeze %dma_wait3A_249 : memref<1x1x80xi32, #tpu.memory_space<vmem>> -> memref<80xi32, #tpu.memory_space<vmem>>
            %dma_wait3A_251 = arith.constant 0 : i32
            %dma_wait3A_252 = arith.constant 0 : i32
            %dma_wait3A_253 = tpu.memref_slice %arg6[%dma_wait3A_251, %dma_wait3A_252] : memref<10000x128xf32, #tpu.memory_space<vmem_shared>> -> memref<10000x128xf32, #tpu.memory_space<vmem_shared>>
            tpu.wait_indirect_dma semaphore(%run_scoped3A_233 : memref<!tpu.dma_semaphore, #tpu.memory_space<semaphore_mem>>) src(%dma_wait3A_247 : memref<80x128xf32, #tpu.memory_space<vmem>>) dst(%dma_wait3A_253 : memref<10000x128xf32, #tpu.memory_space<vmem_shared>>)
            tpu.yield
          }) : () -> ()
          %add3A_210 = arith.constant 3 : i32
          %add3A_211 = arith.addi %scan3A_151, %add3A_210 : i32
          %lt3A_212 = arith.constant 125 : i32
          %lt3A_213 = arith.cmpi slt, %add3A_211, %lt3A_212 : i32
          %add3A_214 = arith.constant 3 : i32
          %add3A_215 = arith.addi %rem3A_153, %add3A_214 : i32
          %lt3A_216 = arith.constant 25 : i32
          %lt3A_217 = arith.cmpi slt, %add3A_215, %lt3A_216 : i32
          %and3A_218 = arith.andi %lt3A_213, %lt3A_217 : i1
          %convert_element_type3A_219 = arith.extui %and3A_218 : i1 to i32
          %cond3A_220 = arith.constant 0 : i32
          %cond3A_221 = arith.cmpi ne, %convert_element_type3A_219, %cond3A_220 : i32
          scf.if %cond3A_221 {
            %add3A_233 = arith.constant 3 : i32
            %add3A_234 = arith.addi %rem3A_153, %add3A_233 : i32
            %dma_start3A_235 = arith.constant 0 : i32
            %dma_start3A_236 = arith.constant 2 : i32
            %dma_start3A_237 = arith.constant 0 : i32
            %dma_start3A_238 = arith.constant 0 : i32
            %dma_start3A_239 = tpu.memref_slice %arg9[%dma_start3A_236, %dma_start3A_237, %dma_start3A_238] : memref<3x80x128xf32, #tpu.memory_space<vmem>> -> memref<1x80x128xf32, #tpu.memory_space<vmem>>
            %dma_start3A_240 = tpu.memref_squeeze %dma_start3A_239 : memref<1x80x128xf32, #tpu.memory_space<vmem>> -> memref<80x128xf32, #tpu.memory_space<vmem>>
            %dma_start3A_241 = arith.constant 0 : i32
            %dma_start3A_242 = tpu.memref_slice %arg7[%dma_start3A_235, %add3A_234, %dma_start3A_241] : memref<2x25x80xi32, #tpu.memory_space<vmem>> -> memref<1x1x80xi32, #tpu.memory_space<vmem>>
            %dma_start3A_243 = tpu.memref_squeeze %dma_start3A_242 : memref<1x1x80xi32, #tpu.memory_space<vmem>> -> memref<80xi32, #tpu.memory_space<vmem>>
            %dma_start3A_244 = arith.constant 0 : i32
            %dma_start3A_245 = arith.constant 0 : i32
            %dma_start3A_246 = tpu.memref_slice %arg2[%dma_start3A_244, %dma_start3A_245] : memref<10000x128xf32, #tpu.memory_space<hbm>> -> memref<10000x128xf32, #tpu.memory_space<hbm>>
            tpu.enqueue_indirect_dma source(%dma_start3A_246 : memref<10000x128xf32, #tpu.memory_space<hbm>>) target(%dma_start3A_240 : memref<80x128xf32, #tpu.memory_space<vmem>>) offsets(%dma_start3A_243 : memref<80xi32, #tpu.memory_space<vmem>>) semaphore(%arg15 : memref<!tpu.dma_semaphore, #tpu.memory_space<semaphore_mem>>)
          } else {
          }
          %add3A_222 = arith.constant 3 : i32
          %add3A_223 = arith.addi %scan3A_151, %add3A_222 : i32
          %lt3A_224 = arith.constant 125 : i32
          %lt3A_225 = arith.cmpi slt, %add3A_223, %lt3A_224 : i32
          %add3A_226 = arith.constant 3 : i32
          %add3A_227 = arith.addi %rem3A_153, %add3A_226 : i32
          %ge3A = arith.constant 25 : i32
          %ge3A_228 = arith.cmpi sge, %add3A_227, %ge3A : i32
          %and3A_229 = arith.andi %lt3A_225, %ge3A_228 : i1
          %convert_element_type3A_230 = arith.extui %and3A_229 : i1 to i32
          %cond3A_231 = arith.constant 0 : i32
          %cond3A_232 = arith.cmpi ne, %convert_element_type3A_230, %cond3A_231 : i32
          scf.if %cond3A_232 {
            %add3A_233 = arith.constant 3 : i32
            %add3A_234 = arith.addi %rem3A_153, %add3A_233 : i32
            %eq3A_235 = arith.constant 25 : i32
            %eq3A_236 = arith.cmpi eq, %add3A_234, %eq3A_235 : i32
            %convert_element_type3A_237 = arith.extui %eq3A_236 : i1 to i32
            %cond3A_238 = arith.constant 0 : i32
            %cond3A_239 = arith.cmpi ne, %convert_element_type3A_237, %cond3A_238 : i32
            scf.if %cond3A_239 {
              %add3A_255 = arith.constant 1 : i32
              %add3A_256 = arith.addi %div3A_152, %add3A_255 : i32
              %dma_wait3A_257 = arith.constant 1 : i32
              %dma_wait3A_258 = arith.constant 0 : i32
              %dma_wait3A_259 = arith.constant 0 : i32
              %dma_wait3A_260 = tpu.memref_slice %arg7[%dma_wait3A_257, %dma_wait3A_258, %dma_wait3A_259] : memref<2x25x80xi32, #tpu.memory_space<vmem>> -> memref<1x25x80xi32, #tpu.memory_space<vmem>>
              %dma_wait3A_261 = tpu.memref_squeeze %dma_wait3A_260 : memref<1x25x80xi32, #tpu.memory_space<vmem>> -> memref<25x80xi32, #tpu.memory_space<vmem>>
              %dma_wait3A_262 = arith.constant 0 : i32
              %dma_wait3A_263 = arith.constant 0 : i32
              %dma_wait3A_264 = tpu.memref_slice %arg3[%add3A, %add3A_256, %dma_wait3A_262, %dma_wait3A_263] : memref<32x5x25x80xi32, #tpu.memory_space<hbm>> -> memref<1x1x25x80xi32, #tpu.memory_space<hbm>>
              %dma_wait3A_265 = tpu.memref_squeeze %dma_wait3A_264 : memref<1x1x25x80xi32, #tpu.memory_space<hbm>> -> memref<25x80xi32, #tpu.memory_space<hbm>>
              %dma_wait3A_266 = arith.constant 0 : i32
              %dma_wait3A_267 = arith.constant 0 : i32
              %dma_wait3A_268 = tpu.memref_slice %arg7[%dma_wait3A_257, %dma_wait3A_266, %dma_wait3A_267] : memref<2x25x80xi32, #tpu.memory_space<vmem>> -> memref<1x25x80xi32, #tpu.memory_space<vmem>>
              %dma_wait3A_269 = tpu.memref_squeeze %dma_wait3A_268 : memref<1x25x80xi32, #tpu.memory_space<vmem>> -> memref<25x80xi32, #tpu.memory_space<vmem>>
              %dma_wait3A_270 = arith.constant 0 : i32
              %dma_wait3A_271 = arith.constant 0 : i32
              %dma_wait3A_272 = tpu.memref_slice %arg3[%add3A, %add3A_256, %dma_wait3A_270, %dma_wait3A_271] : memref<32x5x25x80xi32, #tpu.memory_space<hbm>> -> memref<1x1x25x80xi32, #tpu.memory_space<hbm>>
              %dma_wait3A_273 = tpu.memref_squeeze %dma_wait3A_272 : memref<1x1x25x80xi32, #tpu.memory_space<hbm>> -> memref<25x80xi32, #tpu.memory_space<hbm>>
              tpu.wait_dma2 semaphore(%arg12 : memref<!tpu.dma_semaphore, #tpu.memory_space<semaphore_mem>>) src(%dma_wait3A_273 : memref<25x80xi32, #tpu.memory_space<hbm>>) dst(%dma_wait3A_269 : memref<25x80xi32, #tpu.memory_space<vmem>>)
              %add3A_274 = arith.constant 1 : i32
              %add3A_275 = arith.addi %div3A_152, %add3A_274 : i32
              %dma_wait3A_276 = arith.constant 1 : i32
              %dma_wait3A_277 = arith.constant 0 : i32
              %dma_wait3A_278 = arith.constant 0 : i32
              %dma_wait3A_279 = tpu.memref_slice %arg8[%dma_wait3A_276, %dma_wait3A_277, %dma_wait3A_278] : memref<2x25x80xi32, #tpu.memory_space<vmem>> -> memref<1x25x80xi32, #tpu.memory_space<vmem>>
              %dma_wait3A_280 = tpu.memref_squeeze %dma_wait3A_279 : memref<1x25x80xi32, #tpu.memory_space<vmem>> -> memref<25x80xi32, #tpu.memory_space<vmem>>
              %dma_wait3A_281 = arith.constant 0 : i32
              %dma_wait3A_282 = arith.constant 0 : i32
              %dma_wait3A_283 = tpu.memref_slice %arg4[%add3A, %add3A_275, %dma_wait3A_281, %dma_wait3A_282] : memref<32x5x25x80xi32, #tpu.memory_space<hbm>> -> memref<1x1x25x80xi32, #tpu.memory_space<hbm>>
              %dma_wait3A_284 = tpu.memref_squeeze %dma_wait3A_283 : memref<1x1x25x80xi32, #tpu.memory_space<hbm>> -> memref<25x80xi32, #tpu.memory_space<hbm>>
              %dma_wait3A_285 = arith.constant 0 : i32
              %dma_wait3A_286 = arith.constant 0 : i32
              %dma_wait3A_287 = tpu.memref_slice %arg8[%dma_wait3A_276, %dma_wait3A_285, %dma_wait3A_286] : memref<2x25x80xi32, #tpu.memory_space<vmem>> -> memref<1x25x80xi32, #tpu.memory_space<vmem>>
              %dma_wait3A_288 = tpu.memref_squeeze %dma_wait3A_287 : memref<1x25x80xi32, #tpu.memory_space<vmem>> -> memref<25x80xi32, #tpu.memory_space<vmem>>
              %dma_wait3A_289 = arith.constant 0 : i32
              %dma_wait3A_290 = arith.constant 0 : i32
              %dma_wait3A_291 = tpu.memref_slice %arg4[%add3A, %add3A_275, %dma_wait3A_289, %dma_wait3A_290] : memref<32x5x25x80xi32, #tpu.memory_space<hbm>> -> memref<1x1x25x80xi32, #tpu.memory_space<hbm>>
              %dma_wait3A_292 = tpu.memref_squeeze %dma_wait3A_291 : memref<1x1x25x80xi32, #tpu.memory_space<hbm>> -> memref<25x80xi32, #tpu.memory_space<hbm>>
              tpu.wait_dma2 semaphore(%arg12 : memref<!tpu.dma_semaphore, #tpu.memory_space<semaphore_mem>>) src(%dma_wait3A_292 : memref<25x80xi32, #tpu.memory_space<hbm>>) dst(%dma_wait3A_288 : memref<25x80xi32, #tpu.memory_space<vmem>>)
            } else {
            }
            %add3A_240 = arith.constant 3 : i32
            %add3A_241 = arith.addi %rem3A_153, %add3A_240 : i32
            %sub3A = arith.constant 25 : i32
            %sub3A_242 = arith.subi %add3A_241, %sub3A : i32
            %dma_start3A_243 = arith.constant 1 : i32
            %dma_start3A_244 = arith.constant 2 : i32
            %dma_start3A_245 = arith.constant 0 : i32
            %dma_start3A_246 = arith.constant 0 : i32
            %dma_start3A_247 = tpu.memref_slice %arg9[%dma_start3A_244, %dma_start3A_245, %dma_start3A_246] : memref<3x80x128xf32, #tpu.memory_space<vmem>> -> memref<1x80x128xf32, #tpu.memory_space<vmem>>
            %dma_start3A_248 = tpu.memref_squeeze %dma_start3A_247 : memref<1x80x128xf32, #tpu.memory_space<vmem>> -> memref<80x128xf32, #tpu.memory_space<vmem>>
            %dma_start3A_249 = arith.constant 0 : i32
            %dma_start3A_250 = tpu.memref_slice %arg7[%dma_start3A_243, %sub3A_242, %dma_start3A_249] : memref<2x25x80xi32, #tpu.memory_space<vmem>> -> memref<1x1x80xi32, #tpu.memory_space<vmem>>
            %dma_start3A_251 = tpu.memref_squeeze %dma_start3A_250 : memref<1x1x80xi32, #tpu.memory_space<vmem>> -> memref<80xi32, #tpu.memory_space<vmem>>
            %dma_start3A_252 = arith.constant 0 : i32
            %dma_start3A_253 = arith.constant 0 : i32
            %dma_start3A_254 = tpu.memref_slice %arg2[%dma_start3A_252, %dma_start3A_253] : memref<10000x128xf32, #tpu.memory_space<hbm>> -> memref<10000x128xf32, #tpu.memory_space<hbm>>
            tpu.enqueue_indirect_dma source(%dma_start3A_254 : memref<10000x128xf32, #tpu.memory_space<hbm>>) target(%dma_start3A_248 : memref<80x128xf32, #tpu.memory_space<vmem>>) offsets(%dma_start3A_251 : memref<80xi32, #tpu.memory_space<vmem>>) semaphore(%arg15 : memref<!tpu.dma_semaphore, #tpu.memory_space<semaphore_mem>>)
          } else {
          }
        } else {
        }
      } else {
      }
      %rem3A_161 = arith.constant 2 : i32
      %rem3A_162 = arith.remsi %div3A_152, %rem3A_161 : i32
      %eq3A_163 = arith.constant 1 : i32
      %eq3A_164 = arith.cmpi eq, %rem3A_162, %eq3A_163 : i32
      %convert_element_type3A_165 = arith.extui %eq3A_164 : i1 to i32
      %cond3A_166 = arith.constant 0 : i32
      %cond3A_167 = arith.cmpi ne, %convert_element_type3A_165, %cond3A_166 : i32
      scf.if %cond3A_167 {
        %eq3A_168 = arith.constant 0 : i32
        %eq3A_169 = arith.cmpi eq, %rem3A_153, %eq3A_168 : i32
        %add3A_170 = arith.constant 1 : i32
        %add3A_171 = arith.addi %div3A_152, %add3A_170 : i32
        %lt3A = arith.constant 5 : i32
        %lt3A_172 = arith.cmpi slt, %add3A_171, %lt3A : i32
        %and3A = arith.andi %eq3A_169, %lt3A_172 : i1
        %convert_element_type3A_173 = arith.extui %and3A : i1 to i32
        %cond3A_174 = arith.constant 0 : i32
        %cond3A_175 = arith.cmpi ne, %convert_element_type3A_173, %cond3A_174 : i32
        scf.if %cond3A_175 {
          %add3A_197 = arith.constant 1 : i32
          %add3A_198 = arith.addi %div3A_152, %add3A_197 : i32
          %dma_start3A_199 = arith.constant 0 : i32
          %dma_start3A_200 = arith.constant 0 : i32
          %dma_start3A_201 = arith.constant 0 : i32
          %dma_start3A_202 = tpu.memref_slice %arg7[%dma_start3A_199, %dma_start3A_200, %dma_start3A_201] : memref<2x25x80xi32, #tpu.memory_space<vmem>> -> memref<1x25x80xi32, #tpu.memory_space<vmem>>
          %dma_start3A_203 = tpu.memref_squeeze %dma_start3A_202 : memref<1x25x80xi32, #tpu.memory_space<vmem>> -> memref<25x80xi32, #tpu.memory_space<vmem>>
          %dma_start3A_204 = arith.constant 0 : i32
          %dma_start3A_205 = arith.constant 0 : i32
          %dma_start3A_206 = tpu.memref_slice %arg3[%add3A, %add3A_198, %dma_start3A_204, %dma_start3A_205] : memref<32x5x25x80xi32, #tpu.memory_space<hbm>> -> memref<1x1x25x80xi32, #tpu.memory_space<hbm>>
          %dma_start3A_207 = tpu.memref_squeeze %dma_start3A_206 : memref<1x1x25x80xi32, #tpu.memory_space<hbm>> -> memref<25x80xi32, #tpu.memory_space<hbm>>
          %dma_start3A_208 = arith.constant 0 : i32
          %dma_start3A_209 = arith.constant 0 : i32
          %dma_start3A_210 = tpu.memref_slice %arg7[%dma_start3A_199, %dma_start3A_208, %dma_start3A_209] : memref<2x25x80xi32, #tpu.memory_space<vmem>> -> memref<1x25x80xi32, #tpu.memory_space<vmem>>
          %dma_start3A_211 = tpu.memref_squeeze %dma_start3A_210 : memref<1x25x80xi32, #tpu.memory_space<vmem>> -> memref<25x80xi32, #tpu.memory_space<vmem>>
          %dma_start3A_212 = arith.constant 0 : i32
          %dma_start3A_213 = arith.constant 0 : i32
          %dma_start3A_214 = tpu.memref_slice %arg3[%add3A, %add3A_198, %dma_start3A_212, %dma_start3A_213] : memref<32x5x25x80xi32, #tpu.memory_space<hbm>> -> memref<1x1x25x80xi32, #tpu.memory_space<hbm>>
          %dma_start3A_215 = tpu.memref_squeeze %dma_start3A_214 : memref<1x1x25x80xi32, #tpu.memory_space<hbm>> -> memref<25x80xi32, #tpu.memory_space<hbm>>
          tpu.enqueue_dma source(%dma_start3A_215 : memref<25x80xi32, #tpu.memory_space<hbm>>) target(%dma_start3A_211 : memref<25x80xi32, #tpu.memory_space<vmem>>) target_semaphore(%arg11 : memref<!tpu.dma_semaphore, #tpu.memory_space<semaphore_mem>>)
          %add3A_216 = arith.constant 1 : i32
          %add3A_217 = arith.addi %div3A_152, %add3A_216 : i32
          %dma_start3A_218 = arith.constant 0 : i32
          %dma_start3A_219 = arith.constant 0 : i32
          %dma_start3A_220 = arith.constant 0 : i32
          %dma_start3A_221 = tpu.memref_slice %arg8[%dma_start3A_218, %dma_start3A_219, %dma_start3A_220] : memref<2x25x80xi32, #tpu.memory_space<vmem>> -> memref<1x25x80xi32, #tpu.memory_space<vmem>>
          %dma_start3A_222 = tpu.memref_squeeze %dma_start3A_221 : memref<1x25x80xi32, #tpu.memory_space<vmem>> -> memref<25x80xi32, #tpu.memory_space<vmem>>
          %dma_start3A_223 = arith.constant 0 : i32
          %dma_start3A_224 = arith.constant 0 : i32
          %dma_start3A_225 = tpu.memref_slice %arg4[%add3A, %add3A_217, %dma_start3A_223, %dma_start3A_224] : memref<32x5x25x80xi32, #tpu.memory_space<hbm>> -> memref<1x1x25x80xi32, #tpu.memory_space<hbm>>
          %dma_start3A_226 = tpu.memref_squeeze %dma_start3A_225 : memref<1x1x25x80xi32, #tpu.memory_space<hbm>> -> memref<25x80xi32, #tpu.memory_space<hbm>>
          %dma_start3A_227 = arith.constant 0 : i32
          %dma_start3A_228 = arith.constant 0 : i32
          %dma_start3A_229 = tpu.memref_slice %arg8[%dma_start3A_218, %dma_start3A_227, %dma_start3A_228] : memref<2x25x80xi32, #tpu.memory_space<vmem>> -> memref<1x25x80xi32, #tpu.memory_space<vmem>>
          %dma_start3A_230 = tpu.memref_squeeze %dma_start3A_229 : memref<1x25x80xi32, #tpu.memory_space<vmem>> -> memref<25x80xi32, #tpu.memory_space<vmem>>
          %dma_start3A_231 = arith.constant 0 : i32
          %dma_start3A_232 = arith.constant 0 : i32
          %dma_start3A_233 = tpu.memref_slice %arg4[%add3A, %add3A_217, %dma_start3A_231, %dma_start3A_232] : memref<32x5x25x80xi32, #tpu.memory_space<hbm>> -> memref<1x1x25x80xi32, #tpu.memory_space<hbm>>
          %dma_start3A_234 = tpu.memref_squeeze %dma_start3A_233 : memref<1x1x25x80xi32, #tpu.memory_space<hbm>> -> memref<25x80xi32, #tpu.memory_space<hbm>>
          tpu.enqueue_dma source(%dma_start3A_234 : memref<25x80xi32, #tpu.memory_space<hbm>>) target(%dma_start3A_230 : memref<25x80xi32, #tpu.memory_space<vmem>>) target_semaphore(%arg11 : memref<!tpu.dma_semaphore, #tpu.memory_space<semaphore_mem>>)
        } else {
        }
        %rem3A_176 = arith.constant 3 : i32
        %rem3A_177 = arith.remsi %scan3A_151, %rem3A_176 : i32
        %eq3A_178 = arith.constant 0 : i32
        %eq3A_179 = arith.cmpi eq, %rem3A_177, %eq3A_178 : i32
        %convert_element_type3A_180 = arith.extui %eq3A_179 : i1 to i32
        %cond3A_181 = arith.constant 0 : i32
        %cond3A_182 = arith.cmpi ne, %convert_element_type3A_180, %cond3A_181 : i32
        scf.if %cond3A_182 {
          %dma_wait3A_197 = arith.constant 1 : i32
          %dma_wait3A_198 = arith.constant 0 : i32
          %dma_wait3A_199 = arith.constant 0 : i32
          %dma_wait3A_200 = arith.constant 0 : i32
          %dma_wait3A_201 = tpu.memref_slice %arg9[%dma_wait3A_198, %dma_wait3A_199, %dma_wait3A_200] : memref<3x80x128xf32, #tpu.memory_space<vmem>> -> memref<1x80x128xf32, #tpu.memory_space<vmem>>
          %dma_wait3A_202 = tpu.memref_squeeze %dma_wait3A_201 : memref<1x80x128xf32, #tpu.memory_space<vmem>> -> memref<80x128xf32, #tpu.memory_space<vmem>>
          %dma_wait3A_203 = arith.constant 0 : i32
          %dma_wait3A_204 = tpu.memref_slice %arg7[%dma_wait3A_197, %rem3A_153, %dma_wait3A_203] : memref<2x25x80xi32, #tpu.memory_space<vmem>> -> memref<1x1x80xi32, #tpu.memory_space<vmem>>
          %dma_wait3A_205 = tpu.memref_squeeze %dma_wait3A_204 : memref<1x1x80xi32, #tpu.memory_space<vmem>> -> memref<80xi32, #tpu.memory_space<vmem>>
          %dma_wait3A_206 = arith.constant 0 : i32
          %dma_wait3A_207 = arith.constant 0 : i32
          %dma_wait3A_208 = tpu.memref_slice %arg2[%dma_wait3A_206, %dma_wait3A_207] : memref<10000x128xf32, #tpu.memory_space<hbm>> -> memref<10000x128xf32, #tpu.memory_space<hbm>>
          tpu.wait_indirect_dma semaphore(%arg13 : memref<!tpu.dma_semaphore, #tpu.memory_space<semaphore_mem>>) src(%dma_wait3A_208 : memref<10000x128xf32, #tpu.memory_space<hbm>>) dst(%dma_wait3A_202 : memref<80x128xf32, #tpu.memory_space<vmem>>)
          %run_scoped3A = arith.constant 0 : i32
          %run_scoped3A_209 = arith.constant 1 : i32
          "tpu.region"() ({
            %run_scoped3A_233 = tpu.sem_alloc : memref<!tpu.dma_semaphore, #tpu.memory_space<semaphore_mem>>
            %dma_start3A_234 = arith.constant 0 : i32
            %dma_start3A_235 = arith.constant 0 : i32
            %dma_start3A_236 = tpu.memref_slice %arg9[%run_scoped3A, %dma_start3A_234, %dma_start3A_235] : memref<3x80x128xf32, #tpu.memory_space<vmem>> -> memref<1x80x128xf32, #tpu.memory_space<vmem>>
            %dma_start3A_237 = tpu.memref_squeeze %dma_start3A_236 : memref<1x80x128xf32, #tpu.memory_space<vmem>> -> memref<80x128xf32, #tpu.memory_space<vmem>>
            %dma_start3A_238 = arith.constant 0 : i32
            %dma_start3A_239 = tpu.memref_slice %arg8[%run_scoped3A_209, %rem3A_153, %dma_start3A_238] : memref<2x25x80xi32, #tpu.memory_space<vmem>> -> memref<1x1x80xi32, #tpu.memory_space<vmem>>
            %dma_start3A_240 = tpu.memref_squeeze %dma_start3A_239 : memref<1x1x80xi32, #tpu.memory_space<vmem>> -> memref<80xi32, #tpu.memory_space<vmem>>
            %dma_start3A_241 = arith.constant 0 : i32
            %dma_start3A_242 = arith.constant 0 : i32
            %dma_start3A_243 = tpu.memref_slice %arg6[%dma_start3A_241, %dma_start3A_242] : memref<10000x128xf32, #tpu.memory_space<vmem_shared>> -> memref<10000x128xf32, #tpu.memory_space<vmem_shared>>
            tpu.enqueue_indirect_dma source(%dma_start3A_237 : memref<80x128xf32, #tpu.memory_space<vmem>>) target(%dma_start3A_243 : memref<10000x128xf32, #tpu.memory_space<vmem_shared>>) offsets(%dma_start3A_240 : memref<80xi32, #tpu.memory_space<vmem>>) semaphore(%run_scoped3A_233 : memref<!tpu.dma_semaphore, #tpu.memory_space<semaphore_mem>>) {add = true}
            %dma_wait3A_244 = arith.constant 0 : i32
            %dma_wait3A_245 = arith.constant 0 : i32
            %dma_wait3A_246 = tpu.memref_slice %arg9[%run_scoped3A, %dma_wait3A_244, %dma_wait3A_245] : memref<3x80x128xf32, #tpu.memory_space<vmem>> -> memref<1x80x128xf32, #tpu.memory_space<vmem>>
            %dma_wait3A_247 = tpu.memref_squeeze %dma_wait3A_246 : memref<1x80x128xf32, #tpu.memory_space<vmem>> -> memref<80x128xf32, #tpu.memory_space<vmem>>
            %dma_wait3A_248 = arith.constant 0 : i32
            %dma_wait3A_249 = tpu.memref_slice %arg8[%run_scoped3A_209, %rem3A_153, %dma_wait3A_248] : memref<2x25x80xi32, #tpu.memory_space<vmem>> -> memref<1x1x80xi32, #tpu.memory_space<vmem>>
            %dma_wait3A_250 = tpu.memref_squeeze %dma_wait3A_249 : memref<1x1x80xi32, #tpu.memory_space<vmem>> -> memref<80xi32, #tpu.memory_space<vmem>>
            %dma_wait3A_251 = arith.constant 0 : i32
            %dma_wait3A_252 = arith.constant 0 : i32
            %dma_wait3A_253 = tpu.memref_slice %arg6[%dma_wait3A_251, %dma_wait3A_252] : memref<10000x128xf32, #tpu.memory_space<vmem_shared>> -> memref<10000x128xf32, #tpu.memory_space<vmem_shared>>
            tpu.wait_indirect_dma semaphore(%run_scoped3A_233 : memref<!tpu.dma_semaphore, #tpu.memory_space<semaphore_mem>>) src(%dma_wait3A_247 : memref<80x128xf32, #tpu.memory_space<vmem>>) dst(%dma_wait3A_253 : memref<10000x128xf32, #tpu.memory_space<vmem_shared>>)
            tpu.yield
          }) : () -> ()
          %add3A_210 = arith.constant 3 : i32
          %add3A_211 = arith.addi %scan3A_151, %add3A_210 : i32
          %lt3A_212 = arith.constant 125 : i32
          %lt3A_213 = arith.cmpi slt, %add3A_211, %lt3A_212 : i32
          %add3A_214 = arith.constant 3 : i32
          %add3A_215 = arith.addi %rem3A_153, %add3A_214 : i32
          %lt3A_216 = arith.constant 25 : i32
          %lt3A_217 = arith.cmpi slt, %add3A_215, %lt3A_216 : i32
          %and3A_218 = arith.andi %lt3A_213, %lt3A_217 : i1
          %convert_element_type3A_219 = arith.extui %and3A_218 : i1 to i32
          %cond3A_220 = arith.constant 0 : i32
          %cond3A_221 = arith.cmpi ne, %convert_element_type3A_219, %cond3A_220 : i32
          scf.if %cond3A_221 {
            %add3A_233 = arith.constant 3 : i32
            %add3A_234 = arith.addi %rem3A_153, %add3A_233 : i32
            %dma_start3A_235 = arith.constant 1 : i32
            %dma_start3A_236 = arith.constant 0 : i32
            %dma_start3A_237 = arith.constant 0 : i32
            %dma_start3A_238 = arith.constant 0 : i32
            %dma_start3A_239 = tpu.memref_slice %arg9[%dma_start3A_236, %dma_start3A_237, %dma_start3A_238] : memref<3x80x128xf32, #tpu.memory_space<vmem>> -> memref<1x80x128xf32, #tpu.memory_space<vmem>>
            %dma_start3A_240 = tpu.memref_squeeze %dma_start3A_239 : memref<1x80x128xf32, #tpu.memory_space<vmem>> -> memref<80x128xf32, #tpu.memory_space<vmem>>
            %dma_start3A_241 = arith.constant 0 : i32
            %dma_start3A_242 = tpu.memref_slice %arg7[%dma_start3A_235, %add3A_234, %dma_start3A_241] : memref<2x25x80xi32, #tpu.memory_space<vmem>> -> memref<1x1x80xi32, #tpu.memory_space<vmem>>
            %dma_start3A_243 = tpu.memref_squeeze %dma_start3A_242 : memref<1x1x80xi32, #tpu.memory_space<vmem>> -> memref<80xi32, #tpu.memory_space<vmem>>
            %dma_start3A_244 = arith.constant 0 : i32
            %dma_start3A_245 = arith.constant 0 : i32
            %dma_start3A_246 = tpu.memref_slice %arg2[%dma_start3A_244, %dma_start3A_245] : memref<10000x128xf32, #tpu.memory_space<hbm>> -> memref<10000x128xf32, #tpu.memory_space<hbm>>
            tpu.enqueue_indirect_dma source(%dma_start3A_246 : memref<10000x128xf32, #tpu.memory_space<hbm>>) target(%dma_start3A_240 : memref<80x128xf32, #tpu.memory_space<vmem>>) offsets(%dma_start3A_243 : memref<80xi32, #tpu.memory_space<vmem>>) semaphore(%arg13 : memref<!tpu.dma_semaphore, #tpu.memory_space<semaphore_mem>>)
          } else {
          }
          %add3A_222 = arith.constant 3 : i32
          %add3A_223 = arith.addi %scan3A_151, %add3A_222 : i32
          %lt3A_224 = arith.constant 125 : i32
          %lt3A_225 = arith.cmpi slt, %add3A_223, %lt3A_224 : i32
          %add3A_226 = arith.constant 3 : i32
          %add3A_227 = arith.addi %rem3A_153, %add3A_226 : i32
          %ge3A = arith.constant 25 : i32
          %ge3A_228 = arith.cmpi sge, %add3A_227, %ge3A : i32
          %and3A_229 = arith.andi %lt3A_225, %ge3A_228 : i1
          %convert_element_type3A_230 = arith.extui %and3A_229 : i1 to i32
          %cond3A_231 = arith.constant 0 : i32
          %cond3A_232 = arith.cmpi ne, %convert_element_type3A_230, %cond3A_231 : i32
          scf.if %cond3A_232 {
            %add3A_233 = arith.constant 3 : i32
            %add3A_234 = arith.addi %rem3A_153, %add3A_233 : i32
            %eq3A_235 = arith.constant 25 : i32
            %eq3A_236 = arith.cmpi eq, %add3A_234, %eq3A_235 : i32
            %convert_element_type3A_237 = arith.extui %eq3A_236 : i1 to i32
            %cond3A_238 = arith.constant 0 : i32
            %cond3A_239 = arith.cmpi ne, %convert_element_type3A_237, %cond3A_238 : i32
            scf.if %cond3A_239 {
              %add3A_255 = arith.constant 1 : i32
              %add3A_256 = arith.addi %div3A_152, %add3A_255 : i32
              %dma_wait3A_257 = arith.constant 0 : i32
              %dma_wait3A_258 = arith.constant 0 : i32
              %dma_wait3A_259 = arith.constant 0 : i32
              %dma_wait3A_260 = tpu.memref_slice %arg7[%dma_wait3A_257, %dma_wait3A_258, %dma_wait3A_259] : memref<2x25x80xi32, #tpu.memory_space<vmem>> -> memref<1x25x80xi32, #tpu.memory_space<vmem>>
              %dma_wait3A_261 = tpu.memref_squeeze %dma_wait3A_260 : memref<1x25x80xi32, #tpu.memory_space<vmem>> -> memref<25x80xi32, #tpu.memory_space<vmem>>
              %dma_wait3A_262 = arith.constant 0 : i32
              %dma_wait3A_263 = arith.constant 0 : i32
              %dma_wait3A_264 = tpu.memref_slice %arg3[%add3A, %add3A_256, %dma_wait3A_262, %dma_wait3A_263] : memref<32x5x25x80xi32, #tpu.memory_space<hbm>> -> memref<1x1x25x80xi32, #tpu.memory_space<hbm>>
              %dma_wait3A_265 = tpu.memref_squeeze %dma_wait3A_264 : memref<1x1x25x80xi32, #tpu.memory_space<hbm>> -> memref<25x80xi32, #tpu.memory_space<hbm>>
              %dma_wait3A_266 = arith.constant 0 : i32
              %dma_wait3A_267 = arith.constant 0 : i32
              %dma_wait3A_268 = tpu.memref_slice %arg7[%dma_wait3A_257, %dma_wait3A_266, %dma_wait3A_267] : memref<2x25x80xi32, #tpu.memory_space<vmem>> -> memref<1x25x80xi32, #tpu.memory_space<vmem>>
              %dma_wait3A_269 = tpu.memref_squeeze %dma_wait3A_268 : memref<1x25x80xi32, #tpu.memory_space<vmem>> -> memref<25x80xi32, #tpu.memory_space<vmem>>
              %dma_wait3A_270 = arith.constant 0 : i32
              %dma_wait3A_271 = arith.constant 0 : i32
              %dma_wait3A_272 = tpu.memref_slice %arg3[%add3A, %add3A_256, %dma_wait3A_270, %dma_wait3A_271] : memref<32x5x25x80xi32, #tpu.memory_space<hbm>> -> memref<1x1x25x80xi32, #tpu.memory_space<hbm>>
              %dma_wait3A_273 = tpu.memref_squeeze %dma_wait3A_272 : memref<1x1x25x80xi32, #tpu.memory_space<hbm>> -> memref<25x80xi32, #tpu.memory_space<hbm>>
              tpu.wait_dma2 semaphore(%arg11 : memref<!tpu.dma_semaphore, #tpu.memory_space<semaphore_mem>>) src(%dma_wait3A_273 : memref<25x80xi32, #tpu.memory_space<hbm>>) dst(%dma_wait3A_269 : memref<25x80xi32, #tpu.memory_space<vmem>>)
              %add3A_274 = arith.constant 1 : i32
              %add3A_275 = arith.addi %div3A_152, %add3A_274 : i32
              %dma_wait3A_276 = arith.constant 0 : i32
              %dma_wait3A_277 = arith.constant 0 : i32
              %dma_wait3A_278 = arith.constant 0 : i32
              %dma_wait3A_279 = tpu.memref_slice %arg8[%dma_wait3A_276, %dma_wait3A_277, %dma_wait3A_278] : memref<2x25x80xi32, #tpu.memory_space<vmem>> -> memref<1x25x80xi32, #tpu.memory_space<vmem>>
              %dma_wait3A_280 = tpu.memref_squeeze %dma_wait3A_279 : memref<1x25x80xi32, #tpu.memory_space<vmem>> -> memref<25x80xi32, #tpu.memory_space<vmem>>
              %dma_wait3A_281 = arith.constant 0 : i32
              %dma_wait3A_282 = arith.constant 0 : i32
              %dma_wait3A_283 = tpu.memref_slice %arg4[%add3A, %add3A_275, %dma_wait3A_281, %dma_wait3A_282] : memref<32x5x25x80xi32, #tpu.memory_space<hbm>> -> memref<1x1x25x80xi32, #tpu.memory_space<hbm>>
              %dma_wait3A_284 = tpu.memref_squeeze %dma_wait3A_283 : memref<1x1x25x80xi32, #tpu.memory_space<hbm>> -> memref<25x80xi32, #tpu.memory_space<hbm>>
              %dma_wait3A_285 = arith.constant 0 : i32
              %dma_wait3A_286 = arith.constant 0 : i32
              %dma_wait3A_287 = tpu.memref_slice %arg8[%dma_wait3A_276, %dma_wait3A_285, %dma_wait3A_286] : memref<2x25x80xi32, #tpu.memory_space<vmem>> -> memref<1x25x80xi32, #tpu.memory_space<vmem>>
              %dma_wait3A_288 = tpu.memref_squeeze %dma_wait3A_287 : memref<1x25x80xi32, #tpu.memory_space<vmem>> -> memref<25x80xi32, #tpu.memory_space<vmem>>
              %dma_wait3A_289 = arith.constant 0 : i32
              %dma_wait3A_290 = arith.constant 0 : i32
              %dma_wait3A_291 = tpu.memref_slice %arg4[%add3A, %add3A_275, %dma_wait3A_289, %dma_wait3A_290] : memref<32x5x25x80xi32, #tpu.memory_space<hbm>> -> memref<1x1x25x80xi32, #tpu.memory_space<hbm>>
              %dma_wait3A_292 = tpu.memref_squeeze %dma_wait3A_291 : memref<1x1x25x80xi32, #tpu.memory_space<hbm>> -> memref<25x80xi32, #tpu.memory_space<hbm>>
              tpu.wait_dma2 semaphore(%arg11 : memref<!tpu.dma_semaphore, #tpu.memory_space<semaphore_mem>>) src(%dma_wait3A_292 : memref<25x80xi32, #tpu.memory_space<hbm>>) dst(%dma_wait3A_288 : memref<25x80xi32, #tpu.memory_space<vmem>>)
            } else {
            }
            %add3A_240 = arith.constant 3 : i32
            %add3A_241 = arith.addi %rem3A_153, %add3A_240 : i32
            %sub3A = arith.constant 25 : i32
            %sub3A_242 = arith.subi %add3A_241, %sub3A : i32
            %dma_start3A_243 = arith.constant 0 : i32
            %dma_start3A_244 = arith.constant 0 : i32
            %dma_start3A_245 = arith.constant 0 : i32
            %dma_start3A_246 = arith.constant 0 : i32
            %dma_start3A_247 = tpu.memref_slice %arg9[%dma_start3A_244, %dma_start3A_245, %dma_start3A_246] : memref<3x80x128xf32, #tpu.memory_space<vmem>> -> memref<1x80x128xf32, #tpu.memory_space<vmem>>
            %dma_start3A_248 = tpu.memref_squeeze %dma_start3A_247 : memref<1x80x128xf32, #tpu.memory_space<vmem>> -> memref<80x128xf32, #tpu.memory_space<vmem>>
            %dma_start3A_249 = arith.constant 0 : i32
            %dma_start3A_250 = tpu.memref_slice %arg7[%dma_start3A_243, %sub3A_242, %dma_start3A_249] : memref<2x25x80xi32, #tpu.memory_space<vmem>> -> memref<1x1x80xi32, #tpu.memory_space<vmem>>
            %dma_start3A_251 = tpu.memref_squeeze %dma_start3A_250 : memref<1x1x80xi32, #tpu.memory_space<vmem>> -> memref<80xi32, #tpu.memory_space<vmem>>
            %dma_start3A_252 = arith.constant 0 : i32
            %dma_start3A_253 = arith.constant 0 : i32
            %dma_start3A_254 = tpu.memref_slice %arg2[%dma_start3A_252, %dma_start3A_253] : memref<10000x128xf32, #tpu.memory_space<hbm>> -> memref<10000x128xf32, #tpu.memory_space<hbm>>
            tpu.enqueue_indirect_dma source(%dma_start3A_254 : memref<10000x128xf32, #tpu.memory_space<hbm>>) target(%dma_start3A_248 : memref<80x128xf32, #tpu.memory_space<vmem>>) offsets(%dma_start3A_251 : memref<80xi32, #tpu.memory_space<vmem>>) semaphore(%arg13 : memref<!tpu.dma_semaphore, #tpu.memory_space<semaphore_mem>>)
          } else {
          }
        } else {
        }
        %rem3A_183 = arith.constant 3 : i32
        %rem3A_184 = arith.remsi %scan3A_151, %rem3A_183 : i32
        %eq3A_185 = arith.constant 1 : i32
        %eq3A_186 = arith.cmpi eq, %rem3A_184, %eq3A_185 : i32
        %convert_element_type3A_187 = arith.extui %eq3A_186 : i1 to i32
        %cond3A_188 = arith.constant 0 : i32
        %cond3A_189 = arith.cmpi ne, %convert_element_type3A_187, %cond3A_188 : i32
        scf.if %cond3A_189 {
          %dma_wait3A_197 = arith.constant 1 : i32
          %dma_wait3A_198 = arith.constant 1 : i32
          %dma_wait3A_199 = arith.constant 0 : i32
          %dma_wait3A_200 = arith.constant 0 : i32
          %dma_wait3A_201 = tpu.memref_slice %arg9[%dma_wait3A_198, %dma_wait3A_199, %dma_wait3A_200] : memref<3x80x128xf32, #tpu.memory_space<vmem>> -> memref<1x80x128xf32, #tpu.memory_space<vmem>>
          %dma_wait3A_202 = tpu.memref_squeeze %dma_wait3A_201 : memref<1x80x128xf32, #tpu.memory_space<vmem>> -> memref<80x128xf32, #tpu.memory_space<vmem>>
          %dma_wait3A_203 = arith.constant 0 : i32
          %dma_wait3A_204 = tpu.memref_slice %arg7[%dma_wait3A_197, %rem3A_153, %dma_wait3A_203] : memref<2x25x80xi32, #tpu.memory_space<vmem>> -> memref<1x1x80xi32, #tpu.memory_space<vmem>>
          %dma_wait3A_205 = tpu.memref_squeeze %dma_wait3A_204 : memref<1x1x80xi32, #tpu.memory_space<vmem>> -> memref<80xi32, #tpu.memory_space<vmem>>
          %dma_wait3A_206 = arith.constant 0 : i32
          %dma_wait3A_207 = arith.constant 0 : i32
          %dma_wait3A_208 = tpu.memref_slice %arg2[%dma_wait3A_206, %dma_wait3A_207] : memref<10000x128xf32, #tpu.memory_space<hbm>> -> memref<10000x128xf32, #tpu.memory_space<hbm>>
          tpu.wait_indirect_dma semaphore(%arg14 : memref<!tpu.dma_semaphore, #tpu.memory_space<semaphore_mem>>) src(%dma_wait3A_208 : memref<10000x128xf32, #tpu.memory_space<hbm>>) dst(%dma_wait3A_202 : memref<80x128xf32, #tpu.memory_space<vmem>>)
          %run_scoped3A = arith.constant 1 : i32
          %run_scoped3A_209 = arith.constant 1 : i32
          "tpu.region"() ({
            %run_scoped3A_233 = tpu.sem_alloc : memref<!tpu.dma_semaphore, #tpu.memory_space<semaphore_mem>>
            %dma_start3A_234 = arith.constant 0 : i32
            %dma_start3A_235 = arith.constant 0 : i32
            %dma_start3A_236 = tpu.memref_slice %arg9[%run_scoped3A, %dma_start3A_234, %dma_start3A_235] : memref<3x80x128xf32, #tpu.memory_space<vmem>> -> memref<1x80x128xf32, #tpu.memory_space<vmem>>
            %dma_start3A_237 = tpu.memref_squeeze %dma_start3A_236 : memref<1x80x128xf32, #tpu.memory_space<vmem>> -> memref<80x128xf32, #tpu.memory_space<vmem>>
            %dma_start3A_238 = arith.constant 0 : i32
            %dma_start3A_239 = tpu.memref_slice %arg8[%run_scoped3A_209, %rem3A_153, %dma_start3A_238] : memref<2x25x80xi32, #tpu.memory_space<vmem>> -> memref<1x1x80xi32, #tpu.memory_space<vmem>>
            %dma_start3A_240 = tpu.memref_squeeze %dma_start3A_239 : memref<1x1x80xi32, #tpu.memory_space<vmem>> -> memref<80xi32, #tpu.memory_space<vmem>>
            %dma_start3A_241 = arith.constant 0 : i32
            %dma_start3A_242 = arith.constant 0 : i32
            %dma_start3A_243 = tpu.memref_slice %arg6[%dma_start3A_241, %dma_start3A_242] : memref<10000x128xf32, #tpu.memory_space<vmem_shared>> -> memref<10000x128xf32, #tpu.memory_space<vmem_shared>>
            tpu.enqueue_indirect_dma source(%dma_start3A_237 : memref<80x128xf32, #tpu.memory_space<vmem>>) target(%dma_start3A_243 : memref<10000x128xf32, #tpu.memory_space<vmem_shared>>) offsets(%dma_start3A_240 : memref<80xi32, #tpu.memory_space<vmem>>) semaphore(%run_scoped3A_233 : memref<!tpu.dma_semaphore, #tpu.memory_space<semaphore_mem>>) {add = true}
            %dma_wait3A_244 = arith.constant 0 : i32
            %dma_wait3A_245 = arith.constant 0 : i32
            %dma_wait3A_246 = tpu.memref_slice %arg9[%run_scoped3A, %dma_wait3A_244, %dma_wait3A_245] : memref<3x80x128xf32, #tpu.memory_space<vmem>> -> memref<1x80x128xf32, #tpu.memory_space<vmem>>
            %dma_wait3A_247 = tpu.memref_squeeze %dma_wait3A_246 : memref<1x80x128xf32, #tpu.memory_space<vmem>> -> memref<80x128xf32, #tpu.memory_space<vmem>>
            %dma_wait3A_248 = arith.constant 0 : i32
            %dma_wait3A_249 = tpu.memref_slice %arg8[%run_scoped3A_209, %rem3A_153, %dma_wait3A_248] : memref<2x25x80xi32, #tpu.memory_space<vmem>> -> memref<1x1x80xi32, #tpu.memory_space<vmem>>
            %dma_wait3A_250 = tpu.memref_squeeze %dma_wait3A_249 : memref<1x1x80xi32, #tpu.memory_space<vmem>> -> memref<80xi32, #tpu.memory_space<vmem>>
            %dma_wait3A_251 = arith.constant 0 : i32
            %dma_wait3A_252 = arith.constant 0 : i32
            %dma_wait3A_253 = tpu.memref_slice %arg6[%dma_wait3A_251, %dma_wait3A_252] : memref<10000x128xf32, #tpu.memory_space<vmem_shared>> -> memref<10000x128xf32, #tpu.memory_space<vmem_shared>>
            tpu.wait_indirect_dma semaphore(%run_scoped3A_233 : memref<!tpu.dma_semaphore, #tpu.memory_space<semaphore_mem>>) src(%dma_wait3A_247 : memref<80x128xf32, #tpu.memory_space<vmem>>) dst(%dma_wait3A_253 : memref<10000x128xf32, #tpu.memory_space<vmem_shared>>)
            tpu.yield
          }) : () -> ()
          %add3A_210 = arith.constant 3 : i32
          %add3A_211 = arith.addi %scan3A_151, %add3A_210 : i32
          %lt3A_212 = arith.constant 125 : i32
          %lt3A_213 = arith.cmpi slt, %add3A_211, %lt3A_212 : i32
          %add3A_214 = arith.constant 3 : i32
          %add3A_215 = arith.addi %rem3A_153, %add3A_214 : i32
          %lt3A_216 = arith.constant 25 : i32
          %lt3A_217 = arith.cmpi slt, %add3A_215, %lt3A_216 : i32
          %and3A_218 = arith.andi %lt3A_213, %lt3A_217 : i1
          %convert_element_type3A_219 = arith.extui %and3A_218 : i1 to i32
          %cond3A_220 = arith.constant 0 : i32
          %cond3A_221 = arith.cmpi ne, %convert_element_type3A_219, %cond3A_220 : i32
          scf.if %cond3A_221 {
            %add3A_233 = arith.constant 3 : i32
            %add3A_234 = arith.addi %rem3A_153, %add3A_233 : i32
            %dma_start3A_235 = arith.constant 1 : i32
            %dma_start3A_236 = arith.constant 1 : i32
            %dma_start3A_237 = arith.constant 0 : i32
            %dma_start3A_238 = arith.constant 0 : i32
            %dma_start3A_239 = tpu.memref_slice %arg9[%dma_start3A_236, %dma_start3A_237, %dma_start3A_238] : memref<3x80x128xf32, #tpu.memory_space<vmem>> -> memref<1x80x128xf32, #tpu.memory_space<vmem>>
            %dma_start3A_240 = tpu.memref_squeeze %dma_start3A_239 : memref<1x80x128xf32, #tpu.memory_space<vmem>> -> memref<80x128xf32, #tpu.memory_space<vmem>>
            %dma_start3A_241 = arith.constant 0 : i32
            %dma_start3A_242 = tpu.memref_slice %arg7[%dma_start3A_235, %add3A_234, %dma_start3A_241] : memref<2x25x80xi32, #tpu.memory_space<vmem>> -> memref<1x1x80xi32, #tpu.memory_space<vmem>>
            %dma_start3A_243 = tpu.memref_squeeze %dma_start3A_242 : memref<1x1x80xi32, #tpu.memory_space<vmem>> -> memref<80xi32, #tpu.memory_space<vmem>>
            %dma_start3A_244 = arith.constant 0 : i32
            %dma_start3A_245 = arith.constant 0 : i32
            %dma_start3A_246 = tpu.memref_slice %arg2[%dma_start3A_244, %dma_start3A_245] : memref<10000x128xf32, #tpu.memory_space<hbm>> -> memref<10000x128xf32, #tpu.memory_space<hbm>>
            tpu.enqueue_indirect_dma source(%dma_start3A_246 : memref<10000x128xf32, #tpu.memory_space<hbm>>) target(%dma_start3A_240 : memref<80x128xf32, #tpu.memory_space<vmem>>) offsets(%dma_start3A_243 : memref<80xi32, #tpu.memory_space<vmem>>) semaphore(%arg14 : memref<!tpu.dma_semaphore, #tpu.memory_space<semaphore_mem>>)
          } else {
          }
          %add3A_222 = arith.constant 3 : i32
          %add3A_223 = arith.addi %scan3A_151, %add3A_222 : i32
          %lt3A_224 = arith.constant 125 : i32
          %lt3A_225 = arith.cmpi slt, %add3A_223, %lt3A_224 : i32
          %add3A_226 = arith.constant 3 : i32
          %add3A_227 = arith.addi %rem3A_153, %add3A_226 : i32
          %ge3A = arith.constant 25 : i32
          %ge3A_228 = arith.cmpi sge, %add3A_227, %ge3A : i32
          %and3A_229 = arith.andi %lt3A_225, %ge3A_228 : i1
          %convert_element_type3A_230 = arith.extui %and3A_229 : i1 to i32
          %cond3A_231 = arith.constant 0 : i32
          %cond3A_232 = arith.cmpi ne, %convert_element_type3A_230, %cond3A_231 : i32
          scf.if %cond3A_232 {
            %add3A_233 = arith.constant 3 : i32
            %add3A_234 = arith.addi %rem3A_153, %add3A_233 : i32
            %eq3A_235 = arith.constant 25 : i32
            %eq3A_236 = arith.cmpi eq, %add3A_234, %eq3A_235 : i32
            %convert_element_type3A_237 = arith.extui %eq3A_236 : i1 to i32
            %cond3A_238 = arith.constant 0 : i32
            %cond3A_239 = arith.cmpi ne, %convert_element_type3A_237, %cond3A_238 : i32
            scf.if %cond3A_239 {
              %add3A_255 = arith.constant 1 : i32
              %add3A_256 = arith.addi %div3A_152, %add3A_255 : i32
              %dma_wait3A_257 = arith.constant 0 : i32
              %dma_wait3A_258 = arith.constant 0 : i32
              %dma_wait3A_259 = arith.constant 0 : i32
              %dma_wait3A_260 = tpu.memref_slice %arg7[%dma_wait3A_257, %dma_wait3A_258, %dma_wait3A_259] : memref<2x25x80xi32, #tpu.memory_space<vmem>> -> memref<1x25x80xi32, #tpu.memory_space<vmem>>
              %dma_wait3A_261 = tpu.memref_squeeze %dma_wait3A_260 : memref<1x25x80xi32, #tpu.memory_space<vmem>> -> memref<25x80xi32, #tpu.memory_space<vmem>>
              %dma_wait3A_262 = arith.constant 0 : i32
              %dma_wait3A_263 = arith.constant 0 : i32
              %dma_wait3A_264 = tpu.memref_slice %arg3[%add3A, %add3A_256, %dma_wait3A_262, %dma_wait3A_263] : memref<32x5x25x80xi32, #tpu.memory_space<hbm>> -> memref<1x1x25x80xi32, #tpu.memory_space<hbm>>
              %dma_wait3A_265 = tpu.memref_squeeze %dma_wait3A_264 : memref<1x1x25x80xi32, #tpu.memory_space<hbm>> -> memref<25x80xi32, #tpu.memory_space<hbm>>
              %dma_wait3A_266 = arith.constant 0 : i32
              %dma_wait3A_267 = arith.constant 0 : i32
              %dma_wait3A_268 = tpu.memref_slice %arg7[%dma_wait3A_257, %dma_wait3A_266, %dma_wait3A_267] : memref<2x25x80xi32, #tpu.memory_space<vmem>> -> memref<1x25x80xi32, #tpu.memory_space<vmem>>
              %dma_wait3A_269 = tpu.memref_squeeze %dma_wait3A_268 : memref<1x25x80xi32, #tpu.memory_space<vmem>> -> memref<25x80xi32, #tpu.memory_space<vmem>>
              %dma_wait3A_270 = arith.constant 0 : i32
              %dma_wait3A_271 = arith.constant 0 : i32
              %dma_wait3A_272 = tpu.memref_slice %arg3[%add3A, %add3A_256, %dma_wait3A_270, %dma_wait3A_271] : memref<32x5x25x80xi32, #tpu.memory_space<hbm>> -> memref<1x1x25x80xi32, #tpu.memory_space<hbm>>
              %dma_wait3A_273 = tpu.memref_squeeze %dma_wait3A_272 : memref<1x1x25x80xi32, #tpu.memory_space<hbm>> -> memref<25x80xi32, #tpu.memory_space<hbm>>
              tpu.wait_dma2 semaphore(%arg11 : memref<!tpu.dma_semaphore, #tpu.memory_space<semaphore_mem>>) src(%dma_wait3A_273 : memref<25x80xi32, #tpu.memory_space<hbm>>) dst(%dma_wait3A_269 : memref<25x80xi32, #tpu.memory_space<vmem>>)
              %add3A_274 = arith.constant 1 : i32
              %add3A_275 = arith.addi %div3A_152, %add3A_274 : i32
              %dma_wait3A_276 = arith.constant 0 : i32
              %dma_wait3A_277 = arith.constant 0 : i32
              %dma_wait3A_278 = arith.constant 0 : i32
              %dma_wait3A_279 = tpu.memref_slice %arg8[%dma_wait3A_276, %dma_wait3A_277, %dma_wait3A_278] : memref<2x25x80xi32, #tpu.memory_space<vmem>> -> memref<1x25x80xi32, #tpu.memory_space<vmem>>
              %dma_wait3A_280 = tpu.memref_squeeze %dma_wait3A_279 : memref<1x25x80xi32, #tpu.memory_space<vmem>> -> memref<25x80xi32, #tpu.memory_space<vmem>>
              %dma_wait3A_281 = arith.constant 0 : i32
              %dma_wait3A_282 = arith.constant 0 : i32
              %dma_wait3A_283 = tpu.memref_slice %arg4[%add3A, %add3A_275, %dma_wait3A_281, %dma_wait3A_282] : memref<32x5x25x80xi32, #tpu.memory_space<hbm>> -> memref<1x1x25x80xi32, #tpu.memory_space<hbm>>
              %dma_wait3A_284 = tpu.memref_squeeze %dma_wait3A_283 : memref<1x1x25x80xi32, #tpu.memory_space<hbm>> -> memref<25x80xi32, #tpu.memory_space<hbm>>
              %dma_wait3A_285 = arith.constant 0 : i32
              %dma_wait3A_286 = arith.constant 0 : i32
              %dma_wait3A_287 = tpu.memref_slice %arg8[%dma_wait3A_276, %dma_wait3A_285, %dma_wait3A_286] : memref<2x25x80xi32, #tpu.memory_space<vmem>> -> memref<1x25x80xi32, #tpu.memory_space<vmem>>
              %dma_wait3A_288 = tpu.memref_squeeze %dma_wait3A_287 : memref<1x25x80xi32, #tpu.memory_space<vmem>> -> memref<25x80xi32, #tpu.memory_space<vmem>>
              %dma_wait3A_289 = arith.constant 0 : i32
              %dma_wait3A_290 = arith.constant 0 : i32
              %dma_wait3A_291 = tpu.memref_slice %arg4[%add3A, %add3A_275, %dma_wait3A_289, %dma_wait3A_290] : memref<32x5x25x80xi32, #tpu.memory_space<hbm>> -> memref<1x1x25x80xi32, #tpu.memory_space<hbm>>
              %dma_wait3A_292 = tpu.memref_squeeze %dma_wait3A_291 : memref<1x1x25x80xi32, #tpu.memory_space<hbm>> -> memref<25x80xi32, #tpu.memory_space<hbm>>
              tpu.wait_dma2 semaphore(%arg11 : memref<!tpu.dma_semaphore, #tpu.memory_space<semaphore_mem>>) src(%dma_wait3A_292 : memref<25x80xi32, #tpu.memory_space<hbm>>) dst(%dma_wait3A_288 : memref<25x80xi32, #tpu.memory_space<vmem>>)
            } else {
            }
            %add3A_240 = arith.constant 3 : i32
            %add3A_241 = arith.addi %rem3A_153, %add3A_240 : i32
            %sub3A = arith.constant 25 : i32
            %sub3A_242 = arith.subi %add3A_241, %sub3A : i32
            %dma_start3A_243 = arith.constant 0 : i32
            %dma_start3A_244 = arith.constant 1 : i32
            %dma_start3A_245 = arith.constant 0 : i32
            %dma_start3A_246 = arith.constant 0 : i32
            %dma_start3A_247 = tpu.memref_slice %arg9[%dma_start3A_244, %dma_start3A_245, %dma_start3A_246] : memref<3x80x128xf32, #tpu.memory_space<vmem>> -> memref<1x80x128xf32, #tpu.memory_space<vmem>>
            %dma_start3A_248 = tpu.memref_squeeze %dma_start3A_247 : memref<1x80x128xf32, #tpu.memory_space<vmem>> -> memref<80x128xf32, #tpu.memory_space<vmem>>
            %dma_start3A_249 = arith.constant 0 : i32
            %dma_start3A_250 = tpu.memref_slice %arg7[%dma_start3A_243, %sub3A_242, %dma_start3A_249] : memref<2x25x80xi32, #tpu.memory_space<vmem>> -> memref<1x1x80xi32, #tpu.memory_space<vmem>>
            %dma_start3A_251 = tpu.memref_squeeze %dma_start3A_250 : memref<1x1x80xi32, #tpu.memory_space<vmem>> -> memref<80xi32, #tpu.memory_space<vmem>>
            %dma_start3A_252 = arith.constant 0 : i32
            %dma_start3A_253 = arith.constant 0 : i32
            %dma_start3A_254 = tpu.memref_slice %arg2[%dma_start3A_252, %dma_start3A_253] : memref<10000x128xf32, #tpu.memory_space<hbm>> -> memref<10000x128xf32, #tpu.memory_space<hbm>>
            tpu.enqueue_indirect_dma source(%dma_start3A_254 : memref<10000x128xf32, #tpu.memory_space<hbm>>) target(%dma_start3A_248 : memref<80x128xf32, #tpu.memory_space<vmem>>) offsets(%dma_start3A_251 : memref<80xi32, #tpu.memory_space<vmem>>) semaphore(%arg14 : memref<!tpu.dma_semaphore, #tpu.memory_space<semaphore_mem>>)
          } else {
          }
        } else {
        }
        %rem3A_190 = arith.constant 3 : i32
        %rem3A_191 = arith.remsi %scan3A_151, %rem3A_190 : i32
        %eq3A_192 = arith.constant 2 : i32
        %eq3A_193 = arith.cmpi eq, %rem3A_191, %eq3A_192 : i32
        %convert_element_type3A_194 = arith.extui %eq3A_193 : i1 to i32
        %cond3A_195 = arith.constant 0 : i32
        %cond3A_196 = arith.cmpi ne, %convert_element_type3A_194, %cond3A_195 : i32
        scf.if %cond3A_196 {
          %dma_wait3A_197 = arith.constant 1 : i32
          %dma_wait3A_198 = arith.constant 2 : i32
          %dma_wait3A_199 = arith.constant 0 : i32
          %dma_wait3A_200 = arith.constant 0 : i32
          %dma_wait3A_201 = tpu.memref_slice %arg9[%dma_wait3A_198, %dma_wait3A_199, %dma_wait3A_200] : memref<3x80x128xf32, #tpu.memory_space<vmem>> -> memref<1x80x128xf32, #tpu.memory_space<vmem>>
          %dma_wait3A_202 = tpu.memref_squeeze %dma_wait3A_201 : memref<1x80x128xf32, #tpu.memory_space<vmem>> -> memref<80x128xf32, #tpu.memory_space<vmem>>
          %dma_wait3A_203 = arith.constant 0 : i32
          %dma_wait3A_204 = tpu.memref_slice %arg7[%dma_wait3A_197, %rem3A_153, %dma_wait3A_203] : memref<2x25x80xi32, #tpu.memory_space<vmem>> -> memref<1x1x80xi32, #tpu.memory_space<vmem>>
          %dma_wait3A_205 = tpu.memref_squeeze %dma_wait3A_204 : memref<1x1x80xi32, #tpu.memory_space<vmem>> -> memref<80xi32, #tpu.memory_space<vmem>>
          %dma_wait3A_206 = arith.constant 0 : i32
          %dma_wait3A_207 = arith.constant 0 : i32
          %dma_wait3A_208 = tpu.memref_slice %arg2[%dma_wait3A_206, %dma_wait3A_207] : memref<10000x128xf32, #tpu.memory_space<hbm>> -> memref<10000x128xf32, #tpu.memory_space<hbm>>
          tpu.wait_indirect_dma semaphore(%arg15 : memref<!tpu.dma_semaphore, #tpu.memory_space<semaphore_mem>>) src(%dma_wait3A_208 : memref<10000x128xf32, #tpu.memory_space<hbm>>) dst(%dma_wait3A_202 : memref<80x128xf32, #tpu.memory_space<vmem>>)
          %run_scoped3A = arith.constant 2 : i32
          %run_scoped3A_209 = arith.constant 1 : i32
          "tpu.region"() ({
            %run_scoped3A_233 = tpu.sem_alloc : memref<!tpu.dma_semaphore, #tpu.memory_space<semaphore_mem>>
            %dma_start3A_234 = arith.constant 0 : i32
            %dma_start3A_235 = arith.constant 0 : i32
            %dma_start3A_236 = tpu.memref_slice %arg9[%run_scoped3A, %dma_start3A_234, %dma_start3A_235] : memref<3x80x128xf32, #tpu.memory_space<vmem>> -> memref<1x80x128xf32, #tpu.memory_space<vmem>>
            %dma_start3A_237 = tpu.memref_squeeze %dma_start3A_236 : memref<1x80x128xf32, #tpu.memory_space<vmem>> -> memref<80x128xf32, #tpu.memory_space<vmem>>
            %dma_start3A_238 = arith.constant 0 : i32
            %dma_start3A_239 = tpu.memref_slice %arg8[%run_scoped3A_209, %rem3A_153, %dma_start3A_238] : memref<2x25x80xi32, #tpu.memory_space<vmem>> -> memref<1x1x80xi32, #tpu.memory_space<vmem>>
            %dma_start3A_240 = tpu.memref_squeeze %dma_start3A_239 : memref<1x1x80xi32, #tpu.memory_space<vmem>> -> memref<80xi32, #tpu.memory_space<vmem>>
            %dma_start3A_241 = arith.constant 0 : i32
            %dma_start3A_242 = arith.constant 0 : i32
            %dma_start3A_243 = tpu.memref_slice %arg6[%dma_start3A_241, %dma_start3A_242] : memref<10000x128xf32, #tpu.memory_space<vmem_shared>> -> memref<10000x128xf32, #tpu.memory_space<vmem_shared>>
            tpu.enqueue_indirect_dma source(%dma_start3A_237 : memref<80x128xf32, #tpu.memory_space<vmem>>) target(%dma_start3A_243 : memref<10000x128xf32, #tpu.memory_space<vmem_shared>>) offsets(%dma_start3A_240 : memref<80xi32, #tpu.memory_space<vmem>>) semaphore(%run_scoped3A_233 : memref<!tpu.dma_semaphore, #tpu.memory_space<semaphore_mem>>) {add = true}
            %dma_wait3A_244 = arith.constant 0 : i32
            %dma_wait3A_245 = arith.constant 0 : i32
            %dma_wait3A_246 = tpu.memref_slice %arg9[%run_scoped3A, %dma_wait3A_244, %dma_wait3A_245] : memref<3x80x128xf32, #tpu.memory_space<vmem>> -> memref<1x80x128xf32, #tpu.memory_space<vmem>>
            %dma_wait3A_247 = tpu.memref_squeeze %dma_wait3A_246 : memref<1x80x128xf32, #tpu.memory_space<vmem>> -> memref<80x128xf32, #tpu.memory_space<vmem>>
            %dma_wait3A_248 = arith.constant 0 : i32
            %dma_wait3A_249 = tpu.memref_slice %arg8[%run_scoped3A_209, %rem3A_153, %dma_wait3A_248] : memref<2x25x80xi32, #tpu.memory_space<vmem>> -> memref<1x1x80xi32, #tpu.memory_space<vmem>>
            %dma_wait3A_250 = tpu.memref_squeeze %dma_wait3A_249 : memref<1x1x80xi32, #tpu.memory_space<vmem>> -> memref<80xi32, #tpu.memory_space<vmem>>
            %dma_wait3A_251 = arith.constant 0 : i32
            %dma_wait3A_252 = arith.constant 0 : i32
            %dma_wait3A_253 = tpu.memref_slice %arg6[%dma_wait3A_251, %dma_wait3A_252] : memref<10000x128xf32, #tpu.memory_space<vmem_shared>> -> memref<10000x128xf32, #tpu.memory_space<vmem_shared>>
            tpu.wait_indirect_dma semaphore(%run_scoped3A_233 : memref<!tpu.dma_semaphore, #tpu.memory_space<semaphore_mem>>) src(%dma_wait3A_247 : memref<80x128xf32, #tpu.memory_space<vmem>>) dst(%dma_wait3A_253 : memref<10000x128xf32, #tpu.memory_space<vmem_shared>>)
            tpu.yield
          }) : () -> ()
          %add3A_210 = arith.constant 3 : i32
          %add3A_211 = arith.addi %scan3A_151, %add3A_210 : i32
          %lt3A_212 = arith.constant 125 : i32
          %lt3A_213 = arith.cmpi slt, %add3A_211, %lt3A_212 : i32
          %add3A_214 = arith.constant 3 : i32
          %add3A_215 = arith.addi %rem3A_153, %add3A_214 : i32
          %lt3A_216 = arith.constant 25 : i32
          %lt3A_217 = arith.cmpi slt, %add3A_215, %lt3A_216 : i32
          %and3A_218 = arith.andi %lt3A_213, %lt3A_217 : i1
          %convert_element_type3A_219 = arith.extui %and3A_218 : i1 to i32
          %cond3A_220 = arith.constant 0 : i32
          %cond3A_221 = arith.cmpi ne, %convert_element_type3A_219, %cond3A_220 : i32
          scf.if %cond3A_221 {
            %add3A_233 = arith.constant 3 : i32
            %add3A_234 = arith.addi %rem3A_153, %add3A_233 : i32
            %dma_start3A_235 = arith.constant 1 : i32
            %dma_start3A_236 = arith.constant 2 : i32
            %dma_start3A_237 = arith.constant 0 : i32
            %dma_start3A_238 = arith.constant 0 : i32
            %dma_start3A_239 = tpu.memref_slice %arg9[%dma_start3A_236, %dma_start3A_237, %dma_start3A_238] : memref<3x80x128xf32, #tpu.memory_space<vmem>> -> memref<1x80x128xf32, #tpu.memory_space<vmem>>
            %dma_start3A_240 = tpu.memref_squeeze %dma_start3A_239 : memref<1x80x128xf32, #tpu.memory_space<vmem>> -> memref<80x128xf32, #tpu.memory_space<vmem>>
            %dma_start3A_241 = arith.constant 0 : i32
            %dma_start3A_242 = tpu.memref_slice %arg7[%dma_start3A_235, %add3A_234, %dma_start3A_241] : memref<2x25x80xi32, #tpu.memory_space<vmem>> -> memref<1x1x80xi32, #tpu.memory_space<vmem>>
            %dma_start3A_243 = tpu.memref_squeeze %dma_start3A_242 : memref<1x1x80xi32, #tpu.memory_space<vmem>> -> memref<80xi32, #tpu.memory_space<vmem>>
            %dma_start3A_244 = arith.constant 0 : i32
            %dma_start3A_245 = arith.constant 0 : i32
            %dma_start3A_246 = tpu.memref_slice %arg2[%dma_start3A_244, %dma_start3A_245] : memref<10000x128xf32, #tpu.memory_space<hbm>> -> memref<10000x128xf32, #tpu.memory_space<hbm>>
            tpu.enqueue_indirect_dma source(%dma_start3A_246 : memref<10000x128xf32, #tpu.memory_space<hbm>>) target(%dma_start3A_240 : memref<80x128xf32, #tpu.memory_space<vmem>>) offsets(%dma_start3A_243 : memref<80xi32, #tpu.memory_space<vmem>>) semaphore(%arg15 : memref<!tpu.dma_semaphore, #tpu.memory_space<semaphore_mem>>)
          } else {
          }
          %add3A_222 = arith.constant 3 : i32
          %add3A_223 = arith.addi %scan3A_151, %add3A_222 : i32
          %lt3A_224 = arith.constant 125 : i32
          %lt3A_225 = arith.cmpi slt, %add3A_223, %lt3A_224 : i32
          %add3A_226 = arith.constant 3 : i32
          %add3A_227 = arith.addi %rem3A_153, %add3A_226 : i32
          %ge3A = arith.constant 25 : i32
          %ge3A_228 = arith.cmpi sge, %add3A_227, %ge3A : i32
          %and3A_229 = arith.andi %lt3A_225, %ge3A_228 : i1
          %convert_element_type3A_230 = arith.extui %and3A_229 : i1 to i32
          %cond3A_231 = arith.constant 0 : i32
          %cond3A_232 = arith.cmpi ne, %convert_element_type3A_230, %cond3A_231 : i32
          scf.if %cond3A_232 {
            %add3A_233 = arith.constant 3 : i32
            %add3A_234 = arith.addi %rem3A_153, %add3A_233 : i32
            %eq3A_235 = arith.constant 25 : i32
            %eq3A_236 = arith.cmpi eq, %add3A_234, %eq3A_235 : i32
            %convert_element_type3A_237 = arith.extui %eq3A_236 : i1 to i32
            %cond3A_238 = arith.constant 0 : i32
            %cond3A_239 = arith.cmpi ne, %convert_element_type3A_237, %cond3A_238 : i32
            scf.if %cond3A_239 {
              %add3A_255 = arith.constant 1 : i32
              %add3A_256 = arith.addi %div3A_152, %add3A_255 : i32
              %dma_wait3A_257 = arith.constant 0 : i32
              %dma_wait3A_258 = arith.constant 0 : i32
              %dma_wait3A_259 = arith.constant 0 : i32
              %dma_wait3A_260 = tpu.memref_slice %arg7[%dma_wait3A_257, %dma_wait3A_258, %dma_wait3A_259] : memref<2x25x80xi32, #tpu.memory_space<vmem>> -> memref<1x25x80xi32, #tpu.memory_space<vmem>>
              %dma_wait3A_261 = tpu.memref_squeeze %dma_wait3A_260 : memref<1x25x80xi32, #tpu.memory_space<vmem>> -> memref<25x80xi32, #tpu.memory_space<vmem>>
              %dma_wait3A_262 = arith.constant 0 : i32
              %dma_wait3A_263 = arith.constant 0 : i32
              %dma_wait3A_264 = tpu.memref_slice %arg3[%add3A, %add3A_256, %dma_wait3A_262, %dma_wait3A_263] : memref<32x5x25x80xi32, #tpu.memory_space<hbm>> -> memref<1x1x25x80xi32, #tpu.memory_space<hbm>>
              %dma_wait3A_265 = tpu.memref_squeeze %dma_wait3A_264 : memref<1x1x25x80xi32, #tpu.memory_space<hbm>> -> memref<25x80xi32, #tpu.memory_space<hbm>>
              %dma_wait3A_266 = arith.constant 0 : i32
              %dma_wait3A_267 = arith.constant 0 : i32
              %dma_wait3A_268 = tpu.memref_slice %arg7[%dma_wait3A_257, %dma_wait3A_266, %dma_wait3A_267] : memref<2x25x80xi32, #tpu.memory_space<vmem>> -> memref<1x25x80xi32, #tpu.memory_space<vmem>>
              %dma_wait3A_269 = tpu.memref_squeeze %dma_wait3A_268 : memref<1x25x80xi32, #tpu.memory_space<vmem>> -> memref<25x80xi32, #tpu.memory_space<vmem>>
              %dma_wait3A_270 = arith.constant 0 : i32
              %dma_wait3A_271 = arith.constant 0 : i32
              %dma_wait3A_272 = tpu.memref_slice %arg3[%add3A, %add3A_256, %dma_wait3A_270, %dma_wait3A_271] : memref<32x5x25x80xi32, #tpu.memory_space<hbm>> -> memref<1x1x25x80xi32, #tpu.memory_space<hbm>>
              %dma_wait3A_273 = tpu.memref_squeeze %dma_wait3A_272 : memref<1x1x25x80xi32, #tpu.memory_space<hbm>> -> memref<25x80xi32, #tpu.memory_space<hbm>>
              tpu.wait_dma2 semaphore(%arg11 : memref<!tpu.dma_semaphore, #tpu.memory_space<semaphore_mem>>) src(%dma_wait3A_273 : memref<25x80xi32, #tpu.memory_space<hbm>>) dst(%dma_wait3A_269 : memref<25x80xi32, #tpu.memory_space<vmem>>)
              %add3A_274 = arith.constant 1 : i32
              %add3A_275 = arith.addi %div3A_152, %add3A_274 : i32
              %dma_wait3A_276 = arith.constant 0 : i32
              %dma_wait3A_277 = arith.constant 0 : i32
              %dma_wait3A_278 = arith.constant 0 : i32
              %dma_wait3A_279 = tpu.memref_slice %arg8[%dma_wait3A_276, %dma_wait3A_277, %dma_wait3A_278] : memref<2x25x80xi32, #tpu.memory_space<vmem>> -> memref<1x25x80xi32, #tpu.memory_space<vmem>>
              %dma_wait3A_280 = tpu.memref_squeeze %dma_wait3A_279 : memref<1x25x80xi32, #tpu.memory_space<vmem>> -> memref<25x80xi32, #tpu.memory_space<vmem>>
              %dma_wait3A_281 = arith.constant 0 : i32
              %dma_wait3A_282 = arith.constant 0 : i32
              %dma_wait3A_283 = tpu.memref_slice %arg4[%add3A, %add3A_275, %dma_wait3A_281, %dma_wait3A_282] : memref<32x5x25x80xi32, #tpu.memory_space<hbm>> -> memref<1x1x25x80xi32, #tpu.memory_space<hbm>>
              %dma_wait3A_284 = tpu.memref_squeeze %dma_wait3A_283 : memref<1x1x25x80xi32, #tpu.memory_space<hbm>> -> memref<25x80xi32, #tpu.memory_space<hbm>>
              %dma_wait3A_285 = arith.constant 0 : i32
              %dma_wait3A_286 = arith.constant 0 : i32
              %dma_wait3A_287 = tpu.memref_slice %arg8[%dma_wait3A_276, %dma_wait3A_285, %dma_wait3A_286] : memref<2x25x80xi32, #tpu.memory_space<vmem>> -> memref<1x25x80xi32, #tpu.memory_space<vmem>>
              %dma_wait3A_288 = tpu.memref_squeeze %dma_wait3A_287 : memref<1x25x80xi32, #tpu.memory_space<vmem>> -> memref<25x80xi32, #tpu.memory_space<vmem>>
              %dma_wait3A_289 = arith.constant 0 : i32
              %dma_wait3A_290 = arith.constant 0 : i32
              %dma_wait3A_291 = tpu.memref_slice %arg4[%add3A, %add3A_275, %dma_wait3A_289, %dma_wait3A_290] : memref<32x5x25x80xi32, #tpu.memory_space<hbm>> -> memref<1x1x25x80xi32, #tpu.memory_space<hbm>>
              %dma_wait3A_292 = tpu.memref_squeeze %dma_wait3A_291 : memref<1x1x25x80xi32, #tpu.memory_space<hbm>> -> memref<25x80xi32, #tpu.memory_space<hbm>>
              tpu.wait_dma2 semaphore(%arg11 : memref<!tpu.dma_semaphore, #tpu.memory_space<semaphore_mem>>) src(%dma_wait3A_292 : memref<25x80xi32, #tpu.memory_space<hbm>>) dst(%dma_wait3A_288 : memref<25x80xi32, #tpu.memory_space<vmem>>)
            } else {
            }
            %add3A_240 = arith.constant 3 : i32
            %add3A_241 = arith.addi %rem3A_153, %add3A_240 : i32
            %sub3A = arith.constant 25 : i32
            %sub3A_242 = arith.subi %add3A_241, %sub3A : i32
            %dma_start3A_243 = arith.constant 0 : i32
            %dma_start3A_244 = arith.constant 2 : i32
            %dma_start3A_245 = arith.constant 0 : i32
            %dma_start3A_246 = arith.constant 0 : i32
            %dma_start3A_247 = tpu.memref_slice %arg9[%dma_start3A_244, %dma_start3A_245, %dma_start3A_246] : memref<3x80x128xf32, #tpu.memory_space<vmem>> -> memref<1x80x128xf32, #tpu.memory_space<vmem>>
            %dma_start3A_248 = tpu.memref_squeeze %dma_start3A_247 : memref<1x80x128xf32, #tpu.memory_space<vmem>> -> memref<80x128xf32, #tpu.memory_space<vmem>>
            %dma_start3A_249 = arith.constant 0 : i32
            %dma_start3A_250 = tpu.memref_slice %arg7[%dma_start3A_243, %sub3A_242, %dma_start3A_249] : memref<2x25x80xi32, #tpu.memory_space<vmem>> -> memref<1x1x80xi32, #tpu.memory_space<vmem>>
            %dma_start3A_251 = tpu.memref_squeeze %dma_start3A_250 : memref<1x1x80xi32, #tpu.memory_space<vmem>> -> memref<80xi32, #tpu.memory_space<vmem>>
            %dma_start3A_252 = arith.constant 0 : i32
            %dma_start3A_253 = arith.constant 0 : i32
            %dma_start3A_254 = tpu.memref_slice %arg2[%dma_start3A_252, %dma_start3A_253] : memref<10000x128xf32, #tpu.memory_space<hbm>> -> memref<10000x128xf32, #tpu.memory_space<hbm>>
            tpu.enqueue_indirect_dma source(%dma_start3A_254 : memref<10000x128xf32, #tpu.memory_space<hbm>>) target(%dma_start3A_248 : memref<80x128xf32, #tpu.memory_space<vmem>>) offsets(%dma_start3A_251 : memref<80xi32, #tpu.memory_space<vmem>>) semaphore(%arg15 : memref<!tpu.dma_semaphore, #tpu.memory_space<semaphore_mem>>)
          } else {
          }
        } else {
        }
      } else {
      }
    }
    %scan3A_137 = arith.constant 125 : i32
    %barrier3A_138 = arith.constant 0 : index
    tpu.barrier barrier_id(%barrier3A_138)
    %mul3A_139 = arith.constant 624 : i32
    %mul3A_140 = arith.muli %arg1, %mul3A_139 : i32
    %mul3A_141 = arith.constant 10000 : i32
    %mul3A_142 = arith.muli %arg0, %mul3A_141 : i32
    %mul3A_143 = arith.constant 624 : i32
    %mul3A_144 = arith.muli %arg1, %mul3A_143 : i32
    %add3A_145 = arith.addi %mul3A_142, %mul3A_144 : i32
    "tpu.region"() ({
      %run_scoped3A = tpu.sem_alloc : memref<!tpu.dma_semaphore, #tpu.memory_space<semaphore_mem>>
      %dma_start3A_151 = arith.constant 0 : i32
      %dma_start3A_152 = tpu.memref_slice %arg5[%add3A_145, %dma_start3A_151] : memref<20000x128xf32, #tpu.memory_space<hbm>> -> memref<624x128xf32, #tpu.memory_space<hbm>>
      %dma_start3A_153 = arith.constant 0 : i32
      %dma_start3A_154 = tpu.memref_slice %arg6[%mul3A_140, %dma_start3A_153] : memref<10000x128xf32, #tpu.memory_space<vmem_shared>> -> memref<624x128xf32, #tpu.memory_space<vmem_shared>>
      tpu.enqueue_dma source(%dma_start3A_154 : memref<624x128xf32, #tpu.memory_space<vmem_shared>>) target(%dma_start3A_152 : memref<624x128xf32, #tpu.memory_space<hbm>>) target_semaphore(%run_scoped3A : memref<!tpu.dma_semaphore, #tpu.memory_space<semaphore_mem>>)
      %dma_wait3A_155 = arith.constant 0 : i32
      %dma_wait3A_156 = tpu.memref_slice %arg5[%add3A_145, %dma_wait3A_155] : memref<20000x128xf32, #tpu.memory_space<hbm>> -> memref<624x128xf32, #tpu.memory_space<hbm>>
      %dma_wait3A_157 = arith.constant 0 : i32
      %dma_wait3A_158 = tpu.memref_slice %arg6[%mul3A_140, %dma_wait3A_157] : memref<10000x128xf32, #tpu.memory_space<vmem_shared>> -> memref<624x128xf32, #tpu.memory_space<vmem_shared>>
      tpu.wait_dma2 semaphore(%run_scoped3A : memref<!tpu.dma_semaphore, #tpu.memory_space<semaphore_mem>>) src(%dma_wait3A_158 : memref<624x128xf32, #tpu.memory_space<vmem_shared>>) dst(%dma_wait3A_156 : memref<624x128xf32, #tpu.memory_space<hbm>>)
      tpu.yield
    }) : () -> ()
    %eq3A_146 = arith.constant 15 : i32
    %eq3A_147 = arith.cmpi eq, %arg1, %eq3A_146 : i32
    %convert_element_type3A_148 = arith.extui %eq3A_147 : i1 to i32
    %cond3A_149 = arith.constant 0 : i32
    %cond3A_150 = arith.cmpi ne, %convert_element_type3A_148, %cond3A_149 : i32
    scf.if %cond3A_150 {
      %mul3A_151 = arith.constant 10000 : i32
      %mul3A_152 = arith.muli %arg0, %mul3A_151 : i32
      %add3A_153 = arith.constant 9984 : i32
      %add3A_154 = arith.addi %mul3A_152, %add3A_153 : i32
      "tpu.region"() ({
        %run_scoped3A = tpu.sem_alloc : memref<!tpu.dma_semaphore, #tpu.memory_space<semaphore_mem>>
        %dma_start3A_155 = arith.constant 0 : i32
        %dma_start3A_156 = tpu.memref_slice %arg5[%add3A_154, %dma_start3A_155] : memref<20000x128xf32, #tpu.memory_space<hbm>> -> memref<16x128xf32, #tpu.memory_space<hbm>>
        %dma_start3A_157 = arith.constant 9984 : i32
        %dma_start3A_158 = arith.constant 0 : i32
        %dma_start3A_159 = tpu.memref_slice %arg6[%dma_start3A_157, %dma_start3A_158] : memref<10000x128xf32, #tpu.memory_space<vmem_shared>> -> memref<16x128xf32, #tpu.memory_space<vmem_shared>>
        tpu.enqueue_dma source(%dma_start3A_159 : memref<16x128xf32, #tpu.memory_space<vmem_shared>>) target(%dma_start3A_156 : memref<16x128xf32, #tpu.memory_space<hbm>>) target_semaphore(%run_scoped3A : memref<!tpu.dma_semaphore, #tpu.memory_space<semaphore_mem>>)
        %dma_wait3A_160 = arith.constant 0 : i32
        %dma_wait3A_161 = tpu.memref_slice %arg5[%add3A_154, %dma_wait3A_160] : memref<20000x128xf32, #tpu.memory_space<hbm>> -> memref<16x128xf32, #tpu.memory_space<hbm>>
        %dma_wait3A_162 = arith.constant 9984 : i32
        %dma_wait3A_163 = arith.constant 0 : i32
        %dma_wait3A_164 = tpu.memref_slice %arg6[%dma_wait3A_162, %dma_wait3A_163] : memref<10000x128xf32, #tpu.memory_space<vmem_shared>> -> memref<16x128xf32, #tpu.memory_space<vmem_shared>>
        tpu.wait_dma2 semaphore(%run_scoped3A : memref<!tpu.dma_semaphore, #tpu.memory_space<semaphore_mem>>) src(%dma_wait3A_164 : memref<16x128xf32, #tpu.memory_space<vmem_shared>>) dst(%dma_wait3A_161 : memref<16x128xf32, #tpu.memory_space<hbm>>)
        tpu.yield
      }) : () -> ()
    } else {
    }
    return
  }
}

#map = affine_map<(d0, d1) -> (0, 0)>
#map1 = affine_map<(d0, d1) -> (0, 0, 0, 0)>
module attributes {stable_mosaic.version = 14 : i64} {
  func.func @_sc_aggregate(%arg0: i32, %arg1: i32, %arg2: memref<10000x128xf32, #tpu.memory_space<hbm>>, %arg3: memref<32x5x25x80xi32, #tpu.memory_space<hbm>>, %arg4: memref<32x5x25x80xi32, #tpu.memory_space<hbm>>, %arg5: memref<20000x128xf32, #tpu.memory_space<hbm>>, %arg6: memref<10000x128xf32, #tpu.memory_space<vmem_shared>>, %arg7: memref<2x25x80xi32, #tpu.memory_space<vmem>>, %arg8: memref<2x25x80xi32, #tpu.memory_space<vmem>>, %arg9: memref<3x80x128xf32, #tpu.memory_space<vmem>>, %arg10: memref<!tpu.dma_semaphore, #tpu.memory_space<semaphore_mem>>, %arg11: memref<!tpu.dma_semaphore, #tpu.memory_space<semaphore_mem>>, %arg12: memref<!tpu.dma_semaphore, #tpu.memory_space<semaphore_mem>>, %arg13: memref<!tpu.dma_semaphore, #tpu.memory_space<semaphore_mem>>, %arg14: memref<!tpu.dma_semaphore, #tpu.memory_space<semaphore_mem>>, %arg15: memref<!tpu.dma_semaphore, #tpu.memory_space<semaphore_mem>>) attributes {dimension_semantics = [#tpu.dimension_semantics<core_parallel>, #tpu.dimension_semantics<subcore_parallel>], iteration_bounds = array<i64: 2, 16>, scalar_prefetch = 0 : i64, scratch_operands = 10 : i64, tpu.core_type = #tpu.core_type<sc_vector_subcore>, window_params = [{transform_indices = #map}, {transform_indices = #map1}, {transform_indices = #map1}, {transform_indices = #map}]} {
    %mul3A = arith.constant 16 : i32
    %mul3A_0 = arith.muli %arg0, %mul3A : i32
    %add3A = arith.addi %mul3A_0, %arg1 : i32
    %mul3A_1 = arith.constant 624 : i32
    %mul3A_2 = arith.muli %arg1, %mul3A_1 : i32
    %mul3A_3 = arith.constant 624 : i32
    %mul3A_4 = arith.muli %arg1, %mul3A_3 : i32
    %dma_start3A = arith.constant 0 : i32
    %dma_start3A_5 = tpu.memref_slice %arg6[%mul3A_4, %dma_start3A] : memref<10000x128xf32, #tpu.memory_space<vmem_shared>> -> memref<624x128xf32, #tpu.memory_space<vmem_shared>>
    %dma_start3A_6 = arith.constant 0 : i32
    %dma_start3A_7 = tpu.memref_slice %arg2[%mul3A_2, %dma_start3A_6] : memref<10000x128xf32, #tpu.memory_space<hbm>> -> memref<624x128xf32, #tpu.memory_space<hbm>>
    tpu.enqueue_dma source(%dma_start3A_7 : memref<624x128xf32, #tpu.memory_space<hbm>>) target(%dma_start3A_5 : memref<624x128xf32, #tpu.memory_space<vmem_shared>>) target_semaphore(%arg10 : memref<!tpu.dma_semaphore, #tpu.memory_space<semaphore_mem>>)
    %eq3A = arith.constant 15 : i32
    %eq3A_8 = arith.cmpi eq, %arg1, %eq3A : i32
    %convert_element_type3A = arith.extui %eq3A_8 : i1 to i32
    %cond3A = arith.constant 0 : i32
    %cond3A_9 = arith.cmpi ne, %convert_element_type3A, %cond3A : i32
    scf.if %cond3A_9 {
      %dma_start3A_151 = arith.constant 9984 : i32
      %dma_start3A_152 = arith.constant 0 : i32
      %dma_start3A_153 = tpu.memref_slice %arg6[%dma_start3A_151, %dma_start3A_152] : memref<10000x128xf32, #tpu.memory_space<vmem_shared>> -> memref<16x128xf32, #tpu.memory_space<vmem_shared>>
      %dma_start3A_154 = arith.constant 9984 : i32
      %dma_start3A_155 = arith.constant 0 : i32
      %dma_start3A_156 = tpu.memref_slice %arg2[%dma_start3A_154, %dma_start3A_155] : memref<10000x128xf32, #tpu.memory_space<hbm>> -> memref<16x128xf32, #tpu.memory_space<hbm>>
      tpu.enqueue_dma source(%dma_start3A_156 : memref<16x128xf32, #tpu.memory_space<hbm>>) target(%dma_start3A_153 : memref<16x128xf32, #tpu.memory_space<vmem_shared>>) target_semaphore(%arg10 : memref<!tpu.dma_semaphore, #tpu.memory_space<semaphore_mem>>)
    } else {
    }
    %dma_start3A_10 = arith.constant 0 : i32
    %dma_start3A_11 = arith.constant 0 : i32
    %dma_start3A_12 = arith.constant 0 : i32
    %dma_start3A_13 = arith.constant 0 : i32
    %dma_start3A_14 = tpu.memref_slice %arg7[%dma_start3A_11, %dma_start3A_12, %dma_start3A_13] : memref<2x25x80xi32, #tpu.memory_space<vmem>> -> memref<1x25x80xi32, #tpu.memory_space<vmem>>
    %dma_start3A_15 = tpu.memref_squeeze %dma_start3A_14 : memref<1x25x80xi32, #tpu.memory_space<vmem>> -> memref<25x80xi32, #tpu.memory_space<vmem>>
    %dma_start3A_16 = arith.constant 0 : i32
    %dma_start3A_17 = arith.constant 0 : i32
    %dma_start3A_18 = tpu.memref_slice %arg3[%add3A, %dma_start3A_10, %dma_start3A_16, %dma_start3A_17] : memref<32x5x25x80xi32, #tpu.memory_space<hbm>> -> memref<1x1x25x80xi32, #tpu.memory_space<hbm>>
    %dma_start3A_19 = tpu.memref_squeeze %dma_start3A_18 : memref<1x1x25x80xi32, #tpu.memory_space<hbm>> -> memref<25x80xi32, #tpu.memory_space<hbm>>
    %dma_start3A_20 = arith.constant 0 : i32
    %dma_start3A_21 = arith.constant 0 : i32
    %dma_start3A_22 = tpu.memref_slice %arg7[%dma_start3A_11, %dma_start3A_20, %dma_start3A_21] : memref<2x25x80xi32, #tpu.memory_space<vmem>> -> memref<1x25x80xi32, #tpu.memory_space<vmem>>
    %dma_start3A_23 = tpu.memref_squeeze %dma_start3A_22 : memref<1x25x80xi32, #tpu.memory_space<vmem>> -> memref<25x80xi32, #tpu.memory_space<vmem>>
    %dma_start3A_24 = arith.constant 0 : i32
    %dma_start3A_25 = arith.constant 0 : i32
    %dma_start3A_26 = tpu.memref_slice %arg3[%add3A, %dma_start3A_10, %dma_start3A_24, %dma_start3A_25] : memref<32x5x25x80xi32, #tpu.memory_space<hbm>> -> memref<1x1x25x80xi32, #tpu.memory_space<hbm>>
    %dma_start3A_27 = tpu.memref_squeeze %dma_start3A_26 : memref<1x1x25x80xi32, #tpu.memory_space<hbm>> -> memref<25x80xi32, #tpu.memory_space<hbm>>
    tpu.enqueue_dma source(%dma_start3A_27 : memref<25x80xi32, #tpu.memory_space<hbm>>) target(%dma_start3A_23 : memref<25x80xi32, #tpu.memory_space<vmem>>) target_semaphore(%arg11 : memref<!tpu.dma_semaphore, #tpu.memory_space<semaphore_mem>>)
    %dma_start3A_28 = arith.constant 0 : i32
    %dma_start3A_29 = arith.constant 0 : i32
    %dma_start3A_30 = arith.constant 0 : i32
    %dma_start3A_31 = arith.constant 0 : i32
    %dma_start3A_32 = tpu.memref_slice %arg8[%dma_start3A_29, %dma_start3A_30, %dma_start3A_31] : memref<2x25x80xi32, #tpu.memory_space<vmem>> -> memref<1x25x80xi32, #tpu.memory_space<vmem>>
    %dma_start3A_33 = tpu.memref_squeeze %dma_start3A_32 : memref<1x25x80xi32, #tpu.memory_space<vmem>> -> memref<25x80xi32, #tpu.memory_space<vmem>>
    %dma_start3A_34 = arith.constant 0 : i32
    %dma_start3A_35 = arith.constant 0 : i32
    %dma_start3A_36 = tpu.memref_slice %arg4[%add3A, %dma_start3A_28, %dma_start3A_34, %dma_start3A_35] : memref<32x5x25x80xi32, #tpu.memory_space<hbm>> -> memref<1x1x25x80xi32, #tpu.memory_space<hbm>>
    %dma_start3A_37 = tpu.memref_squeeze %dma_start3A_36 : memref<1x1x25x80xi32, #tpu.memory_space<hbm>> -> memref<25x80xi32, #tpu.memory_space<hbm>>
    %dma_start3A_38 = arith.constant 0 : i32
    %dma_start3A_39 = arith.constant 0 : i32
    %dma_start3A_40 = tpu.memref_slice %arg8[%dma_start3A_29, %dma_start3A_38, %dma_start3A_39] : memref<2x25x80xi32, #tpu.memory_space<vmem>> -> memref<1x25x80xi32, #tpu.memory_space<vmem>>
    %dma_start3A_41 = tpu.memref_squeeze %dma_start3A_40 : memref<1x25x80xi32, #tpu.memory_space<vmem>> -> memref<25x80xi32, #tpu.memory_space<vmem>>
    %dma_start3A_42 = arith.constant 0 : i32
    %dma_start3A_43 = arith.constant 0 : i32
    %dma_start3A_44 = tpu.memref_slice %arg4[%add3A, %dma_start3A_28, %dma_start3A_42, %dma_start3A_43] : memref<32x5x25x80xi32, #tpu.memory_space<hbm>> -> memref<1x1x25x80xi32, #tpu.memory_space<hbm>>
    %dma_start3A_45 = tpu.memref_squeeze %dma_start3A_44 : memref<1x1x25x80xi32, #tpu.memory_space<hbm>> -> memref<25x80xi32, #tpu.memory_space<hbm>>
    tpu.enqueue_dma source(%dma_start3A_45 : memref<25x80xi32, #tpu.memory_space<hbm>>) target(%dma_start3A_41 : memref<25x80xi32, #tpu.memory_space<vmem>>) target_semaphore(%arg11 : memref<!tpu.dma_semaphore, #tpu.memory_space<semaphore_mem>>)
    %dma_wait3A = arith.constant 0 : i32
    %dma_wait3A_46 = arith.constant 0 : i32
    %dma_wait3A_47 = arith.constant 0 : i32
    %dma_wait3A_48 = arith.constant 0 : i32
    %dma_wait3A_49 = tpu.memref_slice %arg7[%dma_wait3A_46, %dma_wait3A_47, %dma_wait3A_48] : memref<2x25x80xi32, #tpu.memory_space<vmem>> -> memref<1x25x80xi32, #tpu.memory_space<vmem>>
    %dma_wait3A_50 = tpu.memref_squeeze %dma_wait3A_49 : memref<1x25x80xi32, #tpu.memory_space<vmem>> -> memref<25x80xi32, #tpu.memory_space<vmem>>
    %dma_wait3A_51 = arith.constant 0 : i32
    %dma_wait3A_52 = arith.constant 0 : i32
    %dma_wait3A_53 = tpu.memref_slice %arg3[%add3A, %dma_wait3A, %dma_wait3A_51, %dma_wait3A_52] : memref<32x5x25x80xi32, #tpu.memory_space<hbm>> -> memref<1x1x25x80xi32, #tpu.memory_space<hbm>>
    %dma_wait3A_54 = tpu.memref_squeeze %dma_wait3A_53 : memref<1x1x25x80xi32, #tpu.memory_space<hbm>> -> memref<25x80xi32, #tpu.memory_space<hbm>>
    %dma_wait3A_55 = arith.constant 0 : i32
    %dma_wait3A_56 = arith.constant 0 : i32
    %dma_wait3A_57 = tpu.memref_slice %arg7[%dma_wait3A_46, %dma_wait3A_55, %dma_wait3A_56] : memref<2x25x80xi32, #tpu.memory_space<vmem>> -> memref<1x25x80xi32, #tpu.memory_space<vmem>>
    %dma_wait3A_58 = tpu.memref_squeeze %dma_wait3A_57 : memref<1x25x80xi32, #tpu.memory_space<vmem>> -> memref<25x80xi32, #tpu.memory_space<vmem>>
    %dma_wait3A_59 = arith.constant 0 : i32
    %dma_wait3A_60 = arith.constant 0 : i32
    %dma_wait3A_61 = tpu.memref_slice %arg3[%add3A, %dma_wait3A, %dma_wait3A_59, %dma_wait3A_60] : memref<32x5x25x80xi32, #tpu.memory_space<hbm>> -> memref<1x1x25x80xi32, #tpu.memory_space<hbm>>
    %dma_wait3A_62 = tpu.memref_squeeze %dma_wait3A_61 : memref<1x1x25x80xi32, #tpu.memory_space<hbm>> -> memref<25x80xi32, #tpu.memory_space<hbm>>
    tpu.wait_dma2 semaphore(%arg11 : memref<!tpu.dma_semaphore, #tpu.memory_space<semaphore_mem>>) src(%dma_wait3A_62 : memref<25x80xi32, #tpu.memory_space<hbm>>) dst(%dma_wait3A_58 : memref<25x80xi32, #tpu.memory_space<vmem>>)
    %dma_wait3A_63 = arith.constant 0 : i32
    %dma_wait3A_64 = arith.constant 0 : i32
    %dma_wait3A_65 = arith.constant 0 : i32
    %dma_wait3A_66 = arith.constant 0 : i32
    %dma_wait3A_67 = tpu.memref_slice %arg8[%dma_wait3A_64, %dma_wait3A_65, %dma_wait3A_66] : memref<2x25x80xi32, #tpu.memory_space<vmem>> -> memref<1x25x80xi32, #tpu.memory_space<vmem>>
    %dma_wait3A_68 = tpu.memref_squeeze %dma_wait3A_67 : memref<1x25x80xi32, #tpu.memory_space<vmem>> -> memref<25x80xi32, #tpu.memory_space<vmem>>
    %dma_wait3A_69 = arith.constant 0 : i32
    %dma_wait3A_70 = arith.constant 0 : i32
    %dma_wait3A_71 = tpu.memref_slice %arg4[%add3A, %dma_wait3A_63, %dma_wait3A_69, %dma_wait3A_70] : memref<32x5x25x80xi32, #tpu.memory_space<hbm>> -> memref<1x1x25x80xi32, #tpu.memory_space<hbm>>
    %dma_wait3A_72 = tpu.memref_squeeze %dma_wait3A_71 : memref<1x1x25x80xi32, #tpu.memory_space<hbm>> -> memref<25x80xi32, #tpu.memory_space<hbm>>
    %dma_wait3A_73 = arith.constant 0 : i32
    %dma_wait3A_74 = arith.constant 0 : i32
    %dma_wait3A_75 = tpu.memref_slice %arg8[%dma_wait3A_64, %dma_wait3A_73, %dma_wait3A_74] : memref<2x25x80xi32, #tpu.memory_space<vmem>> -> memref<1x25x80xi32, #tpu.memory_space<vmem>>
    %dma_wait3A_76 = tpu.memref_squeeze %dma_wait3A_75 : memref<1x25x80xi32, #tpu.memory_space<vmem>> -> memref<25x80xi32, #tpu.memory_space<vmem>>
    %dma_wait3A_77 = arith.constant 0 : i32
    %dma_wait3A_78 = arith.constant 0 : i32
    %dma_wait3A_79 = tpu.memref_slice %arg4[%add3A, %dma_wait3A_63, %dma_wait3A_77, %dma_wait3A_78] : memref<32x5x25x80xi32, #tpu.memory_space<hbm>> -> memref<1x1x25x80xi32, #tpu.memory_space<hbm>>
    %dma_wait3A_80 = tpu.memref_squeeze %dma_wait3A_79 : memref<1x1x25x80xi32, #tpu.memory_space<hbm>> -> memref<25x80xi32, #tpu.memory_space<hbm>>
    tpu.wait_dma2 semaphore(%arg11 : memref<!tpu.dma_semaphore, #tpu.memory_space<semaphore_mem>>) src(%dma_wait3A_80 : memref<25x80xi32, #tpu.memory_space<hbm>>) dst(%dma_wait3A_76 : memref<25x80xi32, #tpu.memory_space<vmem>>)
    %dma_start3A_81 = arith.constant 0 : i32
    %dma_start3A_82 = arith.constant 0 : i32
    %dma_start3A_83 = arith.constant 0 : i32
    %dma_start3A_84 = arith.constant 0 : i32
    %dma_start3A_85 = arith.constant 0 : i32
    %dma_start3A_86 = tpu.memref_slice %arg9[%dma_start3A_83, %dma_start3A_84, %dma_start3A_85] : memref<3x80x128xf32, #tpu.memory_space<vmem>> -> memref<1x80x128xf32, #tpu.memory_space<vmem>>
    %dma_start3A_87 = tpu.memref_squeeze %dma_start3A_86 : memref<1x80x128xf32, #tpu.memory_space<vmem>> -> memref<80x128xf32, #tpu.memory_space<vmem>>
    %dma_start3A_88 = arith.constant 0 : i32
    %dma_start3A_89 = tpu.memref_slice %arg7[%dma_start3A_81, %dma_start3A_82, %dma_start3A_88] : memref<2x25x80xi32, #tpu.memory_space<vmem>> -> memref<1x1x80xi32, #tpu.memory_space<vmem>>
    %dma_start3A_90 = tpu.memref_squeeze %dma_start3A_89 : memref<1x1x80xi32, #tpu.memory_space<vmem>> -> memref<80xi32, #tpu.memory_space<vmem>>
    %dma_start3A_91 = arith.constant 0 : i32
    %dma_start3A_92 = arith.constant 0 : i32
    %dma_start3A_93 = tpu.memref_slice %arg2[%dma_start3A_91, %dma_start3A_92] : memref<10000x128xf32, #tpu.memory_space<hbm>> -> memref<10000x128xf32, #tpu.memory_space<hbm>>
    tpu.enqueue_indirect_dma source(%dma_start3A_93 : memref<10000x128xf32, #tpu.memory_space<hbm>>) target(%dma_start3A_87 : memref<80x128xf32, #tpu.memory_space<vmem>>) offsets(%dma_start3A_90 : memref<80xi32, #tpu.memory_space<vmem>>) semaphore(%arg13 : memref<!tpu.dma_semaphore, #tpu.memory_space<semaphore_mem>>)
    %dma_start3A_94 = arith.constant 0 : i32
    %dma_start3A_95 = arith.constant 1 : i32
    %dma_start3A_96 = arith.constant 1 : i32
    %dma_start3A_97 = arith.constant 0 : i32
    %dma_start3A_98 = arith.constant 0 : i32
    %dma_start3A_99 = tpu.memref_slice %arg9[%dma_start3A_96, %dma_start3A_97, %dma_start3A_98] : memref<3x80x128xf32, #tpu.memory_space<vmem>> -> memref<1x80x128xf32, #tpu.memory_space<vmem>>
    %dma_start3A_100 = tpu.memref_squeeze %dma_start3A_99 : memref<1x80x128xf32, #tpu.memory_space<vmem>> -> memref<80x128xf32, #tpu.memory_space<vmem>>
    %dma_start3A_101 = arith.constant 0 : i32
    %dma_start3A_102 = tpu.memref_slice %arg7[%dma_start3A_94, %dma_start3A_95, %dma_start3A_101] : memref<2x25x80xi32, #tpu.memory_space<vmem>> -> memref<1x1x80xi32, #tpu.memory_space<vmem>>
    %dma_start3A_103 = tpu.memref_squeeze %dma_start3A_102 : memref<1x1x80xi32, #tpu.memory_space<vmem>> -> memref<80xi32, #tpu.memory_space<vmem>>
    %dma_start3A_104 = arith.constant 0 : i32
    %dma_start3A_105 = arith.constant 0 : i32
    %dma_start3A_106 = tpu.memref_slice %arg2[%dma_start3A_104, %dma_start3A_105] : memref<10000x128xf32, #tpu.memory_space<hbm>> -> memref<10000x128xf32, #tpu.memory_space<hbm>>
    tpu.enqueue_indirect_dma source(%dma_start3A_106 : memref<10000x128xf32, #tpu.memory_space<hbm>>) target(%dma_start3A_100 : memref<80x128xf32, #tpu.memory_space<vmem>>) offsets(%dma_start3A_103 : memref<80xi32, #tpu.memory_space<vmem>>) semaphore(%arg14 : memref<!tpu.dma_semaphore, #tpu.memory_space<semaphore_mem>>)
    %dma_start3A_107 = arith.constant 0 : i32
    %dma_start3A_108 = arith.constant 2 : i32
    %dma_start3A_109 = arith.constant 2 : i32
    %dma_start3A_110 = arith.constant 0 : i32
    %dma_start3A_111 = arith.constant 0 : i32
    %dma_start3A_112 = tpu.memref_slice %arg9[%dma_start3A_109, %dma_start3A_110, %dma_start3A_111] : memref<3x80x128xf32, #tpu.memory_space<vmem>> -> memref<1x80x128xf32, #tpu.memory_space<vmem>>
    %dma_start3A_113 = tpu.memref_squeeze %dma_start3A_112 : memref<1x80x128xf32, #tpu.memory_space<vmem>> -> memref<80x128xf32, #tpu.memory_space<vmem>>
    %dma_start3A_114 = arith.constant 0 : i32
    %dma_start3A_115 = tpu.memref_slice %arg7[%dma_start3A_107, %dma_start3A_108, %dma_start3A_114] : memref<2x25x80xi32, #tpu.memory_space<vmem>> -> memref<1x1x80xi32, #tpu.memory_space<vmem>>
    %dma_start3A_116 = tpu.memref_squeeze %dma_start3A_115 : memref<1x1x80xi32, #tpu.memory_space<vmem>> -> memref<80xi32, #tpu.memory_space<vmem>>
    %dma_start3A_117 = arith.constant 0 : i32
    %dma_start3A_118 = arith.constant 0 : i32
    %dma_start3A_119 = tpu.memref_slice %arg2[%dma_start3A_117, %dma_start3A_118] : memref<10000x128xf32, #tpu.memory_space<hbm>> -> memref<10000x128xf32, #tpu.memory_space<hbm>>
    tpu.enqueue_indirect_dma source(%dma_start3A_119 : memref<10000x128xf32, #tpu.memory_space<hbm>>) target(%dma_start3A_113 : memref<80x128xf32, #tpu.memory_space<vmem>>) offsets(%dma_start3A_116 : memref<80xi32, #tpu.memory_space<vmem>>) semaphore(%arg15 : memref<!tpu.dma_semaphore, #tpu.memory_space<semaphore_mem>>)
    %mul3A_120 = arith.constant 624 : i32
    %mul3A_121 = arith.muli %arg1, %mul3A_120 : i32
    %mul3A_122 = arith.constant 624 : i32
    %mul3A_123 = arith.muli %arg1, %mul3A_122 : i32
    %dma_wait3A_124 = arith.constant 0 : i32
    %dma_wait3A_125 = tpu.memref_slice %arg6[%mul3A_123, %dma_wait3A_124] : memref<10000x128xf32, #tpu.memory_space<vmem_shared>> -> memref<624x128xf32, #tpu.memory_space<vmem_shared>>
    %dma_wait3A_126 = arith.constant 0 : i32
    %dma_wait3A_127 = tpu.memref_slice %arg2[%mul3A_121, %dma_wait3A_126] : memref<10000x128xf32, #tpu.memory_space<hbm>> -> memref<624x128xf32, #tpu.memory_space<hbm>>
    tpu.wait_dma2 semaphore(%arg10 : memref<!tpu.dma_semaphore, #tpu.memory_space<semaphore_mem>>) src(%dma_wait3A_127 : memref<624x128xf32, #tpu.memory_space<hbm>>) dst(%dma_wait3A_125 : memref<624x128xf32, #tpu.memory_space<vmem_shared>>)
    %eq3A_128 = arith.constant 15 : i32
    %eq3A_129 = arith.cmpi eq, %arg1, %eq3A_128 : i32
    %convert_element_type3A_130 = arith.extui %eq3A_129 : i1 to i32
    %cond3A_131 = arith.constant 0 : i32
    %cond3A_132 = arith.cmpi ne, %convert_element_type3A_130, %cond3A_131 : i32
    scf.if %cond3A_132 {
      %dma_wait3A_151 = arith.constant 9984 : i32
      %dma_wait3A_152 = arith.constant 0 : i32
      %dma_wait3A_153 = tpu.memref_slice %arg6[%dma_wait3A_151, %dma_wait3A_152] : memref<10000x128xf32, #tpu.memory_space<vmem_shared>> -> memref<16x128xf32, #tpu.memory_space<vmem_shared>>
      %dma_wait3A_154 = arith.constant 9984 : i32
      %dma_wait3A_155 = arith.constant 0 : i32
      %dma_wait3A_156 = tpu.memref_slice %arg2[%dma_wait3A_154, %dma_wait3A_155] : memref<10000x128xf32, #tpu.memory_space<hbm>> -> memref<16x128xf32, #tpu.memory_space<hbm>>
      tpu.wait_dma2 semaphore(%arg10 : memref<!tpu.dma_semaphore, #tpu.memory_space<semaphore_mem>>) src(%dma_wait3A_156 : memref<16x128xf32, #tpu.memory_space<hbm>>) dst(%dma_wait3A_153 : memref<16x128xf32, #tpu.memory_space<vmem_shared>>)
    } else {
    }
    %barrier3A = arith.constant 0 : index
    tpu.barrier barrier_id(%barrier3A)
    %scan3A = arith.constant 0 : i32
    %scan3A_133 = arith.constant 0 : i32
    %scan3A_134 = arith.constant 125 : i32
    %scan3A_135 = arith.addi %scan3A_133, %scan3A_134 : i32
    %scan3A_136 = arith.constant 1 : i32
    scf.for %scan3A_151 = %scan3A_133 to %scan3A_135 step %scan3A_136  : i32 {
      %div3A = arith.constant 25 : i32
      %div3A_152 = arith.divsi %scan3A_151, %div3A : i32
      %rem3A = arith.constant 25 : i32
      %rem3A_153 = arith.remsi %scan3A_151, %rem3A : i32
      %rem3A_154 = arith.constant 2 : i32
      %rem3A_155 = arith.remsi %div3A_152, %rem3A_154 : i32
      %eq3A_156 = arith.constant 0 : i32
      %eq3A_157 = arith.cmpi eq, %rem3A_155, %eq3A_156 : i32
      %convert_element_type3A_158 = arith.extui %eq3A_157 : i1 to i32
      %cond3A_159 = arith.constant 0 : i32
      %cond3A_160 = arith.cmpi ne, %convert_element_type3A_158, %cond3A_159 : i32
      scf.if %cond3A_160 {
        %eq3A_168 = arith.constant 0 : i32
        %eq3A_169 = arith.cmpi eq, %rem3A_153, %eq3A_168 : i32
        %add3A_170 = arith.constant 1 : i32
        %add3A_171 = arith.addi %div3A_152, %add3A_170 : i32
        %lt3A = arith.constant 5 : i32
        %lt3A_172 = arith.cmpi slt, %add3A_171, %lt3A : i32
        %and3A = arith.andi %eq3A_169, %lt3A_172 : i1
        %convert_element_type3A_173 = arith.extui %and3A : i1 to i32
        %cond3A_174 = arith.constant 0 : i32
        %cond3A_175 = arith.cmpi ne, %convert_element_type3A_173, %cond3A_174 : i32
        scf.if %cond3A_175 {
          %add3A_197 = arith.constant 1 : i32
          %add3A_198 = arith.addi %div3A_152, %add3A_197 : i32
          %dma_start3A_199 = arith.constant 1 : i32
          %dma_start3A_200 = arith.constant 0 : i32
          %dma_start3A_201 = arith.constant 0 : i32
          %dma_start3A_202 = tpu.memref_slice %arg7[%dma_start3A_199, %dma_start3A_200, %dma_start3A_201] : memref<2x25x80xi32, #tpu.memory_space<vmem>> -> memref<1x25x80xi32, #tpu.memory_space<vmem>>
          %dma_start3A_203 = tpu.memref_squeeze %dma_start3A_202 : memref<1x25x80xi32, #tpu.memory_space<vmem>> -> memref<25x80xi32, #tpu.memory_space<vmem>>
          %dma_start3A_204 = arith.constant 0 : i32
          %dma_start3A_205 = arith.constant 0 : i32
          %dma_start3A_206 = tpu.memref_slice %arg3[%add3A, %add3A_198, %dma_start3A_204, %dma_start3A_205] : memref<32x5x25x80xi32, #tpu.memory_space<hbm>> -> memref<1x1x25x80xi32, #tpu.memory_space<hbm>>
          %dma_start3A_207 = tpu.memref_squeeze %dma_start3A_206 : memref<1x1x25x80xi32, #tpu.memory_space<hbm>> -> memref<25x80xi32, #tpu.memory_space<hbm>>
          %dma_start3A_208 = arith.constant 0 : i32
          %dma_start3A_209 = arith.constant 0 : i32
          %dma_start3A_210 = tpu.memref_slice %arg7[%dma_start3A_199, %dma_start3A_208, %dma_start3A_209] : memref<2x25x80xi32, #tpu.memory_space<vmem>> -> memref<1x25x80xi32, #tpu.memory_space<vmem>>
          %dma_start3A_211 = tpu.memref_squeeze %dma_start3A_210 : memref<1x25x80xi32, #tpu.memory_space<vmem>> -> memref<25x80xi32, #tpu.memory_space<vmem>>
          %dma_start3A_212 = arith.constant 0 : i32
          %dma_start3A_213 = arith.constant 0 : i32
          %dma_start3A_214 = tpu.memref_slice %arg3[%add3A, %add3A_198, %dma_start3A_212, %dma_start3A_213] : memref<32x5x25x80xi32, #tpu.memory_space<hbm>> -> memref<1x1x25x80xi32, #tpu.memory_space<hbm>>
          %dma_start3A_215 = tpu.memref_squeeze %dma_start3A_214 : memref<1x1x25x80xi32, #tpu.memory_space<hbm>> -> memref<25x80xi32, #tpu.memory_space<hbm>>
          tpu.enqueue_dma source(%dma_start3A_215 : memref<25x80xi32, #tpu.memory_space<hbm>>) target(%dma_start3A_211 : memref<25x80xi32, #tpu.memory_space<vmem>>) target_semaphore(%arg12 : memref<!tpu.dma_semaphore, #tpu.memory_space<semaphore_mem>>)
          %add3A_216 = arith.constant 1 : i32
          %add3A_217 = arith.addi %div3A_152, %add3A_216 : i32
          %dma_start3A_218 = arith.constant 1 : i32
          %dma_start3A_219 = arith.constant 0 : i32
          %dma_start3A_220 = arith.constant 0 : i32
          %dma_start3A_221 = tpu.memref_slice %arg8[%dma_start3A_218, %dma_start3A_219, %dma_start3A_220] : memref<2x25x80xi32, #tpu.memory_space<vmem>> -> memref<1x25x80xi32, #tpu.memory_space<vmem>>
          %dma_start3A_222 = tpu.memref_squeeze %dma_start3A_221 : memref<1x25x80xi32, #tpu.memory_space<vmem>> -> memref<25x80xi32, #tpu.memory_space<vmem>>
          %dma_start3A_223 = arith.constant 0 : i32
          %dma_start3A_224 = arith.constant 0 : i32
          %dma_start3A_225 = tpu.memref_slice %arg4[%add3A, %add3A_217, %dma_start3A_223, %dma_start3A_224] : memref<32x5x25x80xi32, #tpu.memory_space<hbm>> -> memref<1x1x25x80xi32, #tpu.memory_space<hbm>>
          %dma_start3A_226 = tpu.memref_squeeze %dma_start3A_225 : memref<1x1x25x80xi32, #tpu.memory_space<hbm>> -> memref<25x80xi32, #tpu.memory_space<hbm>>
          %dma_start3A_227 = arith.constant 0 : i32
          %dma_start3A_228 = arith.constant 0 : i32
          %dma_start3A_229 = tpu.memref_slice %arg8[%dma_start3A_218, %dma_start3A_227, %dma_start3A_228] : memref<2x25x80xi32, #tpu.memory_space<vmem>> -> memref<1x25x80xi32, #tpu.memory_space<vmem>>
          %dma_start3A_230 = tpu.memref_squeeze %dma_start3A_229 : memref<1x25x80xi32, #tpu.memory_space<vmem>> -> memref<25x80xi32, #tpu.memory_space<vmem>>
          %dma_start3A_231 = arith.constant 0 : i32
          %dma_start3A_232 = arith.constant 0 : i32
          %dma_start3A_233 = tpu.memref_slice %arg4[%add3A, %add3A_217, %dma_start3A_231, %dma_start3A_232] : memref<32x5x25x80xi32, #tpu.memory_space<hbm>> -> memref<1x1x25x80xi32, #tpu.memory_space<hbm>>
          %dma_start3A_234 = tpu.memref_squeeze %dma_start3A_233 : memref<1x1x25x80xi32, #tpu.memory_space<hbm>> -> memref<25x80xi32, #tpu.memory_space<hbm>>
          tpu.enqueue_dma source(%dma_start3A_234 : memref<25x80xi32, #tpu.memory_space<hbm>>) target(%dma_start3A_230 : memref<25x80xi32, #tpu.memory_space<vmem>>) target_semaphore(%arg12 : memref<!tpu.dma_semaphore, #tpu.memory_space<semaphore_mem>>)
        } else {
        }
        %rem3A_176 = arith.constant 3 : i32
        %rem3A_177 = arith.remsi %scan3A_151, %rem3A_176 : i32
        %eq3A_178 = arith.constant 0 : i32
        %eq3A_179 = arith.cmpi eq, %rem3A_177, %eq3A_178 : i32
        %convert_element_type3A_180 = arith.extui %eq3A_179 : i1 to i32
        %cond3A_181 = arith.constant 0 : i32
        %cond3A_182 = arith.cmpi ne, %convert_element_type3A_180, %cond3A_181 : i32
        scf.if %cond3A_182 {
          %dma_wait3A_197 = arith.constant 0 : i32
          %dma_wait3A_198 = arith.constant 0 : i32
          %dma_wait3A_199 = arith.constant 0 : i32
          %dma_wait3A_200 = arith.constant 0 : i32
          %dma_wait3A_201 = tpu.memref_slice %arg9[%dma_wait3A_198, %dma_wait3A_199, %dma_wait3A_200] : memref<3x80x128xf32, #tpu.memory_space<vmem>> -> memref<1x80x128xf32, #tpu.memory_space<vmem>>
          %dma_wait3A_202 = tpu.memref_squeeze %dma_wait3A_201 : memref<1x80x128xf32, #tpu.memory_space<vmem>> -> memref<80x128xf32, #tpu.memory_space<vmem>>
          %dma_wait3A_203 = arith.constant 0 : i32
          %dma_wait3A_204 = tpu.memref_slice %arg7[%dma_wait3A_197, %rem3A_153, %dma_wait3A_203] : memref<2x25x80xi32, #tpu.memory_space<vmem>> -> memref<1x1x80xi32, #tpu.memory_space<vmem>>
          %dma_wait3A_205 = tpu.memref_squeeze %dma_wait3A_204 : memref<1x1x80xi32, #tpu.memory_space<vmem>> -> memref<80xi32, #tpu.memory_space<vmem>>
          %dma_wait3A_206 = arith.constant 0 : i32
          %dma_wait3A_207 = arith.constant 0 : i32
          %dma_wait3A_208 = tpu.memref_slice %arg2[%dma_wait3A_206, %dma_wait3A_207] : memref<10000x128xf32, #tpu.memory_space<hbm>> -> memref<10000x128xf32, #tpu.memory_space<hbm>>
          tpu.wait_indirect_dma semaphore(%arg13 : memref<!tpu.dma_semaphore, #tpu.memory_space<semaphore_mem>>) src(%dma_wait3A_208 : memref<10000x128xf32, #tpu.memory_space<hbm>>) dst(%dma_wait3A_202 : memref<80x128xf32, #tpu.memory_space<vmem>>)
          %run_scoped3A = arith.constant 0 : i32
          %run_scoped3A_209 = arith.constant 0 : i32
          "tpu.region"() ({
            %run_scoped3A_233 = tpu.sem_alloc : memref<!tpu.dma_semaphore, #tpu.memory_space<semaphore_mem>>
            %dma_start3A_234 = arith.constant 0 : i32
            %dma_start3A_235 = arith.constant 0 : i32
            %dma_start3A_236 = tpu.memref_slice %arg9[%run_scoped3A, %dma_start3A_234, %dma_start3A_235] : memref<3x80x128xf32, #tpu.memory_space<vmem>> -> memref<1x80x128xf32, #tpu.memory_space<vmem>>
            %dma_start3A_237 = tpu.memref_squeeze %dma_start3A_236 : memref<1x80x128xf32, #tpu.memory_space<vmem>> -> memref<80x128xf32, #tpu.memory_space<vmem>>
            %dma_start3A_238 = arith.constant 0 : i32
            %dma_start3A_239 = tpu.memref_slice %arg8[%run_scoped3A_209, %rem3A_153, %dma_start3A_238] : memref<2x25x80xi32, #tpu.memory_space<vmem>> -> memref<1x1x80xi32, #tpu.memory_space<vmem>>
            %dma_start3A_240 = tpu.memref_squeeze %dma_start3A_239 : memref<1x1x80xi32, #tpu.memory_space<vmem>> -> memref<80xi32, #tpu.memory_space<vmem>>
            %dma_start3A_241 = arith.constant 0 : i32
            %dma_start3A_242 = arith.constant 0 : i32
            %dma_start3A_243 = tpu.memref_slice %arg6[%dma_start3A_241, %dma_start3A_242] : memref<10000x128xf32, #tpu.memory_space<vmem_shared>> -> memref<10000x128xf32, #tpu.memory_space<vmem_shared>>
            tpu.enqueue_indirect_dma source(%dma_start3A_237 : memref<80x128xf32, #tpu.memory_space<vmem>>) target(%dma_start3A_243 : memref<10000x128xf32, #tpu.memory_space<vmem_shared>>) offsets(%dma_start3A_240 : memref<80xi32, #tpu.memory_space<vmem>>) semaphore(%run_scoped3A_233 : memref<!tpu.dma_semaphore, #tpu.memory_space<semaphore_mem>>) {add = true}
            %dma_wait3A_244 = arith.constant 0 : i32
            %dma_wait3A_245 = arith.constant 0 : i32
            %dma_wait3A_246 = tpu.memref_slice %arg9[%run_scoped3A, %dma_wait3A_244, %dma_wait3A_245] : memref<3x80x128xf32, #tpu.memory_space<vmem>> -> memref<1x80x128xf32, #tpu.memory_space<vmem>>
            %dma_wait3A_247 = tpu.memref_squeeze %dma_wait3A_246 : memref<1x80x128xf32, #tpu.memory_space<vmem>> -> memref<80x128xf32, #tpu.memory_space<vmem>>
            %dma_wait3A_248 = arith.constant 0 : i32
            %dma_wait3A_249 = tpu.memref_slice %arg8[%run_scoped3A_209, %rem3A_153, %dma_wait3A_248] : memref<2x25x80xi32, #tpu.memory_space<vmem>> -> memref<1x1x80xi32, #tpu.memory_space<vmem>>
            %dma_wait3A_250 = tpu.memref_squeeze %dma_wait3A_249 : memref<1x1x80xi32, #tpu.memory_space<vmem>> -> memref<80xi32, #tpu.memory_space<vmem>>
            %dma_wait3A_251 = arith.constant 0 : i32
            %dma_wait3A_252 = arith.constant 0 : i32
            %dma_wait3A_253 = tpu.memref_slice %arg6[%dma_wait3A_251, %dma_wait3A_252] : memref<10000x128xf32, #tpu.memory_space<vmem_shared>> -> memref<10000x128xf32, #tpu.memory_space<vmem_shared>>
            tpu.wait_indirect_dma semaphore(%run_scoped3A_233 : memref<!tpu.dma_semaphore, #tpu.memory_space<semaphore_mem>>) src(%dma_wait3A_247 : memref<80x128xf32, #tpu.memory_space<vmem>>) dst(%dma_wait3A_253 : memref<10000x128xf32, #tpu.memory_space<vmem_shared>>)
            tpu.yield
          }) : () -> ()
          %add3A_210 = arith.constant 3 : i32
          %add3A_211 = arith.addi %scan3A_151, %add3A_210 : i32
          %lt3A_212 = arith.constant 125 : i32
          %lt3A_213 = arith.cmpi slt, %add3A_211, %lt3A_212 : i32
          %add3A_214 = arith.constant 3 : i32
          %add3A_215 = arith.addi %rem3A_153, %add3A_214 : i32
          %lt3A_216 = arith.constant 25 : i32
          %lt3A_217 = arith.cmpi slt, %add3A_215, %lt3A_216 : i32
          %and3A_218 = arith.andi %lt3A_213, %lt3A_217 : i1
          %convert_element_type3A_219 = arith.extui %and3A_218 : i1 to i32
          %cond3A_220 = arith.constant 0 : i32
          %cond3A_221 = arith.cmpi ne, %convert_element_type3A_219, %cond3A_220 : i32
          scf.if %cond3A_221 {
            %add3A_233 = arith.constant 3 : i32
            %add3A_234 = arith.addi %rem3A_153, %add3A_233 : i32
            %dma_start3A_235 = arith.constant 0 : i32
            %dma_start3A_236 = arith.constant 0 : i32
            %dma_start3A_237 = arith.constant 0 : i32
            %dma_start3A_238 = arith.constant 0 : i32
            %dma_start3A_239 = tpu.memref_slice %arg9[%dma_start3A_236, %dma_start3A_237, %dma_start3A_238] : memref<3x80x128xf32, #tpu.memory_space<vmem>> -> memref<1x80x128xf32, #tpu.memory_space<vmem>>
            %dma_start3A_240 = tpu.memref_squeeze %dma_start3A_239 : memref<1x80x128xf32, #tpu.memory_space<vmem>> -> memref<80x128xf32, #tpu.memory_space<vmem>>
            %dma_start3A_241 = arith.constant 0 : i32
            %dma_start3A_242 = tpu.memref_slice %arg7[%dma_start3A_235, %add3A_234, %dma_start3A_241] : memref<2x25x80xi32, #tpu.memory_space<vmem>> -> memref<1x1x80xi32, #tpu.memory_space<vmem>>
            %dma_start3A_243 = tpu.memref_squeeze %dma_start3A_242 : memref<1x1x80xi32, #tpu.memory_space<vmem>> -> memref<80xi32, #tpu.memory_space<vmem>>
            %dma_start3A_244 = arith.constant 0 : i32
            %dma_start3A_245 = arith.constant 0 : i32
            %dma_start3A_246 = tpu.memref_slice %arg2[%dma_start3A_244, %dma_start3A_245] : memref<10000x128xf32, #tpu.memory_space<hbm>> -> memref<10000x128xf32, #tpu.memory_space<hbm>>
            tpu.enqueue_indirect_dma source(%dma_start3A_246 : memref<10000x128xf32, #tpu.memory_space<hbm>>) target(%dma_start3A_240 : memref<80x128xf32, #tpu.memory_space<vmem>>) offsets(%dma_start3A_243 : memref<80xi32, #tpu.memory_space<vmem>>) semaphore(%arg13 : memref<!tpu.dma_semaphore, #tpu.memory_space<semaphore_mem>>)
          } else {
          }
          %add3A_222 = arith.constant 3 : i32
          %add3A_223 = arith.addi %scan3A_151, %add3A_222 : i32
          %lt3A_224 = arith.constant 125 : i32
          %lt3A_225 = arith.cmpi slt, %add3A_223, %lt3A_224 : i32
          %add3A_226 = arith.constant 3 : i32
          %add3A_227 = arith.addi %rem3A_153, %add3A_226 : i32
          %ge3A = arith.constant 25 : i32
          %ge3A_228 = arith.cmpi sge, %add3A_227, %ge3A : i32
          %and3A_229 = arith.andi %lt3A_225, %ge3A_228 : i1
          %convert_element_type3A_230 = arith.extui %and3A_229 : i1 to i32
          %cond3A_231 = arith.constant 0 : i32
          %cond3A_232 = arith.cmpi ne, %convert_element_type3A_230, %cond3A_231 : i32
          scf.if %cond3A_232 {
            %add3A_233 = arith.constant 3 : i32
            %add3A_234 = arith.addi %rem3A_153, %add3A_233 : i32
            %eq3A_235 = arith.constant 25 : i32
            %eq3A_236 = arith.cmpi eq, %add3A_234, %eq3A_235 : i32
            %convert_element_type3A_237 = arith.extui %eq3A_236 : i1 to i32
            %cond3A_238 = arith.constant 0 : i32
            %cond3A_239 = arith.cmpi ne, %convert_element_type3A_237, %cond3A_238 : i32
            scf.if %cond3A_239 {
              %add3A_255 = arith.constant 1 : i32
              %add3A_256 = arith.addi %div3A_152, %add3A_255 : i32
              %dma_wait3A_257 = arith.constant 1 : i32
              %dma_wait3A_258 = arith.constant 0 : i32
              %dma_wait3A_259 = arith.constant 0 : i32
              %dma_wait3A_260 = tpu.memref_slice %arg7[%dma_wait3A_257, %dma_wait3A_258, %dma_wait3A_259] : memref<2x25x80xi32, #tpu.memory_space<vmem>> -> memref<1x25x80xi32, #tpu.memory_space<vmem>>
              %dma_wait3A_261 = tpu.memref_squeeze %dma_wait3A_260 : memref<1x25x80xi32, #tpu.memory_space<vmem>> -> memref<25x80xi32, #tpu.memory_space<vmem>>
              %dma_wait3A_262 = arith.constant 0 : i32
              %dma_wait3A_263 = arith.constant 0 : i32
              %dma_wait3A_264 = tpu.memref_slice %arg3[%add3A, %add3A_256, %dma_wait3A_262, %dma_wait3A_263] : memref<32x5x25x80xi32, #tpu.memory_space<hbm>> -> memref<1x1x25x80xi32, #tpu.memory_space<hbm>>
              %dma_wait3A_265 = tpu.memref_squeeze %dma_wait3A_264 : memref<1x1x25x80xi32, #tpu.memory_space<hbm>> -> memref<25x80xi32, #tpu.memory_space<hbm>>
              %dma_wait3A_266 = arith.constant 0 : i32
              %dma_wait3A_267 = arith.constant 0 : i32
              %dma_wait3A_268 = tpu.memref_slice %arg7[%dma_wait3A_257, %dma_wait3A_266, %dma_wait3A_267] : memref<2x25x80xi32, #tpu.memory_space<vmem>> -> memref<1x25x80xi32, #tpu.memory_space<vmem>>
              %dma_wait3A_269 = tpu.memref_squeeze %dma_wait3A_268 : memref<1x25x80xi32, #tpu.memory_space<vmem>> -> memref<25x80xi32, #tpu.memory_space<vmem>>
              %dma_wait3A_270 = arith.constant 0 : i32
              %dma_wait3A_271 = arith.constant 0 : i32
              %dma_wait3A_272 = tpu.memref_slice %arg3[%add3A, %add3A_256, %dma_wait3A_270, %dma_wait3A_271] : memref<32x5x25x80xi32, #tpu.memory_space<hbm>> -> memref<1x1x25x80xi32, #tpu.memory_space<hbm>>
              %dma_wait3A_273 = tpu.memref_squeeze %dma_wait3A_272 : memref<1x1x25x80xi32, #tpu.memory_space<hbm>> -> memref<25x80xi32, #tpu.memory_space<hbm>>
              tpu.wait_dma2 semaphore(%arg12 : memref<!tpu.dma_semaphore, #tpu.memory_space<semaphore_mem>>) src(%dma_wait3A_273 : memref<25x80xi32, #tpu.memory_space<hbm>>) dst(%dma_wait3A_269 : memref<25x80xi32, #tpu.memory_space<vmem>>)
              %add3A_274 = arith.constant 1 : i32
              %add3A_275 = arith.addi %div3A_152, %add3A_274 : i32
              %dma_wait3A_276 = arith.constant 1 : i32
              %dma_wait3A_277 = arith.constant 0 : i32
              %dma_wait3A_278 = arith.constant 0 : i32
              %dma_wait3A_279 = tpu.memref_slice %arg8[%dma_wait3A_276, %dma_wait3A_277, %dma_wait3A_278] : memref<2x25x80xi32, #tpu.memory_space<vmem>> -> memref<1x25x80xi32, #tpu.memory_space<vmem>>
              %dma_wait3A_280 = tpu.memref_squeeze %dma_wait3A_279 : memref<1x25x80xi32, #tpu.memory_space<vmem>> -> memref<25x80xi32, #tpu.memory_space<vmem>>
              %dma_wait3A_281 = arith.constant 0 : i32
              %dma_wait3A_282 = arith.constant 0 : i32
              %dma_wait3A_283 = tpu.memref_slice %arg4[%add3A, %add3A_275, %dma_wait3A_281, %dma_wait3A_282] : memref<32x5x25x80xi32, #tpu.memory_space<hbm>> -> memref<1x1x25x80xi32, #tpu.memory_space<hbm>>
              %dma_wait3A_284 = tpu.memref_squeeze %dma_wait3A_283 : memref<1x1x25x80xi32, #tpu.memory_space<hbm>> -> memref<25x80xi32, #tpu.memory_space<hbm>>
              %dma_wait3A_285 = arith.constant 0 : i32
              %dma_wait3A_286 = arith.constant 0 : i32
              %dma_wait3A_287 = tpu.memref_slice %arg8[%dma_wait3A_276, %dma_wait3A_285, %dma_wait3A_286] : memref<2x25x80xi32, #tpu.memory_space<vmem>> -> memref<1x25x80xi32, #tpu.memory_space<vmem>>
              %dma_wait3A_288 = tpu.memref_squeeze %dma_wait3A_287 : memref<1x25x80xi32, #tpu.memory_space<vmem>> -> memref<25x80xi32, #tpu.memory_space<vmem>>
              %dma_wait3A_289 = arith.constant 0 : i32
              %dma_wait3A_290 = arith.constant 0 : i32
              %dma_wait3A_291 = tpu.memref_slice %arg4[%add3A, %add3A_275, %dma_wait3A_289, %dma_wait3A_290] : memref<32x5x25x80xi32, #tpu.memory_space<hbm>> -> memref<1x1x25x80xi32, #tpu.memory_space<hbm>>
              %dma_wait3A_292 = tpu.memref_squeeze %dma_wait3A_291 : memref<1x1x25x80xi32, #tpu.memory_space<hbm>> -> memref<25x80xi32, #tpu.memory_space<hbm>>
              tpu.wait_dma2 semaphore(%arg12 : memref<!tpu.dma_semaphore, #tpu.memory_space<semaphore_mem>>) src(%dma_wait3A_292 : memref<25x80xi32, #tpu.memory_space<hbm>>) dst(%dma_wait3A_288 : memref<25x80xi32, #tpu.memory_space<vmem>>)
            } else {
            }
            %add3A_240 = arith.constant 3 : i32
            %add3A_241 = arith.addi %rem3A_153, %add3A_240 : i32
            %sub3A = arith.constant 25 : i32
            %sub3A_242 = arith.subi %add3A_241, %sub3A : i32
            %dma_start3A_243 = arith.constant 1 : i32
            %dma_start3A_244 = arith.constant 0 : i32
            %dma_start3A_245 = arith.constant 0 : i32
            %dma_start3A_246 = arith.constant 0 : i32
            %dma_start3A_247 = tpu.memref_slice %arg9[%dma_start3A_244, %dma_start3A_245, %dma_start3A_246] : memref<3x80x128xf32, #tpu.memory_space<vmem>> -> memref<1x80x128xf32, #tpu.memory_space<vmem>>
            %dma_start3A_248 = tpu.memref_squeeze %dma_start3A_247 : memref<1x80x128xf32, #tpu.memory_space<vmem>> -> memref<80x128xf32, #tpu.memory_space<vmem>>
            %dma_start3A_249 = arith.constant 0 : i32
            %dma_start3A_250 = tpu.memref_slice %arg7[%dma_start3A_243, %sub3A_242, %dma_start3A_249] : memref<2x25x80xi32, #tpu.memory_space<vmem>> -> memref<1x1x80xi32, #tpu.memory_space<vmem>>
            %dma_start3A_251 = tpu.memref_squeeze %dma_start3A_250 : memref<1x1x80xi32, #tpu.memory_space<vmem>> -> memref<80xi32, #tpu.memory_space<vmem>>
            %dma_start3A_252 = arith.constant 0 : i32
            %dma_start3A_253 = arith.constant 0 : i32
            %dma_start3A_254 = tpu.memref_slice %arg2[%dma_start3A_252, %dma_start3A_253] : memref<10000x128xf32, #tpu.memory_space<hbm>> -> memref<10000x128xf32, #tpu.memory_space<hbm>>
            tpu.enqueue_indirect_dma source(%dma_start3A_254 : memref<10000x128xf32, #tpu.memory_space<hbm>>) target(%dma_start3A_248 : memref<80x128xf32, #tpu.memory_space<vmem>>) offsets(%dma_start3A_251 : memref<80xi32, #tpu.memory_space<vmem>>) semaphore(%arg13 : memref<!tpu.dma_semaphore, #tpu.memory_space<semaphore_mem>>)
          } else {
          }
        } else {
        }
        %rem3A_183 = arith.constant 3 : i32
        %rem3A_184 = arith.remsi %scan3A_151, %rem3A_183 : i32
        %eq3A_185 = arith.constant 1 : i32
        %eq3A_186 = arith.cmpi eq, %rem3A_184, %eq3A_185 : i32
        %convert_element_type3A_187 = arith.extui %eq3A_186 : i1 to i32
        %cond3A_188 = arith.constant 0 : i32
        %cond3A_189 = arith.cmpi ne, %convert_element_type3A_187, %cond3A_188 : i32
        scf.if %cond3A_189 {
          %dma_wait3A_197 = arith.constant 0 : i32
          %dma_wait3A_198 = arith.constant 1 : i32
          %dma_wait3A_199 = arith.constant 0 : i32
          %dma_wait3A_200 = arith.constant 0 : i32
          %dma_wait3A_201 = tpu.memref_slice %arg9[%dma_wait3A_198, %dma_wait3A_199, %dma_wait3A_200] : memref<3x80x128xf32, #tpu.memory_space<vmem>> -> memref<1x80x128xf32, #tpu.memory_space<vmem>>
          %dma_wait3A_202 = tpu.memref_squeeze %dma_wait3A_201 : memref<1x80x128xf32, #tpu.memory_space<vmem>> -> memref<80x128xf32, #tpu.memory_space<vmem>>
          %dma_wait3A_203 = arith.constant 0 : i32
          %dma_wait3A_204 = tpu.memref_slice %arg7[%dma_wait3A_197, %rem3A_153, %dma_wait3A_203] : memref<2x25x80xi32, #tpu.memory_space<vmem>> -> memref<1x1x80xi32, #tpu.memory_space<vmem>>
          %dma_wait3A_205 = tpu.memref_squeeze %dma_wait3A_204 : memref<1x1x80xi32, #tpu.memory_space<vmem>> -> memref<80xi32, #tpu.memory_space<vmem>>
          %dma_wait3A_206 = arith.constant 0 : i32
          %dma_wait3A_207 = arith.constant 0 : i32
          %dma_wait3A_208 = tpu.memref_slice %arg2[%dma_wait3A_206, %dma_wait3A_207] : memref<10000x128xf32, #tpu.memory_space<hbm>> -> memref<10000x128xf32, #tpu.memory_space<hbm>>
          tpu.wait_indirect_dma semaphore(%arg14 : memref<!tpu.dma_semaphore, #tpu.memory_space<semaphore_mem>>) src(%dma_wait3A_208 : memref<10000x128xf32, #tpu.memory_space<hbm>>) dst(%dma_wait3A_202 : memref<80x128xf32, #tpu.memory_space<vmem>>)
          %run_scoped3A = arith.constant 1 : i32
          %run_scoped3A_209 = arith.constant 0 : i32
          "tpu.region"() ({
            %run_scoped3A_233 = tpu.sem_alloc : memref<!tpu.dma_semaphore, #tpu.memory_space<semaphore_mem>>
            %dma_start3A_234 = arith.constant 0 : i32
            %dma_start3A_235 = arith.constant 0 : i32
            %dma_start3A_236 = tpu.memref_slice %arg9[%run_scoped3A, %dma_start3A_234, %dma_start3A_235] : memref<3x80x128xf32, #tpu.memory_space<vmem>> -> memref<1x80x128xf32, #tpu.memory_space<vmem>>
            %dma_start3A_237 = tpu.memref_squeeze %dma_start3A_236 : memref<1x80x128xf32, #tpu.memory_space<vmem>> -> memref<80x128xf32, #tpu.memory_space<vmem>>
            %dma_start3A_238 = arith.constant 0 : i32
            %dma_start3A_239 = tpu.memref_slice %arg8[%run_scoped3A_209, %rem3A_153, %dma_start3A_238] : memref<2x25x80xi32, #tpu.memory_space<vmem>> -> memref<1x1x80xi32, #tpu.memory_space<vmem>>
            %dma_start3A_240 = tpu.memref_squeeze %dma_start3A_239 : memref<1x1x80xi32, #tpu.memory_space<vmem>> -> memref<80xi32, #tpu.memory_space<vmem>>
            %dma_start3A_241 = arith.constant 0 : i32
            %dma_start3A_242 = arith.constant 0 : i32
            %dma_start3A_243 = tpu.memref_slice %arg6[%dma_start3A_241, %dma_start3A_242] : memref<10000x128xf32, #tpu.memory_space<vmem_shared>> -> memref<10000x128xf32, #tpu.memory_space<vmem_shared>>
            tpu.enqueue_indirect_dma source(%dma_start3A_237 : memref<80x128xf32, #tpu.memory_space<vmem>>) target(%dma_start3A_243 : memref<10000x128xf32, #tpu.memory_space<vmem_shared>>) offsets(%dma_start3A_240 : memref<80xi32, #tpu.memory_space<vmem>>) semaphore(%run_scoped3A_233 : memref<!tpu.dma_semaphore, #tpu.memory_space<semaphore_mem>>) {add = true}
            %dma_wait3A_244 = arith.constant 0 : i32
            %dma_wait3A_245 = arith.constant 0 : i32
            %dma_wait3A_246 = tpu.memref_slice %arg9[%run_scoped3A, %dma_wait3A_244, %dma_wait3A_245] : memref<3x80x128xf32, #tpu.memory_space<vmem>> -> memref<1x80x128xf32, #tpu.memory_space<vmem>>
            %dma_wait3A_247 = tpu.memref_squeeze %dma_wait3A_246 : memref<1x80x128xf32, #tpu.memory_space<vmem>> -> memref<80x128xf32, #tpu.memory_space<vmem>>
            %dma_wait3A_248 = arith.constant 0 : i32
            %dma_wait3A_249 = tpu.memref_slice %arg8[%run_scoped3A_209, %rem3A_153, %dma_wait3A_248] : memref<2x25x80xi32, #tpu.memory_space<vmem>> -> memref<1x1x80xi32, #tpu.memory_space<vmem>>
            %dma_wait3A_250 = tpu.memref_squeeze %dma_wait3A_249 : memref<1x1x80xi32, #tpu.memory_space<vmem>> -> memref<80xi32, #tpu.memory_space<vmem>>
            %dma_wait3A_251 = arith.constant 0 : i32
            %dma_wait3A_252 = arith.constant 0 : i32
            %dma_wait3A_253 = tpu.memref_slice %arg6[%dma_wait3A_251, %dma_wait3A_252] : memref<10000x128xf32, #tpu.memory_space<vmem_shared>> -> memref<10000x128xf32, #tpu.memory_space<vmem_shared>>
            tpu.wait_indirect_dma semaphore(%run_scoped3A_233 : memref<!tpu.dma_semaphore, #tpu.memory_space<semaphore_mem>>) src(%dma_wait3A_247 : memref<80x128xf32, #tpu.memory_space<vmem>>) dst(%dma_wait3A_253 : memref<10000x128xf32, #tpu.memory_space<vmem_shared>>)
            tpu.yield
          }) : () -> ()
          %add3A_210 = arith.constant 3 : i32
          %add3A_211 = arith.addi %scan3A_151, %add3A_210 : i32
          %lt3A_212 = arith.constant 125 : i32
          %lt3A_213 = arith.cmpi slt, %add3A_211, %lt3A_212 : i32
          %add3A_214 = arith.constant 3 : i32
          %add3A_215 = arith.addi %rem3A_153, %add3A_214 : i32
          %lt3A_216 = arith.constant 25 : i32
          %lt3A_217 = arith.cmpi slt, %add3A_215, %lt3A_216 : i32
          %and3A_218 = arith.andi %lt3A_213, %lt3A_217 : i1
          %convert_element_type3A_219 = arith.extui %and3A_218 : i1 to i32
          %cond3A_220 = arith.constant 0 : i32
          %cond3A_221 = arith.cmpi ne, %convert_element_type3A_219, %cond3A_220 : i32
          scf.if %cond3A_221 {
            %add3A_233 = arith.constant 3 : i32
            %add3A_234 = arith.addi %rem3A_153, %add3A_233 : i32
            %dma_start3A_235 = arith.constant 0 : i32
            %dma_start3A_236 = arith.constant 1 : i32
            %dma_start3A_237 = arith.constant 0 : i32
            %dma_start3A_238 = arith.constant 0 : i32
            %dma_start3A_239 = tpu.memref_slice %arg9[%dma_start3A_236, %dma_start3A_237, %dma_start3A_238] : memref<3x80x128xf32, #tpu.memory_space<vmem>> -> memref<1x80x128xf32, #tpu.memory_space<vmem>>
            %dma_start3A_240 = tpu.memref_squeeze %dma_start3A_239 : memref<1x80x128xf32, #tpu.memory_space<vmem>> -> memref<80x128xf32, #tpu.memory_space<vmem>>
            %dma_start3A_241 = arith.constant 0 : i32
            %dma_start3A_242 = tpu.memref_slice %arg7[%dma_start3A_235, %add3A_234, %dma_start3A_241] : memref<2x25x80xi32, #tpu.memory_space<vmem>> -> memref<1x1x80xi32, #tpu.memory_space<vmem>>
            %dma_start3A_243 = tpu.memref_squeeze %dma_start3A_242 : memref<1x1x80xi32, #tpu.memory_space<vmem>> -> memref<80xi32, #tpu.memory_space<vmem>>
            %dma_start3A_244 = arith.constant 0 : i32
            %dma_start3A_245 = arith.constant 0 : i32
            %dma_start3A_246 = tpu.memref_slice %arg2[%dma_start3A_244, %dma_start3A_245] : memref<10000x128xf32, #tpu.memory_space<hbm>> -> memref<10000x128xf32, #tpu.memory_space<hbm>>
            tpu.enqueue_indirect_dma source(%dma_start3A_246 : memref<10000x128xf32, #tpu.memory_space<hbm>>) target(%dma_start3A_240 : memref<80x128xf32, #tpu.memory_space<vmem>>) offsets(%dma_start3A_243 : memref<80xi32, #tpu.memory_space<vmem>>) semaphore(%arg14 : memref<!tpu.dma_semaphore, #tpu.memory_space<semaphore_mem>>)
          } else {
          }
          %add3A_222 = arith.constant 3 : i32
          %add3A_223 = arith.addi %scan3A_151, %add3A_222 : i32
          %lt3A_224 = arith.constant 125 : i32
          %lt3A_225 = arith.cmpi slt, %add3A_223, %lt3A_224 : i32
          %add3A_226 = arith.constant 3 : i32
          %add3A_227 = arith.addi %rem3A_153, %add3A_226 : i32
          %ge3A = arith.constant 25 : i32
          %ge3A_228 = arith.cmpi sge, %add3A_227, %ge3A : i32
          %and3A_229 = arith.andi %lt3A_225, %ge3A_228 : i1
          %convert_element_type3A_230 = arith.extui %and3A_229 : i1 to i32
          %cond3A_231 = arith.constant 0 : i32
          %cond3A_232 = arith.cmpi ne, %convert_element_type3A_230, %cond3A_231 : i32
          scf.if %cond3A_232 {
            %add3A_233 = arith.constant 3 : i32
            %add3A_234 = arith.addi %rem3A_153, %add3A_233 : i32
            %eq3A_235 = arith.constant 25 : i32
            %eq3A_236 = arith.cmpi eq, %add3A_234, %eq3A_235 : i32
            %convert_element_type3A_237 = arith.extui %eq3A_236 : i1 to i32
            %cond3A_238 = arith.constant 0 : i32
            %cond3A_239 = arith.cmpi ne, %convert_element_type3A_237, %cond3A_238 : i32
            scf.if %cond3A_239 {
              %add3A_255 = arith.constant 1 : i32
              %add3A_256 = arith.addi %div3A_152, %add3A_255 : i32
              %dma_wait3A_257 = arith.constant 1 : i32
              %dma_wait3A_258 = arith.constant 0 : i32
              %dma_wait3A_259 = arith.constant 0 : i32
              %dma_wait3A_260 = tpu.memref_slice %arg7[%dma_wait3A_257, %dma_wait3A_258, %dma_wait3A_259] : memref<2x25x80xi32, #tpu.memory_space<vmem>> -> memref<1x25x80xi32, #tpu.memory_space<vmem>>
              %dma_wait3A_261 = tpu.memref_squeeze %dma_wait3A_260 : memref<1x25x80xi32, #tpu.memory_space<vmem>> -> memref<25x80xi32, #tpu.memory_space<vmem>>
              %dma_wait3A_262 = arith.constant 0 : i32
              %dma_wait3A_263 = arith.constant 0 : i32
              %dma_wait3A_264 = tpu.memref_slice %arg3[%add3A, %add3A_256, %dma_wait3A_262, %dma_wait3A_263] : memref<32x5x25x80xi32, #tpu.memory_space<hbm>> -> memref<1x1x25x80xi32, #tpu.memory_space<hbm>>
              %dma_wait3A_265 = tpu.memref_squeeze %dma_wait3A_264 : memref<1x1x25x80xi32, #tpu.memory_space<hbm>> -> memref<25x80xi32, #tpu.memory_space<hbm>>
              %dma_wait3A_266 = arith.constant 0 : i32
              %dma_wait3A_267 = arith.constant 0 : i32
              %dma_wait3A_268 = tpu.memref_slice %arg7[%dma_wait3A_257, %dma_wait3A_266, %dma_wait3A_267] : memref<2x25x80xi32, #tpu.memory_space<vmem>> -> memref<1x25x80xi32, #tpu.memory_space<vmem>>
              %dma_wait3A_269 = tpu.memref_squeeze %dma_wait3A_268 : memref<1x25x80xi32, #tpu.memory_space<vmem>> -> memref<25x80xi32, #tpu.memory_space<vmem>>
              %dma_wait3A_270 = arith.constant 0 : i32
              %dma_wait3A_271 = arith.constant 0 : i32
              %dma_wait3A_272 = tpu.memref_slice %arg3[%add3A, %add3A_256, %dma_wait3A_270, %dma_wait3A_271] : memref<32x5x25x80xi32, #tpu.memory_space<hbm>> -> memref<1x1x25x80xi32, #tpu.memory_space<hbm>>
              %dma_wait3A_273 = tpu.memref_squeeze %dma_wait3A_272 : memref<1x1x25x80xi32, #tpu.memory_space<hbm>> -> memref<25x80xi32, #tpu.memory_space<hbm>>
              tpu.wait_dma2 semaphore(%arg12 : memref<!tpu.dma_semaphore, #tpu.memory_space<semaphore_mem>>) src(%dma_wait3A_273 : memref<25x80xi32, #tpu.memory_space<hbm>>) dst(%dma_wait3A_269 : memref<25x80xi32, #tpu.memory_space<vmem>>)
              %add3A_274 = arith.constant 1 : i32
              %add3A_275 = arith.addi %div3A_152, %add3A_274 : i32
              %dma_wait3A_276 = arith.constant 1 : i32
              %dma_wait3A_277 = arith.constant 0 : i32
              %dma_wait3A_278 = arith.constant 0 : i32
              %dma_wait3A_279 = tpu.memref_slice %arg8[%dma_wait3A_276, %dma_wait3A_277, %dma_wait3A_278] : memref<2x25x80xi32, #tpu.memory_space<vmem>> -> memref<1x25x80xi32, #tpu.memory_space<vmem>>
              %dma_wait3A_280 = tpu.memref_squeeze %dma_wait3A_279 : memref<1x25x80xi32, #tpu.memory_space<vmem>> -> memref<25x80xi32, #tpu.memory_space<vmem>>
              %dma_wait3A_281 = arith.constant 0 : i32
              %dma_wait3A_282 = arith.constant 0 : i32
              %dma_wait3A_283 = tpu.memref_slice %arg4[%add3A, %add3A_275, %dma_wait3A_281, %dma_wait3A_282] : memref<32x5x25x80xi32, #tpu.memory_space<hbm>> -> memref<1x1x25x80xi32, #tpu.memory_space<hbm>>
              %dma_wait3A_284 = tpu.memref_squeeze %dma_wait3A_283 : memref<1x1x25x80xi32, #tpu.memory_space<hbm>> -> memref<25x80xi32, #tpu.memory_space<hbm>>
              %dma_wait3A_285 = arith.constant 0 : i32
              %dma_wait3A_286 = arith.constant 0 : i32
              %dma_wait3A_287 = tpu.memref_slice %arg8[%dma_wait3A_276, %dma_wait3A_285, %dma_wait3A_286] : memref<2x25x80xi32, #tpu.memory_space<vmem>> -> memref<1x25x80xi32, #tpu.memory_space<vmem>>
              %dma_wait3A_288 = tpu.memref_squeeze %dma_wait3A_287 : memref<1x25x80xi32, #tpu.memory_space<vmem>> -> memref<25x80xi32, #tpu.memory_space<vmem>>
              %dma_wait3A_289 = arith.constant 0 : i32
              %dma_wait3A_290 = arith.constant 0 : i32
              %dma_wait3A_291 = tpu.memref_slice %arg4[%add3A, %add3A_275, %dma_wait3A_289, %dma_wait3A_290] : memref<32x5x25x80xi32, #tpu.memory_space<hbm>> -> memref<1x1x25x80xi32, #tpu.memory_space<hbm>>
              %dma_wait3A_292 = tpu.memref_squeeze %dma_wait3A_291 : memref<1x1x25x80xi32, #tpu.memory_space<hbm>> -> memref<25x80xi32, #tpu.memory_space<hbm>>
              tpu.wait_dma2 semaphore(%arg12 : memref<!tpu.dma_semaphore, #tpu.memory_space<semaphore_mem>>) src(%dma_wait3A_292 : memref<25x80xi32, #tpu.memory_space<hbm>>) dst(%dma_wait3A_288 : memref<25x80xi32, #tpu.memory_space<vmem>>)
            } else {
            }
            %add3A_240 = arith.constant 3 : i32
            %add3A_241 = arith.addi %rem3A_153, %add3A_240 : i32
            %sub3A = arith.constant 25 : i32
            %sub3A_242 = arith.subi %add3A_241, %sub3A : i32
            %dma_start3A_243 = arith.constant 1 : i32
            %dma_start3A_244 = arith.constant 1 : i32
            %dma_start3A_245 = arith.constant 0 : i32
            %dma_start3A_246 = arith.constant 0 : i32
            %dma_start3A_247 = tpu.memref_slice %arg9[%dma_start3A_244, %dma_start3A_245, %dma_start3A_246] : memref<3x80x128xf32, #tpu.memory_space<vmem>> -> memref<1x80x128xf32, #tpu.memory_space<vmem>>
            %dma_start3A_248 = tpu.memref_squeeze %dma_start3A_247 : memref<1x80x128xf32, #tpu.memory_space<vmem>> -> memref<80x128xf32, #tpu.memory_space<vmem>>
            %dma_start3A_249 = arith.constant 0 : i32
            %dma_start3A_250 = tpu.memref_slice %arg7[%dma_start3A_243, %sub3A_242, %dma_start3A_249] : memref<2x25x80xi32, #tpu.memory_space<vmem>> -> memref<1x1x80xi32, #tpu.memory_space<vmem>>
            %dma_start3A_251 = tpu.memref_squeeze %dma_start3A_250 : memref<1x1x80xi32, #tpu.memory_space<vmem>> -> memref<80xi32, #tpu.memory_space<vmem>>
            %dma_start3A_252 = arith.constant 0 : i32
            %dma_start3A_253 = arith.constant 0 : i32
            %dma_start3A_254 = tpu.memref_slice %arg2[%dma_start3A_252, %dma_start3A_253] : memref<10000x128xf32, #tpu.memory_space<hbm>> -> memref<10000x128xf32, #tpu.memory_space<hbm>>
            tpu.enqueue_indirect_dma source(%dma_start3A_254 : memref<10000x128xf32, #tpu.memory_space<hbm>>) target(%dma_start3A_248 : memref<80x128xf32, #tpu.memory_space<vmem>>) offsets(%dma_start3A_251 : memref<80xi32, #tpu.memory_space<vmem>>) semaphore(%arg14 : memref<!tpu.dma_semaphore, #tpu.memory_space<semaphore_mem>>)
          } else {
          }
        } else {
        }
        %rem3A_190 = arith.constant 3 : i32
        %rem3A_191 = arith.remsi %scan3A_151, %rem3A_190 : i32
        %eq3A_192 = arith.constant 2 : i32
        %eq3A_193 = arith.cmpi eq, %rem3A_191, %eq3A_192 : i32
        %convert_element_type3A_194 = arith.extui %eq3A_193 : i1 to i32
        %cond3A_195 = arith.constant 0 : i32
        %cond3A_196 = arith.cmpi ne, %convert_element_type3A_194, %cond3A_195 : i32
        scf.if %cond3A_196 {
          %dma_wait3A_197 = arith.constant 0 : i32
          %dma_wait3A_198 = arith.constant 2 : i32
          %dma_wait3A_199 = arith.constant 0 : i32
          %dma_wait3A_200 = arith.constant 0 : i32
          %dma_wait3A_201 = tpu.memref_slice %arg9[%dma_wait3A_198, %dma_wait3A_199, %dma_wait3A_200] : memref<3x80x128xf32, #tpu.memory_space<vmem>> -> memref<1x80x128xf32, #tpu.memory_space<vmem>>
          %dma_wait3A_202 = tpu.memref_squeeze %dma_wait3A_201 : memref<1x80x128xf32, #tpu.memory_space<vmem>> -> memref<80x128xf32, #tpu.memory_space<vmem>>
          %dma_wait3A_203 = arith.constant 0 : i32
          %dma_wait3A_204 = tpu.memref_slice %arg7[%dma_wait3A_197, %rem3A_153, %dma_wait3A_203] : memref<2x25x80xi32, #tpu.memory_space<vmem>> -> memref<1x1x80xi32, #tpu.memory_space<vmem>>
          %dma_wait3A_205 = tpu.memref_squeeze %dma_wait3A_204 : memref<1x1x80xi32, #tpu.memory_space<vmem>> -> memref<80xi32, #tpu.memory_space<vmem>>
          %dma_wait3A_206 = arith.constant 0 : i32
          %dma_wait3A_207 = arith.constant 0 : i32
          %dma_wait3A_208 = tpu.memref_slice %arg2[%dma_wait3A_206, %dma_wait3A_207] : memref<10000x128xf32, #tpu.memory_space<hbm>> -> memref<10000x128xf32, #tpu.memory_space<hbm>>
          tpu.wait_indirect_dma semaphore(%arg15 : memref<!tpu.dma_semaphore, #tpu.memory_space<semaphore_mem>>) src(%dma_wait3A_208 : memref<10000x128xf32, #tpu.memory_space<hbm>>) dst(%dma_wait3A_202 : memref<80x128xf32, #tpu.memory_space<vmem>>)
          %run_scoped3A = arith.constant 2 : i32
          %run_scoped3A_209 = arith.constant 0 : i32
          "tpu.region"() ({
            %run_scoped3A_233 = tpu.sem_alloc : memref<!tpu.dma_semaphore, #tpu.memory_space<semaphore_mem>>
            %dma_start3A_234 = arith.constant 0 : i32
            %dma_start3A_235 = arith.constant 0 : i32
            %dma_start3A_236 = tpu.memref_slice %arg9[%run_scoped3A, %dma_start3A_234, %dma_start3A_235] : memref<3x80x128xf32, #tpu.memory_space<vmem>> -> memref<1x80x128xf32, #tpu.memory_space<vmem>>
            %dma_start3A_237 = tpu.memref_squeeze %dma_start3A_236 : memref<1x80x128xf32, #tpu.memory_space<vmem>> -> memref<80x128xf32, #tpu.memory_space<vmem>>
            %dma_start3A_238 = arith.constant 0 : i32
            %dma_start3A_239 = tpu.memref_slice %arg8[%run_scoped3A_209, %rem3A_153, %dma_start3A_238] : memref<2x25x80xi32, #tpu.memory_space<vmem>> -> memref<1x1x80xi32, #tpu.memory_space<vmem>>
            %dma_start3A_240 = tpu.memref_squeeze %dma_start3A_239 : memref<1x1x80xi32, #tpu.memory_space<vmem>> -> memref<80xi32, #tpu.memory_space<vmem>>
            %dma_start3A_241 = arith.constant 0 : i32
            %dma_start3A_242 = arith.constant 0 : i32
            %dma_start3A_243 = tpu.memref_slice %arg6[%dma_start3A_241, %dma_start3A_242] : memref<10000x128xf32, #tpu.memory_space<vmem_shared>> -> memref<10000x128xf32, #tpu.memory_space<vmem_shared>>
            tpu.enqueue_indirect_dma source(%dma_start3A_237 : memref<80x128xf32, #tpu.memory_space<vmem>>) target(%dma_start3A_243 : memref<10000x128xf32, #tpu.memory_space<vmem_shared>>) offsets(%dma_start3A_240 : memref<80xi32, #tpu.memory_space<vmem>>) semaphore(%run_scoped3A_233 : memref<!tpu.dma_semaphore, #tpu.memory_space<semaphore_mem>>) {add = true}
            %dma_wait3A_244 = arith.constant 0 : i32
            %dma_wait3A_245 = arith.constant 0 : i32
            %dma_wait3A_246 = tpu.memref_slice %arg9[%run_scoped3A, %dma_wait3A_244, %dma_wait3A_245] : memref<3x80x128xf32, #tpu.memory_space<vmem>> -> memref<1x80x128xf32, #tpu.memory_space<vmem>>
            %dma_wait3A_247 = tpu.memref_squeeze %dma_wait3A_246 : memref<1x80x128xf32, #tpu.memory_space<vmem>> -> memref<80x128xf32, #tpu.memory_space<vmem>>
            %dma_wait3A_248 = arith.constant 0 : i32
            %dma_wait3A_249 = tpu.memref_slice %arg8[%run_scoped3A_209, %rem3A_153, %dma_wait3A_248] : memref<2x25x80xi32, #tpu.memory_space<vmem>> -> memref<1x1x80xi32, #tpu.memory_space<vmem>>
            %dma_wait3A_250 = tpu.memref_squeeze %dma_wait3A_249 : memref<1x1x80xi32, #tpu.memory_space<vmem>> -> memref<80xi32, #tpu.memory_space<vmem>>
            %dma_wait3A_251 = arith.constant 0 : i32
            %dma_wait3A_252 = arith.constant 0 : i32
            %dma_wait3A_253 = tpu.memref_slice %arg6[%dma_wait3A_251, %dma_wait3A_252] : memref<10000x128xf32, #tpu.memory_space<vmem_shared>> -> memref<10000x128xf32, #tpu.memory_space<vmem_shared>>
            tpu.wait_indirect_dma semaphore(%run_scoped3A_233 : memref<!tpu.dma_semaphore, #tpu.memory_space<semaphore_mem>>) src(%dma_wait3A_247 : memref<80x128xf32, #tpu.memory_space<vmem>>) dst(%dma_wait3A_253 : memref<10000x128xf32, #tpu.memory_space<vmem_shared>>)
            tpu.yield
          }) : () -> ()
          %add3A_210 = arith.constant 3 : i32
          %add3A_211 = arith.addi %scan3A_151, %add3A_210 : i32
          %lt3A_212 = arith.constant 125 : i32
          %lt3A_213 = arith.cmpi slt, %add3A_211, %lt3A_212 : i32
          %add3A_214 = arith.constant 3 : i32
          %add3A_215 = arith.addi %rem3A_153, %add3A_214 : i32
          %lt3A_216 = arith.constant 25 : i32
          %lt3A_217 = arith.cmpi slt, %add3A_215, %lt3A_216 : i32
          %and3A_218 = arith.andi %lt3A_213, %lt3A_217 : i1
          %convert_element_type3A_219 = arith.extui %and3A_218 : i1 to i32
          %cond3A_220 = arith.constant 0 : i32
          %cond3A_221 = arith.cmpi ne, %convert_element_type3A_219, %cond3A_220 : i32
          scf.if %cond3A_221 {
            %add3A_233 = arith.constant 3 : i32
            %add3A_234 = arith.addi %rem3A_153, %add3A_233 : i32
            %dma_start3A_235 = arith.constant 0 : i32
            %dma_start3A_236 = arith.constant 2 : i32
            %dma_start3A_237 = arith.constant 0 : i32
            %dma_start3A_238 = arith.constant 0 : i32
            %dma_start3A_239 = tpu.memref_slice %arg9[%dma_start3A_236, %dma_start3A_237, %dma_start3A_238] : memref<3x80x128xf32, #tpu.memory_space<vmem>> -> memref<1x80x128xf32, #tpu.memory_space<vmem>>
            %dma_start3A_240 = tpu.memref_squeeze %dma_start3A_239 : memref<1x80x128xf32, #tpu.memory_space<vmem>> -> memref<80x128xf32, #tpu.memory_space<vmem>>
            %dma_start3A_241 = arith.constant 0 : i32
            %dma_start3A_242 = tpu.memref_slice %arg7[%dma_start3A_235, %add3A_234, %dma_start3A_241] : memref<2x25x80xi32, #tpu.memory_space<vmem>> -> memref<1x1x80xi32, #tpu.memory_space<vmem>>
            %dma_start3A_243 = tpu.memref_squeeze %dma_start3A_242 : memref<1x1x80xi32, #tpu.memory_space<vmem>> -> memref<80xi32, #tpu.memory_space<vmem>>
            %dma_start3A_244 = arith.constant 0 : i32
            %dma_start3A_245 = arith.constant 0 : i32
            %dma_start3A_246 = tpu.memref_slice %arg2[%dma_start3A_244, %dma_start3A_245] : memref<10000x128xf32, #tpu.memory_space<hbm>> -> memref<10000x128xf32, #tpu.memory_space<hbm>>
            tpu.enqueue_indirect_dma source(%dma_start3A_246 : memref<10000x128xf32, #tpu.memory_space<hbm>>) target(%dma_start3A_240 : memref<80x128xf32, #tpu.memory_space<vmem>>) offsets(%dma_start3A_243 : memref<80xi32, #tpu.memory_space<vmem>>) semaphore(%arg15 : memref<!tpu.dma_semaphore, #tpu.memory_space<semaphore_mem>>)
          } else {
          }
          %add3A_222 = arith.constant 3 : i32
          %add3A_223 = arith.addi %scan3A_151, %add3A_222 : i32
          %lt3A_224 = arith.constant 125 : i32
          %lt3A_225 = arith.cmpi slt, %add3A_223, %lt3A_224 : i32
          %add3A_226 = arith.constant 3 : i32
          %add3A_227 = arith.addi %rem3A_153, %add3A_226 : i32
          %ge3A = arith.constant 25 : i32
          %ge3A_228 = arith.cmpi sge, %add3A_227, %ge3A : i32
          %and3A_229 = arith.andi %lt3A_225, %ge3A_228 : i1
          %convert_element_type3A_230 = arith.extui %and3A_229 : i1 to i32
          %cond3A_231 = arith.constant 0 : i32
          %cond3A_232 = arith.cmpi ne, %convert_element_type3A_230, %cond3A_231 : i32
          scf.if %cond3A_232 {
            %add3A_233 = arith.constant 3 : i32
            %add3A_234 = arith.addi %rem3A_153, %add3A_233 : i32
            %eq3A_235 = arith.constant 25 : i32
            %eq3A_236 = arith.cmpi eq, %add3A_234, %eq3A_235 : i32
            %convert_element_type3A_237 = arith.extui %eq3A_236 : i1 to i32
            %cond3A_238 = arith.constant 0 : i32
            %cond3A_239 = arith.cmpi ne, %convert_element_type3A_237, %cond3A_238 : i32
            scf.if %cond3A_239 {
              %add3A_255 = arith.constant 1 : i32
              %add3A_256 = arith.addi %div3A_152, %add3A_255 : i32
              %dma_wait3A_257 = arith.constant 1 : i32
              %dma_wait3A_258 = arith.constant 0 : i32
              %dma_wait3A_259 = arith.constant 0 : i32
              %dma_wait3A_260 = tpu.memref_slice %arg7[%dma_wait3A_257, %dma_wait3A_258, %dma_wait3A_259] : memref<2x25x80xi32, #tpu.memory_space<vmem>> -> memref<1x25x80xi32, #tpu.memory_space<vmem>>
              %dma_wait3A_261 = tpu.memref_squeeze %dma_wait3A_260 : memref<1x25x80xi32, #tpu.memory_space<vmem>> -> memref<25x80xi32, #tpu.memory_space<vmem>>
              %dma_wait3A_262 = arith.constant 0 : i32
              %dma_wait3A_263 = arith.constant 0 : i32
              %dma_wait3A_264 = tpu.memref_slice %arg3[%add3A, %add3A_256, %dma_wait3A_262, %dma_wait3A_263] : memref<32x5x25x80xi32, #tpu.memory_space<hbm>> -> memref<1x1x25x80xi32, #tpu.memory_space<hbm>>
              %dma_wait3A_265 = tpu.memref_squeeze %dma_wait3A_264 : memref<1x1x25x80xi32, #tpu.memory_space<hbm>> -> memref<25x80xi32, #tpu.memory_space<hbm>>
              %dma_wait3A_266 = arith.constant 0 : i32
              %dma_wait3A_267 = arith.constant 0 : i32
              %dma_wait3A_268 = tpu.memref_slice %arg7[%dma_wait3A_257, %dma_wait3A_266, %dma_wait3A_267] : memref<2x25x80xi32, #tpu.memory_space<vmem>> -> memref<1x25x80xi32, #tpu.memory_space<vmem>>
              %dma_wait3A_269 = tpu.memref_squeeze %dma_wait3A_268 : memref<1x25x80xi32, #tpu.memory_space<vmem>> -> memref<25x80xi32, #tpu.memory_space<vmem>>
              %dma_wait3A_270 = arith.constant 0 : i32
              %dma_wait3A_271 = arith.constant 0 : i32
              %dma_wait3A_272 = tpu.memref_slice %arg3[%add3A, %add3A_256, %dma_wait3A_270, %dma_wait3A_271] : memref<32x5x25x80xi32, #tpu.memory_space<hbm>> -> memref<1x1x25x80xi32, #tpu.memory_space<hbm>>
              %dma_wait3A_273 = tpu.memref_squeeze %dma_wait3A_272 : memref<1x1x25x80xi32, #tpu.memory_space<hbm>> -> memref<25x80xi32, #tpu.memory_space<hbm>>
              tpu.wait_dma2 semaphore(%arg12 : memref<!tpu.dma_semaphore, #tpu.memory_space<semaphore_mem>>) src(%dma_wait3A_273 : memref<25x80xi32, #tpu.memory_space<hbm>>) dst(%dma_wait3A_269 : memref<25x80xi32, #tpu.memory_space<vmem>>)
              %add3A_274 = arith.constant 1 : i32
              %add3A_275 = arith.addi %div3A_152, %add3A_274 : i32
              %dma_wait3A_276 = arith.constant 1 : i32
              %dma_wait3A_277 = arith.constant 0 : i32
              %dma_wait3A_278 = arith.constant 0 : i32
              %dma_wait3A_279 = tpu.memref_slice %arg8[%dma_wait3A_276, %dma_wait3A_277, %dma_wait3A_278] : memref<2x25x80xi32, #tpu.memory_space<vmem>> -> memref<1x25x80xi32, #tpu.memory_space<vmem>>
              %dma_wait3A_280 = tpu.memref_squeeze %dma_wait3A_279 : memref<1x25x80xi32, #tpu.memory_space<vmem>> -> memref<25x80xi32, #tpu.memory_space<vmem>>
              %dma_wait3A_281 = arith.constant 0 : i32
              %dma_wait3A_282 = arith.constant 0 : i32
              %dma_wait3A_283 = tpu.memref_slice %arg4[%add3A, %add3A_275, %dma_wait3A_281, %dma_wait3A_282] : memref<32x5x25x80xi32, #tpu.memory_space<hbm>> -> memref<1x1x25x80xi32, #tpu.memory_space<hbm>>
              %dma_wait3A_284 = tpu.memref_squeeze %dma_wait3A_283 : memref<1x1x25x80xi32, #tpu.memory_space<hbm>> -> memref<25x80xi32, #tpu.memory_space<hbm>>
              %dma_wait3A_285 = arith.constant 0 : i32
              %dma_wait3A_286 = arith.constant 0 : i32
              %dma_wait3A_287 = tpu.memref_slice %arg8[%dma_wait3A_276, %dma_wait3A_285, %dma_wait3A_286] : memref<2x25x80xi32, #tpu.memory_space<vmem>> -> memref<1x25x80xi32, #tpu.memory_space<vmem>>
              %dma_wait3A_288 = tpu.memref_squeeze %dma_wait3A_287 : memref<1x25x80xi32, #tpu.memory_space<vmem>> -> memref<25x80xi32, #tpu.memory_space<vmem>>
              %dma_wait3A_289 = arith.constant 0 : i32
              %dma_wait3A_290 = arith.constant 0 : i32
              %dma_wait3A_291 = tpu.memref_slice %arg4[%add3A, %add3A_275, %dma_wait3A_289, %dma_wait3A_290] : memref<32x5x25x80xi32, #tpu.memory_space<hbm>> -> memref<1x1x25x80xi32, #tpu.memory_space<hbm>>
              %dma_wait3A_292 = tpu.memref_squeeze %dma_wait3A_291 : memref<1x1x25x80xi32, #tpu.memory_space<hbm>> -> memref<25x80xi32, #tpu.memory_space<hbm>>
              tpu.wait_dma2 semaphore(%arg12 : memref<!tpu.dma_semaphore, #tpu.memory_space<semaphore_mem>>) src(%dma_wait3A_292 : memref<25x80xi32, #tpu.memory_space<hbm>>) dst(%dma_wait3A_288 : memref<25x80xi32, #tpu.memory_space<vmem>>)
            } else {
            }
            %add3A_240 = arith.constant 3 : i32
            %add3A_241 = arith.addi %rem3A_153, %add3A_240 : i32
            %sub3A = arith.constant 25 : i32
            %sub3A_242 = arith.subi %add3A_241, %sub3A : i32
            %dma_start3A_243 = arith.constant 1 : i32
            %dma_start3A_244 = arith.constant 2 : i32
            %dma_start3A_245 = arith.constant 0 : i32
            %dma_start3A_246 = arith.constant 0 : i32
            %dma_start3A_247 = tpu.memref_slice %arg9[%dma_start3A_244, %dma_start3A_245, %dma_start3A_246] : memref<3x80x128xf32, #tpu.memory_space<vmem>> -> memref<1x80x128xf32, #tpu.memory_space<vmem>>
            %dma_start3A_248 = tpu.memref_squeeze %dma_start3A_247 : memref<1x80x128xf32, #tpu.memory_space<vmem>> -> memref<80x128xf32, #tpu.memory_space<vmem>>
            %dma_start3A_249 = arith.constant 0 : i32
            %dma_start3A_250 = tpu.memref_slice %arg7[%dma_start3A_243, %sub3A_242, %dma_start3A_249] : memref<2x25x80xi32, #tpu.memory_space<vmem>> -> memref<1x1x80xi32, #tpu.memory_space<vmem>>
            %dma_start3A_251 = tpu.memref_squeeze %dma_start3A_250 : memref<1x1x80xi32, #tpu.memory_space<vmem>> -> memref<80xi32, #tpu.memory_space<vmem>>
            %dma_start3A_252 = arith.constant 0 : i32
            %dma_start3A_253 = arith.constant 0 : i32
            %dma_start3A_254 = tpu.memref_slice %arg2[%dma_start3A_252, %dma_start3A_253] : memref<10000x128xf32, #tpu.memory_space<hbm>> -> memref<10000x128xf32, #tpu.memory_space<hbm>>
            tpu.enqueue_indirect_dma source(%dma_start3A_254 : memref<10000x128xf32, #tpu.memory_space<hbm>>) target(%dma_start3A_248 : memref<80x128xf32, #tpu.memory_space<vmem>>) offsets(%dma_start3A_251 : memref<80xi32, #tpu.memory_space<vmem>>) semaphore(%arg15 : memref<!tpu.dma_semaphore, #tpu.memory_space<semaphore_mem>>)
          } else {
          }
        } else {
        }
      } else {
      }
      %rem3A_161 = arith.constant 2 : i32
      %rem3A_162 = arith.remsi %div3A_152, %rem3A_161 : i32
      %eq3A_163 = arith.constant 1 : i32
      %eq3A_164 = arith.cmpi eq, %rem3A_162, %eq3A_163 : i32
      %convert_element_type3A_165 = arith.extui %eq3A_164 : i1 to i32
      %cond3A_166 = arith.constant 0 : i32
      %cond3A_167 = arith.cmpi ne, %convert_element_type3A_165, %cond3A_166 : i32
      scf.if %cond3A_167 {
        %eq3A_168 = arith.constant 0 : i32
        %eq3A_169 = arith.cmpi eq, %rem3A_153, %eq3A_168 : i32
        %add3A_170 = arith.constant 1 : i32
        %add3A_171 = arith.addi %div3A_152, %add3A_170 : i32
        %lt3A = arith.constant 5 : i32
        %lt3A_172 = arith.cmpi slt, %add3A_171, %lt3A : i32
        %and3A = arith.andi %eq3A_169, %lt3A_172 : i1
        %convert_element_type3A_173 = arith.extui %and3A : i1 to i32
        %cond3A_174 = arith.constant 0 : i32
        %cond3A_175 = arith.cmpi ne, %convert_element_type3A_173, %cond3A_174 : i32
        scf.if %cond3A_175 {
          %add3A_197 = arith.constant 1 : i32
          %add3A_198 = arith.addi %div3A_152, %add3A_197 : i32
          %dma_start3A_199 = arith.constant 0 : i32
          %dma_start3A_200 = arith.constant 0 : i32
          %dma_start3A_201 = arith.constant 0 : i32
          %dma_start3A_202 = tpu.memref_slice %arg7[%dma_start3A_199, %dma_start3A_200, %dma_start3A_201] : memref<2x25x80xi32, #tpu.memory_space<vmem>> -> memref<1x25x80xi32, #tpu.memory_space<vmem>>
          %dma_start3A_203 = tpu.memref_squeeze %dma_start3A_202 : memref<1x25x80xi32, #tpu.memory_space<vmem>> -> memref<25x80xi32, #tpu.memory_space<vmem>>
          %dma_start3A_204 = arith.constant 0 : i32
          %dma_start3A_205 = arith.constant 0 : i32
          %dma_start3A_206 = tpu.memref_slice %arg3[%add3A, %add3A_198, %dma_start3A_204, %dma_start3A_205] : memref<32x5x25x80xi32, #tpu.memory_space<hbm>> -> memref<1x1x25x80xi32, #tpu.memory_space<hbm>>
          %dma_start3A_207 = tpu.memref_squeeze %dma_start3A_206 : memref<1x1x25x80xi32, #tpu.memory_space<hbm>> -> memref<25x80xi32, #tpu.memory_space<hbm>>
          %dma_start3A_208 = arith.constant 0 : i32
          %dma_start3A_209 = arith.constant 0 : i32
          %dma_start3A_210 = tpu.memref_slice %arg7[%dma_start3A_199, %dma_start3A_208, %dma_start3A_209] : memref<2x25x80xi32, #tpu.memory_space<vmem>> -> memref<1x25x80xi32, #tpu.memory_space<vmem>>
          %dma_start3A_211 = tpu.memref_squeeze %dma_start3A_210 : memref<1x25x80xi32, #tpu.memory_space<vmem>> -> memref<25x80xi32, #tpu.memory_space<vmem>>
          %dma_start3A_212 = arith.constant 0 : i32
          %dma_start3A_213 = arith.constant 0 : i32
          %dma_start3A_214 = tpu.memref_slice %arg3[%add3A, %add3A_198, %dma_start3A_212, %dma_start3A_213] : memref<32x5x25x80xi32, #tpu.memory_space<hbm>> -> memref<1x1x25x80xi32, #tpu.memory_space<hbm>>
          %dma_start3A_215 = tpu.memref_squeeze %dma_start3A_214 : memref<1x1x25x80xi32, #tpu.memory_space<hbm>> -> memref<25x80xi32, #tpu.memory_space<hbm>>
          tpu.enqueue_dma source(%dma_start3A_215 : memref<25x80xi32, #tpu.memory_space<hbm>>) target(%dma_start3A_211 : memref<25x80xi32, #tpu.memory_space<vmem>>) target_semaphore(%arg11 : memref<!tpu.dma_semaphore, #tpu.memory_space<semaphore_mem>>)
          %add3A_216 = arith.constant 1 : i32
          %add3A_217 = arith.addi %div3A_152, %add3A_216 : i32
          %dma_start3A_218 = arith.constant 0 : i32
          %dma_start3A_219 = arith.constant 0 : i32
          %dma_start3A_220 = arith.constant 0 : i32
          %dma_start3A_221 = tpu.memref_slice %arg8[%dma_start3A_218, %dma_start3A_219, %dma_start3A_220] : memref<2x25x80xi32, #tpu.memory_space<vmem>> -> memref<1x25x80xi32, #tpu.memory_space<vmem>>
          %dma_start3A_222 = tpu.memref_squeeze %dma_start3A_221 : memref<1x25x80xi32, #tpu.memory_space<vmem>> -> memref<25x80xi32, #tpu.memory_space<vmem>>
          %dma_start3A_223 = arith.constant 0 : i32
          %dma_start3A_224 = arith.constant 0 : i32
          %dma_start3A_225 = tpu.memref_slice %arg4[%add3A, %add3A_217, %dma_start3A_223, %dma_start3A_224] : memref<32x5x25x80xi32, #tpu.memory_space<hbm>> -> memref<1x1x25x80xi32, #tpu.memory_space<hbm>>
          %dma_start3A_226 = tpu.memref_squeeze %dma_start3A_225 : memref<1x1x25x80xi32, #tpu.memory_space<hbm>> -> memref<25x80xi32, #tpu.memory_space<hbm>>
          %dma_start3A_227 = arith.constant 0 : i32
          %dma_start3A_228 = arith.constant 0 : i32
          %dma_start3A_229 = tpu.memref_slice %arg8[%dma_start3A_218, %dma_start3A_227, %dma_start3A_228] : memref<2x25x80xi32, #tpu.memory_space<vmem>> -> memref<1x25x80xi32, #tpu.memory_space<vmem>>
          %dma_start3A_230 = tpu.memref_squeeze %dma_start3A_229 : memref<1x25x80xi32, #tpu.memory_space<vmem>> -> memref<25x80xi32, #tpu.memory_space<vmem>>
          %dma_start3A_231 = arith.constant 0 : i32
          %dma_start3A_232 = arith.constant 0 : i32
          %dma_start3A_233 = tpu.memref_slice %arg4[%add3A, %add3A_217, %dma_start3A_231, %dma_start3A_232] : memref<32x5x25x80xi32, #tpu.memory_space<hbm>> -> memref<1x1x25x80xi32, #tpu.memory_space<hbm>>
          %dma_start3A_234 = tpu.memref_squeeze %dma_start3A_233 : memref<1x1x25x80xi32, #tpu.memory_space<hbm>> -> memref<25x80xi32, #tpu.memory_space<hbm>>
          tpu.enqueue_dma source(%dma_start3A_234 : memref<25x80xi32, #tpu.memory_space<hbm>>) target(%dma_start3A_230 : memref<25x80xi32, #tpu.memory_space<vmem>>) target_semaphore(%arg11 : memref<!tpu.dma_semaphore, #tpu.memory_space<semaphore_mem>>)
        } else {
        }
        %rem3A_176 = arith.constant 3 : i32
        %rem3A_177 = arith.remsi %scan3A_151, %rem3A_176 : i32
        %eq3A_178 = arith.constant 0 : i32
        %eq3A_179 = arith.cmpi eq, %rem3A_177, %eq3A_178 : i32
        %convert_element_type3A_180 = arith.extui %eq3A_179 : i1 to i32
        %cond3A_181 = arith.constant 0 : i32
        %cond3A_182 = arith.cmpi ne, %convert_element_type3A_180, %cond3A_181 : i32
        scf.if %cond3A_182 {
          %dma_wait3A_197 = arith.constant 1 : i32
          %dma_wait3A_198 = arith.constant 0 : i32
          %dma_wait3A_199 = arith.constant 0 : i32
          %dma_wait3A_200 = arith.constant 0 : i32
          %dma_wait3A_201 = tpu.memref_slice %arg9[%dma_wait3A_198, %dma_wait3A_199, %dma_wait3A_200] : memref<3x80x128xf32, #tpu.memory_space<vmem>> -> memref<1x80x128xf32, #tpu.memory_space<vmem>>
          %dma_wait3A_202 = tpu.memref_squeeze %dma_wait3A_201 : memref<1x80x128xf32, #tpu.memory_space<vmem>> -> memref<80x128xf32, #tpu.memory_space<vmem>>
          %dma_wait3A_203 = arith.constant 0 : i32
          %dma_wait3A_204 = tpu.memref_slice %arg7[%dma_wait3A_197, %rem3A_153, %dma_wait3A_203] : memref<2x25x80xi32, #tpu.memory_space<vmem>> -> memref<1x1x80xi32, #tpu.memory_space<vmem>>
          %dma_wait3A_205 = tpu.memref_squeeze %dma_wait3A_204 : memref<1x1x80xi32, #tpu.memory_space<vmem>> -> memref<80xi32, #tpu.memory_space<vmem>>
          %dma_wait3A_206 = arith.constant 0 : i32
          %dma_wait3A_207 = arith.constant 0 : i32
          %dma_wait3A_208 = tpu.memref_slice %arg2[%dma_wait3A_206, %dma_wait3A_207] : memref<10000x128xf32, #tpu.memory_space<hbm>> -> memref<10000x128xf32, #tpu.memory_space<hbm>>
          tpu.wait_indirect_dma semaphore(%arg13 : memref<!tpu.dma_semaphore, #tpu.memory_space<semaphore_mem>>) src(%dma_wait3A_208 : memref<10000x128xf32, #tpu.memory_space<hbm>>) dst(%dma_wait3A_202 : memref<80x128xf32, #tpu.memory_space<vmem>>)
          %run_scoped3A = arith.constant 0 : i32
          %run_scoped3A_209 = arith.constant 1 : i32
          "tpu.region"() ({
            %run_scoped3A_233 = tpu.sem_alloc : memref<!tpu.dma_semaphore, #tpu.memory_space<semaphore_mem>>
            %dma_start3A_234 = arith.constant 0 : i32
            %dma_start3A_235 = arith.constant 0 : i32
            %dma_start3A_236 = tpu.memref_slice %arg9[%run_scoped3A, %dma_start3A_234, %dma_start3A_235] : memref<3x80x128xf32, #tpu.memory_space<vmem>> -> memref<1x80x128xf32, #tpu.memory_space<vmem>>
            %dma_start3A_237 = tpu.memref_squeeze %dma_start3A_236 : memref<1x80x128xf32, #tpu.memory_space<vmem>> -> memref<80x128xf32, #tpu.memory_space<vmem>>
            %dma_start3A_238 = arith.constant 0 : i32
            %dma_start3A_239 = tpu.memref_slice %arg8[%run_scoped3A_209, %rem3A_153, %dma_start3A_238] : memref<2x25x80xi32, #tpu.memory_space<vmem>> -> memref<1x1x80xi32, #tpu.memory_space<vmem>>
            %dma_start3A_240 = tpu.memref_squeeze %dma_start3A_239 : memref<1x1x80xi32, #tpu.memory_space<vmem>> -> memref<80xi32, #tpu.memory_space<vmem>>
            %dma_start3A_241 = arith.constant 0 : i32
            %dma_start3A_242 = arith.constant 0 : i32
            %dma_start3A_243 = tpu.memref_slice %arg6[%dma_start3A_241, %dma_start3A_242] : memref<10000x128xf32, #tpu.memory_space<vmem_shared>> -> memref<10000x128xf32, #tpu.memory_space<vmem_shared>>
            tpu.enqueue_indirect_dma source(%dma_start3A_237 : memref<80x128xf32, #tpu.memory_space<vmem>>) target(%dma_start3A_243 : memref<10000x128xf32, #tpu.memory_space<vmem_shared>>) offsets(%dma_start3A_240 : memref<80xi32, #tpu.memory_space<vmem>>) semaphore(%run_scoped3A_233 : memref<!tpu.dma_semaphore, #tpu.memory_space<semaphore_mem>>) {add = true}
            %dma_wait3A_244 = arith.constant 0 : i32
            %dma_wait3A_245 = arith.constant 0 : i32
            %dma_wait3A_246 = tpu.memref_slice %arg9[%run_scoped3A, %dma_wait3A_244, %dma_wait3A_245] : memref<3x80x128xf32, #tpu.memory_space<vmem>> -> memref<1x80x128xf32, #tpu.memory_space<vmem>>
            %dma_wait3A_247 = tpu.memref_squeeze %dma_wait3A_246 : memref<1x80x128xf32, #tpu.memory_space<vmem>> -> memref<80x128xf32, #tpu.memory_space<vmem>>
            %dma_wait3A_248 = arith.constant 0 : i32
            %dma_wait3A_249 = tpu.memref_slice %arg8[%run_scoped3A_209, %rem3A_153, %dma_wait3A_248] : memref<2x25x80xi32, #tpu.memory_space<vmem>> -> memref<1x1x80xi32, #tpu.memory_space<vmem>>
            %dma_wait3A_250 = tpu.memref_squeeze %dma_wait3A_249 : memref<1x1x80xi32, #tpu.memory_space<vmem>> -> memref<80xi32, #tpu.memory_space<vmem>>
            %dma_wait3A_251 = arith.constant 0 : i32
            %dma_wait3A_252 = arith.constant 0 : i32
            %dma_wait3A_253 = tpu.memref_slice %arg6[%dma_wait3A_251, %dma_wait3A_252] : memref<10000x128xf32, #tpu.memory_space<vmem_shared>> -> memref<10000x128xf32, #tpu.memory_space<vmem_shared>>
            tpu.wait_indirect_dma semaphore(%run_scoped3A_233 : memref<!tpu.dma_semaphore, #tpu.memory_space<semaphore_mem>>) src(%dma_wait3A_247 : memref<80x128xf32, #tpu.memory_space<vmem>>) dst(%dma_wait3A_253 : memref<10000x128xf32, #tpu.memory_space<vmem_shared>>)
            tpu.yield
          }) : () -> ()
          %add3A_210 = arith.constant 3 : i32
          %add3A_211 = arith.addi %scan3A_151, %add3A_210 : i32
          %lt3A_212 = arith.constant 125 : i32
          %lt3A_213 = arith.cmpi slt, %add3A_211, %lt3A_212 : i32
          %add3A_214 = arith.constant 3 : i32
          %add3A_215 = arith.addi %rem3A_153, %add3A_214 : i32
          %lt3A_216 = arith.constant 25 : i32
          %lt3A_217 = arith.cmpi slt, %add3A_215, %lt3A_216 : i32
          %and3A_218 = arith.andi %lt3A_213, %lt3A_217 : i1
          %convert_element_type3A_219 = arith.extui %and3A_218 : i1 to i32
          %cond3A_220 = arith.constant 0 : i32
          %cond3A_221 = arith.cmpi ne, %convert_element_type3A_219, %cond3A_220 : i32
          scf.if %cond3A_221 {
            %add3A_233 = arith.constant 3 : i32
            %add3A_234 = arith.addi %rem3A_153, %add3A_233 : i32
            %dma_start3A_235 = arith.constant 1 : i32
            %dma_start3A_236 = arith.constant 0 : i32
            %dma_start3A_237 = arith.constant 0 : i32
            %dma_start3A_238 = arith.constant 0 : i32
            %dma_start3A_239 = tpu.memref_slice %arg9[%dma_start3A_236, %dma_start3A_237, %dma_start3A_238] : memref<3x80x128xf32, #tpu.memory_space<vmem>> -> memref<1x80x128xf32, #tpu.memory_space<vmem>>
            %dma_start3A_240 = tpu.memref_squeeze %dma_start3A_239 : memref<1x80x128xf32, #tpu.memory_space<vmem>> -> memref<80x128xf32, #tpu.memory_space<vmem>>
            %dma_start3A_241 = arith.constant 0 : i32
            %dma_start3A_242 = tpu.memref_slice %arg7[%dma_start3A_235, %add3A_234, %dma_start3A_241] : memref<2x25x80xi32, #tpu.memory_space<vmem>> -> memref<1x1x80xi32, #tpu.memory_space<vmem>>
            %dma_start3A_243 = tpu.memref_squeeze %dma_start3A_242 : memref<1x1x80xi32, #tpu.memory_space<vmem>> -> memref<80xi32, #tpu.memory_space<vmem>>
            %dma_start3A_244 = arith.constant 0 : i32
            %dma_start3A_245 = arith.constant 0 : i32
            %dma_start3A_246 = tpu.memref_slice %arg2[%dma_start3A_244, %dma_start3A_245] : memref<10000x128xf32, #tpu.memory_space<hbm>> -> memref<10000x128xf32, #tpu.memory_space<hbm>>
            tpu.enqueue_indirect_dma source(%dma_start3A_246 : memref<10000x128xf32, #tpu.memory_space<hbm>>) target(%dma_start3A_240 : memref<80x128xf32, #tpu.memory_space<vmem>>) offsets(%dma_start3A_243 : memref<80xi32, #tpu.memory_space<vmem>>) semaphore(%arg13 : memref<!tpu.dma_semaphore, #tpu.memory_space<semaphore_mem>>)
          } else {
          }
          %add3A_222 = arith.constant 3 : i32
          %add3A_223 = arith.addi %scan3A_151, %add3A_222 : i32
          %lt3A_224 = arith.constant 125 : i32
          %lt3A_225 = arith.cmpi slt, %add3A_223, %lt3A_224 : i32
          %add3A_226 = arith.constant 3 : i32
          %add3A_227 = arith.addi %rem3A_153, %add3A_226 : i32
          %ge3A = arith.constant 25 : i32
          %ge3A_228 = arith.cmpi sge, %add3A_227, %ge3A : i32
          %and3A_229 = arith.andi %lt3A_225, %ge3A_228 : i1
          %convert_element_type3A_230 = arith.extui %and3A_229 : i1 to i32
          %cond3A_231 = arith.constant 0 : i32
          %cond3A_232 = arith.cmpi ne, %convert_element_type3A_230, %cond3A_231 : i32
          scf.if %cond3A_232 {
            %add3A_233 = arith.constant 3 : i32
            %add3A_234 = arith.addi %rem3A_153, %add3A_233 : i32
            %eq3A_235 = arith.constant 25 : i32
            %eq3A_236 = arith.cmpi eq, %add3A_234, %eq3A_235 : i32
            %convert_element_type3A_237 = arith.extui %eq3A_236 : i1 to i32
            %cond3A_238 = arith.constant 0 : i32
            %cond3A_239 = arith.cmpi ne, %convert_element_type3A_237, %cond3A_238 : i32
            scf.if %cond3A_239 {
              %add3A_255 = arith.constant 1 : i32
              %add3A_256 = arith.addi %div3A_152, %add3A_255 : i32
              %dma_wait3A_257 = arith.constant 0 : i32
              %dma_wait3A_258 = arith.constant 0 : i32
              %dma_wait3A_259 = arith.constant 0 : i32
              %dma_wait3A_260 = tpu.memref_slice %arg7[%dma_wait3A_257, %dma_wait3A_258, %dma_wait3A_259] : memref<2x25x80xi32, #tpu.memory_space<vmem>> -> memref<1x25x80xi32, #tpu.memory_space<vmem>>
              %dma_wait3A_261 = tpu.memref_squeeze %dma_wait3A_260 : memref<1x25x80xi32, #tpu.memory_space<vmem>> -> memref<25x80xi32, #tpu.memory_space<vmem>>
              %dma_wait3A_262 = arith.constant 0 : i32
              %dma_wait3A_263 = arith.constant 0 : i32
              %dma_wait3A_264 = tpu.memref_slice %arg3[%add3A, %add3A_256, %dma_wait3A_262, %dma_wait3A_263] : memref<32x5x25x80xi32, #tpu.memory_space<hbm>> -> memref<1x1x25x80xi32, #tpu.memory_space<hbm>>
              %dma_wait3A_265 = tpu.memref_squeeze %dma_wait3A_264 : memref<1x1x25x80xi32, #tpu.memory_space<hbm>> -> memref<25x80xi32, #tpu.memory_space<hbm>>
              %dma_wait3A_266 = arith.constant 0 : i32
              %dma_wait3A_267 = arith.constant 0 : i32
              %dma_wait3A_268 = tpu.memref_slice %arg7[%dma_wait3A_257, %dma_wait3A_266, %dma_wait3A_267] : memref<2x25x80xi32, #tpu.memory_space<vmem>> -> memref<1x25x80xi32, #tpu.memory_space<vmem>>
              %dma_wait3A_269 = tpu.memref_squeeze %dma_wait3A_268 : memref<1x25x80xi32, #tpu.memory_space<vmem>> -> memref<25x80xi32, #tpu.memory_space<vmem>>
              %dma_wait3A_270 = arith.constant 0 : i32
              %dma_wait3A_271 = arith.constant 0 : i32
              %dma_wait3A_272 = tpu.memref_slice %arg3[%add3A, %add3A_256, %dma_wait3A_270, %dma_wait3A_271] : memref<32x5x25x80xi32, #tpu.memory_space<hbm>> -> memref<1x1x25x80xi32, #tpu.memory_space<hbm>>
              %dma_wait3A_273 = tpu.memref_squeeze %dma_wait3A_272 : memref<1x1x25x80xi32, #tpu.memory_space<hbm>> -> memref<25x80xi32, #tpu.memory_space<hbm>>
              tpu.wait_dma2 semaphore(%arg11 : memref<!tpu.dma_semaphore, #tpu.memory_space<semaphore_mem>>) src(%dma_wait3A_273 : memref<25x80xi32, #tpu.memory_space<hbm>>) dst(%dma_wait3A_269 : memref<25x80xi32, #tpu.memory_space<vmem>>)
              %add3A_274 = arith.constant 1 : i32
              %add3A_275 = arith.addi %div3A_152, %add3A_274 : i32
              %dma_wait3A_276 = arith.constant 0 : i32
              %dma_wait3A_277 = arith.constant 0 : i32
              %dma_wait3A_278 = arith.constant 0 : i32
              %dma_wait3A_279 = tpu.memref_slice %arg8[%dma_wait3A_276, %dma_wait3A_277, %dma_wait3A_278] : memref<2x25x80xi32, #tpu.memory_space<vmem>> -> memref<1x25x80xi32, #tpu.memory_space<vmem>>
              %dma_wait3A_280 = tpu.memref_squeeze %dma_wait3A_279 : memref<1x25x80xi32, #tpu.memory_space<vmem>> -> memref<25x80xi32, #tpu.memory_space<vmem>>
              %dma_wait3A_281 = arith.constant 0 : i32
              %dma_wait3A_282 = arith.constant 0 : i32
              %dma_wait3A_283 = tpu.memref_slice %arg4[%add3A, %add3A_275, %dma_wait3A_281, %dma_wait3A_282] : memref<32x5x25x80xi32, #tpu.memory_space<hbm>> -> memref<1x1x25x80xi32, #tpu.memory_space<hbm>>
              %dma_wait3A_284 = tpu.memref_squeeze %dma_wait3A_283 : memref<1x1x25x80xi32, #tpu.memory_space<hbm>> -> memref<25x80xi32, #tpu.memory_space<hbm>>
              %dma_wait3A_285 = arith.constant 0 : i32
              %dma_wait3A_286 = arith.constant 0 : i32
              %dma_wait3A_287 = tpu.memref_slice %arg8[%dma_wait3A_276, %dma_wait3A_285, %dma_wait3A_286] : memref<2x25x80xi32, #tpu.memory_space<vmem>> -> memref<1x25x80xi32, #tpu.memory_space<vmem>>
              %dma_wait3A_288 = tpu.memref_squeeze %dma_wait3A_287 : memref<1x25x80xi32, #tpu.memory_space<vmem>> -> memref<25x80xi32, #tpu.memory_space<vmem>>
              %dma_wait3A_289 = arith.constant 0 : i32
              %dma_wait3A_290 = arith.constant 0 : i32
              %dma_wait3A_291 = tpu.memref_slice %arg4[%add3A, %add3A_275, %dma_wait3A_289, %dma_wait3A_290] : memref<32x5x25x80xi32, #tpu.memory_space<hbm>> -> memref<1x1x25x80xi32, #tpu.memory_space<hbm>>
              %dma_wait3A_292 = tpu.memref_squeeze %dma_wait3A_291 : memref<1x1x25x80xi32, #tpu.memory_space<hbm>> -> memref<25x80xi32, #tpu.memory_space<hbm>>
              tpu.wait_dma2 semaphore(%arg11 : memref<!tpu.dma_semaphore, #tpu.memory_space<semaphore_mem>>) src(%dma_wait3A_292 : memref<25x80xi32, #tpu.memory_space<hbm>>) dst(%dma_wait3A_288 : memref<25x80xi32, #tpu.memory_space<vmem>>)
            } else {
            }
            %add3A_240 = arith.constant 3 : i32
            %add3A_241 = arith.addi %rem3A_153, %add3A_240 : i32
            %sub3A = arith.constant 25 : i32
            %sub3A_242 = arith.subi %add3A_241, %sub3A : i32
            %dma_start3A_243 = arith.constant 0 : i32
            %dma_start3A_244 = arith.constant 0 : i32
            %dma_start3A_245 = arith.constant 0 : i32
            %dma_start3A_246 = arith.constant 0 : i32
            %dma_start3A_247 = tpu.memref_slice %arg9[%dma_start3A_244, %dma_start3A_245, %dma_start3A_246] : memref<3x80x128xf32, #tpu.memory_space<vmem>> -> memref<1x80x128xf32, #tpu.memory_space<vmem>>
            %dma_start3A_248 = tpu.memref_squeeze %dma_start3A_247 : memref<1x80x128xf32, #tpu.memory_space<vmem>> -> memref<80x128xf32, #tpu.memory_space<vmem>>
            %dma_start3A_249 = arith.constant 0 : i32
            %dma_start3A_250 = tpu.memref_slice %arg7[%dma_start3A_243, %sub3A_242, %dma_start3A_249] : memref<2x25x80xi32, #tpu.memory_space<vmem>> -> memref<1x1x80xi32, #tpu.memory_space<vmem>>
            %dma_start3A_251 = tpu.memref_squeeze %dma_start3A_250 : memref<1x1x80xi32, #tpu.memory_space<vmem>> -> memref<80xi32, #tpu.memory_space<vmem>>
            %dma_start3A_252 = arith.constant 0 : i32
            %dma_start3A_253 = arith.constant 0 : i32
            %dma_start3A_254 = tpu.memref_slice %arg2[%dma_start3A_252, %dma_start3A_253] : memref<10000x128xf32, #tpu.memory_space<hbm>> -> memref<10000x128xf32, #tpu.memory_space<hbm>>
            tpu.enqueue_indirect_dma source(%dma_start3A_254 : memref<10000x128xf32, #tpu.memory_space<hbm>>) target(%dma_start3A_248 : memref<80x128xf32, #tpu.memory_space<vmem>>) offsets(%dma_start3A_251 : memref<80xi32, #tpu.memory_space<vmem>>) semaphore(%arg13 : memref<!tpu.dma_semaphore, #tpu.memory_space<semaphore_mem>>)
          } else {
          }
        } else {
        }
        %rem3A_183 = arith.constant 3 : i32
        %rem3A_184 = arith.remsi %scan3A_151, %rem3A_183 : i32
        %eq3A_185 = arith.constant 1 : i32
        %eq3A_186 = arith.cmpi eq, %rem3A_184, %eq3A_185 : i32
        %convert_element_type3A_187 = arith.extui %eq3A_186 : i1 to i32
        %cond3A_188 = arith.constant 0 : i32
        %cond3A_189 = arith.cmpi ne, %convert_element_type3A_187, %cond3A_188 : i32
        scf.if %cond3A_189 {
          %dma_wait3A_197 = arith.constant 1 : i32
          %dma_wait3A_198 = arith.constant 1 : i32
          %dma_wait3A_199 = arith.constant 0 : i32
          %dma_wait3A_200 = arith.constant 0 : i32
          %dma_wait3A_201 = tpu.memref_slice %arg9[%dma_wait3A_198, %dma_wait3A_199, %dma_wait3A_200] : memref<3x80x128xf32, #tpu.memory_space<vmem>> -> memref<1x80x128xf32, #tpu.memory_space<vmem>>
          %dma_wait3A_202 = tpu.memref_squeeze %dma_wait3A_201 : memref<1x80x128xf32, #tpu.memory_space<vmem>> -> memref<80x128xf32, #tpu.memory_space<vmem>>
          %dma_wait3A_203 = arith.constant 0 : i32
          %dma_wait3A_204 = tpu.memref_slice %arg7[%dma_wait3A_197, %rem3A_153, %dma_wait3A_203] : memref<2x25x80xi32, #tpu.memory_space<vmem>> -> memref<1x1x80xi32, #tpu.memory_space<vmem>>
          %dma_wait3A_205 = tpu.memref_squeeze %dma_wait3A_204 : memref<1x1x80xi32, #tpu.memory_space<vmem>> -> memref<80xi32, #tpu.memory_space<vmem>>
          %dma_wait3A_206 = arith.constant 0 : i32
          %dma_wait3A_207 = arith.constant 0 : i32
          %dma_wait3A_208 = tpu.memref_slice %arg2[%dma_wait3A_206, %dma_wait3A_207] : memref<10000x128xf32, #tpu.memory_space<hbm>> -> memref<10000x128xf32, #tpu.memory_space<hbm>>
          tpu.wait_indirect_dma semaphore(%arg14 : memref<!tpu.dma_semaphore, #tpu.memory_space<semaphore_mem>>) src(%dma_wait3A_208 : memref<10000x128xf32, #tpu.memory_space<hbm>>) dst(%dma_wait3A_202 : memref<80x128xf32, #tpu.memory_space<vmem>>)
          %run_scoped3A = arith.constant 1 : i32
          %run_scoped3A_209 = arith.constant 1 : i32
          "tpu.region"() ({
            %run_scoped3A_233 = tpu.sem_alloc : memref<!tpu.dma_semaphore, #tpu.memory_space<semaphore_mem>>
            %dma_start3A_234 = arith.constant 0 : i32
            %dma_start3A_235 = arith.constant 0 : i32
            %dma_start3A_236 = tpu.memref_slice %arg9[%run_scoped3A, %dma_start3A_234, %dma_start3A_235] : memref<3x80x128xf32, #tpu.memory_space<vmem>> -> memref<1x80x128xf32, #tpu.memory_space<vmem>>
            %dma_start3A_237 = tpu.memref_squeeze %dma_start3A_236 : memref<1x80x128xf32, #tpu.memory_space<vmem>> -> memref<80x128xf32, #tpu.memory_space<vmem>>
            %dma_start3A_238 = arith.constant 0 : i32
            %dma_start3A_239 = tpu.memref_slice %arg8[%run_scoped3A_209, %rem3A_153, %dma_start3A_238] : memref<2x25x80xi32, #tpu.memory_space<vmem>> -> memref<1x1x80xi32, #tpu.memory_space<vmem>>
            %dma_start3A_240 = tpu.memref_squeeze %dma_start3A_239 : memref<1x1x80xi32, #tpu.memory_space<vmem>> -> memref<80xi32, #tpu.memory_space<vmem>>
            %dma_start3A_241 = arith.constant 0 : i32
            %dma_start3A_242 = arith.constant 0 : i32
            %dma_start3A_243 = tpu.memref_slice %arg6[%dma_start3A_241, %dma_start3A_242] : memref<10000x128xf32, #tpu.memory_space<vmem_shared>> -> memref<10000x128xf32, #tpu.memory_space<vmem_shared>>
            tpu.enqueue_indirect_dma source(%dma_start3A_237 : memref<80x128xf32, #tpu.memory_space<vmem>>) target(%dma_start3A_243 : memref<10000x128xf32, #tpu.memory_space<vmem_shared>>) offsets(%dma_start3A_240 : memref<80xi32, #tpu.memory_space<vmem>>) semaphore(%run_scoped3A_233 : memref<!tpu.dma_semaphore, #tpu.memory_space<semaphore_mem>>) {add = true}
            %dma_wait3A_244 = arith.constant 0 : i32
            %dma_wait3A_245 = arith.constant 0 : i32
            %dma_wait3A_246 = tpu.memref_slice %arg9[%run_scoped3A, %dma_wait3A_244, %dma_wait3A_245] : memref<3x80x128xf32, #tpu.memory_space<vmem>> -> memref<1x80x128xf32, #tpu.memory_space<vmem>>
            %dma_wait3A_247 = tpu.memref_squeeze %dma_wait3A_246 : memref<1x80x128xf32, #tpu.memory_space<vmem>> -> memref<80x128xf32, #tpu.memory_space<vmem>>
            %dma_wait3A_248 = arith.constant 0 : i32
            %dma_wait3A_249 = tpu.memref_slice %arg8[%run_scoped3A_209, %rem3A_153, %dma_wait3A_248] : memref<2x25x80xi32, #tpu.memory_space<vmem>> -> memref<1x1x80xi32, #tpu.memory_space<vmem>>
            %dma_wait3A_250 = tpu.memref_squeeze %dma_wait3A_249 : memref<1x1x80xi32, #tpu.memory_space<vmem>> -> memref<80xi32, #tpu.memory_space<vmem>>
            %dma_wait3A_251 = arith.constant 0 : i32
            %dma_wait3A_252 = arith.constant 0 : i32
            %dma_wait3A_253 = tpu.memref_slice %arg6[%dma_wait3A_251, %dma_wait3A_252] : memref<10000x128xf32, #tpu.memory_space<vmem_shared>> -> memref<10000x128xf32, #tpu.memory_space<vmem_shared>>
            tpu.wait_indirect_dma semaphore(%run_scoped3A_233 : memref<!tpu.dma_semaphore, #tpu.memory_space<semaphore_mem>>) src(%dma_wait3A_247 : memref<80x128xf32, #tpu.memory_space<vmem>>) dst(%dma_wait3A_253 : memref<10000x128xf32, #tpu.memory_space<vmem_shared>>)
            tpu.yield
          }) : () -> ()
          %add3A_210 = arith.constant 3 : i32
          %add3A_211 = arith.addi %scan3A_151, %add3A_210 : i32
          %lt3A_212 = arith.constant 125 : i32
          %lt3A_213 = arith.cmpi slt, %add3A_211, %lt3A_212 : i32
          %add3A_214 = arith.constant 3 : i32
          %add3A_215 = arith.addi %rem3A_153, %add3A_214 : i32
          %lt3A_216 = arith.constant 25 : i32
          %lt3A_217 = arith.cmpi slt, %add3A_215, %lt3A_216 : i32
          %and3A_218 = arith.andi %lt3A_213, %lt3A_217 : i1
          %convert_element_type3A_219 = arith.extui %and3A_218 : i1 to i32
          %cond3A_220 = arith.constant 0 : i32
          %cond3A_221 = arith.cmpi ne, %convert_element_type3A_219, %cond3A_220 : i32
          scf.if %cond3A_221 {
            %add3A_233 = arith.constant 3 : i32
            %add3A_234 = arith.addi %rem3A_153, %add3A_233 : i32
            %dma_start3A_235 = arith.constant 1 : i32
            %dma_start3A_236 = arith.constant 1 : i32
            %dma_start3A_237 = arith.constant 0 : i32
            %dma_start3A_238 = arith.constant 0 : i32
            %dma_start3A_239 = tpu.memref_slice %arg9[%dma_start3A_236, %dma_start3A_237, %dma_start3A_238] : memref<3x80x128xf32, #tpu.memory_space<vmem>> -> memref<1x80x128xf32, #tpu.memory_space<vmem>>
            %dma_start3A_240 = tpu.memref_squeeze %dma_start3A_239 : memref<1x80x128xf32, #tpu.memory_space<vmem>> -> memref<80x128xf32, #tpu.memory_space<vmem>>
            %dma_start3A_241 = arith.constant 0 : i32
            %dma_start3A_242 = tpu.memref_slice %arg7[%dma_start3A_235, %add3A_234, %dma_start3A_241] : memref<2x25x80xi32, #tpu.memory_space<vmem>> -> memref<1x1x80xi32, #tpu.memory_space<vmem>>
            %dma_start3A_243 = tpu.memref_squeeze %dma_start3A_242 : memref<1x1x80xi32, #tpu.memory_space<vmem>> -> memref<80xi32, #tpu.memory_space<vmem>>
            %dma_start3A_244 = arith.constant 0 : i32
            %dma_start3A_245 = arith.constant 0 : i32
            %dma_start3A_246 = tpu.memref_slice %arg2[%dma_start3A_244, %dma_start3A_245] : memref<10000x128xf32, #tpu.memory_space<hbm>> -> memref<10000x128xf32, #tpu.memory_space<hbm>>
            tpu.enqueue_indirect_dma source(%dma_start3A_246 : memref<10000x128xf32, #tpu.memory_space<hbm>>) target(%dma_start3A_240 : memref<80x128xf32, #tpu.memory_space<vmem>>) offsets(%dma_start3A_243 : memref<80xi32, #tpu.memory_space<vmem>>) semaphore(%arg14 : memref<!tpu.dma_semaphore, #tpu.memory_space<semaphore_mem>>)
          } else {
          }
          %add3A_222 = arith.constant 3 : i32
          %add3A_223 = arith.addi %scan3A_151, %add3A_222 : i32
          %lt3A_224 = arith.constant 125 : i32
          %lt3A_225 = arith.cmpi slt, %add3A_223, %lt3A_224 : i32
          %add3A_226 = arith.constant 3 : i32
          %add3A_227 = arith.addi %rem3A_153, %add3A_226 : i32
          %ge3A = arith.constant 25 : i32
          %ge3A_228 = arith.cmpi sge, %add3A_227, %ge3A : i32
          %and3A_229 = arith.andi %lt3A_225, %ge3A_228 : i1
          %convert_element_type3A_230 = arith.extui %and3A_229 : i1 to i32
          %cond3A_231 = arith.constant 0 : i32
          %cond3A_232 = arith.cmpi ne, %convert_element_type3A_230, %cond3A_231 : i32
          scf.if %cond3A_232 {
            %add3A_233 = arith.constant 3 : i32
            %add3A_234 = arith.addi %rem3A_153, %add3A_233 : i32
            %eq3A_235 = arith.constant 25 : i32
            %eq3A_236 = arith.cmpi eq, %add3A_234, %eq3A_235 : i32
            %convert_element_type3A_237 = arith.extui %eq3A_236 : i1 to i32
            %cond3A_238 = arith.constant 0 : i32
            %cond3A_239 = arith.cmpi ne, %convert_element_type3A_237, %cond3A_238 : i32
            scf.if %cond3A_239 {
              %add3A_255 = arith.constant 1 : i32
              %add3A_256 = arith.addi %div3A_152, %add3A_255 : i32
              %dma_wait3A_257 = arith.constant 0 : i32
              %dma_wait3A_258 = arith.constant 0 : i32
              %dma_wait3A_259 = arith.constant 0 : i32
              %dma_wait3A_260 = tpu.memref_slice %arg7[%dma_wait3A_257, %dma_wait3A_258, %dma_wait3A_259] : memref<2x25x80xi32, #tpu.memory_space<vmem>> -> memref<1x25x80xi32, #tpu.memory_space<vmem>>
              %dma_wait3A_261 = tpu.memref_squeeze %dma_wait3A_260 : memref<1x25x80xi32, #tpu.memory_space<vmem>> -> memref<25x80xi32, #tpu.memory_space<vmem>>
              %dma_wait3A_262 = arith.constant 0 : i32
              %dma_wait3A_263 = arith.constant 0 : i32
              %dma_wait3A_264 = tpu.memref_slice %arg3[%add3A, %add3A_256, %dma_wait3A_262, %dma_wait3A_263] : memref<32x5x25x80xi32, #tpu.memory_space<hbm>> -> memref<1x1x25x80xi32, #tpu.memory_space<hbm>>
              %dma_wait3A_265 = tpu.memref_squeeze %dma_wait3A_264 : memref<1x1x25x80xi32, #tpu.memory_space<hbm>> -> memref<25x80xi32, #tpu.memory_space<hbm>>
              %dma_wait3A_266 = arith.constant 0 : i32
              %dma_wait3A_267 = arith.constant 0 : i32
              %dma_wait3A_268 = tpu.memref_slice %arg7[%dma_wait3A_257, %dma_wait3A_266, %dma_wait3A_267] : memref<2x25x80xi32, #tpu.memory_space<vmem>> -> memref<1x25x80xi32, #tpu.memory_space<vmem>>
              %dma_wait3A_269 = tpu.memref_squeeze %dma_wait3A_268 : memref<1x25x80xi32, #tpu.memory_space<vmem>> -> memref<25x80xi32, #tpu.memory_space<vmem>>
              %dma_wait3A_270 = arith.constant 0 : i32
              %dma_wait3A_271 = arith.constant 0 : i32
              %dma_wait3A_272 = tpu.memref_slice %arg3[%add3A, %add3A_256, %dma_wait3A_270, %dma_wait3A_271] : memref<32x5x25x80xi32, #tpu.memory_space<hbm>> -> memref<1x1x25x80xi32, #tpu.memory_space<hbm>>
              %dma_wait3A_273 = tpu.memref_squeeze %dma_wait3A_272 : memref<1x1x25x80xi32, #tpu.memory_space<hbm>> -> memref<25x80xi32, #tpu.memory_space<hbm>>
              tpu.wait_dma2 semaphore(%arg11 : memref<!tpu.dma_semaphore, #tpu.memory_space<semaphore_mem>>) src(%dma_wait3A_273 : memref<25x80xi32, #tpu.memory_space<hbm>>) dst(%dma_wait3A_269 : memref<25x80xi32, #tpu.memory_space<vmem>>)
              %add3A_274 = arith.constant 1 : i32
              %add3A_275 = arith.addi %div3A_152, %add3A_274 : i32
              %dma_wait3A_276 = arith.constant 0 : i32
              %dma_wait3A_277 = arith.constant 0 : i32
              %dma_wait3A_278 = arith.constant 0 : i32
              %dma_wait3A_279 = tpu.memref_slice %arg8[%dma_wait3A_276, %dma_wait3A_277, %dma_wait3A_278] : memref<2x25x80xi32, #tpu.memory_space<vmem>> -> memref<1x25x80xi32, #tpu.memory_space<vmem>>
              %dma_wait3A_280 = tpu.memref_squeeze %dma_wait3A_279 : memref<1x25x80xi32, #tpu.memory_space<vmem>> -> memref<25x80xi32, #tpu.memory_space<vmem>>
              %dma_wait3A_281 = arith.constant 0 : i32
              %dma_wait3A_282 = arith.constant 0 : i32
              %dma_wait3A_283 = tpu.memref_slice %arg4[%add3A, %add3A_275, %dma_wait3A_281, %dma_wait3A_282] : memref<32x5x25x80xi32, #tpu.memory_space<hbm>> -> memref<1x1x25x80xi32, #tpu.memory_space<hbm>>
              %dma_wait3A_284 = tpu.memref_squeeze %dma_wait3A_283 : memref<1x1x25x80xi32, #tpu.memory_space<hbm>> -> memref<25x80xi32, #tpu.memory_space<hbm>>
              %dma_wait3A_285 = arith.constant 0 : i32
              %dma_wait3A_286 = arith.constant 0 : i32
              %dma_wait3A_287 = tpu.memref_slice %arg8[%dma_wait3A_276, %dma_wait3A_285, %dma_wait3A_286] : memref<2x25x80xi32, #tpu.memory_space<vmem>> -> memref<1x25x80xi32, #tpu.memory_space<vmem>>
              %dma_wait3A_288 = tpu.memref_squeeze %dma_wait3A_287 : memref<1x25x80xi32, #tpu.memory_space<vmem>> -> memref<25x80xi32, #tpu.memory_space<vmem>>
              %dma_wait3A_289 = arith.constant 0 : i32
              %dma_wait3A_290 = arith.constant 0 : i32
              %dma_wait3A_291 = tpu.memref_slice %arg4[%add3A, %add3A_275, %dma_wait3A_289, %dma_wait3A_290] : memref<32x5x25x80xi32, #tpu.memory_space<hbm>> -> memref<1x1x25x80xi32, #tpu.memory_space<hbm>>
              %dma_wait3A_292 = tpu.memref_squeeze %dma_wait3A_291 : memref<1x1x25x80xi32, #tpu.memory_space<hbm>> -> memref<25x80xi32, #tpu.memory_space<hbm>>
              tpu.wait_dma2 semaphore(%arg11 : memref<!tpu.dma_semaphore, #tpu.memory_space<semaphore_mem>>) src(%dma_wait3A_292 : memref<25x80xi32, #tpu.memory_space<hbm>>) dst(%dma_wait3A_288 : memref<25x80xi32, #tpu.memory_space<vmem>>)
            } else {
            }
            %add3A_240 = arith.constant 3 : i32
            %add3A_241 = arith.addi %rem3A_153, %add3A_240 : i32
            %sub3A = arith.constant 25 : i32
            %sub3A_242 = arith.subi %add3A_241, %sub3A : i32
            %dma_start3A_243 = arith.constant 0 : i32
            %dma_start3A_244 = arith.constant 1 : i32
            %dma_start3A_245 = arith.constant 0 : i32
            %dma_start3A_246 = arith.constant 0 : i32
            %dma_start3A_247 = tpu.memref_slice %arg9[%dma_start3A_244, %dma_start3A_245, %dma_start3A_246] : memref<3x80x128xf32, #tpu.memory_space<vmem>> -> memref<1x80x128xf32, #tpu.memory_space<vmem>>
            %dma_start3A_248 = tpu.memref_squeeze %dma_start3A_247 : memref<1x80x128xf32, #tpu.memory_space<vmem>> -> memref<80x128xf32, #tpu.memory_space<vmem>>
            %dma_start3A_249 = arith.constant 0 : i32
            %dma_start3A_250 = tpu.memref_slice %arg7[%dma_start3A_243, %sub3A_242, %dma_start3A_249] : memref<2x25x80xi32, #tpu.memory_space<vmem>> -> memref<1x1x80xi32, #tpu.memory_space<vmem>>
            %dma_start3A_251 = tpu.memref_squeeze %dma_start3A_250 : memref<1x1x80xi32, #tpu.memory_space<vmem>> -> memref<80xi32, #tpu.memory_space<vmem>>
            %dma_start3A_252 = arith.constant 0 : i32
            %dma_start3A_253 = arith.constant 0 : i32
            %dma_start3A_254 = tpu.memref_slice %arg2[%dma_start3A_252, %dma_start3A_253] : memref<10000x128xf32, #tpu.memory_space<hbm>> -> memref<10000x128xf32, #tpu.memory_space<hbm>>
            tpu.enqueue_indirect_dma source(%dma_start3A_254 : memref<10000x128xf32, #tpu.memory_space<hbm>>) target(%dma_start3A_248 : memref<80x128xf32, #tpu.memory_space<vmem>>) offsets(%dma_start3A_251 : memref<80xi32, #tpu.memory_space<vmem>>) semaphore(%arg14 : memref<!tpu.dma_semaphore, #tpu.memory_space<semaphore_mem>>)
          } else {
          }
        } else {
        }
        %rem3A_190 = arith.constant 3 : i32
        %rem3A_191 = arith.remsi %scan3A_151, %rem3A_190 : i32
        %eq3A_192 = arith.constant 2 : i32
        %eq3A_193 = arith.cmpi eq, %rem3A_191, %eq3A_192 : i32
        %convert_element_type3A_194 = arith.extui %eq3A_193 : i1 to i32
        %cond3A_195 = arith.constant 0 : i32
        %cond3A_196 = arith.cmpi ne, %convert_element_type3A_194, %cond3A_195 : i32
        scf.if %cond3A_196 {
          %dma_wait3A_197 = arith.constant 1 : i32
          %dma_wait3A_198 = arith.constant 2 : i32
          %dma_wait3A_199 = arith.constant 0 : i32
          %dma_wait3A_200 = arith.constant 0 : i32
          %dma_wait3A_201 = tpu.memref_slice %arg9[%dma_wait3A_198, %dma_wait3A_199, %dma_wait3A_200] : memref<3x80x128xf32, #tpu.memory_space<vmem>> -> memref<1x80x128xf32, #tpu.memory_space<vmem>>
          %dma_wait3A_202 = tpu.memref_squeeze %dma_wait3A_201 : memref<1x80x128xf32, #tpu.memory_space<vmem>> -> memref<80x128xf32, #tpu.memory_space<vmem>>
          %dma_wait3A_203 = arith.constant 0 : i32
          %dma_wait3A_204 = tpu.memref_slice %arg7[%dma_wait3A_197, %rem3A_153, %dma_wait3A_203] : memref<2x25x80xi32, #tpu.memory_space<vmem>> -> memref<1x1x80xi32, #tpu.memory_space<vmem>>
          %dma_wait3A_205 = tpu.memref_squeeze %dma_wait3A_204 : memref<1x1x80xi32, #tpu.memory_space<vmem>> -> memref<80xi32, #tpu.memory_space<vmem>>
          %dma_wait3A_206 = arith.constant 0 : i32
          %dma_wait3A_207 = arith.constant 0 : i32
          %dma_wait3A_208 = tpu.memref_slice %arg2[%dma_wait3A_206, %dma_wait3A_207] : memref<10000x128xf32, #tpu.memory_space<hbm>> -> memref<10000x128xf32, #tpu.memory_space<hbm>>
          tpu.wait_indirect_dma semaphore(%arg15 : memref<!tpu.dma_semaphore, #tpu.memory_space<semaphore_mem>>) src(%dma_wait3A_208 : memref<10000x128xf32, #tpu.memory_space<hbm>>) dst(%dma_wait3A_202 : memref<80x128xf32, #tpu.memory_space<vmem>>)
          %run_scoped3A = arith.constant 2 : i32
          %run_scoped3A_209 = arith.constant 1 : i32
          "tpu.region"() ({
            %run_scoped3A_233 = tpu.sem_alloc : memref<!tpu.dma_semaphore, #tpu.memory_space<semaphore_mem>>
            %dma_start3A_234 = arith.constant 0 : i32
            %dma_start3A_235 = arith.constant 0 : i32
            %dma_start3A_236 = tpu.memref_slice %arg9[%run_scoped3A, %dma_start3A_234, %dma_start3A_235] : memref<3x80x128xf32, #tpu.memory_space<vmem>> -> memref<1x80x128xf32, #tpu.memory_space<vmem>>
            %dma_start3A_237 = tpu.memref_squeeze %dma_start3A_236 : memref<1x80x128xf32, #tpu.memory_space<vmem>> -> memref<80x128xf32, #tpu.memory_space<vmem>>
            %dma_start3A_238 = arith.constant 0 : i32
            %dma_start3A_239 = tpu.memref_slice %arg8[%run_scoped3A_209, %rem3A_153, %dma_start3A_238] : memref<2x25x80xi32, #tpu.memory_space<vmem>> -> memref<1x1x80xi32, #tpu.memory_space<vmem>>
            %dma_start3A_240 = tpu.memref_squeeze %dma_start3A_239 : memref<1x1x80xi32, #tpu.memory_space<vmem>> -> memref<80xi32, #tpu.memory_space<vmem>>
            %dma_start3A_241 = arith.constant 0 : i32
            %dma_start3A_242 = arith.constant 0 : i32
            %dma_start3A_243 = tpu.memref_slice %arg6[%dma_start3A_241, %dma_start3A_242] : memref<10000x128xf32, #tpu.memory_space<vmem_shared>> -> memref<10000x128xf32, #tpu.memory_space<vmem_shared>>
            tpu.enqueue_indirect_dma source(%dma_start3A_237 : memref<80x128xf32, #tpu.memory_space<vmem>>) target(%dma_start3A_243 : memref<10000x128xf32, #tpu.memory_space<vmem_shared>>) offsets(%dma_start3A_240 : memref<80xi32, #tpu.memory_space<vmem>>) semaphore(%run_scoped3A_233 : memref<!tpu.dma_semaphore, #tpu.memory_space<semaphore_mem>>) {add = true}
            %dma_wait3A_244 = arith.constant 0 : i32
            %dma_wait3A_245 = arith.constant 0 : i32
            %dma_wait3A_246 = tpu.memref_slice %arg9[%run_scoped3A, %dma_wait3A_244, %dma_wait3A_245] : memref<3x80x128xf32, #tpu.memory_space<vmem>> -> memref<1x80x128xf32, #tpu.memory_space<vmem>>
            %dma_wait3A_247 = tpu.memref_squeeze %dma_wait3A_246 : memref<1x80x128xf32, #tpu.memory_space<vmem>> -> memref<80x128xf32, #tpu.memory_space<vmem>>
            %dma_wait3A_248 = arith.constant 0 : i32
            %dma_wait3A_249 = tpu.memref_slice %arg8[%run_scoped3A_209, %rem3A_153, %dma_wait3A_248] : memref<2x25x80xi32, #tpu.memory_space<vmem>> -> memref<1x1x80xi32, #tpu.memory_space<vmem>>
            %dma_wait3A_250 = tpu.memref_squeeze %dma_wait3A_249 : memref<1x1x80xi32, #tpu.memory_space<vmem>> -> memref<80xi32, #tpu.memory_space<vmem>>
            %dma_wait3A_251 = arith.constant 0 : i32
            %dma_wait3A_252 = arith.constant 0 : i32
            %dma_wait3A_253 = tpu.memref_slice %arg6[%dma_wait3A_251, %dma_wait3A_252] : memref<10000x128xf32, #tpu.memory_space<vmem_shared>> -> memref<10000x128xf32, #tpu.memory_space<vmem_shared>>
            tpu.wait_indirect_dma semaphore(%run_scoped3A_233 : memref<!tpu.dma_semaphore, #tpu.memory_space<semaphore_mem>>) src(%dma_wait3A_247 : memref<80x128xf32, #tpu.memory_space<vmem>>) dst(%dma_wait3A_253 : memref<10000x128xf32, #tpu.memory_space<vmem_shared>>)
            tpu.yield
          }) : () -> ()
          %add3A_210 = arith.constant 3 : i32
          %add3A_211 = arith.addi %scan3A_151, %add3A_210 : i32
          %lt3A_212 = arith.constant 125 : i32
          %lt3A_213 = arith.cmpi slt, %add3A_211, %lt3A_212 : i32
          %add3A_214 = arith.constant 3 : i32
          %add3A_215 = arith.addi %rem3A_153, %add3A_214 : i32
          %lt3A_216 = arith.constant 25 : i32
          %lt3A_217 = arith.cmpi slt, %add3A_215, %lt3A_216 : i32
          %and3A_218 = arith.andi %lt3A_213, %lt3A_217 : i1
          %convert_element_type3A_219 = arith.extui %and3A_218 : i1 to i32
          %cond3A_220 = arith.constant 0 : i32
          %cond3A_221 = arith.cmpi ne, %convert_element_type3A_219, %cond3A_220 : i32
          scf.if %cond3A_221 {
            %add3A_233 = arith.constant 3 : i32
            %add3A_234 = arith.addi %rem3A_153, %add3A_233 : i32
            %dma_start3A_235 = arith.constant 1 : i32
            %dma_start3A_236 = arith.constant 2 : i32
            %dma_start3A_237 = arith.constant 0 : i32
            %dma_start3A_238 = arith.constant 0 : i32
            %dma_start3A_239 = tpu.memref_slice %arg9[%dma_start3A_236, %dma_start3A_237, %dma_start3A_238] : memref<3x80x128xf32, #tpu.memory_space<vmem>> -> memref<1x80x128xf32, #tpu.memory_space<vmem>>
            %dma_start3A_240 = tpu.memref_squeeze %dma_start3A_239 : memref<1x80x128xf32, #tpu.memory_space<vmem>> -> memref<80x128xf32, #tpu.memory_space<vmem>>
            %dma_start3A_241 = arith.constant 0 : i32
            %dma_start3A_242 = tpu.memref_slice %arg7[%dma_start3A_235, %add3A_234, %dma_start3A_241] : memref<2x25x80xi32, #tpu.memory_space<vmem>> -> memref<1x1x80xi32, #tpu.memory_space<vmem>>
            %dma_start3A_243 = tpu.memref_squeeze %dma_start3A_242 : memref<1x1x80xi32, #tpu.memory_space<vmem>> -> memref<80xi32, #tpu.memory_space<vmem>>
            %dma_start3A_244 = arith.constant 0 : i32
            %dma_start3A_245 = arith.constant 0 : i32
            %dma_start3A_246 = tpu.memref_slice %arg2[%dma_start3A_244, %dma_start3A_245] : memref<10000x128xf32, #tpu.memory_space<hbm>> -> memref<10000x128xf32, #tpu.memory_space<hbm>>
            tpu.enqueue_indirect_dma source(%dma_start3A_246 : memref<10000x128xf32, #tpu.memory_space<hbm>>) target(%dma_start3A_240 : memref<80x128xf32, #tpu.memory_space<vmem>>) offsets(%dma_start3A_243 : memref<80xi32, #tpu.memory_space<vmem>>) semaphore(%arg15 : memref<!tpu.dma_semaphore, #tpu.memory_space<semaphore_mem>>)
          } else {
          }
          %add3A_222 = arith.constant 3 : i32
          %add3A_223 = arith.addi %scan3A_151, %add3A_222 : i32
          %lt3A_224 = arith.constant 125 : i32
          %lt3A_225 = arith.cmpi slt, %add3A_223, %lt3A_224 : i32
          %add3A_226 = arith.constant 3 : i32
          %add3A_227 = arith.addi %rem3A_153, %add3A_226 : i32
          %ge3A = arith.constant 25 : i32
          %ge3A_228 = arith.cmpi sge, %add3A_227, %ge3A : i32
          %and3A_229 = arith.andi %lt3A_225, %ge3A_228 : i1
          %convert_element_type3A_230 = arith.extui %and3A_229 : i1 to i32
          %cond3A_231 = arith.constant 0 : i32
          %cond3A_232 = arith.cmpi ne, %convert_element_type3A_230, %cond3A_231 : i32
          scf.if %cond3A_232 {
            %add3A_233 = arith.constant 3 : i32
            %add3A_234 = arith.addi %rem3A_153, %add3A_233 : i32
            %eq3A_235 = arith.constant 25 : i32
            %eq3A_236 = arith.cmpi eq, %add3A_234, %eq3A_235 : i32
            %convert_element_type3A_237 = arith.extui %eq3A_236 : i1 to i32
            %cond3A_238 = arith.constant 0 : i32
            %cond3A_239 = arith.cmpi ne, %convert_element_type3A_237, %cond3A_238 : i32
            scf.if %cond3A_239 {
              %add3A_255 = arith.constant 1 : i32
              %add3A_256 = arith.addi %div3A_152, %add3A_255 : i32
              %dma_wait3A_257 = arith.constant 0 : i32
              %dma_wait3A_258 = arith.constant 0 : i32
              %dma_wait3A_259 = arith.constant 0 : i32
              %dma_wait3A_260 = tpu.memref_slice %arg7[%dma_wait3A_257, %dma_wait3A_258, %dma_wait3A_259] : memref<2x25x80xi32, #tpu.memory_space<vmem>> -> memref<1x25x80xi32, #tpu.memory_space<vmem>>
              %dma_wait3A_261 = tpu.memref_squeeze %dma_wait3A_260 : memref<1x25x80xi32, #tpu.memory_space<vmem>> -> memref<25x80xi32, #tpu.memory_space<vmem>>
              %dma_wait3A_262 = arith.constant 0 : i32
              %dma_wait3A_263 = arith.constant 0 : i32
              %dma_wait3A_264 = tpu.memref_slice %arg3[%add3A, %add3A_256, %dma_wait3A_262, %dma_wait3A_263] : memref<32x5x25x80xi32, #tpu.memory_space<hbm>> -> memref<1x1x25x80xi32, #tpu.memory_space<hbm>>
              %dma_wait3A_265 = tpu.memref_squeeze %dma_wait3A_264 : memref<1x1x25x80xi32, #tpu.memory_space<hbm>> -> memref<25x80xi32, #tpu.memory_space<hbm>>
              %dma_wait3A_266 = arith.constant 0 : i32
              %dma_wait3A_267 = arith.constant 0 : i32
              %dma_wait3A_268 = tpu.memref_slice %arg7[%dma_wait3A_257, %dma_wait3A_266, %dma_wait3A_267] : memref<2x25x80xi32, #tpu.memory_space<vmem>> -> memref<1x25x80xi32, #tpu.memory_space<vmem>>
              %dma_wait3A_269 = tpu.memref_squeeze %dma_wait3A_268 : memref<1x25x80xi32, #tpu.memory_space<vmem>> -> memref<25x80xi32, #tpu.memory_space<vmem>>
              %dma_wait3A_270 = arith.constant 0 : i32
              %dma_wait3A_271 = arith.constant 0 : i32
              %dma_wait3A_272 = tpu.memref_slice %arg3[%add3A, %add3A_256, %dma_wait3A_270, %dma_wait3A_271] : memref<32x5x25x80xi32, #tpu.memory_space<hbm>> -> memref<1x1x25x80xi32, #tpu.memory_space<hbm>>
              %dma_wait3A_273 = tpu.memref_squeeze %dma_wait3A_272 : memref<1x1x25x80xi32, #tpu.memory_space<hbm>> -> memref<25x80xi32, #tpu.memory_space<hbm>>
              tpu.wait_dma2 semaphore(%arg11 : memref<!tpu.dma_semaphore, #tpu.memory_space<semaphore_mem>>) src(%dma_wait3A_273 : memref<25x80xi32, #tpu.memory_space<hbm>>) dst(%dma_wait3A_269 : memref<25x80xi32, #tpu.memory_space<vmem>>)
              %add3A_274 = arith.constant 1 : i32
              %add3A_275 = arith.addi %div3A_152, %add3A_274 : i32
              %dma_wait3A_276 = arith.constant 0 : i32
              %dma_wait3A_277 = arith.constant 0 : i32
              %dma_wait3A_278 = arith.constant 0 : i32
              %dma_wait3A_279 = tpu.memref_slice %arg8[%dma_wait3A_276, %dma_wait3A_277, %dma_wait3A_278] : memref<2x25x80xi32, #tpu.memory_space<vmem>> -> memref<1x25x80xi32, #tpu.memory_space<vmem>>
              %dma_wait3A_280 = tpu.memref_squeeze %dma_wait3A_279 : memref<1x25x80xi32, #tpu.memory_space<vmem>> -> memref<25x80xi32, #tpu.memory_space<vmem>>
              %dma_wait3A_281 = arith.constant 0 : i32
              %dma_wait3A_282 = arith.constant 0 : i32
              %dma_wait3A_283 = tpu.memref_slice %arg4[%add3A, %add3A_275, %dma_wait3A_281, %dma_wait3A_282] : memref<32x5x25x80xi32, #tpu.memory_space<hbm>> -> memref<1x1x25x80xi32, #tpu.memory_space<hbm>>
              %dma_wait3A_284 = tpu.memref_squeeze %dma_wait3A_283 : memref<1x1x25x80xi32, #tpu.memory_space<hbm>> -> memref<25x80xi32, #tpu.memory_space<hbm>>
              %dma_wait3A_285 = arith.constant 0 : i32
              %dma_wait3A_286 = arith.constant 0 : i32
              %dma_wait3A_287 = tpu.memref_slice %arg8[%dma_wait3A_276, %dma_wait3A_285, %dma_wait3A_286] : memref<2x25x80xi32, #tpu.memory_space<vmem>> -> memref<1x25x80xi32, #tpu.memory_space<vmem>>
              %dma_wait3A_288 = tpu.memref_squeeze %dma_wait3A_287 : memref<1x25x80xi32, #tpu.memory_space<vmem>> -> memref<25x80xi32, #tpu.memory_space<vmem>>
              %dma_wait3A_289 = arith.constant 0 : i32
              %dma_wait3A_290 = arith.constant 0 : i32
              %dma_wait3A_291 = tpu.memref_slice %arg4[%add3A, %add3A_275, %dma_wait3A_289, %dma_wait3A_290] : memref<32x5x25x80xi32, #tpu.memory_space<hbm>> -> memref<1x1x25x80xi32, #tpu.memory_space<hbm>>
              %dma_wait3A_292 = tpu.memref_squeeze %dma_wait3A_291 : memref<1x1x25x80xi32, #tpu.memory_space<hbm>> -> memref<25x80xi32, #tpu.memory_space<hbm>>
              tpu.wait_dma2 semaphore(%arg11 : memref<!tpu.dma_semaphore, #tpu.memory_space<semaphore_mem>>) src(%dma_wait3A_292 : memref<25x80xi32, #tpu.memory_space<hbm>>) dst(%dma_wait3A_288 : memref<25x80xi32, #tpu.memory_space<vmem>>)
            } else {
            }
            %add3A_240 = arith.constant 3 : i32
            %add3A_241 = arith.addi %rem3A_153, %add3A_240 : i32
            %sub3A = arith.constant 25 : i32
            %sub3A_242 = arith.subi %add3A_241, %sub3A : i32
            %dma_start3A_243 = arith.constant 0 : i32
            %dma_start3A_244 = arith.constant 2 : i32
            %dma_start3A_245 = arith.constant 0 : i32
            %dma_start3A_246 = arith.constant 0 : i32
            %dma_start3A_247 = tpu.memref_slice %arg9[%dma_start3A_244, %dma_start3A_245, %dma_start3A_246] : memref<3x80x128xf32, #tpu.memory_space<vmem>> -> memref<1x80x128xf32, #tpu.memory_space<vmem>>
            %dma_start3A_248 = tpu.memref_squeeze %dma_start3A_247 : memref<1x80x128xf32, #tpu.memory_space<vmem>> -> memref<80x128xf32, #tpu.memory_space<vmem>>
            %dma_start3A_249 = arith.constant 0 : i32
            %dma_start3A_250 = tpu.memref_slice %arg7[%dma_start3A_243, %sub3A_242, %dma_start3A_249] : memref<2x25x80xi32, #tpu.memory_space<vmem>> -> memref<1x1x80xi32, #tpu.memory_space<vmem>>
            %dma_start3A_251 = tpu.memref_squeeze %dma_start3A_250 : memref<1x1x80xi32, #tpu.memory_space<vmem>> -> memref<80xi32, #tpu.memory_space<vmem>>
            %dma_start3A_252 = arith.constant 0 : i32
            %dma_start3A_253 = arith.constant 0 : i32
            %dma_start3A_254 = tpu.memref_slice %arg2[%dma_start3A_252, %dma_start3A_253] : memref<10000x128xf32, #tpu.memory_space<hbm>> -> memref<10000x128xf32, #tpu.memory_space<hbm>>
            tpu.enqueue_indirect_dma source(%dma_start3A_254 : memref<10000x128xf32, #tpu.memory_space<hbm>>) target(%dma_start3A_248 : memref<80x128xf32, #tpu.memory_space<vmem>>) offsets(%dma_start3A_251 : memref<80xi32, #tpu.memory_space<vmem>>) semaphore(%arg15 : memref<!tpu.dma_semaphore, #tpu.memory_space<semaphore_mem>>)
          } else {
          }
        } else {
        }
      } else {
      }
    }
    %scan3A_137 = arith.constant 125 : i32
    %barrier3A_138 = arith.constant 0 : index
    tpu.barrier barrier_id(%barrier3A_138)
    %mul3A_139 = arith.constant 624 : i32
    %mul3A_140 = arith.muli %arg1, %mul3A_139 : i32
    %mul3A_141 = arith.constant 10000 : i32
    %mul3A_142 = arith.muli %arg0, %mul3A_141 : i32
    %mul3A_143 = arith.constant 624 : i32
    %mul3A_144 = arith.muli %arg1, %mul3A_143 : i32
    %add3A_145 = arith.addi %mul3A_142, %mul3A_144 : i32
    "tpu.region"() ({
      %run_scoped3A = tpu.sem_alloc : memref<!tpu.dma_semaphore, #tpu.memory_space<semaphore_mem>>
      %dma_start3A_151 = arith.constant 0 : i32
      %dma_start3A_152 = tpu.memref_slice %arg5[%add3A_145, %dma_start3A_151] : memref<20000x128xf32, #tpu.memory_space<hbm>> -> memref<624x128xf32, #tpu.memory_space<hbm>>
      %dma_start3A_153 = arith.constant 0 : i32
      %dma_start3A_154 = tpu.memref_slice %arg6[%mul3A_140, %dma_start3A_153] : memref<10000x128xf32, #tpu.memory_space<vmem_shared>> -> memref<624x128xf32, #tpu.memory_space<vmem_shared>>
      tpu.enqueue_dma source(%dma_start3A_154 : memref<624x128xf32, #tpu.memory_space<vmem_shared>>) target(%dma_start3A_152 : memref<624x128xf32, #tpu.memory_space<hbm>>) target_semaphore(%run_scoped3A : memref<!tpu.dma_semaphore, #tpu.memory_space<semaphore_mem>>)
      %dma_wait3A_155 = arith.constant 0 : i32
      %dma_wait3A_156 = tpu.memref_slice %arg5[%add3A_145, %dma_wait3A_155] : memref<20000x128xf32, #tpu.memory_space<hbm>> -> memref<624x128xf32, #tpu.memory_space<hbm>>
      %dma_wait3A_157 = arith.constant 0 : i32
      %dma_wait3A_158 = tpu.memref_slice %arg6[%mul3A_140, %dma_wait3A_157] : memref<10000x128xf32, #tpu.memory_space<vmem_shared>> -> memref<624x128xf32, #tpu.memory_space<vmem_shared>>
      tpu.wait_dma2 semaphore(%run_scoped3A : memref<!tpu.dma_semaphore, #tpu.memory_space<semaphore_mem>>) src(%dma_wait3A_158 : memref<624x128xf32, #tpu.memory_space<vmem_shared>>) dst(%dma_wait3A_156 : memref<624x128xf32, #tpu.memory_space<hbm>>)
      tpu.yield
    }) : () -> ()
    %eq3A_146 = arith.constant 15 : i32
    %eq3A_147 = arith.cmpi eq, %arg1, %eq3A_146 : i32
    %convert_element_type3A_148 = arith.extui %eq3A_147 : i1 to i32
    %cond3A_149 = arith.constant 0 : i32
    %cond3A_150 = arith.cmpi ne, %convert_element_type3A_148, %cond3A_149 : i32
    scf.if %cond3A_150 {
      %mul3A_151 = arith.constant 10000 : i32
      %mul3A_152 = arith.muli %arg0, %mul3A_151 : i32
      %add3A_153 = arith.constant 9984 : i32
      %add3A_154 = arith.addi %mul3A_152, %add3A_153 : i32
      "tpu.region"() ({
        %run_scoped3A = tpu.sem_alloc : memref<!tpu.dma_semaphore, #tpu.memory_space<semaphore_mem>>
        %dma_start3A_155 = arith.constant 0 : i32
        %dma_start3A_156 = tpu.memref_slice %arg5[%add3A_154, %dma_start3A_155] : memref<20000x128xf32, #tpu.memory_space<hbm>> -> memref<16x128xf32, #tpu.memory_space<hbm>>
        %dma_start3A_157 = arith.constant 9984 : i32
        %dma_start3A_158 = arith.constant 0 : i32
        %dma_start3A_159 = tpu.memref_slice %arg6[%dma_start3A_157, %dma_start3A_158] : memref<10000x128xf32, #tpu.memory_space<vmem_shared>> -> memref<16x128xf32, #tpu.memory_space<vmem_shared>>
        tpu.enqueue_dma source(%dma_start3A_159 : memref<16x128xf32, #tpu.memory_space<vmem_shared>>) target(%dma_start3A_156 : memref<16x128xf32, #tpu.memory_space<hbm>>) target_semaphore(%run_scoped3A : memref<!tpu.dma_semaphore, #tpu.memory_space<semaphore_mem>>)
        %dma_wait3A_160 = arith.constant 0 : i32
        %dma_wait3A_161 = tpu.memref_slice %arg5[%add3A_154, %dma_wait3A_160] : memref<20000x128xf32, #tpu.memory_space<hbm>> -> memref<16x128xf32, #tpu.memory_space<hbm>>
        %dma_wait3A_162 = arith.constant 9984 : i32
        %dma_wait3A_163 = arith.constant 0 : i32
        %dma_wait3A_164 = tpu.memref_slice %arg6[%dma_wait3A_162, %dma_wait3A_163] : memref<10000x128xf32, #tpu.memory_space<vmem_shared>> -> memref<16x128xf32, #tpu.memory_space<vmem_shared>>
        tpu.wait_dma2 semaphore(%run_scoped3A : memref<!tpu.dma_semaphore, #tpu.memory_space<semaphore_mem>>) src(%dma_wait3A_164 : memref<16x128xf32, #tpu.memory_space<vmem_shared>>) dst(%dma_wait3A_161 : memref<16x128xf32, #tpu.memory_space<hbm>>)
        tpu.yield
      }) : () -> ()
    } else {
    }
    return
  }
}

module attributes {stable_mosaic.version = 14 : i64} {
  func.func @_mlp_body(%arg0: i32, %arg1: memref<2000x128xf32, #tpu.memory_space<vmem>>, %arg2: memref<2000x128xf32, #tpu.memory_space<vmem>>, %arg3: memref<2000x128xf32, #tpu.memory_space<vmem>>, %arg4: memref<128x128xf32, #tpu.memory_space<vmem>>, %arg5: memref<1x128xf32, #tpu.memory_space<vmem>>, %arg6: memref<128x128xf32, #tpu.memory_space<vmem>>, %arg7: memref<1x128xf32, #tpu.memory_space<vmem>>, %arg8: memref<2000x128xf32, #tpu.memory_space<vmem>>) attributes {dimension_semantics = [#tpu.dimension_semantics<arbitrary>], iteration_bounds = array<i64: 5>, scalar_prefetch = 0 : i64, scratch_operands = 0 : i64, tpu.core_type = #tpu.core_type<tc>, window_params = [{transform_indices = @transform_0, window_bounds = array<i64: 2000, 128>}, {transform_indices = @transform_1, window_bounds = array<i64: 2000, 128>}, {transform_indices = @transform_2, window_bounds = array<i64: 2000, 128>}, {pipeline_mode = #tpu.pipeline_mode<synchronous>, transform_indices = @transform_3, window_bounds = array<i64: 128, 128>}, {pipeline_mode = #tpu.pipeline_mode<synchronous>, transform_indices = @transform_4, window_bounds = array<i64: 1, 128>}, {pipeline_mode = #tpu.pipeline_mode<synchronous>, transform_indices = @transform_5, window_bounds = array<i64: 128, 128>}, {pipeline_mode = #tpu.pipeline_mode<synchronous>, transform_indices = @transform_6, window_bounds = array<i64: 1, 128>}, {transform_indices = @transform_7, window_bounds = array<i64: 2000, 128>}]} {
    %get3A = arith.constant 0 : index
    %get3A_0 = arith.constant 0 : index
    %get3A_1 = vector.load %arg1[%get3A, %get3A_0] : memref<2000x128xf32, #tpu.memory_space<vmem>>, vector<2000x128xf32>
    %get3A_2 = arith.constant 0 : index
    %get3A_3 = arith.constant 0 : index
    %get3A_4 = vector.load %arg2[%get3A_2, %get3A_3] : memref<2000x128xf32, #tpu.memory_space<vmem>>, vector<2000x128xf32>
    %add3A = arith.addf %get3A_1, %get3A_4 : vector<2000x128xf32>
    %get3A_5 = arith.constant 0 : index
    %get3A_6 = arith.constant 0 : index
    %get3A_7 = vector.load %arg3[%get3A_5, %get3A_6] : memref<2000x128xf32, #tpu.memory_space<vmem>>, vector<2000x128xf32>
    %sub3A = arith.subf %add3A, %get3A_7 : vector<2000x128xf32>
    %get3A_8 = arith.constant 0 : index
    %get3A_9 = arith.constant 0 : index
    %get3A_10 = vector.load %arg4[%get3A_8, %get3A_9] : memref<128x128xf32, #tpu.memory_space<vmem>>, vector<128x128xf32>
    %dot_general3A = arith.constant dense<0.000000e+00> : vector<2000x128xf32>
    %dot_general3A_11 = tpu.matmul %sub3A, %get3A_10, %dot_general3A {dimension_numbers = #tpu.dot_dimension_numbers<[1], [0], [0], [1], [0, 0, 1, 1], [], []>, transpose_lhs_hint = false} : vector<2000x128xf32>, vector<128x128xf32>, vector<2000x128xf32> -> vector<2000x128xf32>
    %get3A_12 = arith.constant 0 : index
    %get3A_13 = arith.constant 0 : index
    %get3A_14 = vector.load %arg5[%get3A_12, %get3A_13] : memref<1x128xf32, #tpu.memory_space<vmem>>, vector<1x128xf32>
    %add3A_15 = vector.broadcast %get3A_14 : vector<1x128xf32> to vector<2000x128xf32>
    %add3A_16 = arith.addf %dot_general3A_11, %add3A_15 : vector<2000x128xf32>
    %max3A = arith.constant 0.000000e+00 : f32
    %max3A_17 = vector.broadcast %max3A : f32 to vector<2000x128xf32>
    %max3A_18 = arith.maximumf %add3A_16, %max3A_17 : vector<2000x128xf32>
    %get3A_19 = arith.constant 0 : index
    %get3A_20 = arith.constant 0 : index
    %get3A_21 = vector.load %arg6[%get3A_19, %get3A_20] : memref<128x128xf32, #tpu.memory_space<vmem>>, vector<128x128xf32>
    %dot_general3A_22 = arith.constant dense<0.000000e+00> : vector<2000x128xf32>
    %dot_general3A_23 = tpu.matmul %max3A_18, %get3A_21, %dot_general3A_22 {dimension_numbers = #tpu.dot_dimension_numbers<[1], [0], [0], [1], [0, 0, 1, 1], [], []>, transpose_lhs_hint = false} : vector<2000x128xf32>, vector<128x128xf32>, vector<2000x128xf32> -> vector<2000x128xf32>
    %get3A_24 = arith.constant 0 : index
    %get3A_25 = arith.constant 0 : index
    %get3A_26 = vector.load %arg7[%get3A_24, %get3A_25] : memref<1x128xf32, #tpu.memory_space<vmem>>, vector<1x128xf32>
    %add3A_27 = vector.broadcast %get3A_26 : vector<1x128xf32> to vector<2000x128xf32>
    %add3A_28 = arith.addf %dot_general3A_23, %add3A_27 : vector<2000x128xf32>
    %reduce_max3A = arith.constant dense<0xFF800000> : vector<2000xf32>
    %reduce_max3A_29 = vector.multi_reduction <maximumf>, %add3A_28, %reduce_max3A [1] : vector<2000x128xf32> to vector<2000xf32>
    %broadcast_in_dim3A = vector.shape_cast %reduce_max3A_29 : vector<2000xf32> to vector<2000x1xf32>
    %sub3A_30 = vector.broadcast %broadcast_in_dim3A : vector<2000x1xf32> to vector<2000x128xf32>
    %sub3A_31 = arith.subf %add3A_28, %sub3A_30 : vector<2000x128xf32>
    %exp3A = math.exp %sub3A_31 : vector<2000x128xf32>
    %reduce_sum3A = arith.constant dense<0.000000e+00> : vector<2000xf32>
    %reduce_sum3A_32 = vector.multi_reduction <add>, %exp3A, %reduce_sum3A [1] : vector<2000x128xf32> to vector<2000xf32>
    %broadcast_in_dim3A_33 = vector.shape_cast %reduce_sum3A_32 : vector<2000xf32> to vector<2000x1xf32>
    %log3A = math.log %broadcast_in_dim3A_33 : vector<2000x1xf32>
    %add3A_34 = arith.addf %log3A, %broadcast_in_dim3A : vector<2000x1xf32>
    %sub3A_35 = vector.broadcast %add3A_34 : vector<2000x1xf32> to vector<2000x128xf32>
    %sub3A_36 = arith.subf %add3A_28, %sub3A_35 : vector<2000x128xf32>
    %swap3A = arith.constant 0 : index
    %swap3A_37 = arith.constant 0 : index
    %swap3A_38 = vector.load %arg8[%swap3A, %swap3A_37] : memref<2000x128xf32, #tpu.memory_space<vmem>>, vector<2000x128xf32>
    tpu.vector_store %arg8[%swap3A, %swap3A_37], %sub3A_36 {strides = array<i32>} : memref<2000x128xf32, #tpu.memory_space<vmem>>, vector<2000x128xf32>,
    return
  }
  func.func @transform_0(%arg0: i32) -> (i32, i32) {
    %c0_i32 = arith.constant 0 : i32
    %c0_i32_0 = arith.constant 0 : i32
    return %arg0, %c0_i32 : i32, i32
  }
  func.func @transform_1(%arg0: i32) -> (i32, i32) {
    %add3A = arith.constant 5 : i32
    %add3A_0 = arith.addi %arg0, %add3A : i32
    %c0_i32 = arith.constant 0 : i32
    %c0_i32_1 = arith.constant 0 : i32
    return %add3A_0, %c0_i32 : i32, i32
  }
  func.func @transform_2(%arg0: i32) -> (i32, i32) {
    %c0_i32 = arith.constant 0 : i32
    %c0_i32_0 = arith.constant 0 : i32
    return %arg0, %c0_i32 : i32, i32
  }
  func.func @transform_3(%arg0: i32) -> (i32, i32) {
    %c0_i32 = arith.constant 0 : i32
    %c0_i32_0 = arith.constant 0 : i32
    %c0_i32_1 = arith.constant 0 : i32
    return %c0_i32, %c0_i32_0 : i32, i32
  }
  func.func @transform_4(%arg0: i32) -> (i32, i32) {
    %c0_i32 = arith.constant 0 : i32
    %c0_i32_0 = arith.constant 0 : i32
    %c0_i32_1 = arith.constant 0 : i32
    return %c0_i32, %c0_i32_0 : i32, i32
  }
  func.func @transform_5(%arg0: i32) -> (i32, i32) {
    %c0_i32 = arith.constant 0 : i32
    %c0_i32_0 = arith.constant 0 : i32
    %c0_i32_1 = arith.constant 0 : i32
    return %c0_i32, %c0_i32_0 : i32, i32
  }
  func.func @transform_6(%arg0: i32) -> (i32, i32) {
    %c0_i32 = arith.constant 0 : i32
    %c0_i32_0 = arith.constant 0 : i32
    %c0_i32_1 = arith.constant 0 : i32
    return %c0_i32, %c0_i32_0 : i32, i32
  }
  func.func @transform_7(%arg0: i32) -> (i32, i32) {
    %c0_i32 = arith.constant 0 : i32
    %c0_i32_0 = arith.constant 0 : i32
    return %arg0, %c0_i32 : i32, i32
  }
}

module attributes {stable_mosaic.version = 14 : i64} {
  func.func @_mlp_body(%arg0: i32, %arg1: memref<2000x128xf32, #tpu.memory_space<vmem>>, %arg2: memref<2000x128xf32, #tpu.memory_space<vmem>>, %arg3: memref<2000x128xf32, #tpu.memory_space<vmem>>, %arg4: memref<128x128xf32, #tpu.memory_space<vmem>>, %arg5: memref<1x128xf32, #tpu.memory_space<vmem>>, %arg6: memref<128x128xf32, #tpu.memory_space<vmem>>, %arg7: memref<1x128xf32, #tpu.memory_space<vmem>>, %arg8: memref<2000x128xf32, #tpu.memory_space<vmem>>) attributes {dimension_semantics = [#tpu.dimension_semantics<arbitrary>], iteration_bounds = array<i64: 5>, scalar_prefetch = 0 : i64, scratch_operands = 0 : i64, tpu.core_type = #tpu.core_type<tc>, window_params = [{transform_indices = @transform_0, window_bounds = array<i64: 2000, 128>}, {transform_indices = @transform_1, window_bounds = array<i64: 2000, 128>}, {transform_indices = @transform_2, window_bounds = array<i64: 2000, 128>}, {pipeline_mode = #tpu.pipeline_mode<synchronous>, transform_indices = @transform_3, window_bounds = array<i64: 128, 128>}, {pipeline_mode = #tpu.pipeline_mode<synchronous>, transform_indices = @transform_4, window_bounds = array<i64: 1, 128>}, {pipeline_mode = #tpu.pipeline_mode<synchronous>, transform_indices = @transform_5, window_bounds = array<i64: 128, 128>}, {pipeline_mode = #tpu.pipeline_mode<synchronous>, transform_indices = @transform_6, window_bounds = array<i64: 1, 128>}, {transform_indices = @transform_7, window_bounds = array<i64: 2000, 128>}]} {
    %get3A = arith.constant 0 : index
    %get3A_0 = arith.constant 0 : index
    %get3A_1 = vector.load %arg1[%get3A, %get3A_0] : memref<2000x128xf32, #tpu.memory_space<vmem>>, vector<2000x128xf32>
    %get3A_2 = arith.constant 0 : index
    %get3A_3 = arith.constant 0 : index
    %get3A_4 = vector.load %arg2[%get3A_2, %get3A_3] : memref<2000x128xf32, #tpu.memory_space<vmem>>, vector<2000x128xf32>
    %add3A = arith.addf %get3A_1, %get3A_4 : vector<2000x128xf32>
    %get3A_5 = arith.constant 0 : index
    %get3A_6 = arith.constant 0 : index
    %get3A_7 = vector.load %arg3[%get3A_5, %get3A_6] : memref<2000x128xf32, #tpu.memory_space<vmem>>, vector<2000x128xf32>
    %sub3A = arith.subf %add3A, %get3A_7 : vector<2000x128xf32>
    %get3A_8 = arith.constant 0 : index
    %get3A_9 = arith.constant 0 : index
    %get3A_10 = vector.load %arg4[%get3A_8, %get3A_9] : memref<128x128xf32, #tpu.memory_space<vmem>>, vector<128x128xf32>
    %dot_general3A = arith.constant dense<0.000000e+00> : vector<2000x128xf32>
    %dot_general3A_11 = tpu.matmul %sub3A, %get3A_10, %dot_general3A {dimension_numbers = #tpu.dot_dimension_numbers<[1], [0], [0], [1], [0, 0, 1, 1], [], []>, transpose_lhs_hint = false} : vector<2000x128xf32>, vector<128x128xf32>, vector<2000x128xf32> -> vector<2000x128xf32>
    %get3A_12 = arith.constant 0 : index
    %get3A_13 = arith.constant 0 : index
    %get3A_14 = vector.load %arg5[%get3A_12, %get3A_13] : memref<1x128xf32, #tpu.memory_space<vmem>>, vector<1x128xf32>
    %add3A_15 = vector.broadcast %get3A_14 : vector<1x128xf32> to vector<2000x128xf32>
    %add3A_16 = arith.addf %dot_general3A_11, %add3A_15 : vector<2000x128xf32>
    %max3A = arith.constant 0.000000e+00 : f32
    %max3A_17 = vector.broadcast %max3A : f32 to vector<2000x128xf32>
    %max3A_18 = arith.maximumf %add3A_16, %max3A_17 : vector<2000x128xf32>
    %get3A_19 = arith.constant 0 : index
    %get3A_20 = arith.constant 0 : index
    %get3A_21 = vector.load %arg6[%get3A_19, %get3A_20] : memref<128x128xf32, #tpu.memory_space<vmem>>, vector<128x128xf32>
    %dot_general3A_22 = arith.constant dense<0.000000e+00> : vector<2000x128xf32>
    %dot_general3A_23 = tpu.matmul %max3A_18, %get3A_21, %dot_general3A_22 {dimension_numbers = #tpu.dot_dimension_numbers<[1], [0], [0], [1], [0, 0, 1, 1], [], []>, transpose_lhs_hint = false} : vector<2000x128xf32>, vector<128x128xf32>, vector<2000x128xf32> -> vector<2000x128xf32>
    %get3A_24 = arith.constant 0 : index
    %get3A_25 = arith.constant 0 : index
    %get3A_26 = vector.load %arg7[%get3A_24, %get3A_25] : memref<1x128xf32, #tpu.memory_space<vmem>>, vector<1x128xf32>
    %add3A_27 = vector.broadcast %get3A_26 : vector<1x128xf32> to vector<2000x128xf32>
    %add3A_28 = arith.addf %dot_general3A_23, %add3A_27 : vector<2000x128xf32>
    %max3A_29 = arith.constant 0.000000e+00 : f32
    %max3A_30 = vector.broadcast %max3A_29 : f32 to vector<2000x128xf32>
    %max3A_31 = arith.maximumf %add3A_28, %max3A_30 : vector<2000x128xf32>
    %swap3A = arith.constant 0 : index
    %swap3A_32 = arith.constant 0 : index
    %swap3A_33 = vector.load %arg8[%swap3A, %swap3A_32] : memref<2000x128xf32, #tpu.memory_space<vmem>>, vector<2000x128xf32>
    tpu.vector_store %arg8[%swap3A, %swap3A_32], %max3A_31 {strides = array<i32>} : memref<2000x128xf32, #tpu.memory_space<vmem>>, vector<2000x128xf32>,
    return
  }
  func.func @transform_0(%arg0: i32) -> (i32, i32) {
    %c0_i32 = arith.constant 0 : i32
    %c0_i32_0 = arith.constant 0 : i32
    return %arg0, %c0_i32 : i32, i32
  }
  func.func @transform_1(%arg0: i32) -> (i32, i32) {
    %add3A = arith.constant 5 : i32
    %add3A_0 = arith.addi %arg0, %add3A : i32
    %c0_i32 = arith.constant 0 : i32
    %c0_i32_1 = arith.constant 0 : i32
    return %add3A_0, %c0_i32 : i32, i32
  }
  func.func @transform_2(%arg0: i32) -> (i32, i32) {
    %c0_i32 = arith.constant 0 : i32
    %c0_i32_0 = arith.constant 0 : i32
    return %arg0, %c0_i32 : i32, i32
  }
  func.func @transform_3(%arg0: i32) -> (i32, i32) {
    %c0_i32 = arith.constant 0 : i32
    %c0_i32_0 = arith.constant 0 : i32
    %c0_i32_1 = arith.constant 0 : i32
    return %c0_i32, %c0_i32_0 : i32, i32
  }
  func.func @transform_4(%arg0: i32) -> (i32, i32) {
    %c0_i32 = arith.constant 0 : i32
    %c0_i32_0 = arith.constant 0 : i32
    %c0_i32_1 = arith.constant 0 : i32
    return %c0_i32, %c0_i32_0 : i32, i32
  }
  func.func @transform_5(%arg0: i32) -> (i32, i32) {
    %c0_i32 = arith.constant 0 : i32
    %c0_i32_0 = arith.constant 0 : i32
    %c0_i32_1 = arith.constant 0 : i32
    return %c0_i32, %c0_i32_0 : i32, i32
  }
  func.func @transform_6(%arg0: i32) -> (i32, i32) {
    %c0_i32 = arith.constant 0 : i32
    %c0_i32_0 = arith.constant 0 : i32
    %c0_i32_1 = arith.constant 0 : i32
    return %c0_i32, %c0_i32_0 : i32, i32
  }
  func.func @transform_7(%arg0: i32) -> (i32, i32) {
    %c0_i32 = arith.constant 0 : i32
    %c0_i32_0 = arith.constant 0 : i32
    return %arg0, %c0_i32 : i32, i32
  }
}

</mosaic_0001>

<sc_bundles>
// kernel: kernel.6.cloned.1.call-start
scs
__scs_entry_jumppad:
0x0: {  	(pc) =	sbr.rel $0x88, $3  }
0x1: {  	(tag) =	ssettag $0x0;
	lr =	simm.s32 $0x1  }
0x2: {  	[smem:$0x3F97] =	sst lr;
	_ =	strace $0xD0000000  }
0x3: {  	_ = 	snop  }
0x4: {  	_ = 	snop  }
0x5: {  	_ = 	snop  }
0x6: {  	_ = 	snop  }
0x7: {  	_ = 	snop  }
__scs_overlays_trampoline_lowered:
0x8: {  	[smem:$0x3FA6] =	sst s0  }
0x9: {  	[smem:$0x3FA7] =	sst s1  }
0xa: {  	[smem:$0x3FA8] =	sst s2  }
0xb: {  	[smem:$0x3FA9] =	sst s3  }
0xc: {  	[smem:$0x3FAA] =	sst s4  }
0xd: {  	[smem:$0x3FAB] =	sst s5  }
0xe: {  	[smem:$0x3FAC] =	sst s6  }
0xf: {  	[smem:$0x3FAD] =	sst s7  }
0x10: {  	[smem:$0x3FAE] =	sst s8  }
0x11: {  	[smem:$0x3FAF] =	sst s9;
	s0 =	simm.s32 @!p0 $0x0  }
0x12: {  	s1 =	sld [smem:$0x3F95];
	s0 =	simm.s32 @p0 $0x1  }
0x13: {  	[smem:$0x3FB0] =	sst s0;
	s0 =	simm.s32 @!p1 $0x0  }
0x14: {  	s2 =	sld [smem:$0x3F94];
	s0 =	simm.s32 @p1 $0x1  }
0x15: {  	[smem:$0x3FB1] =	sst s0;
	s0 =	simm.s32 @!p2 $0x0  }
0x16: {  	s3 =	sld [smem:$0x3FDB];
	s0 =	simm.s32 @p2 $0x1  }
0x17: {  	s4 =	simm.s32 $0x1BF5;
	[smem:$0x3FB3] =	sst s0  }
0x18: {  	s0 =	sld [smem:$0x3F96];
	_ =	swait.ge [sflag:s4], $0x0  }
0x19: {  	s7 =	sld [smem:$0x3F97]  }
0x1a: {  	s8 =	sadd.s32 $0xFFFFE003, lr  }
0x1b: {  	s9 =	sadd.s32 $0xFFFFFEF7, lr;
	s5 =	simm.s32 $0xFFFFFFFF;
	p2 =	slt.u32 s8, $0xFFFFF086  }
0x1c: {  	p1 =	slt.u32 s9, $0xF7A;
	s5 =	simm.s32 @!p2 $0x0  }
0x1d: {  	s5 =	simm.s32 @p1 $0x1;
	p0 =	seq.s32 s7, s2  }
0x1e: {  	s7 =	smul.u32 @!p0 $0xF7A, s2;
	p2 =	seq.s32 @!p0 s5, $0x0  }
0x1f: {  	s9 =	smul.u32 $0xF7A, s1;
	s8 =	simm.s32 @!p0 $0x1BF5;
	p2 =	por !p2, p0  }
0x20: {  	[sflag:s8] =	ssyncset.s32 @!p0 $0xFFFFF086;
	s6 =	sadd.s32 @!p0 s3, s7;
	s7 =	simm.s32 @!p0 $0x108  }
0x21: {  	s3 =	sadd.s32 s3, s9;
	s6 =	sadd.s32 @!p0 $0x88, s6;
	s7 =	simm.s32 @p2 $0x1082  }
0x22: {  	[simem:s7], [sflag:s8] =	dma.local @!p0 [hbm:s6], $0xF7A  }
0x23: {  	s9 =	sor.u32 $0xD0000000, s2;
	s6 =	simm.s32 $0x108;
	_ =	swait.ge @!p0 [sflag:s8], $0x0  }
0x24: {  	s3 =	sadd.s32 $0x88, s3;
	s6 =	simm.s32 @!p1 $0x1082;
	[sflag:s4] =	ssyncset.s32 $0xFFFFF086  }
0x25: {  	[simem:s6], [sflag:s4] =	dma.local [hbm:s3], $0xF7A  }
0x26: {  	[smem:$0x3F97] =	sst s1;
	(tag) =	ssettag s2;
	_ =	strace s9  }
0x27: {  	s1 =	sld [smem:$0x3FA7]  }
0x28: {  	s2 =	sld [smem:$0x3FA8]  }
0x29: {  	s4 =	sld [smem:$0x3FAA]  }
0x2a: {  	p0 =	seq.s32 s5, $0x0;
	s5 =	sld [smem:$0x3FAB]  }
0x2b: {  	s6 =	sld [smem:$0x3FAC]  }
0x2c: {  	s7 =	sld [smem:$0x3FAD]  }
0x2d: {  	s3 =	simm.s32 $0x108;
	s8 =	sld [smem:$0x3FAE]  }
0x2e: {  	s3 =	simm.s32 @!p0 $0x1082;
	s9 =	sld [smem:$0x3FAF]  }
0x2f: {  	lr =	sadd.s32 s0, s3;
	s0 =	sld [smem:$0x3FA6]  }
0x30: {  	s3 =	sld [smem:$0x3FA9]  }
0x31: {  	[smem:$0x3FB2] =	sst s10  }
0x32: {  	s10 =	sld [smem:$0x3FB0];
	_ =	sdelay $0x3  }
0x33: {  	p0 =	seq.s32 s10, $0x1;
	s10 =	sld [smem:$0x3FB2];
	_ =	sdelay $0x3  }
0x34: {  	[smem:$0x3FB2] =	sst s10  }
0x35: {  	s10 =	sld [smem:$0x3FB1];
	_ =	sdelay $0x3  }
0x36: {  	p1 =	seq.s32 s10, $0x1;
	s10 =	sld [smem:$0x3FB2];
	_ =	sdelay $0x3  }
0x37: {  	[smem:$0x3FB2] =	sst s10  }
0x38: {  	s10 =	sld [smem:$0x3FB3]  }
0x39: {  	_ = 	snop;
	(pc) =	sbr.ind lr, $3  }
0x3a: {  	_ = 	snop  }
0x3b: {  	_ = 	snop  }
0x3c: {  	p2 =	seq.s32 s10, $0x1;
	s10 =	sld [smem:$0x3FB2]  }
0x3d: {  	_ =	shalt  }
0x3e: {  	_ =	shalt  }
0x3f: {  	_ =	shalt  }
0x40: {  	_ =	shalt  }
0x41: {  	_ =	shalt  }
0x42: {  	_ =	shalt  }
0x43: {  	_ =	shalt  }
0x44: {  	_ =	shalt  }
0x45: {  	_ =	shalt  }
0x46: {  	_ =	shalt  }
0x47: {  	_ =	shalt  }
0x48: {  	_ =	shalt  }
0x49: {  	_ =	shalt  }
0x4a: {  	_ =	shalt  }
0x4b: {  	_ =	shalt  }
0x4c: {  	_ =	shalt  }
0x4d: {  	_ =	shalt  }
0x4e: {  	_ =	shalt  }
0x4f: {  	_ =	shalt  }
0x50: {  	_ =	shalt  }
0x51: {  	_ =	shalt  }
0x52: {  	_ =	shalt  }
0x53: {  	_ =	shalt  }
0x54: {  	_ =	shalt  }
0x55: {  	_ =	shalt  }
0x56: {  	_ =	shalt  }
0x57: {  	_ =	shalt  }
0x58: {  	_ =	shalt  }
0x59: {  	_ =	shalt  }
0x5a: {  	_ =	shalt  }
0x5b: {  	_ =	shalt  }
0x5c: {  	_ =	shalt  }
0x5d: {  	_ =	shalt  }
0x5e: {  	_ =	shalt  }
0x5f: {  	_ =	shalt  }
0x60: {  	_ =	shalt  }
0x61: {  	_ =	shalt  }
0x62: {  	_ =	shalt  }
0x63: {  	_ =	shalt  }
0x64: {  	_ =	shalt  }
0x65: {  	_ =	shalt  }
0x66: {  	_ =	shalt  }
0x67: {  	_ =	shalt  }
0x68: {  	_ =	shalt  }
0x69: {  	_ =	shalt  }
0x6a: {  	_ =	shalt  }
0x6b: {  	_ =	shalt  }
0x6c: {  	_ =	shalt  }
0x6d: {  	_ =	shalt  }
0x6e: {  	_ =	shalt  }
0x6f: {  	_ =	shalt  }
0x70: {  	_ =	shalt  }
0x71: {  	_ =	shalt  }
0x72: {  	_ =	shalt  }
0x73: {  	_ =	shalt  }
0x74: {  	_ =	shalt  }
0x75: {  	_ =	shalt  }
0x76: {  	_ =	shalt  }
0x77: {  	_ =	shalt  }
0x78: {  	_ =	shalt  }
0x79: {  	_ =	shalt  }
0x7a: {  	_ =	shalt  }
0x7b: {  	_ =	shalt  }
0x7c: {  	_ =	shalt  }
0x7d: {  	_ =	shalt  }
0x7e: {  	_ =	shalt  }
0x7f: {  	_ =	shalt  }
0x80: {  	_ =	shalt  }
0x81: {  	_ =	shalt  }
0x82: {  	_ =	shalt  }
0x83: {  	_ =	shalt  }
0x84: {  	_ =	shalt  }
0x85: {  	_ =	shalt  }
0x86: {  	_ =	shalt  }
0x87: {  	_ =	shalt  }
.Lfunc_end0:
.L_simem_size_0:
called_computation_lowered:
.L_overlay_start_0:
0x88: {  	s2 =	sld [smem:$0x3FD9]  }
0x89: {  	s3 =	sld [smem:$0x3FFE];
	_ =	sdelay $0x1  }
0x8a: {  	s1 =	srdreg.scid  }
0x8b: {  	s0 =	sand.u32 $0x1, s1  }
0x8c: {  	s17 =	sshll.u32 s0, $0xA;
	s2 =	sadd.s32 s3, s2  }
0x8d: {  	s2 =	sadd.s32 s2, s17  }
0x8e: {  	[smem:$0x3FBE] =	sst s2  }
0x8f: {  	_ = 	snop  }
0x90: {  	s2 =	sld [smem:$0x3FC9];
	(tm) =	ssettm $0x1  }
0x91: {  	s18 =	sld [smem:$0x3FFB];
	_ =	sdelay $0x3  }
0x92: {  	_ =	strace s18  }
0x93: {  	s3 =	sld [smem:$0x3FFC];
	_ =	sdelay $0x3  }
0x94: {  	_ =	strace s3  }
0x95: {  	s3 =	sld [smem:$0x3FFD];
	_ =	sdelay $0x3  }
0x96: {  	_ =	strace s3  }
0x97: {  	_ =	strace $0x8FFFFFFF  }
0x98: {  	s19 =	sld [smem:$0x3FDB];
	_ =	sdelay $0x1  }
0x99: {  	s4 =	simm.s32 $_scs_section_size  }
0x9a: {  	s5 =	simm.s32 $_size__tile_overlayer_lowered;
	s6 =	simm.s32 $_tile_overlayer_lowered  }
0x9b: {  	s22 =	simm.s32 $0x1BFF;
	s21 =	sshll.u32 s6, $0x1;
	s3 =	sadd.s32 s4, s19  }
0x9c: {  	s7 =	simm.s32 $0x0;
	s20 =	sshll.u32 s5, $0x1;
	s5 =	sadd.s32 s21, s3  }
0x9d: {  	[timem:s7], [sflag:s22] =	dma.local [hbm:s5], s20  }
0x9e: {  	_ =	swait.ge [sflag:s22], s20  }
0x9f: {  	s4 =	ssub.s32 $0x0, s20;
	[sflag:s22] =	ssyncset.done $0x0  }
0xa0: {  	[sflag:s22] =	ssyncadd.s32 s4;
	_ =	sdelay $0x1  }
0xa1: {  	s23 =	simm.s32 $0x1B8B  }
0xa2: {  	_ =	swait.ge [sflag:s23], $0x1  }
0xa3: {  	[sflag:s23] =	ssyncset.done $0x0  }
0xa4: {  	s25 =	simm.s32 $0x1B8E;
	s24 =	sld [smem:$0x3FFE];
	[sflag:s23] =	ssyncadd.s32 $0xFFFFFFFF  }
0xa5: {  	s26 =	simm.s32 $execute0_lowered;
	[smem:$0x3FD2] =	sst s25  }
0xa6: {  	s5 =	sshll.u32 s26, $0x1;
	_ =	strace $0x80000046;
	[dreg:$0x1] =	wrdreg $0xFFFFFFFF  }
0xa7: {  	s28 =	simm.s32 $_size_execute0_lowered;
	s3 =	sadd.s32 s3, s5;
	[dreg:$0x0] =	wrdreg $0x0  }
0xa8: {  	s5 =	sshll.u32 s28, $0x1;
	[dreg:$0x2] =	wrdreg s3  }
0xa9: {  	[dreg:$0x3] =	wrdreg s5  }
0xaa: {  	[dreg:$0x4] =	wrdreg $0xC0  }
0xab: {  	_ =	task [dreg:s7], $0x5FFFF  }
0xac: {  	[dreg:$0x1] =	wrdreg $0xFFFFFFFF  }
0xad: {  	[dreg:$0x0] =	wrdreg $0x60  }
0xae: {  	[dreg:$0x2] =	wrdreg s2  }
0xaf: {  	[dreg:$0x3] =	wrdreg s24  }
0xb0: {  	[dreg:$0x4] =	wrdreg $0x0  }
0xb1: {  	[dreg:$0x5] =	wrdreg $0x9  }
0xb2: {  	_ =	task.clear_ibuf [dreg:s7], $0x6FFFF;
	_ =	strace $0x90000046  }
0xb3: {  	s29 =	simm.s32 $0x9;
	_ =	strace $0x80000048  }
0xb4: {  	_ =	swait.ge [sflag:s29], $0x1  }
0xb5: {  	[sflag:s29] =	ssyncadd.s32 $0xFFFFFFFF  }
0xb6: {  	_ =	strace $0x90000048  }
0xb7: {  	_ =	sfence  }
0xb8: {  	s30 =	sld [smem:$0x0];
	_ =	sdelay $0x2  }
0xb9: {  	s31 =	sshll.u32 s1, $0xD;
	s1 =	sshrl.u32 s1, $0x2  }
0xba: {  	s3 =	sand.u32 $0x4000, s31;
	s1 =	sadd.s32 s1, s30  }
0xbb: {  	s0 =	sor.u32 s3, s0;
	s1 =	sshll.u32 s1, $0x11  }
0xbc: {  	s0 =	sor.u32 s1, s0  }
0xbd: {  	s0 =	sadd.s32 $0x8F2B, s0  }
0xbe: {  	[sflag:s0] =	ssyncadd.remote.s32 $0x1  }
0xbf: {  	_ =	sfence.sel $0xFFFF  }
0xc0: {  	[dreg:$0x0] =	wrdreg $0xFFFFFFFF;
	(pc) =	sbr.abs _section_cstart, $3  }
0xc1: {  	[dreg:$0x1] =	wrdreg $0xFFFFFFFF  }
0xc2: {  	_ =	task.clear_ibuf [dreg:s7], $0x2FFFF;
	_ =	strace $0x9FFFFFFF  }
0xc3: {  	(tm) =	ssettm $0x7FFFFFFF  }
tec
execute0_lowered:
.L_overlay_start_1:
0x0: {  	(tag) =	ssettag $0x1  }
0x1: {  	s1 =	rddreg [dreg:$0x0]  }
0x2: {  	s0 =	rddreg [dreg:$0x1]  }
0x3: {  	s2 =	rddreg [dreg:$0x2]  }
0x4: {  	s3 =	simm.s32 $0x0;
	s20 =	srdreg.scid;
	s16 =	stileid.u32  }
0x5: {  	s19 =	simm.s32 $0x13880;
	s28 =	simm.s32 $0x1C880;
	s29 =	simm.s32 $0x1  }
0x6: {  	s30 =	simm.s32 $0x6;
	s31 =	simm.s32 $0x7;
	[smem:$0x7FF] =	sst s3  }
0x7: {  	s3 =	sand.u32 $0x1, s20;
	s5 =	sadd.s32 $0x16000, s0;
	s7 =	smul.u32 $0x4E000, s16  }
0x8: {  	s6 =	sadd.s32 $0x2000, s0;
	s0 =	sadd.s32 $0x2A000, s0;
	s10 =	smul.u32 $0x2700, s16  }
0x9: {  	s22 =	sshll.u32 s16, $0x6;
	s18 =	sadd.s32 $0x138000, s2;
	s23 =	sadd.s32 $0x27000, s1  }
0xa: {  	p0 =	sne.s32 s16, $0xF;
	s20 =	simm.s32 $0x0;
	_ =	strace $0x80000047  }
0xb: {  	s4 =	ssub.s32 $0x2, s3;
	[dreg:$0x5] =	wrdreg s22;
	s13 =	smul.u32 $0x138800, s3  }
0xc: {  	s9 =	sshll.u32 s3, $0x4;
	[dreg:$0x6] =	wrdreg s23;
	s3 =	smul.u32 $0x27100, s3  }
0xd: {  	s18 =	sshrl.u32 @!p0 s18, $0x3;
	s23 =	simm.s32 $0x17880;
	s8 =	sshrl.u32 s4, $0x1  }
0xe: {  	s7 =	sshrl.u32 s7, $0x2;
	s9 =	sor.u32 s16, s9;
	s21 =	sadd.s32 s1, s10  }
0xf: {  	s4 =	ssub.s32 s4, s8;
	s7 =	sadd.s32 s7, s2;
	[dreg:$0x4] =	wrdreg s21  }
0x10: {  	s11 =	smul.u32 $0x5000, s9;
	s9 =	sor.u32 $0x1C01, s22;
	s14 =	sshrl.u32 s13, $0x3  }
0x11: {  	s3 =	sadd.s32 s10, s3;
	s21 =	simm.s32 $0x2;
	s22 =	simm.s32 $0x50  }
.Ltmp0:
0x12: {  	s26 =	sadd.s32 s0, s14;
	s14 =	sadd.s32 s0, s3;
	(pc) =	sbr.rel .LBB2_1-.Ltmp0, $4  }
0x13: {  	s16 =	smax.u32 s4, $0x1;
	s17 =	sshrl.u32 s7, $0x3;
	s12 =	sshrl.u32 s11, $0x3  }
0x14: {  	s0 =	simm.s32 $0x5;
	s3 =	simm.s32 $0x4;
	s24 =	sadd.s32 s5, s12  }
0x15: {  	s13 =	sadd.s32 $0x1000, s11;
	s25 =	sadd.s32 s6, s12;
	[dreg:$0x7] =	wrdreg s24  }
0x16: {  	s15 =	sadd.s32 $0x27000, s26;
	[dreg:$0x8] =	wrdreg s25;
	s25 =	simm.s32 $0x1A080  }
.LBB2_14:
0x17: {  	[bflag:$0x0] =	sbarrier.arrive $0xFFFF  }
0x18: {  	s4 =	rddreg [dreg:$0x5]  }
0x19: {  	s4 =	sor.u32 $0x1C07, s4  }
0x1a: {  	[hbm:s14], [sflag:s4] =	dma.local [spmem:s17], $0x2700  }
0x1b: {  	_ =	swait.ge [sflag:s31], $0x2700  }
0x1c: {  	s20 =	sadd.s32 $0x1, s20;
	[sflag:s31] =	ssyncset.done $0x0  }
0x1d: {  	p1 =	sne.s32 s20, s16;
	[sflag:s31] =	ssyncadd.s32 $0xFFFFD900  }
0x1e: {  	[hbm:s15], [sflag:s4] =	dma.local @!p0 [spmem:s18], $0x100  }
.Ltmp1:
0x1f: {  	_ = 	snop;
	(pc) =	sbr.rel @!p1 .LBB2_15-.Ltmp1, $4  }
0x20: {  	s4 =	simm.s32 @!p0 $0x7  }
0x21: {  	_ =	swait.ge @!p0 [sflag:s4], $0x100  }
0x22: {  	[sflag:s4] =	ssyncset.done @!p0 $0x0  }
0x23: {  	[sflag:s4] =	ssyncadd.s32 @!p0 $0xFFFFFF00  }
.LBB2_1:
0x24: {  	s4 =	rddreg [dreg:$0x4]  }
0x25: {  	[spmem:s17], [sflag:s9] =	dma.local [hbm:s4], $0x2700  }
0x26: {  	s4 =	rddreg [dreg:$0x6]  }
0x27: {  	[spmem:s18], [sflag:s9] =	dma.local @!p0 [hbm:s4], $0x100  }
0x28: {  	s11 =	simm.s32 $0x0;
	s7 =	rddreg [dreg:$0x7]  }
0x29: {  	[tilespmem:s19], [sflag:$0x2] =	stream.linear.gather [hbm4b:s7+s11], $0xC80, $0x38;
	[tilespmem:$0x1F080] =	vst v63  }
0x2a: {  	s8 =	simm.s32 $0x15880;
	s12 =	rddreg [dreg:$0x8]  }
0x2b: {  	[tilespmem:s8], [sflag:$0x2] =	stream.linear.gather [hbm4b:s12+s11], $0xC80, $0x38;
	[tilespmem:$0x1F080] =	vst v63  }
0x2c: {  	_ =	swait.ge [sflag:s21], $0xC80  }
0x2d: {  	[sflag:s21] =	ssyncset.done $0x0  }
0x2e: {  	[sflag:s21] =	ssyncadd.s32 $0xFFFFF380  }
0x2f: {  	_ =	swait.ge [sflag:s21], $0xC80  }
0x30: {  	[sflag:s21] =	ssyncset.done $0x0  }
0x31: {  	[sflag:s21] =	ssyncadd.s32 $0xFFFFF380  }
0x32: {  	[tilespmem:s23], [sflag:$0x4] =	stream.indirect.gather [hbm4b:s1+s22], $0x80, s19, s22, $0xb8;
	[tilespmem:$0x1F080] =	vst v63  }
0x33: {  	s24 =	simm.s32 $0x13900  }
0x34: {  	[tilespmem:s25], [sflag:$0x5] =	stream.indirect.gather [hbm4b:s1+s22], $0x80, s24, s22, $0xb8;
	[tilespmem:$0x1F080] =	vst v63  }
0x35: {  	s26 =	simm.s32 $0x13980  }
0x36: {  	[tilespmem:s28], [sflag:$0x6] =	stream.indirect.gather [hbm4b:s1+s22], $0x80, s26, s22, $0xb8;
	[tilespmem:$0x1F080] =	vst v63  }
0x37: {  	_ =	swait.ge [sflag:s29], $0x2700  }
0x38: {  	[sflag:s29] =	ssyncset.done $0x0  }
0x39: {  	s4 =	simm.s32 @!p0 $0x1;
	[sflag:s29] =	ssyncadd.s32 $0xFFFFD900  }
.Ltmp2:
0x3a: {  	_ =	swait.ge @!p0 [sflag:s4], $0x100;
	(pc) =	sbr.rel .LBB2_2-.Ltmp2, $4  }
0x3b: {  	[sflag:s4] =	ssyncset.done @!p0 $0x0  }
0x3c: {  	[sflag:s4] =	ssyncadd.s32 @!p0 $0xFFFFFF00  }
0x3d: {  	[bflag:$0x0] =	sbarrier.arrive $0xFFFF  }
0x3e: {  	s24 =	simm.s32 $0x0  }
.LBB2_12:
0x3f: {  	_ =	swait.ge [sflag:s30], $0x2800;
	p3 =	sgt.u32 @!p1 s24, $0x79  }
0x40: {  	[sflag:s30] =	ssyncset.done $0x0;
	p4 =	por p3, p1  }
0x41: {  	[sflag:s30] =	ssyncadd.s32 $0xFFFFD800;
	s8 =	sand.u32 @!p4 $0xFF, s26  }
0x42: {  	[spmem:s2] =	stream.indirect.scatter.add.f32 [tilespmem:s28], [sflag:$0x7], $0x80, s10, s22, $0xb8;
	[tilespmem:$0x1F080] =	vst v63  }
0x43: {  	p5 =	slt.u32 @!p4 s8, $0x16  }
0x44: {  	p2 =	por @!p1 p5, p3  }
0x45: {  	p2 =	por p2, p1  }
0x46: {  	p6 =	sne.s32 @!p2 s4, $0x19  }
0x47: {  	p4 =	por @!p4 p6, p5  }
0x48: {  	_ =	swait.ge [sflag:s31], $0x2800;
	p3 =	por @!p1 p4, p3  }
0x49: {  	[sflag:s31] =	ssyncset.done $0x0;
	p3 =	por p3, p1  }
0x4a: {  	[sflag:s31] =	ssyncadd.s32 $0xFFFFD800;
	s8 =	simm.s32 @!p3 $0x2  }
0x4b: {  	_ =	swait.ge @!p3 [sflag:s8], $0xC80  }
0x4c: {  	[sflag:s8] =	ssyncset.done @!p3 $0x0  }
0x4d: {  	[sflag:s8] =	ssyncadd.s32 @!p3 $0xFFFFF380  }
0x4e: {  	s7 =	sshrl.u32 @!p2 s7, $0x2;
	_ =	swait.ge @!p3 [sflag:s8], $0xC80  }
0x4f: {  	s10 =	simm.s32 @!p2 $0x1C880;
	s4 =	sshll.u32 @p1 s4, $0x7;
	[sflag:s8] =	ssyncset.done @!p3 $0x0  }
0x50: {  	s7 =	sadd.s32 @!p2 $0x12D80, s7;
	[sflag:s8] =	ssyncadd.s32 @!p3 $0xFFFFF380;
	s8 =	simm.s32 @!p2 $0x50  }
0x51: {  	[tilespmem:s10], [sflag:$0x6] =	stream.indirect.gather @!p2 [hbm4b:s1+s8], $0x80, s7, s8, $0xb8;
	[tilespmem:$0x1F080] =	vst v63  }
0x52: {  	s4 =	sadd.s32 @p1 $0x14880, s4;
	s7 =	simm.s32 @p1 $0x50;
	s8 =	simm.s32 @p1 $0x1C880  }
0x53: {  	[tilespmem:s8], [sflag:$0x6] =	stream.indirect.gather @p1 [hbm4b:s1+s7], $0x80, s4, s7, $0xb8;
	[tilespmem:$0x1F080] =	vst v63  }
.LBB2_13:
0x54: {  	s24 =	sadd.s32 $0x1, s24  }
0x55: {  	p1 =	sne.s32 s24, $0x7D  }
.Ltmp3:
0x56: {  	_ = 	snop;
	(pc) =	sbr.rel @!p1 .LBB2_14-.Ltmp3, $1  }
0x57: {  	_ =	sdelay $0x3  }
.LBB2_2:
0x58: {  	s4 =	smul.u32 $0x29, s24;
	_ =	sdelay $0x1  }
0x59: {  	s7 =	sshrl.u32 s4, $0xA  }
0x5a: {  	s10 =	sand.u32 $0x3F, s7  }
0x5b: {  	s26 =	smul.u32 $0x19, s10;
	_ =	sdelay $0x1  }
0x5c: {  	s26 =	ssub.s32 s24, s26  }
0x5d: {  	s4 =	sand.u32 $0xFF, s26  }
0x5e: {  	p2 =	slt.u32 s24, $0x64;
	s7 =	sand.u32 $0x1, s7;
	p1 =	seq.s32 s4, $0x0  }
0x5f: {  	p1 =	por !p2, !p1;
	p2 =	seq.s32 s7, $0x1  }
.Ltmp4:
0x60: {  	_ = 	snop;
	(pc) =	sbr.rel @!p2 .LBB2_3-.Ltmp4, $4  }
0x61: {  	_ = 	snop  }
0x62: {  	p1 =	por !p1, !p1  }
0x63: {  	s7 =	sshll.u32 @p1 s10, $0xC  }
0x64: {  	s7 =	sadd.s32 @p1 s7, s13  }
0x65: {  	s7 =	sshrl.u32 @p1 s7, $0x3;
	s10 =	simm.s32 @p1 $0x0  }
0x66: {  	s11 =	simm.s32 @p1 $0x13880;
	s12 =	smul.u32 $0xAB, s24;
	s8 =	sadd.s32 @p1 s5, s7  }
0x67: {  	[tilespmem:s11], [sflag:$0x2] =	stream.linear.gather @p1 [hbm4b:s8+s10], $0xC80, $0x38;
	[tilespmem:$0x1F080] =	vst v63  }
0x68: {  	s12 =	sshrl.u32 s12, $0x9  }
0x69: {  	s8 =	sand.u32 $0x7F, s12  }
0x6a: {  	s7 =	sadd.s32 @p1 s6, s7;
	s11 =	simm.s32 @p1 $0x15880;
	s8 =	smul.u32 $0x3, s8  }
0x6b: {  	[tilespmem:s11], [sflag:$0x2] =	stream.linear.gather @p1 [hbm4b:s7+s10], $0xC80, $0x38;
	[tilespmem:$0x1F080] =	vst v63  }
0x6c: {  	s11 =	ssub.s32 s24, s8  }
0x6d: {  	p6 =	slt.u32 s24, $0x7A;
	p2 =	slt.u32 s4, $0x16;
	s11 =	sand.u32 $0xFF, s11  }
0x6e: {  	p1 =	por !p6, !p2;
	p2 =	seq.s32 s11, $0x2  }
.Ltmp5:
0x6f: {  	_ = 	snop;
	(pc) =	sbr.rel @p2 .LBB2_12-.Ltmp5, $4  }
0x70: {  	_ = 	snop  }
0x71: {  	s7 =	sshll.u32 s4, $0x9  }
0x72: {  	s12 =	sshrl.u32 s7, $0x2  }
0x73: {  	s4 =	sadd.s32 $0x3, s4;
	p1 =	por !p1, !p1;
	s10 =	sadd.s32 $0x16880, s12  }
0x74: {  	p2 =	seq.s32 s11, $0x1  }
.Ltmp6:
0x75: {  	_ = 	snop;
	(pc) =	sbr.rel @!p2 .LBB2_10-.Ltmp6, $1  }
0x76: {  	_ =	sdelay $0x3  }
0x77: {  	_ =	swait.ge [sflag:s0], $0x2800;
	p3 =	sgt.u32 @!p1 s24, $0x79  }
0x78: {  	[sflag:s0] =	ssyncset.done $0x0;
	p4 =	por p3, p1  }
0x79: {  	[sflag:s0] =	ssyncadd.s32 $0xFFFFD800;
	s8 =	sand.u32 @!p4 $0xFF, s26  }
0x7a: {  	[spmem:s2] =	stream.indirect.scatter.add.f32 [tilespmem:s25], [sflag:$0x7], $0x80, s10, s22, $0xb8;
	[tilespmem:$0x1F080] =	vst v63  }
0x7b: {  	p5 =	slt.u32 @!p4 s8, $0x16  }
0x7c: {  	p2 =	por @!p1 p5, p3  }
0x7d: {  	p2 =	por p2, p1  }
0x7e: {  	p6 =	sne.s32 @!p2 s4, $0x19  }
0x7f: {  	p4 =	por @!p4 p6, p5  }
0x80: {  	_ =	swait.ge [sflag:s31], $0x2800;
	p3 =	por @!p1 p4, p3  }
0x81: {  	[sflag:s31] =	ssyncset.done $0x0;
	p3 =	por p3, p1  }
0x82: {  	[sflag:s31] =	ssyncadd.s32 $0xFFFFD800;
	s8 =	simm.s32 @!p3 $0x2  }
0x83: {  	_ =	swait.ge @!p3 [sflag:s8], $0xC80  }
0x84: {  	[sflag:s8] =	ssyncset.done @!p3 $0x0  }
0x85: {  	[sflag:s8] =	ssyncadd.s32 @!p3 $0xFFFFF380  }
0x86: {  	s7 =	sshrl.u32 @!p2 s7, $0x2;
	s10 =	simm.s32 @!p2 $0x1A080;
	_ =	swait.ge @!p3 [sflag:s8], $0xC80  }
.Ltmp7:
0x87: {  	s4 =	sshll.u32 @p1 s4, $0x7;
	[sflag:s8] =	ssyncset.done @!p3 $0x0;
	(pc) =	sbr.rel .LBB2_13-.Ltmp7, $4  }
0x88: {  	s7 =	sadd.s32 @!p2 $0x12D80, s7;
	[sflag:s8] =	ssyncadd.s32 @!p3 $0xFFFFF380;
	s8 =	simm.s32 @!p2 $0x50  }
0x89: {  	[tilespmem:s10], [sflag:$0x5] =	stream.indirect.gather @!p2 [hbm4b:s1+s8], $0x80, s7, s8, $0xb8;
	[tilespmem:$0x1F080] =	vst v63  }
0x8a: {  	s4 =	sadd.s32 @p1 $0x14880, s4;
	s7 =	simm.s32 @p1 $0x50;
	s8 =	simm.s32 @p1 $0x1A080  }
0x8b: {  	[tilespmem:s8], [sflag:$0x5] =	stream.indirect.gather @p1 [hbm4b:s1+s7], $0x80, s4, s7, $0xb8;
	[tilespmem:$0x1F080] =	vst v63  }
.LBB2_3:
0x8c: {  	s7 =	sshrl.u32 @p1 s7, $0x3;
	s11 =	simm.s32 @p1 $0x0  }
0x8d: {  	s12 =	simm.s32 @p1 $0x14880;
	s8 =	smul.u32 $0xAB, s24;
	s10 =	sadd.s32 @p1 s5, s7  }
0x8e: {  	[tilespmem:s12], [sflag:$0x3] =	stream.linear.gather @p1 [hbm4b:s10+s11], $0xC80, $0x38;
	[tilespmem:$0x1F080] =	vst v63  }
0x8f: {  	s8 =	sshrl.u32 s8, $0x9  }
0x90: {  	s8 =	sand.u32 $0x7F, s8  }
0x91: {  	s7 =	sadd.s32 @p1 s6, s7;
	s10 =	simm.s32 @p1 $0x16880;
	s8 =	smul.u32 $0x3, s8  }
0x92: {  	[tilespmem:s10], [sflag:$0x3] =	stream.linear.gather @p1 [hbm4b:s7+s11], $0xC80, $0x38;
	[tilespmem:$0x1F080] =	vst v63  }
0x93: {  	s11 =	ssub.s32 s24, s8  }
0x94: {  	p6 =	slt.u32 s24, $0x7A;
	p2 =	slt.u32 s4, $0x16;
	s11 =	sand.u32 $0xFF, s11  }
0x95: {  	p1 =	por !p6, !p2;
	p2 =	seq.s32 s11, $0x2  }
.Ltmp8:
0x96: {  	_ = 	snop;
	(pc) =	sbr.rel @p2 .LBB2_7-.Ltmp8, $4  }
0x97: {  	_ = 	snop  }
0x98: {  	s7 =	sshll.u32 s4, $0x9  }
0x99: {  	s12 =	sshrl.u32 s7, $0x2  }
0x9a: {  	s4 =	sadd.s32 $0x3, s4;
	p1 =	por !p1, !p1;
	s10 =	sadd.s32 $0x15880, s12  }
0x9b: {  	p2 =	seq.s32 s11, $0x1  }
.Ltmp9:
0x9c: {  	_ = 	snop;
	(pc) =	sbr.rel @!p2 .LBB2_5-.Ltmp9, $1  }
0x9d: {  	_ =	sdelay $0x3  }
0x9e: {  	_ =	swait.ge [sflag:s0], $0x2800;
	p3 =	sgt.u32 @!p1 s24, $0x79  }
0x9f: {  	[sflag:s0] =	ssyncset.done $0x0;
	p4 =	por p3, p1  }
0xa0: {  	[sflag:s0] =	ssyncadd.s32 $0xFFFFD800;
	s8 =	sand.u32 @!p4 $0xFF, s26  }
0xa1: {  	[spmem:s2] =	stream.indirect.scatter.add.f32 [tilespmem:s25], [sflag:$0x7], $0x80, s10, s22, $0xb8;
	[tilespmem:$0x1F080] =	vst v63  }
0xa2: {  	p5 =	slt.u32 @!p4 s8, $0x16  }
0xa3: {  	p2 =	por @!p1 p5, p3  }
0xa4: {  	p2 =	por p2, p1  }
0xa5: {  	p6 =	sne.s32 @!p2 s4, $0x19  }
0xa6: {  	p4 =	por @!p4 p6, p5  }
0xa7: {  	_ =	swait.ge [sflag:s31], $0x2800;
	p3 =	por @!p1 p4, p3  }
0xa8: {  	[sflag:s31] =	ssyncset.done $0x0;
	p3 =	por p3, p1  }
0xa9: {  	[sflag:s31] =	ssyncadd.s32 $0xFFFFD800;
	s8 =	simm.s32 @!p3 $0x3  }
0xaa: {  	_ =	swait.ge @!p3 [sflag:s8], $0xC80  }
0xab: {  	[sflag:s8] =	ssyncset.done @!p3 $0x0  }
0xac: {  	[sflag:s8] =	ssyncadd.s32 @!p3 $0xFFFFF380  }
0xad: {  	s7 =	sshrl.u32 @!p2 s7, $0x2;
	s10 =	simm.s32 @!p2 $0x1A080;
	_ =	swait.ge @!p3 [sflag:s8], $0xC80  }
.Ltmp10:
0xae: {  	s4 =	sshll.u32 @p1 s4, $0x7;
	[sflag:s8] =	ssyncset.done @!p3 $0x0;
	(pc) =	sbr.rel .LBB2_13-.Ltmp10, $4  }
0xaf: {  	s7 =	sadd.s32 @!p2 $0x13D80, s7;
	[sflag:s8] =	ssyncadd.s32 @!p3 $0xFFFFF380;
	s8 =	simm.s32 @!p2 $0x50  }
0xb0: {  	[tilespmem:s10], [sflag:$0x5] =	stream.indirect.gather @!p2 [hbm4b:s1+s8], $0x80, s7, s8, $0xb8;
	[tilespmem:$0x1F080] =	vst v63  }
0xb1: {  	s4 =	sadd.s32 @p1 $0x13880, s4;
	s7 =	simm.s32 @p1 $0x50;
	s8 =	simm.s32 @p1 $0x1A080  }
0xb2: {  	[tilespmem:s8], [sflag:$0x5] =	stream.indirect.gather @p1 [hbm4b:s1+s7], $0x80, s4, s7, $0xb8;
	[tilespmem:$0x1F080] =	vst v63  }
.LBB2_7:
0xb3: {  	_ =	swait.ge [sflag:s30], $0x2800;
	p3 =	sgt.u32 @!p1 s24, $0x79  }
0xb4: {  	[sflag:s30] =	ssyncset.done $0x0;
	p4 =	por p3, p1  }
0xb5: {  	[sflag:s30] =	ssyncadd.s32 $0xFFFFD800;
	s8 =	sand.u32 @!p4 $0xFF, s26  }
0xb6: {  	[spmem:s2] =	stream.indirect.scatter.add.f32 [tilespmem:s28], [sflag:$0x7], $0x80, s10, s22, $0xb8;
	[tilespmem:$0x1F080] =	vst v63  }
0xb7: {  	p5 =	slt.u32 @!p4 s8, $0x16  }
0xb8: {  	p2 =	por @!p1 p5, p3  }
0xb9: {  	p2 =	por p2, p1  }
0xba: {  	p6 =	sne.s32 @!p2 s4, $0x19  }
0xbb: {  	p4 =	por @!p4 p6, p5  }
0xbc: {  	_ =	swait.ge [sflag:s31], $0x2800;
	p3 =	por @!p1 p4, p3  }
0xbd: {  	[sflag:s31] =	ssyncset.done $0x0;
	p3 =	por p3, p1  }
0xbe: {  	[sflag:s31] =	ssyncadd.s32 $0xFFFFD800;
	s8 =	simm.s32 @!p3 $0x3  }
0xbf: {  	_ =	swait.ge @!p3 [sflag:s8], $0xC80  }
0xc0: {  	[sflag:s8] =	ssyncset.done @!p3 $0x0  }
0xc1: {  	[sflag:s8] =	ssyncadd.s32 @!p3 $0xFFFFF380  }
0xc2: {  	s7 =	sshrl.u32 @!p2 s7, $0x2;
	s10 =	simm.s32 @!p2 $0x1C880;
	_ =	swait.ge @!p3 [sflag:s8], $0xC80  }
.Ltmp11:
0xc3: {  	s4 =	sshll.u32 @p1 s4, $0x7;
	[sflag:s8] =	ssyncset.done @!p3 $0x0;
	(pc) =	sbr.rel .LBB2_13-.Ltmp11, $4  }
0xc4: {  	s7 =	sadd.s32 @!p2 $0x13D80, s7;
	[sflag:s8] =	ssyncadd.s32 @!p3 $0xFFFFF380;
	s8 =	simm.s32 @!p2 $0x50  }
0xc5: {  	[tilespmem:s10], [sflag:$0x6] =	stream.indirect.gather @!p2 [hbm4b:s1+s8], $0x80, s7, s8, $0xb8;
	[tilespmem:$0x1F080] =	vst v63  }
0xc6: {  	s4 =	sadd.s32 @p1 $0x13880, s4;
	s7 =	simm.s32 @p1 $0x50;
	s8 =	simm.s32 @p1 $0x1C880  }
0xc7: {  	[tilespmem:s8], [sflag:$0x6] =	stream.indirect.gather @p1 [hbm4b:s1+s7], $0x80, s4, s7, $0xb8;
	[tilespmem:$0x1F080] =	vst v63  }
.LBB2_10:
0xc8: {  	_ =	swait.ge [sflag:s3], $0x2800;
	p3 =	sgt.u32 @!p1 s24, $0x79  }
0xc9: {  	[sflag:s3] =	ssyncset.done $0x0;
	p4 =	por p3, p1  }
0xca: {  	[sflag:s3] =	ssyncadd.s32 $0xFFFFD800;
	s8 =	sand.u32 @!p4 $0xFF, s26  }
0xcb: {  	[spmem:s2] =	stream.indirect.scatter.add.f32 [tilespmem:s23], [sflag:$0x7], $0x80, s10, s22, $0xb8;
	[tilespmem:$0x1F080] =	vst v63  }
0xcc: {  	p5 =	slt.u32 @!p4 s8, $0x16  }
0xcd: {  	p2 =	por @!p1 p5, p3  }
0xce: {  	p2 =	por p2, p1  }
0xcf: {  	p6 =	sne.s32 @!p2 s4, $0x19  }
0xd0: {  	p4 =	por @!p4 p6, p5  }
0xd1: {  	_ =	swait.ge [sflag:s31], $0x2800;
	p3 =	por @!p1 p4, p3  }
0xd2: {  	[sflag:s31] =	ssyncset.done $0x0;
	p3 =	por p3, p1  }
0xd3: {  	[sflag:s31] =	ssyncadd.s32 $0xFFFFD800;
	s8 =	simm.s32 @!p3 $0x2  }
0xd4: {  	_ =	swait.ge @!p3 [sflag:s8], $0xC80  }
0xd5: {  	[sflag:s8] =	ssyncset.done @!p3 $0x0  }
0xd6: {  	[sflag:s8] =	ssyncadd.s32 @!p3 $0xFFFFF380  }
0xd7: {  	s7 =	sshrl.u32 @!p2 s7, $0x2;
	s10 =	simm.s32 @!p2 $0x17880;
	_ =	swait.ge @!p3 [sflag:s8], $0xC80  }
.Ltmp12:
0xd8: {  	s4 =	sshll.u32 @p1 s4, $0x7;
	[sflag:s8] =	ssyncset.done @!p3 $0x0;
	(pc) =	sbr.rel .LBB2_13-.Ltmp12, $4  }
0xd9: {  	s7 =	sadd.s32 @!p2 $0x12D80, s7;
	[sflag:s8] =	ssyncadd.s32 @!p3 $0xFFFFF380;
	s8 =	simm.s32 @!p2 $0x50  }
0xda: {  	[tilespmem:s10], [sflag:$0x4] =	stream.indirect.gather @!p2 [hbm4b:s1+s8], $0x80, s7, s8, $0xb8;
	[tilespmem:$0x1F080] =	vst v63  }
0xdb: {  	s4 =	sadd.s32 @p1 $0x14880, s4;
	s7 =	simm.s32 @p1 $0x50;
	s8 =	simm.s32 @p1 $0x17880  }
0xdc: {  	[tilespmem:s8], [sflag:$0x4] =	stream.indirect.gather @p1 [hbm4b:s1+s7], $0x80, s4, s7, $0xb8;
	[tilespmem:$0x1F080] =	vst v63  }
.LBB2_5:
0xdd: {  	_ =	swait.ge [sflag:s3], $0x2800;
	p3 =	sgt.u32 @!p1 s24, $0x79  }
0xde: {  	[sflag:s3] =	ssyncset.done $0x0;
	p4 =	por p3, p1  }
0xdf: {  	[sflag:s3] =	ssyncadd.s32 $0xFFFFD800;
	s8 =	sand.u32 @!p4 $0xFF, s26  }
0xe0: {  	[spmem:s2] =	stream.indirect.scatter.add.f32 [tilespmem:s23], [sflag:$0x7], $0x80, s10, s22, $0xb8;
	[tilespmem:$0x1F080] =	vst v63  }
0xe1: {  	p5 =	slt.u32 @!p4 s8, $0x16  }
0xe2: {  	p2 =	por @!p1 p5, p3  }
0xe3: {  	p2 =	por p2, p1  }
0xe4: {  	p6 =	sne.s32 @!p2 s4, $0x19  }
0xe5: {  	p4 =	por @!p4 p6, p5  }
0xe6: {  	_ =	swait.ge [sflag:s31], $0x2800;
	p3 =	por @!p1 p4, p3  }
0xe7: {  	[sflag:s31] =	ssyncset.done $0x0;
	p3 =	por p3, p1  }
0xe8: {  	[sflag:s31] =	ssyncadd.s32 $0xFFFFD800;
	s8 =	simm.s32 @!p3 $0x3  }
0xe9: {  	_ =	swait.ge @!p3 [sflag:s8], $0xC80  }
0xea: {  	[sflag:s8] =	ssyncset.done @!p3 $0x0  }
0xeb: {  	[sflag:s8] =	ssyncadd.s32 @!p3 $0xFFFFF380  }
0xec: {  	s7 =	sshrl.u32 @!p2 s7, $0x2;
	s10 =	simm.s32 @!p2 $0x17880;
	_ =	swait.ge @!p3 [sflag:s8], $0xC80  }
.Ltmp13:
0xed: {  	s4 =	sshll.u32 @p1 s4, $0x7;
	[sflag:s8] =	ssyncset.done @!p3 $0x0;
	(pc) =	sbr.rel .LBB2_13-.Ltmp13, $4  }
0xee: {  	s7 =	sadd.s32 @!p2 $0x13D80, s7;
	[sflag:s8] =	ssyncadd.s32 @!p3 $0xFFFFF380;
	s8 =	simm.s32 @!p2 $0x50  }
0xef: {  	[tilespmem:s10], [sflag:$0x4] =	stream.indirect.gather @!p2 [hbm4b:s1+s8], $0x80, s7, s8, $0xb8;
	[tilespmem:$0x1F080] =	vst v63  }
0xf0: {  	s4 =	sadd.s32 @p1 $0x13880, s4;
	s7 =	simm.s32 @p1 $0x50;
	s8 =	simm.s32 @p1 $0x17880  }
0xf1: {  	[tilespmem:s8], [sflag:$0x4] =	stream.indirect.gather @p1 [hbm4b:s1+s7], $0x80, s4, s7, $0xb8;
	[tilespmem:$0x1F080] =	vst v63  }
.LBB2_15:
0xf2: {  	_ =	sfence.sel $0x180000  }
0xf3: {  	[bflag:$0x0] =	sbarrier.arrive $0xFFFF  }
0xf4: {  	_ =	strace $0x90000047  }
0xf5: {  	s0 =	stileid.u32;
	[bflag:$0x2] =	sbarrier.arrive $0xFFFF  }
0xf6: {  	p0 =	sne.s32 s0, $0x0;
	s0 =	rddreg [dreg:$0x3]  }
0xf7: {  	s0 =	sadd.s32 @!p0 $0x100000, s0  }
0xf8: {  	[sflag:s0] =	ssyncadd.tile.s32 @!p0 $0x1;
	_ =	shalt  }
.Lfunc_end2:
_tile_overlayer_lowered:
.L_overlay_start_2:
0xf9: {  	(tag) =	ssettag $0x2  }
0xfa: {  	s0 =	rddreg [dreg:$0x0];
	s2 =	stileid.u32  }
0xfb: {  	s1 =	rddreg [dreg:$0x1];
	p0 =	sne.s32 s2, $0x0  }
0xfc: {  	s3 =	rddreg [dreg:$0x2];
	[bflag:$0x3] =	sbarrier.arrive $0xFFFF;
	s2 =	simm.s32 @!p0 $0x1C07  }
0xfd: {  	[timem:s3], [sflag:s2] =	dma.local @!p0 [hbm:s0], s1  }
0xfe: {  	s0 =	simm.s32 @!p0 $0x7  }
0xff: {  	_ =	swait.ge @!p0 [sflag:s0], s1  }
0x100: {  	s1 =	ssub.s32 @!p0 $0x0, s1;
	[sflag:s0] =	ssyncset.done @!p0 $0x0  }
0x101: {  	[sflag:s0] =	ssyncadd.s32 @!p0 s1  }
0x102: {  	[bflag:$0x3] =	sbarrier.arrive $0xFFFF  }
0x103: {  	_ =	shalt  }

// kernel: kernel.9.cloned.1.call-start
scs
__scs_entry_jumppad:
0x0: {  	(pc) =	sbr.rel $0x88, $3  }
0x1: {  	(tag) =	ssettag $0x0;
	lr =	simm.s32 $0x1  }
0x2: {  	[smem:$0x3F97] =	sst lr;
	_ =	strace $0xD0000000  }
0x3: {  	_ = 	snop  }
0x4: {  	_ = 	snop  }
0x5: {  	_ = 	snop  }
0x6: {  	_ = 	snop  }
0x7: {  	_ = 	snop  }
__scs_overlays_trampoline_lowered:
0x8: {  	[smem:$0x3FA6] =	sst s0  }
0x9: {  	[smem:$0x3FA7] =	sst s1  }
0xa: {  	[smem:$0x3FA8] =	sst s2  }
0xb: {  	[smem:$0x3FA9] =	sst s3  }
0xc: {  	[smem:$0x3FAA] =	sst s4  }
0xd: {  	[smem:$0x3FAB] =	sst s5  }
0xe: {  	[smem:$0x3FAC] =	sst s6  }
0xf: {  	[smem:$0x3FAD] =	sst s7  }
0x10: {  	[smem:$0x3FAE] =	sst s8  }
0x11: {  	[smem:$0x3FAF] =	sst s9;
	s0 =	simm.s32 @!p0 $0x0  }
0x12: {  	s1 =	sld [smem:$0x3F95];
	s0 =	simm.s32 @p0 $0x1  }
0x13: {  	[smem:$0x3FB0] =	sst s0;
	s0 =	simm.s32 @!p1 $0x0  }
0x14: {  	s2 =	sld [smem:$0x3F94];
	s0 =	simm.s32 @p1 $0x1  }
0x15: {  	[smem:$0x3FB1] =	sst s0;
	s0 =	simm.s32 @!p2 $0x0  }
0x16: {  	s3 =	sld [smem:$0x3FDB];
	s0 =	simm.s32 @p2 $0x1  }
0x17: {  	s4 =	simm.s32 $0x1BF5;
	[smem:$0x3FB3] =	sst s0  }
0x18: {  	s0 =	sld [smem:$0x3F96];
	_ =	swait.ge [sflag:s4], $0x0  }
0x19: {  	s7 =	sld [smem:$0x3F97]  }
0x1a: {  	s8 =	sadd.s32 $0xFFFFE003, lr  }
0x1b: {  	s9 =	sadd.s32 $0xFFFFFEF7, lr;
	s5 =	simm.s32 $0xFFFFFFFF;
	p2 =	slt.u32 s8, $0xFFFFF086  }
0x1c: {  	p1 =	slt.u32 s9, $0xF7A;
	s5 =	simm.s32 @!p2 $0x0  }
0x1d: {  	s5 =	simm.s32 @p1 $0x1;
	p0 =	seq.s32 s7, s2  }
0x1e: {  	s7 =	smul.u32 @!p0 $0xF7A, s2;
	p2 =	seq.s32 @!p0 s5, $0x0  }
0x1f: {  	s9 =	smul.u32 $0xF7A, s1;
	s8 =	simm.s32 @!p0 $0x1BF5;
	p2 =	por !p2, p0  }
0x20: {  	[sflag:s8] =	ssyncset.s32 @!p0 $0xFFFFF086;
	s6 =	sadd.s32 @!p0 s3, s7;
	s7 =	simm.s32 @!p0 $0x108  }
0x21: {  	s3 =	sadd.s32 s3, s9;
	s6 =	sadd.s32 @!p0 $0x88, s6;
	s7 =	simm.s32 @p2 $0x1082  }
0x22: {  	[simem:s7], [sflag:s8] =	dma.local @!p0 [hbm:s6], $0xF7A  }
0x23: {  	s9 =	sor.u32 $0xD0000000, s2;
	s6 =	simm.s32 $0x108;
	_ =	swait.ge @!p0 [sflag:s8], $0x0  }
0x24: {  	s3 =	sadd.s32 $0x88, s3;
	s6 =	simm.s32 @!p1 $0x1082;
	[sflag:s4] =	ssyncset.s32 $0xFFFFF086  }
0x25: {  	[simem:s6], [sflag:s4] =	dma.local [hbm:s3], $0xF7A  }
0x26: {  	[smem:$0x3F97] =	sst s1;
	(tag) =	ssettag s2;
	_ =	strace s9  }
0x27: {  	s1 =	sld [smem:$0x3FA7]  }
0x28: {  	s2 =	sld [smem:$0x3FA8]  }
0x29: {  	s4 =	sld [smem:$0x3FAA]  }
0x2a: {  	p0 =	seq.s32 s5, $0x0;
	s5 =	sld [smem:$0x3FAB]  }
0x2b: {  	s6 =	sld [smem:$0x3FAC]  }
0x2c: {  	s7 =	sld [smem:$0x3FAD]  }
0x2d: {  	s3 =	simm.s32 $0x108;
	s8 =	sld [smem:$0x3FAE]  }
0x2e: {  	s3 =	simm.s32 @!p0 $0x1082;
	s9 =	sld [smem:$0x3FAF]  }
0x2f: {  	lr =	sadd.s32 s0, s3;
	s0 =	sld [smem:$0x3FA6]  }
0x30: {  	s3 =	sld [smem:$0x3FA9]  }
0x31: {  	[smem:$0x3FB2] =	sst s10  }
0x32: {  	s10 =	sld [smem:$0x3FB0];
	_ =	sdelay $0x3  }
0x33: {  	p0 =	seq.s32 s10, $0x1;
	s10 =	sld [smem:$0x3FB2];
	_ =	sdelay $0x3  }
0x34: {  	[smem:$0x3FB2] =	sst s10  }
0x35: {  	s10 =	sld [smem:$0x3FB1];
	_ =	sdelay $0x3  }
0x36: {  	p1 =	seq.s32 s10, $0x1;
	s10 =	sld [smem:$0x3FB2];
	_ =	sdelay $0x3  }
0x37: {  	[smem:$0x3FB2] =	sst s10  }
0x38: {  	s10 =	sld [smem:$0x3FB3]  }
0x39: {  	_ = 	snop;
	(pc) =	sbr.ind lr, $3  }
0x3a: {  	_ = 	snop  }
0x3b: {  	_ = 	snop  }
0x3c: {  	p2 =	seq.s32 s10, $0x1;
	s10 =	sld [smem:$0x3FB2]  }
0x3d: {  	_ =	shalt  }
0x3e: {  	_ =	shalt  }
0x3f: {  	_ =	shalt  }
0x40: {  	_ =	shalt  }
0x41: {  	_ =	shalt  }
0x42: {  	_ =	shalt  }
0x43: {  	_ =	shalt  }
0x44: {  	_ =	shalt  }
0x45: {  	_ =	shalt  }
0x46: {  	_ =	shalt  }
0x47: {  	_ =	shalt  }
0x48: {  	_ =	shalt  }
0x49: {  	_ =	shalt  }
0x4a: {  	_ =	shalt  }
0x4b: {  	_ =	shalt  }
0x4c: {  	_ =	shalt  }
0x4d: {  	_ =	shalt  }
0x4e: {  	_ =	shalt  }
0x4f: {  	_ =	shalt  }
0x50: {  	_ =	shalt  }
0x51: {  	_ =	shalt  }
0x52: {  	_ =	shalt  }
0x53: {  	_ =	shalt  }
0x54: {  	_ =	shalt  }
0x55: {  	_ =	shalt  }
0x56: {  	_ =	shalt  }
0x57: {  	_ =	shalt  }
0x58: {  	_ =	shalt  }
0x59: {  	_ =	shalt  }
0x5a: {  	_ =	shalt  }
0x5b: {  	_ =	shalt  }
0x5c: {  	_ =	shalt  }
0x5d: {  	_ =	shalt  }
0x5e: {  	_ =	shalt  }
0x5f: {  	_ =	shalt  }
0x60: {  	_ =	shalt  }
0x61: {  	_ =	shalt  }
0x62: {  	_ =	shalt  }
0x63: {  	_ =	shalt  }
0x64: {  	_ =	shalt  }
0x65: {  	_ =	shalt  }
0x66: {  	_ =	shalt  }
0x67: {  	_ =	shalt  }
0x68: {  	_ =	shalt  }
0x69: {  	_ =	shalt  }
0x6a: {  	_ =	shalt  }
0x6b: {  	_ =	shalt  }
0x6c: {  	_ =	shalt  }
0x6d: {  	_ =	shalt  }
0x6e: {  	_ =	shalt  }
0x6f: {  	_ =	shalt  }
0x70: {  	_ =	shalt  }
0x71: {  	_ =	shalt  }
0x72: {  	_ =	shalt  }
0x73: {  	_ =	shalt  }
0x74: {  	_ =	shalt  }
0x75: {  	_ =	shalt  }
0x76: {  	_ =	shalt  }
0x77: {  	_ =	shalt  }
0x78: {  	_ =	shalt  }
0x79: {  	_ =	shalt  }
0x7a: {  	_ =	shalt  }
0x7b: {  	_ =	shalt  }
0x7c: {  	_ =	shalt  }
0x7d: {  	_ =	shalt  }
0x7e: {  	_ =	shalt  }
0x7f: {  	_ =	shalt  }
0x80: {  	_ =	shalt  }
0x81: {  	_ =	shalt  }
0x82: {  	_ =	shalt  }
0x83: {  	_ =	shalt  }
0x84: {  	_ =	shalt  }
0x85: {  	_ =	shalt  }
0x86: {  	_ =	shalt  }
0x87: {  	_ =	shalt  }
.Lfunc_end0:
.L_simem_size_0:
called_computation.1_lowered:
.L_overlay_start_0:
0x88: {  	s2 =	sld [smem:$0x3FD9]  }
0x89: {  	s3 =	sld [smem:$0x3FFE];
	_ =	sdelay $0x1  }
0x8a: {  	s1 =	srdreg.scid  }
0x8b: {  	s0 =	sand.u32 $0x1, s1  }
0x8c: {  	s17 =	sshll.u32 s0, $0xA;
	s2 =	sadd.s32 s3, s2  }
0x8d: {  	s2 =	sadd.s32 s2, s17  }
0x8e: {  	[smem:$0x3FBE] =	sst s2  }
0x8f: {  	_ = 	snop  }
0x90: {  	s2 =	sld [smem:$0x3FD0];
	(tm) =	ssettm $0x1  }
0x91: {  	s18 =	sld [smem:$0x3FFB];
	_ =	sdelay $0x3  }
0x92: {  	_ =	strace s18  }
0x93: {  	s3 =	sld [smem:$0x3FFC];
	_ =	sdelay $0x3  }
0x94: {  	_ =	strace s3  }
0x95: {  	s3 =	sld [smem:$0x3FFD];
	_ =	sdelay $0x3  }
0x96: {  	_ =	strace s3  }
0x97: {  	_ =	strace $0x8FFFFFFF  }
0x98: {  	s19 =	sld [smem:$0x3FDB];
	_ =	sdelay $0x1  }
0x99: {  	s4 =	simm.s32 $_scs_section_size  }
0x9a: {  	s5 =	simm.s32 $_size__tile_overlayer_lowered;
	s6 =	simm.s32 $_tile_overlayer_lowered  }
0x9b: {  	s22 =	simm.s32 $0x1BFF;
	s21 =	sshll.u32 s6, $0x1;
	s3 =	sadd.s32 s4, s19  }
0x9c: {  	s7 =	simm.s32 $0x0;
	s20 =	sshll.u32 s5, $0x1;
	s5 =	sadd.s32 s21, s3  }
0x9d: {  	[timem:s7], [sflag:s22] =	dma.local [hbm:s5], s20  }
0x9e: {  	_ =	swait.ge [sflag:s22], s20  }
0x9f: {  	s4 =	ssub.s32 $0x0, s20;
	[sflag:s22] =	ssyncset.done $0x0  }
0xa0: {  	[sflag:s22] =	ssyncadd.s32 s4;
	_ =	sdelay $0x1  }
0xa1: {  	s23 =	simm.s32 $0x1B8B  }
0xa2: {  	_ =	swait.ge [sflag:s23], $0x1  }
0xa3: {  	[sflag:s23] =	ssyncset.done $0x0  }
0xa4: {  	s25 =	simm.s32 $0x1B8E;
	s24 =	sld [smem:$0x3FFE];
	[sflag:s23] =	ssyncadd.s32 $0xFFFFFFFF  }
0xa5: {  	s26 =	simm.s32 $execute0_lowered;
	[smem:$0x3FD2] =	sst s25  }
0xa6: {  	s5 =	sshll.u32 s26, $0x1;
	_ =	strace $0x80000049;
	[dreg:$0x1] =	wrdreg $0xFFFFFFFF  }
0xa7: {  	s28 =	simm.s32 $_size_execute0_lowered;
	s3 =	sadd.s32 s3, s5;
	[dreg:$0x0] =	wrdreg $0x0  }
0xa8: {  	s5 =	sshll.u32 s28, $0x1;
	[dreg:$0x2] =	wrdreg s3  }
0xa9: {  	[dreg:$0x3] =	wrdreg s5  }
0xaa: {  	[dreg:$0x4] =	wrdreg $0xC0  }
0xab: {  	_ =	task [dreg:s7], $0x5FFFF  }
0xac: {  	[dreg:$0x1] =	wrdreg $0xFFFFFFFF  }
0xad: {  	[dreg:$0x0] =	wrdreg $0x60  }
0xae: {  	[dreg:$0x2] =	wrdreg s2  }
0xaf: {  	[dreg:$0x3] =	wrdreg s24  }
0xb0: {  	[dreg:$0x4] =	wrdreg $0x0  }
0xb1: {  	[dreg:$0x5] =	wrdreg $0x9  }
0xb2: {  	_ =	task.clear_ibuf [dreg:s7], $0x6FFFF;
	_ =	strace $0x90000049  }
0xb3: {  	s29 =	simm.s32 $0x9;
	_ =	strace $0x8000004B  }
0xb4: {  	_ =	swait.ge [sflag:s29], $0x1  }
0xb5: {  	[sflag:s29] =	ssyncadd.s32 $0xFFFFFFFF  }
0xb6: {  	_ =	strace $0x9000004B  }
0xb7: {  	_ =	sfence  }
0xb8: {  	s30 =	sld [smem:$0x0];
	_ =	sdelay $0x2  }
0xb9: {  	s31 =	sshll.u32 s1, $0xD;
	s1 =	sshrl.u32 s1, $0x2  }
0xba: {  	s3 =	sand.u32 $0x4000, s31;
	s1 =	sadd.s32 s1, s30  }
0xbb: {  	s0 =	sor.u32 s3, s0;
	s1 =	sshll.u32 s1, $0x11  }
0xbc: {  	s0 =	sor.u32 s1, s0  }
0xbd: {  	s0 =	sadd.s32 $0x8F2B, s0  }
0xbe: {  	[sflag:s0] =	ssyncadd.remote.s32 $0x1  }
0xbf: {  	_ =	sfence.sel $0xFFFF  }
0xc0: {  	[dreg:$0x0] =	wrdreg $0xFFFFFFFF;
	(pc) =	sbr.abs _section_cstart, $3  }
0xc1: {  	[dreg:$0x1] =	wrdreg $0xFFFFFFFF  }
0xc2: {  	_ =	task.clear_ibuf [dreg:s7], $0x2FFFF;
	_ =	strace $0x9FFFFFFF  }
0xc3: {  	(tm) =	ssettm $0x7FFFFFFF  }
tec
execute0_lowered:
.L_overlay_start_1:
0x0: {  	(tag) =	ssettag $0x1  }
0x1: {  	s1 =	rddreg [dreg:$0x0]  }
0x2: {  	s0 =	rddreg [dreg:$0x1]  }
0x3: {  	s2 =	rddreg [dreg:$0x2]  }
0x4: {  	s3 =	simm.s32 $0x0;
	s20 =	srdreg.scid;
	s16 =	stileid.u32  }
0x5: {  	s19 =	simm.s32 $0x13880;
	s28 =	simm.s32 $0x1C880;
	s29 =	simm.s32 $0x1  }
0x6: {  	s30 =	simm.s32 $0x6;
	s31 =	simm.s32 $0x7;
	[smem:$0x7FF] =	sst s3  }
0x7: {  	s3 =	sand.u32 $0x1, s20;
	s5 =	sadd.s32 $0x16000, s0;
	s7 =	smul.u32 $0x4E000, s16  }
0x8: {  	s6 =	sadd.s32 $0x2000, s0;
	s0 =	sadd.s32 $0x2A000, s0;
	s10 =	smul.u32 $0x2700, s16  }
0x9: {  	s22 =	sshll.u32 s16, $0x6;
	s18 =	sadd.s32 $0x138000, s2;
	s23 =	sadd.s32 $0x27000, s1  }
0xa: {  	p0 =	sne.s32 s16, $0xF;
	s20 =	simm.s32 $0x0;
	_ =	strace $0x8000004A  }
0xb: {  	s4 =	ssub.s32 $0x2, s3;
	[dreg:$0x5] =	wrdreg s22;
	s13 =	smul.u32 $0x138800, s3  }
0xc: {  	s9 =	sshll.u32 s3, $0x4;
	[dreg:$0x6] =	wrdreg s23;
	s3 =	smul.u32 $0x27100, s3  }
0xd: {  	s18 =	sshrl.u32 @!p0 s18, $0x3;
	s23 =	simm.s32 $0x17880;
	s8 =	sshrl.u32 s4, $0x1  }
0xe: {  	s7 =	sshrl.u32 s7, $0x2;
	s9 =	sor.u32 s16, s9;
	s21 =	sadd.s32 s1, s10  }
0xf: {  	s4 =	ssub.s32 s4, s8;
	s7 =	sadd.s32 s7, s2;
	[dreg:$0x4] =	wrdreg s21  }
0x10: {  	s11 =	smul.u32 $0x5000, s9;
	s9 =	sor.u32 $0x1C01, s22;
	s14 =	sshrl.u32 s13, $0x3  }
0x11: {  	s3 =	sadd.s32 s10, s3;
	s21 =	simm.s32 $0x2;
	s22 =	simm.s32 $0x50  }
.Ltmp0:
0x12: {  	s26 =	sadd.s32 s0, s14;
	s14 =	sadd.s32 s0, s3;
	(pc) =	sbr.rel .LBB2_1-.Ltmp0, $4  }
0x13: {  	s16 =	smax.u32 s4, $0x1;
	s17 =	sshrl.u32 s7, $0x3;
	s12 =	sshrl.u32 s11, $0x3  }
0x14: {  	s0 =	simm.s32 $0x5;
	s3 =	simm.s32 $0x4;
	s24 =	sadd.s32 s5, s12  }
0x15: {  	s13 =	sadd.s32 $0x1000, s11;
	s25 =	sadd.s32 s6, s12;
	[dreg:$0x7] =	wrdreg s24  }
0x16: {  	s15 =	sadd.s32 $0x27000, s26;
	[dreg:$0x8] =	wrdreg s25;
	s25 =	simm.s32 $0x1A080  }
.LBB2_14:
0x17: {  	[bflag:$0x0] =	sbarrier.arrive $0xFFFF  }
0x18: {  	s4 =	rddreg [dreg:$0x5]  }
0x19: {  	s4 =	sor.u32 $0x1C07, s4  }
0x1a: {  	[hbm:s14], [sflag:s4] =	dma.local [spmem:s17], $0x2700  }
0x1b: {  	_ =	swait.ge [sflag:s31], $0x2700  }
0x1c: {  	s20 =	sadd.s32 $0x1, s20;
	[sflag:s31] =	ssyncset.done $0x0  }
0x1d: {  	p1 =	sne.s32 s20, s16;
	[sflag:s31] =	ssyncadd.s32 $0xFFFFD900  }
0x1e: {  	[hbm:s15], [sflag:s4] =	dma.local @!p0 [spmem:s18], $0x100  }
.Ltmp1:
0x1f: {  	_ = 	snop;
	(pc) =	sbr.rel @!p1 .LBB2_15-.Ltmp1, $4  }
0x20: {  	s4 =	simm.s32 @!p0 $0x7  }
0x21: {  	_ =	swait.ge @!p0 [sflag:s4], $0x100  }
0x22: {  	[sflag:s4] =	ssyncset.done @!p0 $0x0  }
0x23: {  	[sflag:s4] =	ssyncadd.s32 @!p0 $0xFFFFFF00  }
.LBB2_1:
0x24: {  	s4 =	rddreg [dreg:$0x4]  }
0x25: {  	[spmem:s17], [sflag:s9] =	dma.local [hbm:s4], $0x2700  }
0x26: {  	s4 =	rddreg [dreg:$0x6]  }
0x27: {  	[spmem:s18], [sflag:s9] =	dma.local @!p0 [hbm:s4], $0x100  }
0x28: {  	s11 =	simm.s32 $0x0;
	s7 =	rddreg [dreg:$0x7]  }
0x29: {  	[tilespmem:s19], [sflag:$0x2] =	stream.linear.gather [hbm4b:s7+s11], $0xC80, $0x38;
	[tilespmem:$0x1F080] =	vst v63  }
0x2a: {  	s8 =	simm.s32 $0x15880;
	s12 =	rddreg [dreg:$0x8]  }
0x2b: {  	[tilespmem:s8], [sflag:$0x2] =	stream.linear.gather [hbm4b:s12+s11], $0xC80, $0x38;
	[tilespmem:$0x1F080] =	vst v63  }
0x2c: {  	_ =	swait.ge [sflag:s21], $0xC80  }
0x2d: {  	[sflag:s21] =	ssyncset.done $0x0  }
0x2e: {  	[sflag:s21] =	ssyncadd.s32 $0xFFFFF380  }
0x2f: {  	_ =	swait.ge [sflag:s21], $0xC80  }
0x30: {  	[sflag:s21] =	ssyncset.done $0x0  }
0x31: {  	[sflag:s21] =	ssyncadd.s32 $0xFFFFF380  }
0x32: {  	[tilespmem:s23], [sflag:$0x4] =	stream.indirect.gather [hbm4b:s1+s22], $0x80, s19, s22, $0xb8;
	[tilespmem:$0x1F080] =	vst v63  }
0x33: {  	s24 =	simm.s32 $0x13900  }
0x34: {  	[tilespmem:s25], [sflag:$0x5] =	stream.indirect.gather [hbm4b:s1+s22], $0x80, s24, s22, $0xb8;
	[tilespmem:$0x1F080] =	vst v63  }
0x35: {  	s26 =	simm.s32 $0x13980  }
0x36: {  	[tilespmem:s28], [sflag:$0x6] =	stream.indirect.gather [hbm4b:s1+s22], $0x80, s26, s22, $0xb8;
	[tilespmem:$0x1F080] =	vst v63  }
0x37: {  	_ =	swait.ge [sflag:s29], $0x2700  }
0x38: {  	[sflag:s29] =	ssyncset.done $0x0  }
0x39: {  	s4 =	simm.s32 @!p0 $0x1;
	[sflag:s29] =	ssyncadd.s32 $0xFFFFD900  }
.Ltmp2:
0x3a: {  	_ =	swait.ge @!p0 [sflag:s4], $0x100;
	(pc) =	sbr.rel .LBB2_2-.Ltmp2, $4  }
0x3b: {  	[sflag:s4] =	ssyncset.done @!p0 $0x0  }
0x3c: {  	[sflag:s4] =	ssyncadd.s32 @!p0 $0xFFFFFF00  }
0x3d: {  	[bflag:$0x0] =	sbarrier.arrive $0xFFFF  }
0x3e: {  	s24 =	simm.s32 $0x0  }
.LBB2_12:
0x3f: {  	_ =	swait.ge [sflag:s30], $0x2800;
	p3 =	sgt.u32 @!p1 s24, $0x79  }
0x40: {  	[sflag:s30] =	ssyncset.done $0x0;
	p4 =	por p3, p1  }
0x41: {  	[sflag:s30] =	ssyncadd.s32 $0xFFFFD800;
	s8 =	sand.u32 @!p4 $0xFF, s26  }
0x42: {  	[spmem:s2] =	stream.indirect.scatter.add.f32 [tilespmem:s28], [sflag:$0x7], $0x80, s10, s22, $0xb8;
	[tilespmem:$0x1F080] =	vst v63  }
0x43: {  	p5 =	slt.u32 @!p4 s8, $0x16  }
0x44: {  	p2 =	por @!p1 p5, p3  }
0x45: {  	p2 =	por p2, p1  }
0x46: {  	p6 =	sne.s32 @!p2 s4, $0x19  }
0x47: {  	p4 =	por @!p4 p6, p5  }
0x48: {  	_ =	swait.ge [sflag:s31], $0x2800;
	p3 =	por @!p1 p4, p3  }
0x49: {  	[sflag:s31] =	ssyncset.done $0x0;
	p3 =	por p3, p1  }
0x4a: {  	[sflag:s31] =	ssyncadd.s32 $0xFFFFD800;
	s8 =	simm.s32 @!p3 $0x2  }
0x4b: {  	_ =	swait.ge @!p3 [sflag:s8], $0xC80  }
0x4c: {  	[sflag:s8] =	ssyncset.done @!p3 $0x0  }
0x4d: {  	[sflag:s8] =	ssyncadd.s32 @!p3 $0xFFFFF380  }
0x4e: {  	s7 =	sshrl.u32 @!p2 s7, $0x2;
	_ =	swait.ge @!p3 [sflag:s8], $0xC80  }
0x4f: {  	s10 =	simm.s32 @!p2 $0x1C880;
	s4 =	sshll.u32 @p1 s4, $0x7;
	[sflag:s8] =	ssyncset.done @!p3 $0x0  }
0x50: {  	s7 =	sadd.s32 @!p2 $0x12D80, s7;
	[sflag:s8] =	ssyncadd.s32 @!p3 $0xFFFFF380;
	s8 =	simm.s32 @!p2 $0x50  }
0x51: {  	[tilespmem:s10], [sflag:$0x6] =	stream.indirect.gather @!p2 [hbm4b:s1+s8], $0x80, s7, s8, $0xb8;
	[tilespmem:$0x1F080] =	vst v63  }
0x52: {  	s4 =	sadd.s32 @p1 $0x14880, s4;
	s7 =	simm.s32 @p1 $0x50;
	s8 =	simm.s32 @p1 $0x1C880  }
0x53: {  	[tilespmem:s8], [sflag:$0x6] =	stream.indirect.gather @p1 [hbm4b:s1+s7], $0x80, s4, s7, $0xb8;
	[tilespmem:$0x1F080] =	vst v63  }
.LBB2_13:
0x54: {  	s24 =	sadd.s32 $0x1, s24  }
0x55: {  	p1 =	sne.s32 s24, $0x7D  }
.Ltmp3:
0x56: {  	_ = 	snop;
	(pc) =	sbr.rel @!p1 .LBB2_14-.Ltmp3, $1  }
0x57: {  	_ =	sdelay $0x3  }
.LBB2_2:
0x58: {  	s4 =	smul.u32 $0x29, s24;
	_ =	sdelay $0x1  }
0x59: {  	s7 =	sshrl.u32 s4, $0xA  }
0x5a: {  	s10 =	sand.u32 $0x3F, s7  }
0x5b: {  	s26 =	smul.u32 $0x19, s10;
	_ =	sdelay $0x1  }
0x5c: {  	s26 =	ssub.s32 s24, s26  }
0x5d: {  	s4 =	sand.u32 $0xFF, s26  }
0x5e: {  	p2 =	slt.u32 s24, $0x64;
	s7 =	sand.u32 $0x1, s7;
	p1 =	seq.s32 s4, $0x0  }
0x5f: {  	p1 =	por !p2, !p1;
	p2 =	seq.s32 s7, $0x1  }
.Ltmp4:
0x60: {  	_ = 	snop;
	(pc) =	sbr.rel @!p2 .LBB2_3-.Ltmp4, $4  }
0x61: {  	_ = 	snop  }
0x62: {  	p1 =	por !p1, !p1  }
0x63: {  	s7 =	sshll.u32 @p1 s10, $0xC  }
0x64: {  	s7 =	sadd.s32 @p1 s7, s13  }
0x65: {  	s7 =	sshrl.u32 @p1 s7, $0x3;
	s10 =	simm.s32 @p1 $0x0  }
0x66: {  	s11 =	simm.s32 @p1 $0x13880;
	s12 =	smul.u32 $0xAB, s24;
	s8 =	sadd.s32 @p1 s5, s7  }
0x67: {  	[tilespmem:s11], [sflag:$0x2] =	stream.linear.gather @p1 [hbm4b:s8+s10], $0xC80, $0x38;
	[tilespmem:$0x1F080] =	vst v63  }
0x68: {  	s12 =	sshrl.u32 s12, $0x9  }
0x69: {  	s8 =	sand.u32 $0x7F, s12  }
0x6a: {  	s7 =	sadd.s32 @p1 s6, s7;
	s11 =	simm.s32 @p1 $0x15880;
	s8 =	smul.u32 $0x3, s8  }
0x6b: {  	[tilespmem:s11], [sflag:$0x2] =	stream.linear.gather @p1 [hbm4b:s7+s10], $0xC80, $0x38;
	[tilespmem:$0x1F080] =	vst v63  }
0x6c: {  	s11 =	ssub.s32 s24, s8  }
0x6d: {  	p6 =	slt.u32 s24, $0x7A;
	p2 =	slt.u32 s4, $0x16;
	s11 =	sand.u32 $0xFF, s11  }
0x6e: {  	p1 =	por !p6, !p2;
	p2 =	seq.s32 s11, $0x2  }
.Ltmp5:
0x6f: {  	_ = 	snop;
	(pc) =	sbr.rel @p2 .LBB2_12-.Ltmp5, $4  }
0x70: {  	_ = 	snop  }
0x71: {  	s7 =	sshll.u32 s4, $0x9  }
0x72: {  	s12 =	sshrl.u32 s7, $0x2  }
0x73: {  	s4 =	sadd.s32 $0x3, s4;
	p1 =	por !p1, !p1;
	s10 =	sadd.s32 $0x16880, s12  }
0x74: {  	p2 =	seq.s32 s11, $0x1  }
.Ltmp6:
0x75: {  	_ = 	snop;
	(pc) =	sbr.rel @!p2 .LBB2_10-.Ltmp6, $1  }
0x76: {  	_ =	sdelay $0x3  }
0x77: {  	_ =	swait.ge [sflag:s0], $0x2800;
	p3 =	sgt.u32 @!p1 s24, $0x79  }
0x78: {  	[sflag:s0] =	ssyncset.done $0x0;
	p4 =	por p3, p1  }
0x79: {  	[sflag:s0] =	ssyncadd.s32 $0xFFFFD800;
	s8 =	sand.u32 @!p4 $0xFF, s26  }
0x7a: {  	[spmem:s2] =	stream.indirect.scatter.add.f32 [tilespmem:s25], [sflag:$0x7], $0x80, s10, s22, $0xb8;
	[tilespmem:$0x1F080] =	vst v63  }
0x7b: {  	p5 =	slt.u32 @!p4 s8, $0x16  }
0x7c: {  	p2 =	por @!p1 p5, p3  }
0x7d: {  	p2 =	por p2, p1  }
0x7e: {  	p6 =	sne.s32 @!p2 s4, $0x19  }
0x7f: {  	p4 =	por @!p4 p6, p5  }
0x80: {  	_ =	swait.ge [sflag:s31], $0x2800;
	p3 =	por @!p1 p4, p3  }
0x81: {  	[sflag:s31] =	ssyncset.done $0x0;
	p3 =	por p3, p1  }
0x82: {  	[sflag:s31] =	ssyncadd.s32 $0xFFFFD800;
	s8 =	simm.s32 @!p3 $0x2  }
0x83: {  	_ =	swait.ge @!p3 [sflag:s8], $0xC80  }
0x84: {  	[sflag:s8] =	ssyncset.done @!p3 $0x0  }
0x85: {  	[sflag:s8] =	ssyncadd.s32 @!p3 $0xFFFFF380  }
0x86: {  	s7 =	sshrl.u32 @!p2 s7, $0x2;
	s10 =	simm.s32 @!p2 $0x1A080;
	_ =	swait.ge @!p3 [sflag:s8], $0xC80  }
.Ltmp7:
0x87: {  	s4 =	sshll.u32 @p1 s4, $0x7;
	[sflag:s8] =	ssyncset.done @!p3 $0x0;
	(pc) =	sbr.rel .LBB2_13-.Ltmp7, $4  }
0x88: {  	s7 =	sadd.s32 @!p2 $0x12D80, s7;
	[sflag:s8] =	ssyncadd.s32 @!p3 $0xFFFFF380;
	s8 =	simm.s32 @!p2 $0x50  }
0x89: {  	[tilespmem:s10], [sflag:$0x5] =	stream.indirect.gather @!p2 [hbm4b:s1+s8], $0x80, s7, s8, $0xb8;
	[tilespmem:$0x1F080] =	vst v63  }
0x8a: {  	s4 =	sadd.s32 @p1 $0x14880, s4;
	s7 =	simm.s32 @p1 $0x50;
	s8 =	simm.s32 @p1 $0x1A080  }
0x8b: {  	[tilespmem:s8], [sflag:$0x5] =	stream.indirect.gather @p1 [hbm4b:s1+s7], $0x80, s4, s7, $0xb8;
	[tilespmem:$0x1F080] =	vst v63  }
.LBB2_3:
0x8c: {  	s7 =	sshrl.u32 @p1 s7, $0x3;
	s11 =	simm.s32 @p1 $0x0  }
0x8d: {  	s12 =	simm.s32 @p1 $0x14880;
	s8 =	smul.u32 $0xAB, s24;
	s10 =	sadd.s32 @p1 s5, s7  }
0x8e: {  	[tilespmem:s12], [sflag:$0x3] =	stream.linear.gather @p1 [hbm4b:s10+s11], $0xC80, $0x38;
	[tilespmem:$0x1F080] =	vst v63  }
0x8f: {  	s8 =	sshrl.u32 s8, $0x9  }
0x90: {  	s8 =	sand.u32 $0x7F, s8  }
0x91: {  	s7 =	sadd.s32 @p1 s6, s7;
	s10 =	simm.s32 @p1 $0x16880;
	s8 =	smul.u32 $0x3, s8  }
0x92: {  	[tilespmem:s10], [sflag:$0x3] =	stream.linear.gather @p1 [hbm4b:s7+s11], $0xC80, $0x38;
	[tilespmem:$0x1F080] =	vst v63  }
0x93: {  	s11 =	ssub.s32 s24, s8  }
0x94: {  	p6 =	slt.u32 s24, $0x7A;
	p2 =	slt.u32 s4, $0x16;
	s11 =	sand.u32 $0xFF, s11  }
0x95: {  	p1 =	por !p6, !p2;
	p2 =	seq.s32 s11, $0x2  }
.Ltmp8:
0x96: {  	_ = 	snop;
	(pc) =	sbr.rel @p2 .LBB2_7-.Ltmp8, $4  }
0x97: {  	_ = 	snop  }
0x98: {  	s7 =	sshll.u32 s4, $0x9  }
0x99: {  	s12 =	sshrl.u32 s7, $0x2  }
0x9a: {  	s4 =	sadd.s32 $0x3, s4;
	p1 =	por !p1, !p1;
	s10 =	sadd.s32 $0x15880, s12  }
0x9b: {  	p2 =	seq.s32 s11, $0x1  }
.Ltmp9:
0x9c: {  	_ = 	snop;
	(pc) =	sbr.rel @!p2 .LBB2_5-.Ltmp9, $1  }
0x9d: {  	_ =	sdelay $0x3  }
0x9e: {  	_ =	swait.ge [sflag:s0], $0x2800;
	p3 =	sgt.u32 @!p1 s24, $0x79  }
0x9f: {  	[sflag:s0] =	ssyncset.done $0x0;
	p4 =	por p3, p1  }
0xa0: {  	[sflag:s0] =	ssyncadd.s32 $0xFFFFD800;
	s8 =	sand.u32 @!p4 $0xFF, s26  }
0xa1: {  	[spmem:s2] =	stream.indirect.scatter.add.f32 [tilespmem:s25], [sflag:$0x7], $0x80, s10, s22, $0xb8;
	[tilespmem:$0x1F080] =	vst v63  }
0xa2: {  	p5 =	slt.u32 @!p4 s8, $0x16  }
0xa3: {  	p2 =	por @!p1 p5, p3  }
0xa4: {  	p2 =	por p2, p1  }
0xa5: {  	p6 =	sne.s32 @!p2 s4, $0x19  }
0xa6: {  	p4 =	por @!p4 p6, p5  }
0xa7: {  	_ =	swait.ge [sflag:s31], $0x2800;
	p3 =	por @!p1 p4, p3  }
0xa8: {  	[sflag:s31] =	ssyncset.done $0x0;
	p3 =	por p3, p1  }
0xa9: {  	[sflag:s31] =	ssyncadd.s32 $0xFFFFD800;
	s8 =	simm.s32 @!p3 $0x3  }
0xaa: {  	_ =	swait.ge @!p3 [sflag:s8], $0xC80  }
0xab: {  	[sflag:s8] =	ssyncset.done @!p3 $0x0  }
0xac: {  	[sflag:s8] =	ssyncadd.s32 @!p3 $0xFFFFF380  }
0xad: {  	s7 =	sshrl.u32 @!p2 s7, $0x2;
	s10 =	simm.s32 @!p2 $0x1A080;
	_ =	swait.ge @!p3 [sflag:s8], $0xC80  }
.Ltmp10:
0xae: {  	s4 =	sshll.u32 @p1 s4, $0x7;
	[sflag:s8] =	ssyncset.done @!p3 $0x0;
	(pc) =	sbr.rel .LBB2_13-.Ltmp10, $4  }
0xaf: {  	s7 =	sadd.s32 @!p2 $0x13D80, s7;
	[sflag:s8] =	ssyncadd.s32 @!p3 $0xFFFFF380;
	s8 =	simm.s32 @!p2 $0x50  }
0xb0: {  	[tilespmem:s10], [sflag:$0x5] =	stream.indirect.gather @!p2 [hbm4b:s1+s8], $0x80, s7, s8, $0xb8;
	[tilespmem:$0x1F080] =	vst v63  }
0xb1: {  	s4 =	sadd.s32 @p1 $0x13880, s4;
	s7 =	simm.s32 @p1 $0x50;
	s8 =	simm.s32 @p1 $0x1A080  }
0xb2: {  	[tilespmem:s8], [sflag:$0x5] =	stream.indirect.gather @p1 [hbm4b:s1+s7], $0x80, s4, s7, $0xb8;
	[tilespmem:$0x1F080] =	vst v63  }
.LBB2_7:
0xb3: {  	_ =	swait.ge [sflag:s30], $0x2800;
	p3 =	sgt.u32 @!p1 s24, $0x79  }
0xb4: {  	[sflag:s30] =	ssyncset.done $0x0;
	p4 =	por p3, p1  }
0xb5: {  	[sflag:s30] =	ssyncadd.s32 $0xFFFFD800;
	s8 =	sand.u32 @!p4 $0xFF, s26  }
0xb6: {  	[spmem:s2] =	stream.indirect.scatter.add.f32 [tilespmem:s28], [sflag:$0x7], $0x80, s10, s22, $0xb8;
	[tilespmem:$0x1F080] =	vst v63  }
0xb7: {  	p5 =	slt.u32 @!p4 s8, $0x16  }
0xb8: {  	p2 =	por @!p1 p5, p3  }
0xb9: {  	p2 =	por p2, p1  }
0xba: {  	p6 =	sne.s32 @!p2 s4, $0x19  }
0xbb: {  	p4 =	por @!p4 p6, p5  }
0xbc: {  	_ =	swait.ge [sflag:s31], $0x2800;
	p3 =	por @!p1 p4, p3  }
0xbd: {  	[sflag:s31] =	ssyncset.done $0x0;
	p3 =	por p3, p1  }
0xbe: {  	[sflag:s31] =	ssyncadd.s32 $0xFFFFD800;
	s8 =	simm.s32 @!p3 $0x3  }
0xbf: {  	_ =	swait.ge @!p3 [sflag:s8], $0xC80  }
0xc0: {  	[sflag:s8] =	ssyncset.done @!p3 $0x0  }
0xc1: {  	[sflag:s8] =	ssyncadd.s32 @!p3 $0xFFFFF380  }
0xc2: {  	s7 =	sshrl.u32 @!p2 s7, $0x2;
	s10 =	simm.s32 @!p2 $0x1C880;
	_ =	swait.ge @!p3 [sflag:s8], $0xC80  }
.Ltmp11:
0xc3: {  	s4 =	sshll.u32 @p1 s4, $0x7;
	[sflag:s8] =	ssyncset.done @!p3 $0x0;
	(pc) =	sbr.rel .LBB2_13-.Ltmp11, $4  }
0xc4: {  	s7 =	sadd.s32 @!p2 $0x13D80, s7;
	[sflag:s8] =	ssyncadd.s32 @!p3 $0xFFFFF380;
	s8 =	simm.s32 @!p2 $0x50  }
0xc5: {  	[tilespmem:s10], [sflag:$0x6] =	stream.indirect.gather @!p2 [hbm4b:s1+s8], $0x80, s7, s8, $0xb8;
	[tilespmem:$0x1F080] =	vst v63  }
0xc6: {  	s4 =	sadd.s32 @p1 $0x13880, s4;
	s7 =	simm.s32 @p1 $0x50;
	s8 =	simm.s32 @p1 $0x1C880  }
0xc7: {  	[tilespmem:s8], [sflag:$0x6] =	stream.indirect.gather @p1 [hbm4b:s1+s7], $0x80, s4, s7, $0xb8;
	[tilespmem:$0x1F080] =	vst v63  }
.LBB2_10:
0xc8: {  	_ =	swait.ge [sflag:s3], $0x2800;
	p3 =	sgt.u32 @!p1 s24, $0x79  }
0xc9: {  	[sflag:s3] =	ssyncset.done $0x0;
	p4 =	por p3, p1  }
0xca: {  	[sflag:s3] =	ssyncadd.s32 $0xFFFFD800;
	s8 =	sand.u32 @!p4 $0xFF, s26  }
0xcb: {  	[spmem:s2] =	stream.indirect.scatter.add.f32 [tilespmem:s23], [sflag:$0x7], $0x80, s10, s22, $0xb8;
	[tilespmem:$0x1F080] =	vst v63  }
0xcc: {  	p5 =	slt.u32 @!p4 s8, $0x16  }
0xcd: {  	p2 =	por @!p1 p5, p3  }
0xce: {  	p2 =	por p2, p1  }
0xcf: {  	p6 =	sne.s32 @!p2 s4, $0x19  }
0xd0: {  	p4 =	por @!p4 p6, p5  }
0xd1: {  	_ =	swait.ge [sflag:s31], $0x2800;
	p3 =	por @!p1 p4, p3  }
0xd2: {  	[sflag:s31] =	ssyncset.done $0x0;
	p3 =	por p3, p1  }
0xd3: {  	[sflag:s31] =	ssyncadd.s32 $0xFFFFD800;
	s8 =	simm.s32 @!p3 $0x2  }
0xd4: {  	_ =	swait.ge @!p3 [sflag:s8], $0xC80  }
0xd5: {  	[sflag:s8] =	ssyncset.done @!p3 $0x0  }
0xd6: {  	[sflag:s8] =	ssyncadd.s32 @!p3 $0xFFFFF380  }
0xd7: {  	s7 =	sshrl.u32 @!p2 s7, $0x2;
	s10 =	simm.s32 @!p2 $0x17880;
	_ =	swait.ge @!p3 [sflag:s8], $0xC80  }
.Ltmp12:
0xd8: {  	s4 =	sshll.u32 @p1 s4, $0x7;
	[sflag:s8] =	ssyncset.done @!p3 $0x0;
	(pc) =	sbr.rel .LBB2_13-.Ltmp12, $4  }
0xd9: {  	s7 =	sadd.s32 @!p2 $0x12D80, s7;
	[sflag:s8] =	ssyncadd.s32 @!p3 $0xFFFFF380;
	s8 =	simm.s32 @!p2 $0x50  }
0xda: {  	[tilespmem:s10], [sflag:$0x4] =	stream.indirect.gather @!p2 [hbm4b:s1+s8], $0x80, s7, s8, $0xb8;
	[tilespmem:$0x1F080] =	vst v63  }
0xdb: {  	s4 =	sadd.s32 @p1 $0x14880, s4;
	s7 =	simm.s32 @p1 $0x50;
	s8 =	simm.s32 @p1 $0x17880  }
0xdc: {  	[tilespmem:s8], [sflag:$0x4] =	stream.indirect.gather @p1 [hbm4b:s1+s7], $0x80, s4, s7, $0xb8;
	[tilespmem:$0x1F080] =	vst v63  }
.LBB2_5:
0xdd: {  	_ =	swait.ge [sflag:s3], $0x2800;
	p3 =	sgt.u32 @!p1 s24, $0x79  }
0xde: {  	[sflag:s3] =	ssyncset.done $0x0;
	p4 =	por p3, p1  }
0xdf: {  	[sflag:s3] =	ssyncadd.s32 $0xFFFFD800;
	s8 =	sand.u32 @!p4 $0xFF, s26  }
0xe0: {  	[spmem:s2] =	stream.indirect.scatter.add.f32 [tilespmem:s23], [sflag:$0x7], $0x80, s10, s22, $0xb8;
	[tilespmem:$0x1F080] =	vst v63  }
0xe1: {  	p5 =	slt.u32 @!p4 s8, $0x16  }
0xe2: {  	p2 =	por @!p1 p5, p3  }
0xe3: {  	p2 =	por p2, p1  }
0xe4: {  	p6 =	sne.s32 @!p2 s4, $0x19  }
0xe5: {  	p4 =	por @!p4 p6, p5  }
0xe6: {  	_ =	swait.ge [sflag:s31], $0x2800;
	p3 =	por @!p1 p4, p3  }
0xe7: {  	[sflag:s31] =	ssyncset.done $0x0;
	p3 =	por p3, p1  }
0xe8: {  	[sflag:s31] =	ssyncadd.s32 $0xFFFFD800;
	s8 =	simm.s32 @!p3 $0x3  }
0xe9: {  	_ =	swait.ge @!p3 [sflag:s8], $0xC80  }
0xea: {  	[sflag:s8] =	ssyncset.done @!p3 $0x0  }
0xeb: {  	[sflag:s8] =	ssyncadd.s32 @!p3 $0xFFFFF380  }
0xec: {  	s7 =	sshrl.u32 @!p2 s7, $0x2;
	s10 =	simm.s32 @!p2 $0x17880;
	_ =	swait.ge @!p3 [sflag:s8], $0xC80  }
.Ltmp13:
0xed: {  	s4 =	sshll.u32 @p1 s4, $0x7;
	[sflag:s8] =	ssyncset.done @!p3 $0x0;
	(pc) =	sbr.rel .LBB2_13-.Ltmp13, $4  }
0xee: {  	s7 =	sadd.s32 @!p2 $0x13D80, s7;
	[sflag:s8] =	ssyncadd.s32 @!p3 $0xFFFFF380;
	s8 =	simm.s32 @!p2 $0x50  }
0xef: {  	[tilespmem:s10], [sflag:$0x4] =	stream.indirect.gather @!p2 [hbm4b:s1+s8], $0x80, s7, s8, $0xb8;
	[tilespmem:$0x1F080] =	vst v63  }
0xf0: {  	s4 =	sadd.s32 @p1 $0x13880, s4;
	s7 =	simm.s32 @p1 $0x50;
	s8 =	simm.s32 @p1 $0x17880  }
0xf1: {  	[tilespmem:s8], [sflag:$0x4] =	stream.indirect.gather @p1 [hbm4b:s1+s7], $0x80, s4, s7, $0xb8;
	[tilespmem:$0x1F080] =	vst v63  }
.LBB2_15:
0xf2: {  	_ =	sfence.sel $0x180000  }
0xf3: {  	[bflag:$0x0] =	sbarrier.arrive $0xFFFF  }
0xf4: {  	_ =	strace $0x9000004A  }
0xf5: {  	s0 =	stileid.u32;
	[bflag:$0x2] =	sbarrier.arrive $0xFFFF  }
0xf6: {  	p0 =	sne.s32 s0, $0x0;
	s0 =	rddreg [dreg:$0x3]  }
0xf7: {  	s0 =	sadd.s32 @!p0 $0x100000, s0  }
0xf8: {  	[sflag:s0] =	ssyncadd.tile.s32 @!p0 $0x1;
	_ =	shalt  }
.Lfunc_end2:
_tile_overlayer_lowered:
.L_overlay_start_2:
0xf9: {  	(tag) =	ssettag $0x2  }
0xfa: {  	s0 =	rddreg [dreg:$0x0];
	s2 =	stileid.u32  }
0xfb: {  	s1 =	rddreg [dreg:$0x1];
	p0 =	sne.s32 s2, $0x0  }
0xfc: {  	s3 =	rddreg [dreg:$0x2];
	[bflag:$0x3] =	sbarrier.arrive $0xFFFF;
	s2 =	simm.s32 @!p0 $0x1C07  }
0xfd: {  	[timem:s3], [sflag:s2] =	dma.local @!p0 [hbm:s0], s1  }
0xfe: {  	s0 =	simm.s32 @!p0 $0x7  }
0xff: {  	_ =	swait.ge @!p0 [sflag:s0], s1  }
0x100: {  	s1 =	ssub.s32 @!p0 $0x0, s1;
	[sflag:s0] =	ssyncset.done @!p0 $0x0  }
0x101: {  	[sflag:s0] =	ssyncadd.s32 @!p0 s1  }
0x102: {  	[bflag:$0x3] =	sbarrier.arrive $0xFFFF  }
0x103: {  	_ =	shalt  }

</sc_bundles>
